<compile_context>
chip_gen: v7x
topology: tpu7x:2x2x1
jax: 0.10.2.dev20260603
libtpu: 0.0.44.dev20260713+nightly
codegen_flags: <defaults>
</compile_context>

<pallas_src>
import functools

import jax
import jax.numpy as jnp
from jax import lax
from jax.experimental import pallas as pl
from jax.experimental.pallas import tpu as pltpu
from jax.experimental.pallas import tpu_sc as plsc

N = 10000
D = 128
E = 320000

NC = 2
NS = 16
NW = NC * NS
CH = 128
NCHUNK = 84
KPW = NCHUNK * CH
E_PAD = NW * KPW
NP = 10240
NPW = NP // NS
PADROWS = NP - N

_sc_mesh = plsc.VectorSubcoreMesh(core_axis_name="c", subcore_axis_name="s")


def _make_deg(nchunk=NCHUNK, ch=CH, np_=NP):
    npw = np_ // NS

    @functools.partial(
        pl.kernel,
        out_type=jax.ShapeDtypeStruct((2 * np_,), jnp.float32),
        mesh=_sc_mesh,
        scratch_types=[
            pltpu.VMEM((nchunk, ch), jnp.int32),
            pltpu.VMEM((ch,), jnp.float32),
            pltpu.VMEM((npw,), jnp.float32),
            pltpu.VMEM_SHARED((np_,), jnp.float32),
        ],
    )
    def deg_kernel(dsts_hbm, out_hbm, dst_v, ones_v, zeros_v, acc0):
        cid = lax.axis_index("c")
        sid = lax.axis_index("s")
        wid = sid * NC + cid
        pltpu.sync_copy(dsts_hbm.at[wid], dst_v)
        one16 = jnp.ones((16,), jnp.float32)
        for i in range(ch // 16):
            ones_v[pl.ds(i * 16, 16)] = one16
        zero16 = jnp.zeros((16,), jnp.float32)
        for i in range(npw // 16):
            zeros_v[pl.ds(i * 16, 16)] = zero16
        pltpu.sync_copy(zeros_v, acc0.at[pl.ds(sid * npw, npw)])
        plsc.subcore_barrier()

        def body(c, carry):
            pltpu.sync_copy(ones_v, acc0.at[dst_v.at[c]], add=True)
            return carry

        lax.fori_loop(0, nchunk, body, 0)
        plsc.subcore_barrier()
        pltpu.sync_copy(acc0.at[pl.ds(sid * npw, npw)],
                        out_hbm.at[pl.ds(cid * np_ + sid * npw, npw)])

    return deg_kernel


def _make_hop(nchunk=NCHUNK, ch=CH, np_=NP, grp=6):
    npw = np_ // NS
    ngrp = nchunk // grp
    assert nchunk % grp == 0

    @functools.partial(
        pl.kernel,
        out_type=jax.ShapeDtypeStruct((2 * np_, D), jnp.float32),
        mesh=_sc_mesh,
        scratch_types=[
            pltpu.VMEM((nchunk, ch), jnp.int32),
            pltpu.VMEM((nchunk, ch), jnp.int32),
            [pltpu.VMEM((ch, D), jnp.float32) for _ in range(grp)],
            pltpu.VMEM_SHARED((np_, D), jnp.float32),
            [pltpu.SemaphoreType.DMA for _ in range(grp)],
            pltpu.SemaphoreType.DMA,
        ],
    )
    def hop_kernel(g_hbm, srcs_hbm, dsts_hbm, zeros_hbm, out_hbm,
                   src_v, dst_v, bufs, acc, gsems, ssem):
        cid = lax.axis_index("c")
        sid = lax.axis_index("s")
        wid = sid * NC + cid
        pltpu.sync_copy(srcs_hbm.at[wid], src_v)
        pltpu.sync_copy(dsts_hbm.at[wid], dst_v)
        pltpu.sync_copy(zeros_hbm, acc.at[pl.ds(sid * npw, npw)])
        plsc.subcore_barrier()

        def group(i, carry):
            base = i * grp
            for b in range(grp):
                pltpu.async_copy(g_hbm.at[src_v.at[base + b]], bufs[b], gsems[b])
            for b in range(grp):
                pltpu.make_async_copy(
                    g_hbm.at[src_v.at[base + b]], bufs[b], gsems[b]).wait()
                pltpu.async_copy(bufs[b], acc.at[dst_v.at[base + b]], ssem,
                                 add=True)
            for b in range(grp):
                pltpu.make_async_copy(
                    bufs[b], acc.at[dst_v.at[base + b]], ssem).wait()
            return carry

        lax.fori_loop(0, ngrp, group, 0)

        plsc.subcore_barrier()
        for t in range(npw // ch):
            s0 = sid * npw + t * ch
            pltpu.sync_copy(acc.at[pl.ds(s0, ch)],
                            out_hbm.at[pl.ds(cid * np_ + s0, ch)])

    return hop_kernel


def _make_hop_sync(nchunk=NCHUNK, ch=CH, np_=NP):
    npw = np_ // NS

    @functools.partial(
        pl.kernel,
        out_type=jax.ShapeDtypeStruct((2 * np_, D), jnp.float32),
        mesh=_sc_mesh,
        scratch_types=[
            pltpu.VMEM((nchunk, ch), jnp.int32),
            pltpu.VMEM((nchunk, ch), jnp.int32),
            pltpu.VMEM((ch, D), jnp.float32),
            pltpu.VMEM_SHARED((np_, D), jnp.float32),
            pltpu.SemaphoreType.DMA,
        ],
    )
    def hop_kernel(g_hbm, srcs_hbm, dsts_hbm, zeros_hbm, out_hbm,
                   src_v, dst_v, bufa, acc, sema):
        cid = lax.axis_index("c")
        sid = lax.axis_index("s")
        wid = sid * NC + cid
        pltpu.sync_copy(srcs_hbm.at[wid], src_v)
        pltpu.sync_copy(dsts_hbm.at[wid], dst_v)
        pltpu.sync_copy(zeros_hbm, acc.at[pl.ds(sid * npw, npw)])
        plsc.subcore_barrier()

        def body(c, carry):
            pltpu.async_copy(g_hbm.at[src_v.at[c]], bufa, sema)
            pltpu.make_async_copy(g_hbm.at[src_v.at[c]], bufa, sema).wait()
            pltpu.sync_copy(bufa, acc.at[dst_v.at[c]], add=True)
            return carry

        lax.fori_loop(0, nchunk, body, 0)

        plsc.subcore_barrier()
        for t in range(npw // ch):
            s0 = sid * npw + t * ch
            pltpu.sync_copy(acc.at[pl.ds(s0, ch)],
                            out_hbm.at[pl.ds(cid * np_ + s0, ch)])

    return hop_kernel


CHH = 112
NCHH = 96
NBUF = 3
GC = 6
NGRP = NCHH // GC
NPAIRG = NGRP // 2


def _make_hop_pp(np_=NP):
    npw = np_ // NS

    @functools.partial(
        pl.kernel,
        out_type=jax.ShapeDtypeStruct((2 * np_, D), jnp.float32),
        mesh=_sc_mesh,
        scratch_types=[
            pltpu.VMEM((2, GC, CHH), jnp.int32),
            pltpu.VMEM((2, GC, CHH), jnp.int32),
            [pltpu.VMEM((CHH, D), jnp.float32) for _ in range(NBUF)],
            pltpu.VMEM_SHARED((np_, D), jnp.float32),
            [pltpu.SemaphoreType.DMA for _ in range(NBUF)],
            [pltpu.SemaphoreType.DMA for _ in range(NBUF)],
            pltpu.SemaphoreType.DMA,
        ],
    )
    def hop_kernel(g_hbm, idx_hbm, zeros_hbm, out_hbm,
                   idxv0, idxv1, bufs, acc, gsems, ssems, semi):
        cid = lax.axis_index("c")
        sid = lax.axis_index("s")
        wid = sid * NC + cid
        pltpu.sync_copy(zeros_hbm, acc.at[pl.ds(sid * npw, npw)])
        pltpu.sync_copy(idx_hbm.at[wid, 0], idxv0)
        plsc.subcore_barrier()
        pltpu.async_copy(g_hbm.at[idxv0.at[0, 0]], bufs[0], gsems[0])
        pltpu.async_copy(g_hbm.at[idxv0.at[0, 1]], bufs[1], gsems[1])

        def wait_idx(idxv):
            pltpu.make_async_copy(idx_hbm.at[wid, 0], idxv, semi).wait()

        def wait_scat(s):
            pltpu.make_async_copy(bufs[s], acc.at[idxv0.at[1, 0]], ssems[s]).wait()

        def do_group(idxcur, idxnxt, tail_ok, p, first):
            for j in range(GC):
                s = j % NBUF
                sn = (j + 2) % NBUF
                if first and j == 0:
                    @pl.when(p > 0)
                    def _():
                        wait_scat(sn)
                else:
                    wait_scat(sn)
                if j < GC - 2:
                    pltpu.async_copy(g_hbm.at[idxcur.at[0, j + 2]],
                                     bufs[sn], gsems[sn])
                else:
                    if j == GC - 2:
                        tail_ok(True, sn)
                    else:
                        tail_ok(False, sn)
                pltpu.make_async_copy(g_hbm.at[idxcur.at[0, j]],
                                      bufs[s], gsems[s]).wait()
                pltpu.async_copy(bufs[s], acc.at[idxcur.at[1, j]],
                                 ssems[s], add=True)

        def pair(p, carry):
            ge = 2 * p
            pltpu.async_copy(idx_hbm.at[wid, ge + 1], idxv1, semi)

            def tail_even(is_first, sn):
                if is_first:
                    wait_idx(idxv1)
                    pltpu.async_copy(g_hbm.at[idxv1.at[0, 0]], bufs[sn], gsems[sn])
                else:
                    pltpu.async_copy(g_hbm.at[idxv1.at[0, 1]], bufs[sn], gsems[sn])

            do_group(idxv0, idxv1, tail_even, p, True)

            @pl.when(p < NPAIRG - 1)
            def _():
                pltpu.async_copy(idx_hbm.at[wid, ge + 2], idxv0, semi)

            def tail_odd(is_first, sn):
                @pl.when(p < NPAIRG - 1)
                def _():
                    if is_first:
                        wait_idx(idxv0)
                        pltpu.async_copy(g_hbm.at[idxv0.at[0, 0]], bufs[sn], gsems[sn])
                    else:
                        pltpu.async_copy(g_hbm.at[idxv0.at[0, 1]], bufs[sn], gsems[sn])

            do_group(idxv1, idxv0, tail_odd, p, False)
            return carry

        lax.fori_loop(0, NPAIRG, pair, 0)
        wait_scat((GC - 1) % NBUF)

        plsc.subcore_barrier()
        for t in range(npw // CH):
            s0 = sid * npw + t * CH
            pltpu.sync_copy(acc.at[pl.ds(s0, CH)],
                            out_hbm.at[pl.ds(cid * np_ + s0, CH)])

    return hop_kernel


_deg_kernel = _make_deg()
_hop_kernel = _make_hop_sync()
_hop_kernel_pp = _make_hop_pp()


_BLK = 2048


def _p1_scale(x_pad, degs):
    def body(x_ref, d_ref, g_ref, dinv_ref):
        deg = d_ref[0] + d_ref[1]
        dinv = jnp.where(deg > 0, lax.rsqrt(deg), 0.0)
        dinv_ref[...] = jnp.broadcast_to(dinv[:, None], (_BLK, 8))
        g_ref[...] = x_ref[...] * dinv[:, None]

    return pl.pallas_call(
        body,
        grid=(NP // _BLK,),
        in_specs=[
            pl.BlockSpec((_BLK, D), lambda i: (i, 0)),
            pl.BlockSpec((2, _BLK), lambda i: (0, i)),
        ],
        out_specs=[
            pl.BlockSpec((_BLK, D), lambda i: (i, 0)),
            pl.BlockSpec((_BLK, 8), lambda i: (i, 0)),
        ],
        out_shape=[
            jax.ShapeDtypeStruct((NP, D), jnp.float32),
            jax.ShapeDtypeStruct((NP, 8), jnp.float32),
        ],
    )(x_pad, degs)


def _p3_combine(s1, dinv8):
    def body(s_ref, dv_ref, g_ref):
        dv = dv_ref[:, :1]
        g_ref[...] = (s_ref[0] + s_ref[1]) * (dv * dv)

    return pl.pallas_call(
        body,
        grid=(NP // _BLK,),
        in_specs=[
            pl.BlockSpec((2, _BLK, D), lambda i: (0, i, 0)),
            pl.BlockSpec((_BLK, 8), lambda i: (i, 0)),
        ],
        out_specs=pl.BlockSpec((_BLK, D), lambda i: (i, 0)),
        out_shape=jax.ShapeDtypeStruct((NP, D), jnp.float32),
    )(s1, dinv8)


_BLK2 = 2000


def _p5_linear(s2, dinv8, W, b2):
    def body(s_ref, dv_ref, w_ref, b_ref, o_ref):
        h = (s_ref[0] + s_ref[1]) * dv_ref[:, :1]
        o_ref[...] = lax.dot_general(
            h, w_ref[...], (((1,), (1,)), ((), ())),
            precision=lax.Precision.HIGHEST,
            preferred_element_type=jnp.float32) + b_ref[...]

    return pl.pallas_call(
        body,
        grid=(N // _BLK2,),
        in_specs=[
            pl.BlockSpec((2, _BLK2, D), lambda i: (0, i, 0)),
            pl.BlockSpec((_BLK2, 8), lambda i: (i, 0)),
            pl.BlockSpec((D, D), lambda i: (0, 0)),
            pl.BlockSpec((1, D), lambda i: (0, 0)),
        ],
        out_specs=pl.BlockSpec((_BLK2, D), lambda i: (i, 0)),
        out_shape=jax.ShapeDtypeStruct((N, D), jnp.float32),
    )(s2, dinv8, W, b2)


def kernel(x, edge_index, W, b):
    n_dummy = E_PAD - (E + N)
    loop_idx = jnp.arange(N, dtype=jnp.int32)
    dummy = (N + (jnp.arange(n_dummy, dtype=jnp.int32) % PADROWS))
    srcs = jnp.concatenate([edge_index[0], loop_idx, dummy]).reshape(NW, NCHUNK, CH)
    dsts = jnp.concatenate([edge_index[1], loop_idx, dummy]).reshape(NW, NCHUNK, CH)
    idxg = jnp.stack([srcs.reshape(NW, NGRP, GC, CHH),
                      dsts.reshape(NW, NGRP, GC, CHH)], axis=2)

    x_pad = jnp.zeros((NP, D), jnp.float32).at[:N].set(x)
    zerosd = jnp.zeros((NPW, D), jnp.float32)

    degs = _deg_kernel(dsts).reshape(2, NP)
    g1, dinv8 = _p1_scale(x_pad, degs)
    s1 = _hop_kernel_pp(g1, idxg, zerosd).reshape(2, NP, D)
    g2 = _p3_combine(s1, dinv8)
    s2 = _hop_kernel_pp(g2, idxg, zerosd).reshape(2, NP, D)
    return _p5_linear(s2, dinv8, W, b.reshape(1, D))

# --- scband reference (transcript-rebuilt; emitter-appended) ---
"""Pipeline reference for scband-sgc-26474178413282 (READ-ONLY COPY).

The authoritative reference and input builder live on the scoring server;
editing this copy changes nothing except your own understanding.
"""

import jax, jax.numpy as jnp
import numpy as np

N = 10000
E = 320000
D_IN = 128
D_OUT = 128
K_HOPS = 2


def setup_inputs(seed: int = 0) -> dict:
    key = jax.random.key(seed)
    k1, k2, k3, k4 = jax.random.split(key, 4)
    x = jax.random.normal(k1, (N, D_IN), dtype=jnp.float32)
    edge_index = jax.random.randint(k2, (2, E), 0, N, dtype=jnp.int32)
    W = jax.random.normal(k3, (D_OUT, D_IN), dtype=jnp.float32) * (1.0 / np.sqrt(D_IN))
    b = jax.random.normal(k4, (D_OUT,), dtype=jnp.float32) * 0.01
    return {"x": x, "edge_index": edge_index, "W": W, "b": b}


def reference(x, edge_index, W, b):
    n = x.shape[0]
    loop = jnp.arange(n, dtype=edge_index.dtype)
    src = jnp.concatenate([edge_index[0], loop])
    dst = jnp.concatenate([edge_index[1], loop])
    # gcn_norm: symmetric normalization with self-loops
    deg = jax.ops.segment_sum(jnp.ones_like(src, dtype=x.dtype), dst, num_segments=n)
    dinv = jnp.where(deg > 0, jax.lax.rsqrt(deg), 0.0)
    norm = dinv[src] * dinv[dst]
    h = x
    for _ in range(K_HOPS):
        msg = norm[:, None] * jnp.take(h, src, axis=0)
        h = jax.ops.segment_sum(msg, dst, num_segments=n)
    # final linear (applied after K propagation steps in SGConv)
    return h @ W.T + b

if __name__ == "__main__":
    import jax
    _d = setup_inputs()
    print(jax.jit(kernel)(*tuple(_d.values())))

</pallas_src>

<mosaic_0001>
#map = affine_map<(d0, d1) -> (0, 0)>
#map1 = affine_map<(d0, d1) -> (0, 0, 0, 0, 0)>
module attributes {stable_mosaic.version = 14 : i64} {
  func.func @hop_kernel(%arg0: i32, %arg1: i32, %arg2: memref<10240x128xf32, #tpu.memory_space<hbm>>, %arg3: memref<32x16x2x6x112xi32, #tpu.memory_space<hbm>>, %arg4: memref<640x128xf32, #tpu.memory_space<hbm>>, %arg5: memref<20480x128xf32, #tpu.memory_space<hbm>>, %arg6: memref<2x6x112xi32, #tpu.memory_space<vmem>>, %arg7: memref<2x6x112xi32, #tpu.memory_space<vmem>>, %arg8: memref<112x128xf32, #tpu.memory_space<vmem>>, %arg9: memref<112x128xf32, #tpu.memory_space<vmem>>, %arg10: memref<112x128xf32, #tpu.memory_space<vmem>>, %arg11: memref<10240x128xf32, #tpu.memory_space<vmem_shared>>, %arg12: memref<!tpu.dma_semaphore, #tpu.memory_space<semaphore_mem>>, %arg13: memref<!tpu.dma_semaphore, #tpu.memory_space<semaphore_mem>>, %arg14: memref<!tpu.dma_semaphore, #tpu.memory_space<semaphore_mem>>, %arg15: memref<!tpu.dma_semaphore, #tpu.memory_space<semaphore_mem>>, %arg16: memref<!tpu.dma_semaphore, #tpu.memory_space<semaphore_mem>>, %arg17: memref<!tpu.dma_semaphore, #tpu.memory_space<semaphore_mem>>, %arg18: memref<!tpu.dma_semaphore, #tpu.memory_space<semaphore_mem>>) attributes {dimension_semantics = [#tpu.dimension_semantics<core_parallel>, #tpu.dimension_semantics<subcore_parallel>], iteration_bounds = array<i64: 2, 16>, scalar_prefetch = 0 : i64, scratch_operands = 13 : i64, tpu.core_type = #tpu.core_type<sc_vector_subcore>, window_params = [{transform_indices = #map}, {transform_indices = #map1}, {transform_indices = #map}, {transform_indices = #map}]} {
    %mul3A = arith.constant 2 : i32
    %mul3A_0 = arith.muli %arg1, %mul3A : i32
    %add3A = arith.addi %mul3A_0, %arg0 : i32
    %mul3A_1 = arith.constant 640 : i32
    %mul3A_2 = arith.muli %arg1, %mul3A_1 : i32
    "tpu.region"() ({
      %run_scoped3A_66 = tpu.sem_alloc : memref<!tpu.dma_semaphore, #tpu.memory_space<semaphore_mem>>
      %dma_start3A_67 = arith.constant 0 : i32
      %dma_start3A_68 = tpu.memref_slice %arg11[%mul3A_2, %dma_start3A_67] : memref<10240x128xf32, #tpu.memory_space<vmem_shared>> -> memref<640x128xf32, #tpu.memory_space<vmem_shared>>
      tpu.enqueue_dma source(%arg4 : memref<640x128xf32, #tpu.memory_space<hbm>>) target(%dma_start3A_68 : memref<640x128xf32, #tpu.memory_space<vmem_shared>>) target_semaphore(%run_scoped3A_66 : memref<!tpu.dma_semaphore, #tpu.memory_space<semaphore_mem>>)
      %dma_wait3A_69 = arith.constant 0 : i32
      %dma_wait3A_70 = tpu.memref_slice %arg11[%mul3A_2, %dma_wait3A_69] : memref<10240x128xf32, #tpu.memory_space<vmem_shared>> -> memref<640x128xf32, #tpu.memory_space<vmem_shared>>
      tpu.wait_dma2 semaphore(%run_scoped3A_66 : memref<!tpu.dma_semaphore, #tpu.memory_space<semaphore_mem>>) src(%arg4 : memref<640x128xf32, #tpu.memory_space<hbm>>) dst(%dma_wait3A_70 : memref<640x128xf32, #tpu.memory_space<vmem_shared>>)
      tpu.yield
    }) : () -> ()
    %run_scoped3A = arith.constant 0 : i32
    "tpu.region"() ({
      %run_scoped3A_66 = tpu.sem_alloc : memref<!tpu.dma_semaphore, #tpu.memory_space<semaphore_mem>>
      %dma_start3A_67 = arith.constant 0 : i32
      %dma_start3A_68 = arith.constant 0 : i32
      %dma_start3A_69 = arith.constant 0 : i32
      %dma_start3A_70 = tpu.memref_slice %arg3[%add3A, %run_scoped3A, %dma_start3A_67, %dma_start3A_68, %dma_start3A_69] : memref<32x16x2x6x112xi32, #tpu.memory_space<hbm>> -> memref<1x1x2x6x112xi32, #tpu.memory_space<hbm>>
      %dma_start3A_71 = tpu.memref_squeeze %dma_start3A_70 : memref<1x1x2x6x112xi32, #tpu.memory_space<hbm>> -> memref<2x6x112xi32, #tpu.memory_space<hbm>>
      %dma_start3A_72 = arith.constant 0 : i32
      %dma_start3A_73 = arith.constant 0 : i32
      %dma_start3A_74 = arith.constant 0 : i32
      %dma_start3A_75 = tpu.memref_slice %arg3[%add3A, %run_scoped3A, %dma_start3A_72, %dma_start3A_73, %dma_start3A_74] : memref<32x16x2x6x112xi32, #tpu.memory_space<hbm>> -> memref<1x1x2x6x112xi32, #tpu.memory_space<hbm>>
      %dma_start3A_76 = tpu.memref_squeeze %dma_start3A_75 : memref<1x1x2x6x112xi32, #tpu.memory_space<hbm>> -> memref<2x6x112xi32, #tpu.memory_space<hbm>>
      tpu.enqueue_dma source(%dma_start3A_76 : memref<2x6x112xi32, #tpu.memory_space<hbm>>) target(%arg6 : memref<2x6x112xi32, #tpu.memory_space<vmem>>) target_semaphore(%run_scoped3A_66 : memref<!tpu.dma_semaphore, #tpu.memory_space<semaphore_mem>>)
      %dma_wait3A_77 = arith.constant 0 : i32
      %dma_wait3A_78 = arith.constant 0 : i32
      %dma_wait3A_79 = arith.constant 0 : i32
      %dma_wait3A_80 = tpu.memref_slice %arg3[%add3A, %run_scoped3A, %dma_wait3A_77, %dma_wait3A_78, %dma_wait3A_79] : memref<32x16x2x6x112xi32, #tpu.memory_space<hbm>> -> memref<1x1x2x6x112xi32, #tpu.memory_space<hbm>>
      %dma_wait3A_81 = tpu.memref_squeeze %dma_wait3A_80 : memref<1x1x2x6x112xi32, #tpu.memory_space<hbm>> -> memref<2x6x112xi32, #tpu.memory_space<hbm>>
      %dma_wait3A_82 = arith.constant 0 : i32
      %dma_wait3A_83 = arith.constant 0 : i32
      %dma_wait3A_84 = arith.constant 0 : i32
      %dma_wait3A_85 = tpu.memref_slice %arg3[%add3A, %run_scoped3A, %dma_wait3A_82, %dma_wait3A_83, %dma_wait3A_84] : memref<32x16x2x6x112xi32, #tpu.memory_space<hbm>> -> memref<1x1x2x6x112xi32, #tpu.memory_space<hbm>>
      %dma_wait3A_86 = tpu.memref_squeeze %dma_wait3A_85 : memref<1x1x2x6x112xi32, #tpu.memory_space<hbm>> -> memref<2x6x112xi32, #tpu.memory_space<hbm>>
      tpu.wait_dma2 semaphore(%run_scoped3A_66 : memref<!tpu.dma_semaphore, #tpu.memory_space<semaphore_mem>>) src(%dma_wait3A_86 : memref<2x6x112xi32, #tpu.memory_space<hbm>>) dst(%arg6 : memref<2x6x112xi32, #tpu.memory_space<vmem>>)
      tpu.yield
    }) : () -> ()
    %barrier3A = arith.constant 0 : index
    tpu.barrier barrier_id(%barrier3A)
    %dma_start3A = arith.constant 0 : i32
    %dma_start3A_3 = arith.constant 0 : i32
    %dma_start3A_4 = arith.constant 0 : i32
    %dma_start3A_5 = tpu.memref_slice %arg6[%dma_start3A, %dma_start3A_3, %dma_start3A_4] : memref<2x6x112xi32, #tpu.memory_space<vmem>> -> memref<1x1x112xi32, #tpu.memory_space<vmem>>
    %dma_start3A_6 = tpu.memref_squeeze %dma_start3A_5 : memref<1x1x112xi32, #tpu.memory_space<vmem>> -> memref<112xi32, #tpu.memory_space<vmem>>
    %dma_start3A_7 = arith.constant 0 : i32
    %dma_start3A_8 = arith.constant 0 : i32
    %dma_start3A_9 = tpu.memref_slice %arg2[%dma_start3A_7, %dma_start3A_8] : memref<10240x128xf32, #tpu.memory_space<hbm>> -> memref<10240x128xf32, #tpu.memory_space<hbm>>
    tpu.enqueue_indirect_dma source(%dma_start3A_9 : memref<10240x128xf32, #tpu.memory_space<hbm>>) target(%arg8 : memref<112x128xf32, #tpu.memory_space<vmem>>) offsets(%dma_start3A_6 : memref<112xi32, #tpu.memory_space<vmem>>) semaphore(%arg12 : memref<!tpu.dma_semaphore, #tpu.memory_space<semaphore_mem>>)
    %dma_start3A_10 = arith.constant 0 : i32
    %dma_start3A_11 = arith.constant 1 : i32
    %dma_start3A_12 = arith.constant 0 : i32
    %dma_start3A_13 = tpu.memref_slice %arg6[%dma_start3A_10, %dma_start3A_11, %dma_start3A_12] : memref<2x6x112xi32, #tpu.memory_space<vmem>> -> memref<1x1x112xi32, #tpu.memory_space<vmem>>
    %dma_start3A_14 = tpu.memref_squeeze %dma_start3A_13 : memref<1x1x112xi32, #tpu.memory_space<vmem>> -> memref<112xi32, #tpu.memory_space<vmem>>
    %dma_start3A_15 = arith.constant 0 : i32
    %dma_start3A_16 = arith.constant 0 : i32
    %dma_start3A_17 = tpu.memref_slice %arg2[%dma_start3A_15, %dma_start3A_16] : memref<10240x128xf32, #tpu.memory_space<hbm>> -> memref<10240x128xf32, #tpu.memory_space<hbm>>
    tpu.enqueue_indirect_dma source(%dma_start3A_17 : memref<10240x128xf32, #tpu.memory_space<hbm>>) target(%arg9 : memref<112x128xf32, #tpu.memory_space<vmem>>) offsets(%dma_start3A_14 : memref<112xi32, #tpu.memory_space<vmem>>) semaphore(%arg13 : memref<!tpu.dma_semaphore, #tpu.memory_space<semaphore_mem>>)
    %scan3A = arith.constant 0 : i32
    %scan3A_18 = arith.constant 0 : i32
    %scan3A_19 = arith.constant 8 : i32
    %scan3A_20 = arith.addi %scan3A_18, %scan3A_19 : i32
    %scan3A_21 = arith.constant 1 : i32
    scf.for %scan3A_66 = %scan3A_18 to %scan3A_20 step %scan3A_21  : i32 {
      %mul3A_67 = arith.constant 2 : i32
      %mul3A_68 = arith.muli %mul3A_67, %scan3A_66 : i32
      %add3A_69 = arith.constant 1 : i32
      %add3A_70 = arith.addi %mul3A_68, %add3A_69 : i32
      %dma_start3A_71 = arith.constant 0 : i32
      %dma_start3A_72 = arith.constant 0 : i32
      %dma_start3A_73 = arith.constant 0 : i32
      %dma_start3A_74 = tpu.memref_slice %arg3[%add3A, %add3A_70, %dma_start3A_71, %dma_start3A_72, %dma_start3A_73] : memref<32x16x2x6x112xi32, #tpu.memory_space<hbm>> -> memref<1x1x2x6x112xi32, #tpu.memory_space<hbm>>
      %dma_start3A_75 = tpu.memref_squeeze %dma_start3A_74 : memref<1x1x2x6x112xi32, #tpu.memory_space<hbm>> -> memref<2x6x112xi32, #tpu.memory_space<hbm>>
      %dma_start3A_76 = arith.constant 0 : i32
      %dma_start3A_77 = arith.constant 0 : i32
      %dma_start3A_78 = arith.constant 0 : i32
      %dma_start3A_79 = tpu.memref_slice %arg3[%add3A, %add3A_70, %dma_start3A_76, %dma_start3A_77, %dma_start3A_78] : memref<32x16x2x6x112xi32, #tpu.memory_space<hbm>> -> memref<1x1x2x6x112xi32, #tpu.memory_space<hbm>>
      %dma_start3A_80 = tpu.memref_squeeze %dma_start3A_79 : memref<1x1x2x6x112xi32, #tpu.memory_space<hbm>> -> memref<2x6x112xi32, #tpu.memory_space<hbm>>
      tpu.enqueue_dma source(%dma_start3A_80 : memref<2x6x112xi32, #tpu.memory_space<hbm>>) target(%arg7 : memref<2x6x112xi32, #tpu.memory_space<vmem>>) target_semaphore(%arg18 : memref<!tpu.dma_semaphore, #tpu.memory_space<semaphore_mem>>)
      %gt3A = arith.constant 0 : i32
      %gt3A_81 = arith.cmpi sgt, %scan3A_66, %gt3A : i32
      %convert_element_type3A = arith.extui %gt3A_81 : i1 to i32
      %cond3A = arith.constant 0 : i32
      %cond3A_82 = arith.cmpi ne, %convert_element_type3A, %cond3A : i32
      scf.if %cond3A_82 {
        %dma_wait3A_468 = arith.constant 1 : i32
        %dma_wait3A_469 = arith.constant 0 : i32
        %dma_wait3A_470 = arith.constant 0 : i32
        %dma_wait3A_471 = tpu.memref_slice %arg6[%dma_wait3A_468, %dma_wait3A_469, %dma_wait3A_470] : memref<2x6x112xi32, #tpu.memory_space<vmem>> -> memref<1x1x112xi32, #tpu.memory_space<vmem>>
        %dma_wait3A_472 = tpu.memref_squeeze %dma_wait3A_471 : memref<1x1x112xi32, #tpu.memory_space<vmem>> -> memref<112xi32, #tpu.memory_space<vmem>>
        %dma_wait3A_473 = arith.constant 0 : i32
        %dma_wait3A_474 = arith.constant 0 : i32
        %dma_wait3A_475 = tpu.memref_slice %arg11[%dma_wait3A_473, %dma_wait3A_474] : memref<10240x128xf32, #tpu.memory_space<vmem_shared>> -> memref<10240x128xf32, #tpu.memory_space<vmem_shared>>
        tpu.wait_indirect_dma semaphore(%arg17 : memref<!tpu.dma_semaphore, #tpu.memory_space<semaphore_mem>>) src(%arg10 : memref<112x128xf32, #tpu.memory_space<vmem>>) dst(%dma_wait3A_475 : memref<10240x128xf32, #tpu.memory_space<vmem_shared>>)
      } else {
      }
      %dma_start3A_83 = arith.constant 0 : i32
      %dma_start3A_84 = arith.constant 2 : i32
      %dma_start3A_85 = arith.constant 0 : i32
      %dma_start3A_86 = tpu.memref_slice %arg6[%dma_start3A_83, %dma_start3A_84, %dma_start3A_85] : memref<2x6x112xi32, #tpu.memory_space<vmem>> -> memref<1x1x112xi32, #tpu.memory_space<vmem>>
      %dma_start3A_87 = tpu.memref_squeeze %dma_start3A_86 : memref<1x1x112xi32, #tpu.memory_space<vmem>> -> memref<112xi32, #tpu.memory_space<vmem>>
      %dma_start3A_88 = arith.constant 0 : i32
      %dma_start3A_89 = arith.constant 0 : i32
      %dma_start3A_90 = tpu.memref_slice %arg2[%dma_start3A_88, %dma_start3A_89] : memref<10240x128xf32, #tpu.memory_space<hbm>> -> memref<10240x128xf32, #tpu.memory_space<hbm>>
      tpu.enqueue_indirect_dma source(%dma_start3A_90 : memref<10240x128xf32, #tpu.memory_space<hbm>>) target(%arg10 : memref<112x128xf32, #tpu.memory_space<vmem>>) offsets(%dma_start3A_87 : memref<112xi32, #tpu.memory_space<vmem>>) semaphore(%arg14 : memref<!tpu.dma_semaphore, #tpu.memory_space<semaphore_mem>>)
      %dma_wait3A_91 = arith.constant 0 : i32
      %dma_wait3A_92 = arith.constant 0 : i32
      %dma_wait3A_93 = arith.constant 0 : i32
      %dma_wait3A_94 = tpu.memref_slice %arg6[%dma_wait3A_91, %dma_wait3A_92, %dma_wait3A_93] : memref<2x6x112xi32, #tpu.memory_space<vmem>> -> memref<1x1x112xi32, #tpu.memory_space<vmem>>
      %dma_wait3A_95 = tpu.memref_squeeze %dma_wait3A_94 : memref<1x1x112xi32, #tpu.memory_space<vmem>> -> memref<112xi32, #tpu.memory_space<vmem>>
      %dma_wait3A_96 = arith.constant 0 : i32
      %dma_wait3A_97 = arith.constant 0 : i32
      %dma_wait3A_98 = tpu.memref_slice %arg2[%dma_wait3A_96, %dma_wait3A_97] : memref<10240x128xf32, #tpu.memory_space<hbm>> -> memref<10240x128xf32, #tpu.memory_space<hbm>>
      tpu.wait_indirect_dma semaphore(%arg12 : memref<!tpu.dma_semaphore, #tpu.memory_space<semaphore_mem>>) src(%dma_wait3A_98 : memref<10240x128xf32, #tpu.memory_space<hbm>>) dst(%arg8 : memref<112x128xf32, #tpu.memory_space<vmem>>)
      %dma_start3A_99 = arith.constant 1 : i32
      %dma_start3A_100 = arith.constant 0 : i32
      %dma_start3A_101 = arith.constant 0 : i32
      %dma_start3A_102 = tpu.memref_slice %arg6[%dma_start3A_99, %dma_start3A_100, %dma_start3A_101] : memref<2x6x112xi32, #tpu.memory_space<vmem>> -> memref<1x1x112xi32, #tpu.memory_space<vmem>>
      %dma_start3A_103 = tpu.memref_squeeze %dma_start3A_102 : memref<1x1x112xi32, #tpu.memory_space<vmem>> -> memref<112xi32, #tpu.memory_space<vmem>>
      %dma_start3A_104 = arith.constant 0 : i32
      %dma_start3A_105 = arith.constant 0 : i32
      %dma_start3A_106 = tpu.memref_slice %arg11[%dma_start3A_104, %dma_start3A_105] : memref<10240x128xf32, #tpu.memory_space<vmem_shared>> -> memref<10240x128xf32, #tpu.memory_space<vmem_shared>>
      tpu.enqueue_indirect_dma source(%arg8 : memref<112x128xf32, #tpu.memory_space<vmem>>) target(%dma_start3A_106 : memref<10240x128xf32, #tpu.memory_space<vmem_shared>>) offsets(%dma_start3A_103 : memref<112xi32, #tpu.memory_space<vmem>>) semaphore(%arg15 : memref<!tpu.dma_semaphore, #tpu.memory_space<semaphore_mem>>) {add = true}
      %dma_wait3A_107 = arith.constant 1 : i32
      %dma_wait3A_108 = arith.constant 0 : i32
      %dma_wait3A_109 = arith.constant 0 : i32
      %dma_wait3A_110 = tpu.memref_slice %arg6[%dma_wait3A_107, %dma_wait3A_108, %dma_wait3A_109] : memref<2x6x112xi32, #tpu.memory_space<vmem>> -> memref<1x1x112xi32, #tpu.memory_space<vmem>>
      %dma_wait3A_111 = tpu.memref_squeeze %dma_wait3A_110 : memref<1x1x112xi32, #tpu.memory_space<vmem>> -> memref<112xi32, #tpu.memory_space<vmem>>
      %dma_wait3A_112 = arith.constant 0 : i32
      %dma_wait3A_113 = arith.constant 0 : i32
      %dma_wait3A_114 = tpu.memref_slice %arg11[%dma_wait3A_112, %dma_wait3A_113] : memref<10240x128xf32, #tpu.memory_space<vmem_shared>> -> memref<10240x128xf32, #tpu.memory_space<vmem_shared>>
      tpu.wait_indirect_dma semaphore(%arg15 : memref<!tpu.dma_semaphore, #tpu.memory_space<semaphore_mem>>) src(%arg8 : memref<112x128xf32, #tpu.memory_space<vmem>>) dst(%dma_wait3A_114 : memref<10240x128xf32, #tpu.memory_space<vmem_shared>>)
      %dma_start3A_115 = arith.constant 0 : i32
      %dma_start3A_116 = arith.constant 3 : i32
      %dma_start3A_117 = arith.constant 0 : i32
      %dma_start3A_118 = tpu.memref_slice %arg6[%dma_start3A_115, %dma_start3A_116, %dma_start3A_117] : memref<2x6x112xi32, #tpu.memory_space<vmem>> -> memref<1x1x112xi32, #tpu.memory_space<vmem>>
      %dma_start3A_119 = tpu.memref_squeeze %dma_start3A_118 : memref<1x1x112xi32, #tpu.memory_space<vmem>> -> memref<112xi32, #tpu.memory_space<vmem>>
      %dma_start3A_120 = arith.constant 0 : i32
      %dma_start3A_121 = arith.constant 0 : i32
      %dma_start3A_122 = tpu.memref_slice %arg2[%dma_start3A_120, %dma_start3A_121] : memref<10240x128xf32, #tpu.memory_space<hbm>> -> memref<10240x128xf32, #tpu.memory_space<hbm>>
      tpu.enqueue_indirect_dma source(%dma_start3A_122 : memref<10240x128xf32, #tpu.memory_space<hbm>>) target(%arg8 : memref<112x128xf32, #tpu.memory_space<vmem>>) offsets(%dma_start3A_119 : memref<112xi32, #tpu.memory_space<vmem>>) semaphore(%arg12 : memref<!tpu.dma_semaphore, #tpu.memory_space<semaphore_mem>>)
      %dma_wait3A_123 = arith.constant 0 : i32
      %dma_wait3A_124 = arith.constant 1 : i32
      %dma_wait3A_125 = arith.constant 0 : i32
      %dma_wait3A_126 = tpu.memref_slice %arg6[%dma_wait3A_123, %dma_wait3A_124, %dma_wait3A_125] : memref<2x6x112xi32, #tpu.memory_space<vmem>> -> memref<1x1x112xi32, #tpu.memory_space<vmem>>
      %dma_wait3A_127 = tpu.memref_squeeze %dma_wait3A_126 : memref<1x1x112xi32, #tpu.memory_space<vmem>> -> memref<112xi32, #tpu.memory_space<vmem>>
      %dma_wait3A_128 = arith.constant 0 : i32
      %dma_wait3A_129 = arith.constant 0 : i32
      %dma_wait3A_130 = tpu.memref_slice %arg2[%dma_wait3A_128, %dma_wait3A_129] : memref<10240x128xf32, #tpu.memory_space<hbm>> -> memref<10240x128xf32, #tpu.memory_space<hbm>>
      tpu.wait_indirect_dma semaphore(%arg13 : memref<!tpu.dma_semaphore, #tpu.memory_space<semaphore_mem>>) src(%dma_wait3A_130 : memref<10240x128xf32, #tpu.memory_space<hbm>>) dst(%arg9 : memref<112x128xf32, #tpu.memory_space<vmem>>)
      %dma_start3A_131 = arith.constant 1 : i32
      %dma_start3A_132 = arith.constant 1 : i32
      %dma_start3A_133 = arith.constant 0 : i32
      %dma_start3A_134 = tpu.memref_slice %arg6[%dma_start3A_131, %dma_start3A_132, %dma_start3A_133] : memref<2x6x112xi32, #tpu.memory_space<vmem>> -> memref<1x1x112xi32, #tpu.memory_space<vmem>>
      %dma_start3A_135 = tpu.memref_squeeze %dma_start3A_134 : memref<1x1x112xi32, #tpu.memory_space<vmem>> -> memref<112xi32, #tpu.memory_space<vmem>>
      %dma_start3A_136 = arith.constant 0 : i32
      %dma_start3A_137 = arith.constant 0 : i32
      %dma_start3A_138 = tpu.memref_slice %arg11[%dma_start3A_136, %dma_start3A_137] : memref<10240x128xf32, #tpu.memory_space<vmem_shared>> -> memref<10240x128xf32, #tpu.memory_space<vmem_shared>>
      tpu.enqueue_indirect_dma source(%arg9 : memref<112x128xf32, #tpu.memory_space<vmem>>) target(%dma_start3A_138 : memref<10240x128xf32, #tpu.memory_space<vmem_shared>>) offsets(%dma_start3A_135 : memref<112xi32, #tpu.memory_space<vmem>>) semaphore(%arg16 : memref<!tpu.dma_semaphore, #tpu.memory_space<semaphore_mem>>) {add = true}
      %dma_wait3A_139 = arith.constant 1 : i32
      %dma_wait3A_140 = arith.constant 0 : i32
      %dma_wait3A_141 = arith.constant 0 : i32
      %dma_wait3A_142 = tpu.memref_slice %arg6[%dma_wait3A_139, %dma_wait3A_140, %dma_wait3A_141] : memref<2x6x112xi32, #tpu.memory_space<vmem>> -> memref<1x1x112xi32, #tpu.memory_space<vmem>>
      %dma_wait3A_143 = tpu.memref_squeeze %dma_wait3A_142 : memref<1x1x112xi32, #tpu.memory_space<vmem>> -> memref<112xi32, #tpu.memory_space<vmem>>
      %dma_wait3A_144 = arith.constant 0 : i32
      %dma_wait3A_145 = arith.constant 0 : i32
      %dma_wait3A_146 = tpu.memref_slice %arg11[%dma_wait3A_144, %dma_wait3A_145] : memref<10240x128xf32, #tpu.memory_space<vmem_shared>> -> memref<10240x128xf32, #tpu.memory_space<vmem_shared>>
      tpu.wait_indirect_dma semaphore(%arg16 : memref<!tpu.dma_semaphore, #tpu.memory_space<semaphore_mem>>) src(%arg9 : memref<112x128xf32, #tpu.memory_space<vmem>>) dst(%dma_wait3A_146 : memref<10240x128xf32, #tpu.memory_space<vmem_shared>>)
      %dma_start3A_147 = arith.constant 0 : i32
      %dma_start3A_148 = arith.constant 4 : i32
      %dma_start3A_149 = arith.constant 0 : i32
      %dma_start3A_150 = tpu.memref_slice %arg6[%dma_start3A_147, %dma_start3A_148, %dma_start3A_149] : memref<2x6x112xi32, #tpu.memory_space<vmem>> -> memref<1x1x112xi32, #tpu.memory_space<vmem>>
      %dma_start3A_151 = tpu.memref_squeeze %dma_start3A_150 : memref<1x1x112xi32, #tpu.memory_space<vmem>> -> memref<112xi32, #tpu.memory_space<vmem>>
      %dma_start3A_152 = arith.constant 0 : i32
      %dma_start3A_153 = arith.constant 0 : i32
      %dma_start3A_154 = tpu.memref_slice %arg2[%dma_start3A_152, %dma_start3A_153] : memref<10240x128xf32, #tpu.memory_space<hbm>> -> memref<10240x128xf32, #tpu.memory_space<hbm>>
      tpu.enqueue_indirect_dma source(%dma_start3A_154 : memref<10240x128xf32, #tpu.memory_space<hbm>>) target(%arg9 : memref<112x128xf32, #tpu.memory_space<vmem>>) offsets(%dma_start3A_151 : memref<112xi32, #tpu.memory_space<vmem>>) semaphore(%arg13 : memref<!tpu.dma_semaphore, #tpu.memory_space<semaphore_mem>>)
      %dma_wait3A_155 = arith.constant 0 : i32
      %dma_wait3A_156 = arith.constant 2 : i32
      %dma_wait3A_157 = arith.constant 0 : i32
      %dma_wait3A_158 = tpu.memref_slice %arg6[%dma_wait3A_155, %dma_wait3A_156, %dma_wait3A_157] : memref<2x6x112xi32, #tpu.memory_space<vmem>> -> memref<1x1x112xi32, #tpu.memory_space<vmem>>
      %dma_wait3A_159 = tpu.memref_squeeze %dma_wait3A_158 : memref<1x1x112xi32, #tpu.memory_space<vmem>> -> memref<112xi32, #tpu.memory_space<vmem>>
      %dma_wait3A_160 = arith.constant 0 : i32
      %dma_wait3A_161 = arith.constant 0 : i32
      %dma_wait3A_162 = tpu.memref_slice %arg2[%dma_wait3A_160, %dma_wait3A_161] : memref<10240x128xf32, #tpu.memory_space<hbm>> -> memref<10240x128xf32, #tpu.memory_space<hbm>>
      tpu.wait_indirect_dma semaphore(%arg14 : memref<!tpu.dma_semaphore, #tpu.memory_space<semaphore_mem>>) src(%dma_wait3A_162 : memref<10240x128xf32, #tpu.memory_space<hbm>>) dst(%arg10 : memref<112x128xf32, #tpu.memory_space<vmem>>)
      %dma_start3A_163 = arith.constant 1 : i32
      %dma_start3A_164 = arith.constant 2 : i32
      %dma_start3A_165 = arith.constant 0 : i32
      %dma_start3A_166 = tpu.memref_slice %arg6[%dma_start3A_163, %dma_start3A_164, %dma_start3A_165] : memref<2x6x112xi32, #tpu.memory_space<vmem>> -> memref<1x1x112xi32, #tpu.memory_space<vmem>>
      %dma_start3A_167 = tpu.memref_squeeze %dma_start3A_166 : memref<1x1x112xi32, #tpu.memory_space<vmem>> -> memref<112xi32, #tpu.memory_space<vmem>>
      %dma_start3A_168 = arith.constant 0 : i32
      %dma_start3A_169 = arith.constant 0 : i32
      %dma_start3A_170 = tpu.memref_slice %arg11[%dma_start3A_168, %dma_start3A_169] : memref<10240x128xf32, #tpu.memory_space<vmem_shared>> -> memref<10240x128xf32, #tpu.memory_space<vmem_shared>>
      tpu.enqueue_indirect_dma source(%arg10 : memref<112x128xf32, #tpu.memory_space<vmem>>) target(%dma_start3A_170 : memref<10240x128xf32, #tpu.memory_space<vmem_shared>>) offsets(%dma_start3A_167 : memref<112xi32, #tpu.memory_space<vmem>>) semaphore(%arg17 : memref<!tpu.dma_semaphore, #tpu.memory_space<semaphore_mem>>) {add = true}
      %dma_wait3A_171 = arith.constant 1 : i32
      %dma_wait3A_172 = arith.constant 0 : i32
      %dma_wait3A_173 = arith.constant 0 : i32
      %dma_wait3A_174 = tpu.memref_slice %arg6[%dma_wait3A_171, %dma_wait3A_172, %dma_wait3A_173] : memref<2x6x112xi32, #tpu.memory_space<vmem>> -> memref<1x1x112xi32, #tpu.memory_space<vmem>>
      %dma_wait3A_175 = tpu.memref_squeeze %dma_wait3A_174 : memref<1x1x112xi32, #tpu.memory_space<vmem>> -> memref<112xi32, #tpu.memory_space<vmem>>
      %dma_wait3A_176 = arith.constant 0 : i32
      %dma_wait3A_177 = arith.constant 0 : i32
      %dma_wait3A_178 = tpu.memref_slice %arg11[%dma_wait3A_176, %dma_wait3A_177] : memref<10240x128xf32, #tpu.memory_space<vmem_shared>> -> memref<10240x128xf32, #tpu.memory_space<vmem_shared>>
      tpu.wait_indirect_dma semaphore(%arg17 : memref<!tpu.dma_semaphore, #tpu.memory_space<semaphore_mem>>) src(%arg10 : memref<112x128xf32, #tpu.memory_space<vmem>>) dst(%dma_wait3A_178 : memref<10240x128xf32, #tpu.memory_space<vmem_shared>>)
      %dma_start3A_179 = arith.constant 0 : i32
      %dma_start3A_180 = arith.constant 5 : i32
      %dma_start3A_181 = arith.constant 0 : i32
      %dma_start3A_182 = tpu.memref_slice %arg6[%dma_start3A_179, %dma_start3A_180, %dma_start3A_181] : memref<2x6x112xi32, #tpu.memory_space<vmem>> -> memref<1x1x112xi32, #tpu.memory_space<vmem>>
      %dma_start3A_183 = tpu.memref_squeeze %dma_start3A_182 : memref<1x1x112xi32, #tpu.memory_space<vmem>> -> memref<112xi32, #tpu.memory_space<vmem>>
      %dma_start3A_184 = arith.constant 0 : i32
      %dma_start3A_185 = arith.constant 0 : i32
      %dma_start3A_186 = tpu.memref_slice %arg2[%dma_start3A_184, %dma_start3A_185] : memref<10240x128xf32, #tpu.memory_space<hbm>> -> memref<10240x128xf32, #tpu.memory_space<hbm>>
      tpu.enqueue_indirect_dma source(%dma_start3A_186 : memref<10240x128xf32, #tpu.memory_space<hbm>>) target(%arg10 : memref<112x128xf32, #tpu.memory_space<vmem>>) offsets(%dma_start3A_183 : memref<112xi32, #tpu.memory_space<vmem>>) semaphore(%arg14 : memref<!tpu.dma_semaphore, #tpu.memory_space<semaphore_mem>>)
      %dma_wait3A_187 = arith.constant 0 : i32
      %dma_wait3A_188 = arith.constant 3 : i32
      %dma_wait3A_189 = arith.constant 0 : i32
      %dma_wait3A_190 = tpu.memref_slice %arg6[%dma_wait3A_187, %dma_wait3A_188, %dma_wait3A_189] : memref<2x6x112xi32, #tpu.memory_space<vmem>> -> memref<1x1x112xi32, #tpu.memory_space<vmem>>
      %dma_wait3A_191 = tpu.memref_squeeze %dma_wait3A_190 : memref<1x1x112xi32, #tpu.memory_space<vmem>> -> memref<112xi32, #tpu.memory_space<vmem>>
      %dma_wait3A_192 = arith.constant 0 : i32
      %dma_wait3A_193 = arith.constant 0 : i32
      %dma_wait3A_194 = tpu.memref_slice %arg2[%dma_wait3A_192, %dma_wait3A_193] : memref<10240x128xf32, #tpu.memory_space<hbm>> -> memref<10240x128xf32, #tpu.memory_space<hbm>>
      tpu.wait_indirect_dma semaphore(%arg12 : memref<!tpu.dma_semaphore, #tpu.memory_space<semaphore_mem>>) src(%dma_wait3A_194 : memref<10240x128xf32, #tpu.memory_space<hbm>>) dst(%arg8 : memref<112x128xf32, #tpu.memory_space<vmem>>)
      %dma_start3A_195 = arith.constant 1 : i32
      %dma_start3A_196 = arith.constant 3 : i32
      %dma_start3A_197 = arith.constant 0 : i32
      %dma_start3A_198 = tpu.memref_slice %arg6[%dma_start3A_195, %dma_start3A_196, %dma_start3A_197] : memref<2x6x112xi32, #tpu.memory_space<vmem>> -> memref<1x1x112xi32, #tpu.memory_space<vmem>>
      %dma_start3A_199 = tpu.memref_squeeze %dma_start3A_198 : memref<1x1x112xi32, #tpu.memory_space<vmem>> -> memref<112xi32, #tpu.memory_space<vmem>>
      %dma_start3A_200 = arith.constant 0 : i32
      %dma_start3A_201 = arith.constant 0 : i32
      %dma_start3A_202 = tpu.memref_slice %arg11[%dma_start3A_200, %dma_start3A_201] : memref<10240x128xf32, #tpu.memory_space<vmem_shared>> -> memref<10240x128xf32, #tpu.memory_space<vmem_shared>>
      tpu.enqueue_indirect_dma source(%arg8 : memref<112x128xf32, #tpu.memory_space<vmem>>) target(%dma_start3A_202 : memref<10240x128xf32, #tpu.memory_space<vmem_shared>>) offsets(%dma_start3A_199 : memref<112xi32, #tpu.memory_space<vmem>>) semaphore(%arg15 : memref<!tpu.dma_semaphore, #tpu.memory_space<semaphore_mem>>) {add = true}
      %dma_wait3A_203 = arith.constant 1 : i32
      %dma_wait3A_204 = arith.constant 0 : i32
      %dma_wait3A_205 = arith.constant 0 : i32
      %dma_wait3A_206 = tpu.memref_slice %arg6[%dma_wait3A_203, %dma_wait3A_204, %dma_wait3A_205] : memref<2x6x112xi32, #tpu.memory_space<vmem>> -> memref<1x1x112xi32, #tpu.memory_space<vmem>>
      %dma_wait3A_207 = tpu.memref_squeeze %dma_wait3A_206 : memref<1x1x112xi32, #tpu.memory_space<vmem>> -> memref<112xi32, #tpu.memory_space<vmem>>
      %dma_wait3A_208 = arith.constant 0 : i32
      %dma_wait3A_209 = arith.constant 0 : i32
      %dma_wait3A_210 = tpu.memref_slice %arg11[%dma_wait3A_208, %dma_wait3A_209] : memref<10240x128xf32, #tpu.memory_space<vmem_shared>> -> memref<10240x128xf32, #tpu.memory_space<vmem_shared>>
      tpu.wait_indirect_dma semaphore(%arg15 : memref<!tpu.dma_semaphore, #tpu.memory_space<semaphore_mem>>) src(%arg8 : memref<112x128xf32, #tpu.memory_space<vmem>>) dst(%dma_wait3A_210 : memref<10240x128xf32, #tpu.memory_space<vmem_shared>>)
      %dma_wait3A_211 = arith.constant 0 : i32
      %dma_wait3A_212 = arith.constant 0 : i32
      %dma_wait3A_213 = arith.constant 0 : i32
      %dma_wait3A_214 = arith.constant 0 : i32
      %dma_wait3A_215 = tpu.memref_slice %arg3[%add3A, %dma_wait3A_211, %dma_wait3A_212, %dma_wait3A_213, %dma_wait3A_214] : memref<32x16x2x6x112xi32, #tpu.memory_space<hbm>> -> memref<1x1x2x6x112xi32, #tpu.memory_space<hbm>>
      %dma_wait3A_216 = tpu.memref_squeeze %dma_wait3A_215 : memref<1x1x2x6x112xi32, #tpu.memory_space<hbm>> -> memref<2x6x112xi32, #tpu.memory_space<hbm>>
      %dma_wait3A_217 = arith.constant 0 : i32
      %dma_wait3A_218 = arith.constant 0 : i32
      %dma_wait3A_219 = arith.constant 0 : i32
      %dma_wait3A_220 = tpu.memref_slice %arg3[%add3A, %dma_wait3A_211, %dma_wait3A_217, %dma_wait3A_218, %dma_wait3A_219] : memref<32x16x2x6x112xi32, #tpu.memory_space<hbm>> -> memref<1x1x2x6x112xi32, #tpu.memory_space<hbm>>
      %dma_wait3A_221 = tpu.memref_squeeze %dma_wait3A_220 : memref<1x1x2x6x112xi32, #tpu.memory_space<hbm>> -> memref<2x6x112xi32, #tpu.memory_space<hbm>>
      tpu.wait_dma2 semaphore(%arg18 : memref<!tpu.dma_semaphore, #tpu.memory_space<semaphore_mem>>) src(%dma_wait3A_221 : memref<2x6x112xi32, #tpu.memory_space<hbm>>) dst(%arg7 : memref<2x6x112xi32, #tpu.memory_space<vmem>>)
      %dma_start3A_222 = arith.constant 0 : i32
      %dma_start3A_223 = arith.constant 0 : i32
      %dma_start3A_224 = arith.constant 0 : i32
      %dma_start3A_225 = tpu.memref_slice %arg7[%dma_start3A_222, %dma_start3A_223, %dma_start3A_224] : memref<2x6x112xi32, #tpu.memory_space<vmem>> -> memref<1x1x112xi32, #tpu.memory_space<vmem>>
      %dma_start3A_226 = tpu.memref_squeeze %dma_start3A_225 : memref<1x1x112xi32, #tpu.memory_space<vmem>> -> memref<112xi32, #tpu.memory_space<vmem>>
      %dma_start3A_227 = arith.constant 0 : i32
      %dma_start3A_228 = arith.constant 0 : i32
      %dma_start3A_229 = tpu.memref_slice %arg2[%dma_start3A_227, %dma_start3A_228] : memref<10240x128xf32, #tpu.memory_space<hbm>> -> memref<10240x128xf32, #tpu.memory_space<hbm>>
      tpu.enqueue_indirect_dma source(%dma_start3A_229 : memref<10240x128xf32, #tpu.memory_space<hbm>>) target(%arg8 : memref<112x128xf32, #tpu.memory_space<vmem>>) offsets(%dma_start3A_226 : memref<112xi32, #tpu.memory_space<vmem>>) semaphore(%arg12 : memref<!tpu.dma_semaphore, #tpu.memory_space<semaphore_mem>>)
      %dma_wait3A_230 = arith.constant 0 : i32
      %dma_wait3A_231 = arith.constant 4 : i32
      %dma_wait3A_232 = arith.constant 0 : i32
      %dma_wait3A_233 = tpu.memref_slice %arg6[%dma_wait3A_230, %dma_wait3A_231, %dma_wait3A_232] : memref<2x6x112xi32, #tpu.memory_space<vmem>> -> memref<1x1x112xi32, #tpu.memory_space<vmem>>
      %dma_wait3A_234 = tpu.memref_squeeze %dma_wait3A_233 : memref<1x1x112xi32, #tpu.memory_space<vmem>> -> memref<112xi32, #tpu.memory_space<vmem>>
      %dma_wait3A_235 = arith.constant 0 : i32
      %dma_wait3A_236 = arith.constant 0 : i32
      %dma_wait3A_237 = tpu.memref_slice %arg2[%dma_wait3A_235, %dma_wait3A_236] : memref<10240x128xf32, #tpu.memory_space<hbm>> -> memref<10240x128xf32, #tpu.memory_space<hbm>>
      tpu.wait_indirect_dma semaphore(%arg13 : memref<!tpu.dma_semaphore, #tpu.memory_space<semaphore_mem>>) src(%dma_wait3A_237 : memref<10240x128xf32, #tpu.memory_space<hbm>>) dst(%arg9 : memref<112x128xf32, #tpu.memory_space<vmem>>)
      %dma_start3A_238 = arith.constant 1 : i32
      %dma_start3A_239 = arith.constant 4 : i32
      %dma_start3A_240 = arith.constant 0 : i32
      %dma_start3A_241 = tpu.memref_slice %arg6[%dma_start3A_238, %dma_start3A_239, %dma_start3A_240] : memref<2x6x112xi32, #tpu.memory_space<vmem>> -> memref<1x1x112xi32, #tpu.memory_space<vmem>>
      %dma_start3A_242 = tpu.memref_squeeze %dma_start3A_241 : memref<1x1x112xi32, #tpu.memory_space<vmem>> -> memref<112xi32, #tpu.memory_space<vmem>>
      %dma_start3A_243 = arith.constant 0 : i32
      %dma_start3A_244 = arith.constant 0 : i32
      %dma_start3A_245 = tpu.memref_slice %arg11[%dma_start3A_243, %dma_start3A_244] : memref<10240x128xf32, #tpu.memory_space<vmem_shared>> -> memref<10240x128xf32, #tpu.memory_space<vmem_shared>>
      tpu.enqueue_indirect_dma source(%arg9 : memref<112x128xf32, #tpu.memory_space<vmem>>) target(%dma_start3A_245 : memref<10240x128xf32, #tpu.memory_space<vmem_shared>>) offsets(%dma_start3A_242 : memref<112xi32, #tpu.memory_space<vmem>>) semaphore(%arg16 : memref<!tpu.dma_semaphore, #tpu.memory_space<semaphore_mem>>) {add = true}
      %dma_wait3A_246 = arith.constant 1 : i32
      %dma_wait3A_247 = arith.constant 0 : i32
      %dma_wait3A_248 = arith.constant 0 : i32
      %dma_wait3A_249 = tpu.memref_slice %arg6[%dma_wait3A_246, %dma_wait3A_247, %dma_wait3A_248] : memref<2x6x112xi32, #tpu.memory_space<vmem>> -> memref<1x1x112xi32, #tpu.memory_space<vmem>>
      %dma_wait3A_250 = tpu.memref_squeeze %dma_wait3A_249 : memref<1x1x112xi32, #tpu.memory_space<vmem>> -> memref<112xi32, #tpu.memory_space<vmem>>
      %dma_wait3A_251 = arith.constant 0 : i32
      %dma_wait3A_252 = arith.constant 0 : i32
      %dma_wait3A_253 = tpu.memref_slice %arg11[%dma_wait3A_251, %dma_wait3A_252] : memref<10240x128xf32, #tpu.memory_space<vmem_shared>> -> memref<10240x128xf32, #tpu.memory_space<vmem_shared>>
      tpu.wait_indirect_dma semaphore(%arg16 : memref<!tpu.dma_semaphore, #tpu.memory_space<semaphore_mem>>) src(%arg9 : memref<112x128xf32, #tpu.memory_space<vmem>>) dst(%dma_wait3A_253 : memref<10240x128xf32, #tpu.memory_space<vmem_shared>>)
      %dma_start3A_254 = arith.constant 0 : i32
      %dma_start3A_255 = arith.constant 1 : i32
      %dma_start3A_256 = arith.constant 0 : i32
      %dma_start3A_257 = tpu.memref_slice %arg7[%dma_start3A_254, %dma_start3A_255, %dma_start3A_256] : memref<2x6x112xi32, #tpu.memory_space<vmem>> -> memref<1x1x112xi32, #tpu.memory_space<vmem>>
      %dma_start3A_258 = tpu.memref_squeeze %dma_start3A_257 : memref<1x1x112xi32, #tpu.memory_space<vmem>> -> memref<112xi32, #tpu.memory_space<vmem>>
      %dma_start3A_259 = arith.constant 0 : i32
      %dma_start3A_260 = arith.constant 0 : i32
      %dma_start3A_261 = tpu.memref_slice %arg2[%dma_start3A_259, %dma_start3A_260] : memref<10240x128xf32, #tpu.memory_space<hbm>> -> memref<10240x128xf32, #tpu.memory_space<hbm>>
      tpu.enqueue_indirect_dma source(%dma_start3A_261 : memref<10240x128xf32, #tpu.memory_space<hbm>>) target(%arg9 : memref<112x128xf32, #tpu.memory_space<vmem>>) offsets(%dma_start3A_258 : memref<112xi32, #tpu.memory_space<vmem>>) semaphore(%arg13 : memref<!tpu.dma_semaphore, #tpu.memory_space<semaphore_mem>>)
      %dma_wait3A_262 = arith.constant 0 : i32
      %dma_wait3A_263 = arith.constant 5 : i32
      %dma_wait3A_264 = arith.constant 0 : i32
      %dma_wait3A_265 = tpu.memref_slice %arg6[%dma_wait3A_262, %dma_wait3A_263, %dma_wait3A_264] : memref<2x6x112xi32, #tpu.memory_space<vmem>> -> memref<1x1x112xi32, #tpu.memory_space<vmem>>
      %dma_wait3A_266 = tpu.memref_squeeze %dma_wait3A_265 : memref<1x1x112xi32, #tpu.memory_space<vmem>> -> memref<112xi32, #tpu.memory_space<vmem>>
      %dma_wait3A_267 = arith.constant 0 : i32
      %dma_wait3A_268 = arith.constant 0 : i32
      %dma_wait3A_269 = tpu.memref_slice %arg2[%dma_wait3A_267, %dma_wait3A_268] : memref<10240x128xf32, #tpu.memory_space<hbm>> -> memref<10240x128xf32, #tpu.memory_space<hbm>>
      tpu.wait_indirect_dma semaphore(%arg14 : memref<!tpu.dma_semaphore, #tpu.memory_space<semaphore_mem>>) src(%dma_wait3A_269 : memref<10240x128xf32, #tpu.memory_space<hbm>>) dst(%arg10 : memref<112x128xf32, #tpu.memory_space<vmem>>)
      %dma_start3A_270 = arith.constant 1 : i32
      %dma_start3A_271 = arith.constant 5 : i32
      %dma_start3A_272 = arith.constant 0 : i32
      %dma_start3A_273 = tpu.memref_slice %arg6[%dma_start3A_270, %dma_start3A_271, %dma_start3A_272] : memref<2x6x112xi32, #tpu.memory_space<vmem>> -> memref<1x1x112xi32, #tpu.memory_space<vmem>>
      %dma_start3A_274 = tpu.memref_squeeze %dma_start3A_273 : memref<1x1x112xi32, #tpu.memory_space<vmem>> -> memref<112xi32, #tpu.memory_space<vmem>>
      %dma_start3A_275 = arith.constant 0 : i32
      %dma_start3A_276 = arith.constant 0 : i32
      %dma_start3A_277 = tpu.memref_slice %arg11[%dma_start3A_275, %dma_start3A_276] : memref<10240x128xf32, #tpu.memory_space<vmem_shared>> -> memref<10240x128xf32, #tpu.memory_space<vmem_shared>>
      tpu.enqueue_indirect_dma source(%arg10 : memref<112x128xf32, #tpu.memory_space<vmem>>) target(%dma_start3A_277 : memref<10240x128xf32, #tpu.memory_space<vmem_shared>>) offsets(%dma_start3A_274 : memref<112xi32, #tpu.memory_space<vmem>>) semaphore(%arg17 : memref<!tpu.dma_semaphore, #tpu.memory_space<semaphore_mem>>) {add = true}
      %lt3A = arith.constant 7 : i32
      %lt3A_278 = arith.cmpi slt, %scan3A_66, %lt3A : i32
      %convert_element_type3A_279 = arith.extui %lt3A_278 : i1 to i32
      %cond3A_280 = arith.constant 0 : i32
      %cond3A_281 = arith.cmpi ne, %convert_element_type3A_279, %cond3A_280 : i32
      scf.if %cond3A_281 {
        %add3A_468 = arith.constant 2 : i32
        %add3A_469 = arith.addi %mul3A_68, %add3A_468 : i32
        %dma_start3A_470 = arith.constant 0 : i32
        %dma_start3A_471 = arith.constant 0 : i32
        %dma_start3A_472 = arith.constant 0 : i32
        %dma_start3A_473 = tpu.memref_slice %arg3[%add3A, %add3A_469, %dma_start3A_470, %dma_start3A_471, %dma_start3A_472] : memref<32x16x2x6x112xi32, #tpu.memory_space<hbm>> -> memref<1x1x2x6x112xi32, #tpu.memory_space<hbm>>
        %dma_start3A_474 = tpu.memref_squeeze %dma_start3A_473 : memref<1x1x2x6x112xi32, #tpu.memory_space<hbm>> -> memref<2x6x112xi32, #tpu.memory_space<hbm>>
        %dma_start3A_475 = arith.constant 0 : i32
        %dma_start3A_476 = arith.constant 0 : i32
        %dma_start3A_477 = arith.constant 0 : i32
        %dma_start3A_478 = tpu.memref_slice %arg3[%add3A, %add3A_469, %dma_start3A_475, %dma_start3A_476, %dma_start3A_477] : memref<32x16x2x6x112xi32, #tpu.memory_space<hbm>> -> memref<1x1x2x6x112xi32, #tpu.memory_space<hbm>>
        %dma_start3A_479 = tpu.memref_squeeze %dma_start3A_478 : memref<1x1x2x6x112xi32, #tpu.memory_space<hbm>> -> memref<2x6x112xi32, #tpu.memory_space<hbm>>
        tpu.enqueue_dma source(%dma_start3A_479 : memref<2x6x112xi32, #tpu.memory_space<hbm>>) target(%arg6 : memref<2x6x112xi32, #tpu.memory_space<vmem>>) target_semaphore(%arg18 : memref<!tpu.dma_semaphore, #tpu.memory_space<semaphore_mem>>)
      } else {
      }
      %dma_wait3A_282 = arith.constant 1 : i32
      %dma_wait3A_283 = arith.constant 0 : i32
      %dma_wait3A_284 = arith.constant 0 : i32
      %dma_wait3A_285 = tpu.memref_slice %arg6[%dma_wait3A_282, %dma_wait3A_283, %dma_wait3A_284] : memref<2x6x112xi32, #tpu.memory_space<vmem>> -> memref<1x1x112xi32, #tpu.memory_space<vmem>>
      %dma_wait3A_286 = tpu.memref_squeeze %dma_wait3A_285 : memref<1x1x112xi32, #tpu.memory_space<vmem>> -> memref<112xi32, #tpu.memory_space<vmem>>
      %dma_wait3A_287 = arith.constant 0 : i32
      %dma_wait3A_288 = arith.constant 0 : i32
      %dma_wait3A_289 = tpu.memref_slice %arg11[%dma_wait3A_287, %dma_wait3A_288] : memref<10240x128xf32, #tpu.memory_space<vmem_shared>> -> memref<10240x128xf32, #tpu.memory_space<vmem_shared>>
      tpu.wait_indirect_dma semaphore(%arg17 : memref<!tpu.dma_semaphore, #tpu.memory_space<semaphore_mem>>) src(%arg10 : memref<112x128xf32, #tpu.memory_space<vmem>>) dst(%dma_wait3A_289 : memref<10240x128xf32, #tpu.memory_space<vmem_shared>>)
      %dma_start3A_290 = arith.constant 0 : i32
      %dma_start3A_291 = arith.constant 2 : i32
      %dma_start3A_292 = arith.constant 0 : i32
      %dma_start3A_293 = tpu.memref_slice %arg7[%dma_start3A_290, %dma_start3A_291, %dma_start3A_292] : memref<2x6x112xi32, #tpu.memory_space<vmem>> -> memref<1x1x112xi32, #tpu.memory_space<vmem>>
      %dma_start3A_294 = tpu.memref_squeeze %dma_start3A_293 : memref<1x1x112xi32, #tpu.memory_space<vmem>> -> memref<112xi32, #tpu.memory_space<vmem>>
      %dma_start3A_295 = arith.constant 0 : i32
      %dma_start3A_296 = arith.constant 0 : i32
      %dma_start3A_297 = tpu.memref_slice %arg2[%dma_start3A_295, %dma_start3A_296] : memref<10240x128xf32, #tpu.memory_space<hbm>> -> memref<10240x128xf32, #tpu.memory_space<hbm>>
      tpu.enqueue_indirect_dma source(%dma_start3A_297 : memref<10240x128xf32, #tpu.memory_space<hbm>>) target(%arg10 : memref<112x128xf32, #tpu.memory_space<vmem>>) offsets(%dma_start3A_294 : memref<112xi32, #tpu.memory_space<vmem>>) semaphore(%arg14 : memref<!tpu.dma_semaphore, #tpu.memory_space<semaphore_mem>>)
      %dma_wait3A_298 = arith.constant 0 : i32
      %dma_wait3A_299 = arith.constant 0 : i32
      %dma_wait3A_300 = arith.constant 0 : i32
      %dma_wait3A_301 = tpu.memref_slice %arg7[%dma_wait3A_298, %dma_wait3A_299, %dma_wait3A_300] : memref<2x6x112xi32, #tpu.memory_space<vmem>> -> memref<1x1x112xi32, #tpu.memory_space<vmem>>
      %dma_wait3A_302 = tpu.memref_squeeze %dma_wait3A_301 : memref<1x1x112xi32, #tpu.memory_space<vmem>> -> memref<112xi32, #tpu.memory_space<vmem>>
      %dma_wait3A_303 = arith.constant 0 : i32
      %dma_wait3A_304 = arith.constant 0 : i32
      %dma_wait3A_305 = tpu.memref_slice %arg2[%dma_wait3A_303, %dma_wait3A_304] : memref<10240x128xf32, #tpu.memory_space<hbm>> -> memref<10240x128xf32, #tpu.memory_space<hbm>>
      tpu.wait_indirect_dma semaphore(%arg12 : memref<!tpu.dma_semaphore, #tpu.memory_space<semaphore_mem>>) src(%dma_wait3A_305 : memref<10240x128xf32, #tpu.memory_space<hbm>>) dst(%arg8 : memref<112x128xf32, #tpu.memory_space<vmem>>)
      %dma_start3A_306 = arith.constant 1 : i32
      %dma_start3A_307 = arith.constant 0 : i32
      %dma_start3A_308 = arith.constant 0 : i32
      %dma_start3A_309 = tpu.memref_slice %arg7[%dma_start3A_306, %dma_start3A_307, %dma_start3A_308] : memref<2x6x112xi32, #tpu.memory_space<vmem>> -> memref<1x1x112xi32, #tpu.memory_space<vmem>>
      %dma_start3A_310 = tpu.memref_squeeze %dma_start3A_309 : memref<1x1x112xi32, #tpu.memory_space<vmem>> -> memref<112xi32, #tpu.memory_space<vmem>>
      %dma_start3A_311 = arith.constant 0 : i32
      %dma_start3A_312 = arith.constant 0 : i32
      %dma_start3A_313 = tpu.memref_slice %arg11[%dma_start3A_311, %dma_start3A_312] : memref<10240x128xf32, #tpu.memory_space<vmem_shared>> -> memref<10240x128xf32, #tpu.memory_space<vmem_shared>>
      tpu.enqueue_indirect_dma source(%arg8 : memref<112x128xf32, #tpu.memory_space<vmem>>) target(%dma_start3A_313 : memref<10240x128xf32, #tpu.memory_space<vmem_shared>>) offsets(%dma_start3A_310 : memref<112xi32, #tpu.memory_space<vmem>>) semaphore(%arg15 : memref<!tpu.dma_semaphore, #tpu.memory_space<semaphore_mem>>) {add = true}
      %dma_wait3A_314 = arith.constant 1 : i32
      %dma_wait3A_315 = arith.constant 0 : i32
      %dma_wait3A_316 = arith.constant 0 : i32
      %dma_wait3A_317 = tpu.memref_slice %arg6[%dma_wait3A_314, %dma_wait3A_315, %dma_wait3A_316] : memref<2x6x112xi32, #tpu.memory_space<vmem>> -> memref<1x1x112xi32, #tpu.memory_space<vmem>>
      %dma_wait3A_318 = tpu.memref_squeeze %dma_wait3A_317 : memref<1x1x112xi32, #tpu.memory_space<vmem>> -> memref<112xi32, #tpu.memory_space<vmem>>
      %dma_wait3A_319 = arith.constant 0 : i32
      %dma_wait3A_320 = arith.constant 0 : i32
      %dma_wait3A_321 = tpu.memref_slice %arg11[%dma_wait3A_319, %dma_wait3A_320] : memref<10240x128xf32, #tpu.memory_space<vmem_shared>> -> memref<10240x128xf32, #tpu.memory_space<vmem_shared>>
      tpu.wait_indirect_dma semaphore(%arg15 : memref<!tpu.dma_semaphore, #tpu.memory_space<semaphore_mem>>) src(%arg8 : memref<112x128xf32, #tpu.memory_space<vmem>>) dst(%dma_wait3A_321 : memref<10240x128xf32, #tpu.memory_space<vmem_shared>>)
      %dma_start3A_322 = arith.constant 0 : i32
      %dma_start3A_323 = arith.constant 3 : i32
      %dma_start3A_324 = arith.constant 0 : i32
      %dma_start3A_325 = tpu.memref_slice %arg7[%dma_start3A_322, %dma_start3A_323, %dma_start3A_324] : memref<2x6x112xi32, #tpu.memory_space<vmem>> -> memref<1x1x112xi32, #tpu.memory_space<vmem>>
      %dma_start3A_326 = tpu.memref_squeeze %dma_start3A_325 : memref<1x1x112xi32, #tpu.memory_space<vmem>> -> memref<112xi32, #tpu.memory_space<vmem>>
      %dma_start3A_327 = arith.constant 0 : i32
      %dma_start3A_328 = arith.constant 0 : i32
      %dma_start3A_329 = tpu.memref_slice %arg2[%dma_start3A_327, %dma_start3A_328] : memref<10240x128xf32, #tpu.memory_space<hbm>> -> memref<10240x128xf32, #tpu.memory_space<hbm>>
      tpu.enqueue_indirect_dma source(%dma_start3A_329 : memref<10240x128xf32, #tpu.memory_space<hbm>>) target(%arg8 : memref<112x128xf32, #tpu.memory_space<vmem>>) offsets(%dma_start3A_326 : memref<112xi32, #tpu.memory_space<vmem>>) semaphore(%arg12 : memref<!tpu.dma_semaphore, #tpu.memory_space<semaphore_mem>>)
      %dma_wait3A_330 = arith.constant 0 : i32
      %dma_wait3A_331 = arith.constant 1 : i32
      %dma_wait3A_332 = arith.constant 0 : i32
      %dma_wait3A_333 = tpu.memref_slice %arg7[%dma_wait3A_330, %dma_wait3A_331, %dma_wait3A_332] : memref<2x6x112xi32, #tpu.memory_space<vmem>> -> memref<1x1x112xi32, #tpu.memory_space<vmem>>
      %dma_wait3A_334 = tpu.memref_squeeze %dma_wait3A_333 : memref<1x1x112xi32, #tpu.memory_space<vmem>> -> memref<112xi32, #tpu.memory_space<vmem>>
      %dma_wait3A_335 = arith.constant 0 : i32
      %dma_wait3A_336 = arith.constant 0 : i32
      %dma_wait3A_337 = tpu.memref_slice %arg2[%dma_wait3A_335, %dma_wait3A_336] : memref<10240x128xf32, #tpu.memory_space<hbm>> -> memref<10240x128xf32, #tpu.memory_space<hbm>>
      tpu.wait_indirect_dma semaphore(%arg13 : memref<!tpu.dma_semaphore, #tpu.memory_space<semaphore_mem>>) src(%dma_wait3A_337 : memref<10240x128xf32, #tpu.memory_space<hbm>>) dst(%arg9 : memref<112x128xf32, #tpu.memory_space<vmem>>)
      %dma_start3A_338 = arith.constant 1 : i32
      %dma_start3A_339 = arith.constant 1 : i32
      %dma_start3A_340 = arith.constant 0 : i32
      %dma_start3A_341 = tpu.memref_slice %arg7[%dma_start3A_338, %dma_start3A_339, %dma_start3A_340] : memref<2x6x112xi32, #tpu.memory_space<vmem>> -> memref<1x1x112xi32, #tpu.memory_space<vmem>>
      %dma_start3A_342 = tpu.memref_squeeze %dma_start3A_341 : memref<1x1x112xi32, #tpu.memory_space<vmem>> -> memref<112xi32, #tpu.memory_space<vmem>>
      %dma_start3A_343 = arith.constant 0 : i32
      %dma_start3A_344 = arith.constant 0 : i32
      %dma_start3A_345 = tpu.memref_slice %arg11[%dma_start3A_343, %dma_start3A_344] : memref<10240x128xf32, #tpu.memory_space<vmem_shared>> -> memref<10240x128xf32, #tpu.memory_space<vmem_shared>>
      tpu.enqueue_indirect_dma source(%arg9 : memref<112x128xf32, #tpu.memory_space<vmem>>) target(%dma_start3A_345 : memref<10240x128xf32, #tpu.memory_space<vmem_shared>>) offsets(%dma_start3A_342 : memref<112xi32, #tpu.memory_space<vmem>>) semaphore(%arg16 : memref<!tpu.dma_semaphore, #tpu.memory_space<semaphore_mem>>) {add = true}
      %dma_wait3A_346 = arith.constant 1 : i32
      %dma_wait3A_347 = arith.constant 0 : i32
      %dma_wait3A_348 = arith.constant 0 : i32
      %dma_wait3A_349 = tpu.memref_slice %arg6[%dma_wait3A_346, %dma_wait3A_347, %dma_wait3A_348] : memref<2x6x112xi32, #tpu.memory_space<vmem>> -> memref<1x1x112xi32, #tpu.memory_space<vmem>>
      %dma_wait3A_350 = tpu.memref_squeeze %dma_wait3A_349 : memref<1x1x112xi32, #tpu.memory_space<vmem>> -> memref<112xi32, #tpu.memory_space<vmem>>
      %dma_wait3A_351 = arith.constant 0 : i32
      %dma_wait3A_352 = arith.constant 0 : i32
      %dma_wait3A_353 = tpu.memref_slice %arg11[%dma_wait3A_351, %dma_wait3A_352] : memref<10240x128xf32, #tpu.memory_space<vmem_shared>> -> memref<10240x128xf32, #tpu.memory_space<vmem_shared>>
      tpu.wait_indirect_dma semaphore(%arg16 : memref<!tpu.dma_semaphore, #tpu.memory_space<semaphore_mem>>) src(%arg9 : memref<112x128xf32, #tpu.memory_space<vmem>>) dst(%dma_wait3A_353 : memref<10240x128xf32, #tpu.memory_space<vmem_shared>>)
      %dma_start3A_354 = arith.constant 0 : i32
      %dma_start3A_355 = arith.constant 4 : i32
      %dma_start3A_356 = arith.constant 0 : i32
      %dma_start3A_357 = tpu.memref_slice %arg7[%dma_start3A_354, %dma_start3A_355, %dma_start3A_356] : memref<2x6x112xi32, #tpu.memory_space<vmem>> -> memref<1x1x112xi32, #tpu.memory_space<vmem>>
      %dma_start3A_358 = tpu.memref_squeeze %dma_start3A_357 : memref<1x1x112xi32, #tpu.memory_space<vmem>> -> memref<112xi32, #tpu.memory_space<vmem>>
      %dma_start3A_359 = arith.constant 0 : i32
      %dma_start3A_360 = arith.constant 0 : i32
      %dma_start3A_361 = tpu.memref_slice %arg2[%dma_start3A_359, %dma_start3A_360] : memref<10240x128xf32, #tpu.memory_space<hbm>> -> memref<10240x128xf32, #tpu.memory_space<hbm>>
      tpu.enqueue_indirect_dma source(%dma_start3A_361 : memref<10240x128xf32, #tpu.memory_space<hbm>>) target(%arg9 : memref<112x128xf32, #tpu.memory_space<vmem>>) offsets(%dma_start3A_358 : memref<112xi32, #tpu.memory_space<vmem>>) semaphore(%arg13 : memref<!tpu.dma_semaphore, #tpu.memory_space<semaphore_mem>>)
      %dma_wait3A_362 = arith.constant 0 : i32
      %dma_wait3A_363 = arith.constant 2 : i32
      %dma_wait3A_364 = arith.constant 0 : i32
      %dma_wait3A_365 = tpu.memref_slice %arg7[%dma_wait3A_362, %dma_wait3A_363, %dma_wait3A_364] : memref<2x6x112xi32, #tpu.memory_space<vmem>> -> memref<1x1x112xi32, #tpu.memory_space<vmem>>
      %dma_wait3A_366 = tpu.memref_squeeze %dma_wait3A_365 : memref<1x1x112xi32, #tpu.memory_space<vmem>> -> memref<112xi32, #tpu.memory_space<vmem>>
      %dma_wait3A_367 = arith.constant 0 : i32
      %dma_wait3A_368 = arith.constant 0 : i32
      %dma_wait3A_369 = tpu.memref_slice %arg2[%dma_wait3A_367, %dma_wait3A_368] : memref<10240x128xf32, #tpu.memory_space<hbm>> -> memref<10240x128xf32, #tpu.memory_space<hbm>>
      tpu.wait_indirect_dma semaphore(%arg14 : memref<!tpu.dma_semaphore, #tpu.memory_space<semaphore_mem>>) src(%dma_wait3A_369 : memref<10240x128xf32, #tpu.memory_space<hbm>>) dst(%arg10 : memref<112x128xf32, #tpu.memory_space<vmem>>)
      %dma_start3A_370 = arith.constant 1 : i32
      %dma_start3A_371 = arith.constant 2 : i32
      %dma_start3A_372 = arith.constant 0 : i32
      %dma_start3A_373 = tpu.memref_slice %arg7[%dma_start3A_370, %dma_start3A_371, %dma_start3A_372] : memref<2x6x112xi32, #tpu.memory_space<vmem>> -> memref<1x1x112xi32, #tpu.memory_space<vmem>>
      %dma_start3A_374 = tpu.memref_squeeze %dma_start3A_373 : memref<1x1x112xi32, #tpu.memory_space<vmem>> -> memref<112xi32, #tpu.memory_space<vmem>>
      %dma_start3A_375 = arith.constant 0 : i32
      %dma_start3A_376 = arith.constant 0 : i32
      %dma_start3A_377 = tpu.memref_slice %arg11[%dma_start3A_375, %dma_start3A_376] : memref<10240x128xf32, #tpu.memory_space<vmem_shared>> -> memref<10240x128xf32, #tpu.memory_space<vmem_shared>>
      tpu.enqueue_indirect_dma source(%arg10 : memref<112x128xf32, #tpu.memory_space<vmem>>) target(%dma_start3A_377 : memref<10240x128xf32, #tpu.memory_space<vmem_shared>>) offsets(%dma_start3A_374 : memref<112xi32, #tpu.memory_space<vmem>>) semaphore(%arg17 : memref<!tpu.dma_semaphore, #tpu.memory_space<semaphore_mem>>) {add = true}
      %dma_wait3A_378 = arith.constant 1 : i32
      %dma_wait3A_379 = arith.constant 0 : i32
      %dma_wait3A_380 = arith.constant 0 : i32
      %dma_wait3A_381 = tpu.memref_slice %arg6[%dma_wait3A_378, %dma_wait3A_379, %dma_wait3A_380] : memref<2x6x112xi32, #tpu.memory_space<vmem>> -> memref<1x1x112xi32, #tpu.memory_space<vmem>>
      %dma_wait3A_382 = tpu.memref_squeeze %dma_wait3A_381 : memref<1x1x112xi32, #tpu.memory_space<vmem>> -> memref<112xi32, #tpu.memory_space<vmem>>
      %dma_wait3A_383 = arith.constant 0 : i32
      %dma_wait3A_384 = arith.constant 0 : i32
      %dma_wait3A_385 = tpu.memref_slice %arg11[%dma_wait3A_383, %dma_wait3A_384] : memref<10240x128xf32, #tpu.memory_space<vmem_shared>> -> memref<10240x128xf32, #tpu.memory_space<vmem_shared>>
      tpu.wait_indirect_dma semaphore(%arg17 : memref<!tpu.dma_semaphore, #tpu.memory_space<semaphore_mem>>) src(%arg10 : memref<112x128xf32, #tpu.memory_space<vmem>>) dst(%dma_wait3A_385 : memref<10240x128xf32, #tpu.memory_space<vmem_shared>>)
      %dma_start3A_386 = arith.constant 0 : i32
      %dma_start3A_387 = arith.constant 5 : i32
      %dma_start3A_388 = arith.constant 0 : i32
      %dma_start3A_389 = tpu.memref_slice %arg7[%dma_start3A_386, %dma_start3A_387, %dma_start3A_388] : memref<2x6x112xi32, #tpu.memory_space<vmem>> -> memref<1x1x112xi32, #tpu.memory_space<vmem>>
      %dma_start3A_390 = tpu.memref_squeeze %dma_start3A_389 : memref<1x1x112xi32, #tpu.memory_space<vmem>> -> memref<112xi32, #tpu.memory_space<vmem>>
      %dma_start3A_391 = arith.constant 0 : i32
      %dma_start3A_392 = arith.constant 0 : i32
      %dma_start3A_393 = tpu.memref_slice %arg2[%dma_start3A_391, %dma_start3A_392] : memref<10240x128xf32, #tpu.memory_space<hbm>> -> memref<10240x128xf32, #tpu.memory_space<hbm>>
      tpu.enqueue_indirect_dma source(%dma_start3A_393 : memref<10240x128xf32, #tpu.memory_space<hbm>>) target(%arg10 : memref<112x128xf32, #tpu.memory_space<vmem>>) offsets(%dma_start3A_390 : memref<112xi32, #tpu.memory_space<vmem>>) semaphore(%arg14 : memref<!tpu.dma_semaphore, #tpu.memory_space<semaphore_mem>>)
      %dma_wait3A_394 = arith.constant 0 : i32
      %dma_wait3A_395 = arith.constant 3 : i32
      %dma_wait3A_396 = arith.constant 0 : i32
      %dma_wait3A_397 = tpu.memref_slice %arg7[%dma_wait3A_394, %dma_wait3A_395, %dma_wait3A_396] : memref<2x6x112xi32, #tpu.memory_space<vmem>> -> memref<1x1x112xi32, #tpu.memory_space<vmem>>
      %dma_wait3A_398 = tpu.memref_squeeze %dma_wait3A_397 : memref<1x1x112xi32, #tpu.memory_space<vmem>> -> memref<112xi32, #tpu.memory_space<vmem>>
      %dma_wait3A_399 = arith.constant 0 : i32
      %dma_wait3A_400 = arith.constant 0 : i32
      %dma_wait3A_401 = tpu.memref_slice %arg2[%dma_wait3A_399, %dma_wait3A_400] : memref<10240x128xf32, #tpu.memory_space<hbm>> -> memref<10240x128xf32, #tpu.memory_space<hbm>>
      tpu.wait_indirect_dma semaphore(%arg12 : memref<!tpu.dma_semaphore, #tpu.memory_space<semaphore_mem>>) src(%dma_wait3A_401 : memref<10240x128xf32, #tpu.memory_space<hbm>>) dst(%arg8 : memref<112x128xf32, #tpu.memory_space<vmem>>)
      %dma_start3A_402 = arith.constant 1 : i32
      %dma_start3A_403 = arith.constant 3 : i32
      %dma_start3A_404 = arith.constant 0 : i32
      %dma_start3A_405 = tpu.memref_slice %arg7[%dma_start3A_402, %dma_start3A_403, %dma_start3A_404] : memref<2x6x112xi32, #tpu.memory_space<vmem>> -> memref<1x1x112xi32, #tpu.memory_space<vmem>>
      %dma_start3A_406 = tpu.memref_squeeze %dma_start3A_405 : memref<1x1x112xi32, #tpu.memory_space<vmem>> -> memref<112xi32, #tpu.memory_space<vmem>>
      %dma_start3A_407 = arith.constant 0 : i32
      %dma_start3A_408 = arith.constant 0 : i32
      %dma_start3A_409 = tpu.memref_slice %arg11[%dma_start3A_407, %dma_start3A_408] : memref<10240x128xf32, #tpu.memory_space<vmem_shared>> -> memref<10240x128xf32, #tpu.memory_space<vmem_shared>>
      tpu.enqueue_indirect_dma source(%arg8 : memref<112x128xf32, #tpu.memory_space<vmem>>) target(%dma_start3A_409 : memref<10240x128xf32, #tpu.memory_space<vmem_shared>>) offsets(%dma_start3A_406 : memref<112xi32, #tpu.memory_space<vmem>>) semaphore(%arg15 : memref<!tpu.dma_semaphore, #tpu.memory_space<semaphore_mem>>) {add = true}
      %dma_wait3A_410 = arith.constant 1 : i32
      %dma_wait3A_411 = arith.constant 0 : i32
      %dma_wait3A_412 = arith.constant 0 : i32
      %dma_wait3A_413 = tpu.memref_slice %arg6[%dma_wait3A_410, %dma_wait3A_411, %dma_wait3A_412] : memref<2x6x112xi32, #tpu.memory_space<vmem>> -> memref<1x1x112xi32, #tpu.memory_space<vmem>>
      %dma_wait3A_414 = tpu.memref_squeeze %dma_wait3A_413 : memref<1x1x112xi32, #tpu.memory_space<vmem>> -> memref<112xi32, #tpu.memory_space<vmem>>
      %dma_wait3A_415 = arith.constant 0 : i32
      %dma_wait3A_416 = arith.constant 0 : i32
      %dma_wait3A_417 = tpu.memref_slice %arg11[%dma_wait3A_415, %dma_wait3A_416] : memref<10240x128xf32, #tpu.memory_space<vmem_shared>> -> memref<10240x128xf32, #tpu.memory_space<vmem_shared>>
      tpu.wait_indirect_dma semaphore(%arg15 : memref<!tpu.dma_semaphore, #tpu.memory_space<semaphore_mem>>) src(%arg8 : memref<112x128xf32, #tpu.memory_space<vmem>>) dst(%dma_wait3A_417 : memref<10240x128xf32, #tpu.memory_space<vmem_shared>>)
      %lt3A_418 = arith.constant 7 : i32
      %lt3A_419 = arith.cmpi slt, %scan3A_66, %lt3A_418 : i32
      %convert_element_type3A_420 = arith.extui %lt3A_419 : i1 to i32
      %cond3A_421 = arith.constant 0 : i32
      %cond3A_422 = arith.cmpi ne, %convert_element_type3A_420, %cond3A_421 : i32
      scf.if %cond3A_422 {
        %dma_wait3A_468 = arith.constant 0 : i32
        %dma_wait3A_469 = arith.constant 0 : i32
        %dma_wait3A_470 = arith.constant 0 : i32
        %dma_wait3A_471 = arith.constant 0 : i32
        %dma_wait3A_472 = tpu.memref_slice %arg3[%add3A, %dma_wait3A_468, %dma_wait3A_469, %dma_wait3A_470, %dma_wait3A_471] : memref<32x16x2x6x112xi32, #tpu.memory_space<hbm>> -> memref<1x1x2x6x112xi32, #tpu.memory_space<hbm>>
        %dma_wait3A_473 = tpu.memref_squeeze %dma_wait3A_472 : memref<1x1x2x6x112xi32, #tpu.memory_space<hbm>> -> memref<2x6x112xi32, #tpu.memory_space<hbm>>
        %dma_wait3A_474 = arith.constant 0 : i32
        %dma_wait3A_475 = arith.constant 0 : i32
        %dma_wait3A_476 = arith.constant 0 : i32
        %dma_wait3A_477 = tpu.memref_slice %arg3[%add3A, %dma_wait3A_468, %dma_wait3A_474, %dma_wait3A_475, %dma_wait3A_476] : memref<32x16x2x6x112xi32, #tpu.memory_space<hbm>> -> memref<1x1x2x6x112xi32, #tpu.memory_space<hbm>>
        %dma_wait3A_478 = tpu.memref_squeeze %dma_wait3A_477 : memref<1x1x2x6x112xi32, #tpu.memory_space<hbm>> -> memref<2x6x112xi32, #tpu.memory_space<hbm>>
        tpu.wait_dma2 semaphore(%arg18 : memref<!tpu.dma_semaphore, #tpu.memory_space<semaphore_mem>>) src(%dma_wait3A_478 : memref<2x6x112xi32, #tpu.memory_space<hbm>>) dst(%arg6 : memref<2x6x112xi32, #tpu.memory_space<vmem>>)
        %dma_start3A_479 = arith.constant 0 : i32
        %dma_start3A_480 = arith.constant 0 : i32
        %dma_start3A_481 = arith.constant 0 : i32
        %dma_start3A_482 = tpu.memref_slice %arg6[%dma_start3A_479, %dma_start3A_480, %dma_start3A_481] : memref<2x6x112xi32, #tpu.memory_space<vmem>> -> memref<1x1x112xi32, #tpu.memory_space<vmem>>
        %dma_start3A_483 = tpu.memref_squeeze %dma_start3A_482 : memref<1x1x112xi32, #tpu.memory_space<vmem>> -> memref<112xi32, #tpu.memory_space<vmem>>
        %dma_start3A_484 = arith.constant 0 : i32
        %dma_start3A_485 = arith.constant 0 : i32
        %dma_start3A_486 = tpu.memref_slice %arg2[%dma_start3A_484, %dma_start3A_485] : memref<10240x128xf32, #tpu.memory_space<hbm>> -> memref<10240x128xf32, #tpu.memory_space<hbm>>
        tpu.enqueue_indirect_dma source(%dma_start3A_486 : memref<10240x128xf32, #tpu.memory_space<hbm>>) target(%arg8 : memref<112x128xf32, #tpu.memory_space<vmem>>) offsets(%dma_start3A_483 : memref<112xi32, #tpu.memory_space<vmem>>) semaphore(%arg12 : memref<!tpu.dma_semaphore, #tpu.memory_space<semaphore_mem>>)
      } else {
      }
      %dma_wait3A_423 = arith.constant 0 : i32
      %dma_wait3A_424 = arith.constant 4 : i32
      %dma_wait3A_425 = arith.constant 0 : i32
      %dma_wait3A_426 = tpu.memref_slice %arg7[%dma_wait3A_423, %dma_wait3A_424, %dma_wait3A_425] : memref<2x6x112xi32, #tpu.memory_space<vmem>> -> memref<1x1x112xi32, #tpu.memory_space<vmem>>
      %dma_wait3A_427 = tpu.memref_squeeze %dma_wait3A_426 : memref<1x1x112xi32, #tpu.memory_space<vmem>> -> memref<112xi32, #tpu.memory_space<vmem>>
      %dma_wait3A_428 = arith.constant 0 : i32
      %dma_wait3A_429 = arith.constant 0 : i32
      %dma_wait3A_430 = tpu.memref_slice %arg2[%dma_wait3A_428, %dma_wait3A_429] : memref<10240x128xf32, #tpu.memory_space<hbm>> -> memref<10240x128xf32, #tpu.memory_space<hbm>>
      tpu.wait_indirect_dma semaphore(%arg13 : memref<!tpu.dma_semaphore, #tpu.memory_space<semaphore_mem>>) src(%dma_wait3A_430 : memref<10240x128xf32, #tpu.memory_space<hbm>>) dst(%arg9 : memref<112x128xf32, #tpu.memory_space<vmem>>)
      %dma_start3A_431 = arith.constant 1 : i32
      %dma_start3A_432 = arith.constant 4 : i32
      %dma_start3A_433 = arith.constant 0 : i32
      %dma_start3A_434 = tpu.memref_slice %arg7[%dma_start3A_431, %dma_start3A_432, %dma_start3A_433] : memref<2x6x112xi32, #tpu.memory_space<vmem>> -> memref<1x1x112xi32, #tpu.memory_space<vmem>>
      %dma_start3A_435 = tpu.memref_squeeze %dma_start3A_434 : memref<1x1x112xi32, #tpu.memory_space<vmem>> -> memref<112xi32, #tpu.memory_space<vmem>>
      %dma_start3A_436 = arith.constant 0 : i32
      %dma_start3A_437 = arith.constant 0 : i32
      %dma_start3A_438 = tpu.memref_slice %arg11[%dma_start3A_436, %dma_start3A_437] : memref<10240x128xf32, #tpu.memory_space<vmem_shared>> -> memref<10240x128xf32, #tpu.memory_space<vmem_shared>>
      tpu.enqueue_indirect_dma source(%arg9 : memref<112x128xf32, #tpu.memory_space<vmem>>) target(%dma_start3A_438 : memref<10240x128xf32, #tpu.memory_space<vmem_shared>>) offsets(%dma_start3A_435 : memref<112xi32, #tpu.memory_space<vmem>>) semaphore(%arg16 : memref<!tpu.dma_semaphore, #tpu.memory_space<semaphore_mem>>) {add = true}
      %dma_wait3A_439 = arith.constant 1 : i32
      %dma_wait3A_440 = arith.constant 0 : i32
      %dma_wait3A_441 = arith.constant 0 : i32
      %dma_wait3A_442 = tpu.memref_slice %arg6[%dma_wait3A_439, %dma_wait3A_440, %dma_wait3A_441] : memref<2x6x112xi32, #tpu.memory_space<vmem>> -> memref<1x1x112xi32, #tpu.memory_space<vmem>>
      %dma_wait3A_443 = tpu.memref_squeeze %dma_wait3A_442 : memref<1x1x112xi32, #tpu.memory_space<vmem>> -> memref<112xi32, #tpu.memory_space<vmem>>
      %dma_wait3A_444 = arith.constant 0 : i32
      %dma_wait3A_445 = arith.constant 0 : i32
      %dma_wait3A_446 = tpu.memref_slice %arg11[%dma_wait3A_444, %dma_wait3A_445] : memref<10240x128xf32, #tpu.memory_space<vmem_shared>> -> memref<10240x128xf32, #tpu.memory_space<vmem_shared>>
      tpu.wait_indirect_dma semaphore(%arg16 : memref<!tpu.dma_semaphore, #tpu.memory_space<semaphore_mem>>) src(%arg9 : memref<112x128xf32, #tpu.memory_space<vmem>>) dst(%dma_wait3A_446 : memref<10240x128xf32, #tpu.memory_space<vmem_shared>>)
      %lt3A_447 = arith.constant 7 : i32
      %lt3A_448 = arith.cmpi slt, %scan3A_66, %lt3A_447 : i32
      %convert_element_type3A_449 = arith.extui %lt3A_448 : i1 to i32
      %cond3A_450 = arith.constant 0 : i32
      %cond3A_451 = arith.cmpi ne, %convert_element_type3A_449, %cond3A_450 : i32
      scf.if %cond3A_451 {
        %dma_start3A_468 = arith.constant 0 : i32
        %dma_start3A_469 = arith.constant 1 : i32
        %dma_start3A_470 = arith.constant 0 : i32
        %dma_start3A_471 = tpu.memref_slice %arg6[%dma_start3A_468, %dma_start3A_469, %dma_start3A_470] : memref<2x6x112xi32, #tpu.memory_space<vmem>> -> memref<1x1x112xi32, #tpu.memory_space<vmem>>
        %dma_start3A_472 = tpu.memref_squeeze %dma_start3A_471 : memref<1x1x112xi32, #tpu.memory_space<vmem>> -> memref<112xi32, #tpu.memory_space<vmem>>
        %dma_start3A_473 = arith.constant 0 : i32
        %dma_start3A_474 = arith.constant 0 : i32
        %dma_start3A_475 = tpu.memref_slice %arg2[%dma_start3A_473, %dma_start3A_474] : memref<10240x128xf32, #tpu.memory_space<hbm>> -> memref<10240x128xf32, #tpu.memory_space<hbm>>
        tpu.enqueue_indirect_dma source(%dma_start3A_475 : memref<10240x128xf32, #tpu.memory_space<hbm>>) target(%arg9 : memref<112x128xf32, #tpu.memory_space<vmem>>) offsets(%dma_start3A_472 : memref<112xi32, #tpu.memory_space<vmem>>) semaphore(%arg13 : memref<!tpu.dma_semaphore, #tpu.memory_space<semaphore_mem>>)
      } else {
      }
      %dma_wait3A_452 = arith.constant 0 : i32
      %dma_wait3A_453 = arith.constant 5 : i32
      %dma_wait3A_454 = arith.constant 0 : i32
      %dma_wait3A_455 = tpu.memref_slice %arg7[%dma_wait3A_452, %dma_wait3A_453, %dma_wait3A_454] : memref<2x6x112xi32, #tpu.memory_space<vmem>> -> memref<1x1x112xi32, #tpu.memory_space<vmem>>
      %dma_wait3A_456 = tpu.memref_squeeze %dma_wait3A_455 : memref<1x1x112xi32, #tpu.memory_space<vmem>> -> memref<112xi32, #tpu.memory_space<vmem>>
      %dma_wait3A_457 = arith.constant 0 : i32
      %dma_wait3A_458 = arith.constant 0 : i32
      %dma_wait3A_459 = tpu.memref_slice %arg2[%dma_wait3A_457, %dma_wait3A_458] : memref<10240x128xf32, #tpu.memory_space<hbm>> -> memref<10240x128xf32, #tpu.memory_space<hbm>>
      tpu.wait_indirect_dma semaphore(%arg14 : memref<!tpu.dma_semaphore, #tpu.memory_space<semaphore_mem>>) src(%dma_wait3A_459 : memref<10240x128xf32, #tpu.memory_space<hbm>>) dst(%arg10 : memref<112x128xf32, #tpu.memory_space<vmem>>)
      %dma_start3A_460 = arith.constant 1 : i32
      %dma_start3A_461 = arith.constant 5 : i32
      %dma_start3A_462 = arith.constant 0 : i32
      %dma_start3A_463 = tpu.memref_slice %arg7[%dma_start3A_460, %dma_start3A_461, %dma_start3A_462] : memref<2x6x112xi32, #tpu.memory_space<vmem>> -> memref<1x1x112xi32, #tpu.memory_space<vmem>>
      %dma_start3A_464 = tpu.memref_squeeze %dma_start3A_463 : memref<1x1x112xi32, #tpu.memory_space<vmem>> -> memref<112xi32, #tpu.memory_space<vmem>>
      %dma_start3A_465 = arith.constant 0 : i32
      %dma_start3A_466 = arith.constant 0 : i32
      %dma_start3A_467 = tpu.memref_slice %arg11[%dma_start3A_465, %dma_start3A_466] : memref<10240x128xf32, #tpu.memory_space<vmem_shared>> -> memref<10240x128xf32, #tpu.memory_space<vmem_shared>>
      tpu.enqueue_indirect_dma source(%arg10 : memref<112x128xf32, #tpu.memory_space<vmem>>) target(%dma_start3A_467 : memref<10240x128xf32, #tpu.memory_space<vmem_shared>>) offsets(%dma_start3A_464 : memref<112xi32, #tpu.memory_space<vmem>>) semaphore(%arg17 : memref<!tpu.dma_semaphore, #tpu.memory_space<semaphore_mem>>) {add = true}
    }
    %scan3A_22 = arith.constant 8 : i32
    %dma_wait3A = arith.constant 1 : i32
    %dma_wait3A_23 = arith.constant 0 : i32
    %dma_wait3A_24 = arith.constant 0 : i32
    %dma_wait3A_25 = tpu.memref_slice %arg6[%dma_wait3A, %dma_wait3A_23, %dma_wait3A_24] : memref<2x6x112xi32, #tpu.memory_space<vmem>> -> memref<1x1x112xi32, #tpu.memory_space<vmem>>
    %dma_wait3A_26 = tpu.memref_squeeze %dma_wait3A_25 : memref<1x1x112xi32, #tpu.memory_space<vmem>> -> memref<112xi32, #tpu.memory_space<vmem>>
    %dma_wait3A_27 = arith.constant 0 : i32
    %dma_wait3A_28 = arith.constant 0 : i32
    %dma_wait3A_29 = tpu.memref_slice %arg11[%dma_wait3A_27, %dma_wait3A_28] : memref<10240x128xf32, #tpu.memory_space<vmem_shared>> -> memref<10240x128xf32, #tpu.memory_space<vmem_shared>>
    tpu.wait_indirect_dma semaphore(%arg17 : memref<!tpu.dma_semaphore, #tpu.memory_space<semaphore_mem>>) src(%arg10 : memref<112x128xf32, #tpu.memory_space<vmem>>) dst(%dma_wait3A_29 : memref<10240x128xf32, #tpu.memory_space<vmem_shared>>)
    %barrier3A_30 = arith.constant 0 : index
    tpu.barrier barrier_id(%barrier3A_30)
    %mul3A_31 = arith.constant 640 : i32
    %mul3A_32 = arith.muli %arg1, %mul3A_31 : i32
    %add3A_33 = arith.constant 0 : i32
    %add3A_34 = arith.addi %mul3A_32, %add3A_33 : i32
    %mul3A_35 = arith.constant 10240 : i32
    %mul3A_36 = arith.muli %arg0, %mul3A_35 : i32
    %add3A_37 = arith.addi %mul3A_36, %add3A_34 : i32
    "tpu.region"() ({
      %run_scoped3A_66 = tpu.sem_alloc : memref<!tpu.dma_semaphore, #tpu.memory_space<semaphore_mem>>
      %dma_start3A_67 = arith.constant 0 : i32
      %dma_start3A_68 = tpu.memref_slice %arg5[%add3A_37, %dma_start3A_67] : memref<20480x128xf32, #tpu.memory_space<hbm>> -> memref<128x128xf32, #tpu.memory_space<hbm>>
      %dma_start3A_69 = arith.constant 0 : i32
      %dma_start3A_70 = tpu.memref_slice %arg11[%add3A_34, %dma_start3A_69] : memref<10240x128xf32, #tpu.memory_space<vmem_shared>> -> memref<128x128xf32, #tpu.memory_space<vmem_shared>>
      tpu.enqueue_dma source(%dma_start3A_70 : memref<128x128xf32, #tpu.memory_space<vmem_shared>>) target(%dma_start3A_68 : memref<128x128xf32, #tpu.memory_space<hbm>>) target_semaphore(%run_scoped3A_66 : memref<!tpu.dma_semaphore, #tpu.memory_space<semaphore_mem>>)
      %dma_wait3A_71 = arith.constant 0 : i32
      %dma_wait3A_72 = tpu.memref_slice %arg5[%add3A_37, %dma_wait3A_71] : memref<20480x128xf32, #tpu.memory_space<hbm>> -> memref<128x128xf32, #tpu.memory_space<hbm>>
      %dma_wait3A_73 = arith.constant 0 : i32
      %dma_wait3A_74 = tpu.memref_slice %arg11[%add3A_34, %dma_wait3A_73] : memref<10240x128xf32, #tpu.memory_space<vmem_shared>> -> memref<128x128xf32, #tpu.memory_space<vmem_shared>>
      tpu.wait_dma2 semaphore(%run_scoped3A_66 : memref<!tpu.dma_semaphore, #tpu.memory_space<semaphore_mem>>) src(%dma_wait3A_74 : memref<128x128xf32, #tpu.memory_space<vmem_shared>>) dst(%dma_wait3A_72 : memref<128x128xf32, #tpu.memory_space<hbm>>)
      tpu.yield
    }) : () -> ()
    %mul3A_38 = arith.constant 640 : i32
    %mul3A_39 = arith.muli %arg1, %mul3A_38 : i32
    %add3A_40 = arith.constant 128 : i32
    %add3A_41 = arith.addi %mul3A_39, %add3A_40 : i32
    %mul3A_42 = arith.constant 10240 : i32
    %mul3A_43 = arith.muli %arg0, %mul3A_42 : i32
    %add3A_44 = arith.addi %mul3A_43, %add3A_41 : i32
    "tpu.region"() ({
      %run_scoped3A_66 = tpu.sem_alloc : memref<!tpu.dma_semaphore, #tpu.memory_space<semaphore_mem>>
      %dma_start3A_67 = arith.constant 0 : i32
      %dma_start3A_68 = tpu.memref_slice %arg5[%add3A_44, %dma_start3A_67] : memref<20480x128xf32, #tpu.memory_space<hbm>> -> memref<128x128xf32, #tpu.memory_space<hbm>>
      %dma_start3A_69 = arith.constant 0 : i32
      %dma_start3A_70 = tpu.memref_slice %arg11[%add3A_41, %dma_start3A_69] : memref<10240x128xf32, #tpu.memory_space<vmem_shared>> -> memref<128x128xf32, #tpu.memory_space<vmem_shared>>
      tpu.enqueue_dma source(%dma_start3A_70 : memref<128x128xf32, #tpu.memory_space<vmem_shared>>) target(%dma_start3A_68 : memref<128x128xf32, #tpu.memory_space<hbm>>) target_semaphore(%run_scoped3A_66 : memref<!tpu.dma_semaphore, #tpu.memory_space<semaphore_mem>>)
      %dma_wait3A_71 = arith.constant 0 : i32
      %dma_wait3A_72 = tpu.memref_slice %arg5[%add3A_44, %dma_wait3A_71] : memref<20480x128xf32, #tpu.memory_space<hbm>> -> memref<128x128xf32, #tpu.memory_space<hbm>>
      %dma_wait3A_73 = arith.constant 0 : i32
      %dma_wait3A_74 = tpu.memref_slice %arg11[%add3A_41, %dma_wait3A_73] : memref<10240x128xf32, #tpu.memory_space<vmem_shared>> -> memref<128x128xf32, #tpu.memory_space<vmem_shared>>
      tpu.wait_dma2 semaphore(%run_scoped3A_66 : memref<!tpu.dma_semaphore, #tpu.memory_space<semaphore_mem>>) src(%dma_wait3A_74 : memref<128x128xf32, #tpu.memory_space<vmem_shared>>) dst(%dma_wait3A_72 : memref<128x128xf32, #tpu.memory_space<hbm>>)
      tpu.yield
    }) : () -> ()
    %mul3A_45 = arith.constant 640 : i32
    %mul3A_46 = arith.muli %arg1, %mul3A_45 : i32
    %add3A_47 = arith.constant 256 : i32
    %add3A_48 = arith.addi %mul3A_46, %add3A_47 : i32
    %mul3A_49 = arith.constant 10240 : i32
    %mul3A_50 = arith.muli %arg0, %mul3A_49 : i32
    %add3A_51 = arith.addi %mul3A_50, %add3A_48 : i32
    "tpu.region"() ({
      %run_scoped3A_66 = tpu.sem_alloc : memref<!tpu.dma_semaphore, #tpu.memory_space<semaphore_mem>>
      %dma_start3A_67 = arith.constant 0 : i32
      %dma_start3A_68 = tpu.memref_slice %arg5[%add3A_51, %dma_start3A_67] : memref<20480x128xf32, #tpu.memory_space<hbm>> -> memref<128x128xf32, #tpu.memory_space<hbm>>
      %dma_start3A_69 = arith.constant 0 : i32
      %dma_start3A_70 = tpu.memref_slice %arg11[%add3A_48, %dma_start3A_69] : memref<10240x128xf32, #tpu.memory_space<vmem_shared>> -> memref<128x128xf32, #tpu.memory_space<vmem_shared>>
      tpu.enqueue_dma source(%dma_start3A_70 : memref<128x128xf32, #tpu.memory_space<vmem_shared>>) target(%dma_start3A_68 : memref<128x128xf32, #tpu.memory_space<hbm>>) target_semaphore(%run_scoped3A_66 : memref<!tpu.dma_semaphore, #tpu.memory_space<semaphore_mem>>)
      %dma_wait3A_71 = arith.constant 0 : i32
      %dma_wait3A_72 = tpu.memref_slice %arg5[%add3A_51, %dma_wait3A_71] : memref<20480x128xf32, #tpu.memory_space<hbm>> -> memref<128x128xf32, #tpu.memory_space<hbm>>
      %dma_wait3A_73 = arith.constant 0 : i32
      %dma_wait3A_74 = tpu.memref_slice %arg11[%add3A_48, %dma_wait3A_73] : memref<10240x128xf32, #tpu.memory_space<vmem_shared>> -> memref<128x128xf32, #tpu.memory_space<vmem_shared>>
      tpu.wait_dma2 semaphore(%run_scoped3A_66 : memref<!tpu.dma_semaphore, #tpu.memory_space<semaphore_mem>>) src(%dma_wait3A_74 : memref<128x128xf32, #tpu.memory_space<vmem_shared>>) dst(%dma_wait3A_72 : memref<128x128xf32, #tpu.memory_space<hbm>>)
      tpu.yield
    }) : () -> ()
    %mul3A_52 = arith.constant 640 : i32
    %mul3A_53 = arith.muli %arg1, %mul3A_52 : i32
    %add3A_54 = arith.constant 384 : i32
    %add3A_55 = arith.addi %mul3A_53, %add3A_54 : i32
    %mul3A_56 = arith.constant 10240 : i32
    %mul3A_57 = arith.muli %arg0, %mul3A_56 : i32
    %add3A_58 = arith.addi %mul3A_57, %add3A_55 : i32
    "tpu.region"() ({
      %run_scoped3A_66 = tpu.sem_alloc : memref<!tpu.dma_semaphore, #tpu.memory_space<semaphore_mem>>
      %dma_start3A_67 = arith.constant 0 : i32
      %dma_start3A_68 = tpu.memref_slice %arg5[%add3A_58, %dma_start3A_67] : memref<20480x128xf32, #tpu.memory_space<hbm>> -> memref<128x128xf32, #tpu.memory_space<hbm>>
      %dma_start3A_69 = arith.constant 0 : i32
      %dma_start3A_70 = tpu.memref_slice %arg11[%add3A_55, %dma_start3A_69] : memref<10240x128xf32, #tpu.memory_space<vmem_shared>> -> memref<128x128xf32, #tpu.memory_space<vmem_shared>>
      tpu.enqueue_dma source(%dma_start3A_70 : memref<128x128xf32, #tpu.memory_space<vmem_shared>>) target(%dma_start3A_68 : memref<128x128xf32, #tpu.memory_space<hbm>>) target_semaphore(%run_scoped3A_66 : memref<!tpu.dma_semaphore, #tpu.memory_space<semaphore_mem>>)
      %dma_wait3A_71 = arith.constant 0 : i32
      %dma_wait3A_72 = tpu.memref_slice %arg5[%add3A_58, %dma_wait3A_71] : memref<20480x128xf32, #tpu.memory_space<hbm>> -> memref<128x128xf32, #tpu.memory_space<hbm>>
      %dma_wait3A_73 = arith.constant 0 : i32
      %dma_wait3A_74 = tpu.memref_slice %arg11[%add3A_55, %dma_wait3A_73] : memref<10240x128xf32, #tpu.memory_space<vmem_shared>> -> memref<128x128xf32, #tpu.memory_space<vmem_shared>>
      tpu.wait_dma2 semaphore(%run_scoped3A_66 : memref<!tpu.dma_semaphore, #tpu.memory_space<semaphore_mem>>) src(%dma_wait3A_74 : memref<128x128xf32, #tpu.memory_space<vmem_shared>>) dst(%dma_wait3A_72 : memref<128x128xf32, #tpu.memory_space<hbm>>)
      tpu.yield
    }) : () -> ()
    %mul3A_59 = arith.constant 640 : i32
    %mul3A_60 = arith.muli %arg1, %mul3A_59 : i32
    %add3A_61 = arith.constant 512 : i32
    %add3A_62 = arith.addi %mul3A_60, %add3A_61 : i32
    %mul3A_63 = arith.constant 10240 : i32
    %mul3A_64 = arith.muli %arg0, %mul3A_63 : i32
    %add3A_65 = arith.addi %mul3A_64, %add3A_62 : i32
    "tpu.region"() ({
      %run_scoped3A_66 = tpu.sem_alloc : memref<!tpu.dma_semaphore, #tpu.memory_space<semaphore_mem>>
      %dma_start3A_67 = arith.constant 0 : i32
      %dma_start3A_68 = tpu.memref_slice %arg5[%add3A_65, %dma_start3A_67] : memref<20480x128xf32, #tpu.memory_space<hbm>> -> memref<128x128xf32, #tpu.memory_space<hbm>>
      %dma_start3A_69 = arith.constant 0 : i32
      %dma_start3A_70 = tpu.memref_slice %arg11[%add3A_62, %dma_start3A_69] : memref<10240x128xf32, #tpu.memory_space<vmem_shared>> -> memref<128x128xf32, #tpu.memory_space<vmem_shared>>
      tpu.enqueue_dma source(%dma_start3A_70 : memref<128x128xf32, #tpu.memory_space<vmem_shared>>) target(%dma_start3A_68 : memref<128x128xf32, #tpu.memory_space<hbm>>) target_semaphore(%run_scoped3A_66 : memref<!tpu.dma_semaphore, #tpu.memory_space<semaphore_mem>>)
      %dma_wait3A_71 = arith.constant 0 : i32
      %dma_wait3A_72 = tpu.memref_slice %arg5[%add3A_65, %dma_wait3A_71] : memref<20480x128xf32, #tpu.memory_space<hbm>> -> memref<128x128xf32, #tpu.memory_space<hbm>>
      %dma_wait3A_73 = arith.constant 0 : i32
      %dma_wait3A_74 = tpu.memref_slice %arg11[%add3A_62, %dma_wait3A_73] : memref<10240x128xf32, #tpu.memory_space<vmem_shared>> -> memref<128x128xf32, #tpu.memory_space<vmem_shared>>
      tpu.wait_dma2 semaphore(%run_scoped3A_66 : memref<!tpu.dma_semaphore, #tpu.memory_space<semaphore_mem>>) src(%dma_wait3A_74 : memref<128x128xf32, #tpu.memory_space<vmem_shared>>) dst(%dma_wait3A_72 : memref<128x128xf32, #tpu.memory_space<hbm>>)
      tpu.yield
    }) : () -> ()
    return
  }
}

#map = affine_map<(d0, d1) -> (0, 0, 0)>
#map1 = affine_map<(d0, d1) -> (0)>
module attributes {stable_mosaic.version = 14 : i64} {
  func.func @deg_kernel(%arg0: i32, %arg1: i32, %arg2: memref<32x84x128xi32, #tpu.memory_space<hbm>>, %arg3: memref<20480xf32, #tpu.memory_space<hbm>>, %arg4: memref<84x128xi32, #tpu.memory_space<vmem>>, %arg5: memref<128xf32, #tpu.memory_space<vmem>>, %arg6: memref<640xf32, #tpu.memory_space<vmem>>, %arg7: memref<10240xf32, #tpu.memory_space<vmem_shared>>) attributes {dimension_semantics = [#tpu.dimension_semantics<core_parallel>, #tpu.dimension_semantics<subcore_parallel>], iteration_bounds = array<i64: 2, 16>, scalar_prefetch = 0 : i64, scratch_operands = 4 : i64, tpu.core_type = #tpu.core_type<sc_vector_subcore>, window_params = [{transform_indices = #map}, {transform_indices = #map1}]} {
    %mul3A = arith.constant 2 : i32
    %mul3A_0 = arith.muli %arg1, %mul3A : i32
    %add3A = arith.addi %mul3A_0, %arg0 : i32
    "tpu.region"() ({
      %run_scoped3A = tpu.sem_alloc : memref<!tpu.dma_semaphore, #tpu.memory_space<semaphore_mem>>
      %dma_start3A = arith.constant 0 : i32
      %dma_start3A_210 = arith.constant 0 : i32
      %dma_start3A_211 = tpu.memref_slice %arg2[%add3A, %dma_start3A, %dma_start3A_210] : memref<32x84x128xi32, #tpu.memory_space<hbm>> -> memref<1x84x128xi32, #tpu.memory_space<hbm>>
      %dma_start3A_212 = tpu.memref_squeeze %dma_start3A_211 : memref<1x84x128xi32, #tpu.memory_space<hbm>> -> memref<84x128xi32, #tpu.memory_space<hbm>>
      %dma_start3A_213 = arith.constant 0 : i32
      %dma_start3A_214 = arith.constant 0 : i32
      %dma_start3A_215 = tpu.memref_slice %arg2[%add3A, %dma_start3A_213, %dma_start3A_214] : memref<32x84x128xi32, #tpu.memory_space<hbm>> -> memref<1x84x128xi32, #tpu.memory_space<hbm>>
      %dma_start3A_216 = tpu.memref_squeeze %dma_start3A_215 : memref<1x84x128xi32, #tpu.memory_space<hbm>> -> memref<84x128xi32, #tpu.memory_space<hbm>>
      tpu.enqueue_dma source(%dma_start3A_216 : memref<84x128xi32, #tpu.memory_space<hbm>>) target(%arg4 : memref<84x128xi32, #tpu.memory_space<vmem>>) target_semaphore(%run_scoped3A : memref<!tpu.dma_semaphore, #tpu.memory_space<semaphore_mem>>)
      %dma_wait3A = arith.constant 0 : i32
      %dma_wait3A_217 = arith.constant 0 : i32
      %dma_wait3A_218 = tpu.memref_slice %arg2[%add3A, %dma_wait3A, %dma_wait3A_217] : memref<32x84x128xi32, #tpu.memory_space<hbm>> -> memref<1x84x128xi32, #tpu.memory_space<hbm>>
      %dma_wait3A_219 = tpu.memref_squeeze %dma_wait3A_218 : memref<1x84x128xi32, #tpu.memory_space<hbm>> -> memref<84x128xi32, #tpu.memory_space<hbm>>
      %dma_wait3A_220 = arith.constant 0 : i32
      %dma_wait3A_221 = arith.constant 0 : i32
      %dma_wait3A_222 = tpu.memref_slice %arg2[%add3A, %dma_wait3A_220, %dma_wait3A_221] : memref<32x84x128xi32, #tpu.memory_space<hbm>> -> memref<1x84x128xi32, #tpu.memory_space<hbm>>
      %dma_wait3A_223 = tpu.memref_squeeze %dma_wait3A_222 : memref<1x84x128xi32, #tpu.memory_space<hbm>> -> memref<84x128xi32, #tpu.memory_space<hbm>>
      tpu.wait_dma2 semaphore(%run_scoped3A : memref<!tpu.dma_semaphore, #tpu.memory_space<semaphore_mem>>) src(%dma_wait3A_223 : memref<84x128xi32, #tpu.memory_space<hbm>>) dst(%arg4 : memref<84x128xi32, #tpu.memory_space<vmem>>)
      tpu.yield
    }) : () -> ()
    %broadcast_in_dim3A = arith.constant 1.000000e+00 : f32
    %broadcast_in_dim3A_1 = vector.broadcast %broadcast_in_dim3A : f32 to vector<16xf32>
    %swap3A = arith.constant 0 : index
    %swap3A_2 = tpu.vector_load %arg5[%swap3A] {strides = array<i32>} : memref<128xf32, #tpu.memory_space<vmem>>, vector<16xf32>,
    %swap3A_3 = vector.shape_cast %swap3A_2 : vector<16xf32> to vector<16xf32>
    %swap3A_4 = vector.shape_cast %broadcast_in_dim3A_1 : vector<16xf32> to vector<16xf32>
    tpu.vector_store %arg5[%swap3A], %swap3A_4 {strides = array<i32>} : memref<128xf32, #tpu.memory_space<vmem>>, vector<16xf32>,
    %swap3A_5 = arith.constant 16 : index
    %swap3A_6 = tpu.vector_load %arg5[%swap3A_5] {strides = array<i32>} : memref<128xf32, #tpu.memory_space<vmem>>, vector<16xf32>,
    %swap3A_7 = vector.shape_cast %swap3A_6 : vector<16xf32> to vector<16xf32>
    %swap3A_8 = vector.shape_cast %broadcast_in_dim3A_1 : vector<16xf32> to vector<16xf32>
    tpu.vector_store %arg5[%swap3A_5], %swap3A_8 {strides = array<i32>} : memref<128xf32, #tpu.memory_space<vmem>>, vector<16xf32>,
    %swap3A_9 = arith.constant 32 : index
    %swap3A_10 = tpu.vector_load %arg5[%swap3A_9] {strides = array<i32>} : memref<128xf32, #tpu.memory_space<vmem>>, vector<16xf32>,
    %swap3A_11 = vector.shape_cast %swap3A_10 : vector<16xf32> to vector<16xf32>
    %swap3A_12 = vector.shape_cast %broadcast_in_dim3A_1 : vector<16xf32> to vector<16xf32>
    tpu.vector_store %arg5[%swap3A_9], %swap3A_12 {strides = array<i32>} : memref<128xf32, #tpu.memory_space<vmem>>, vector<16xf32>,
    %swap3A_13 = arith.constant 48 : index
    %swap3A_14 = tpu.vector_load %arg5[%swap3A_13] {strides = array<i32>} : memref<128xf32, #tpu.memory_space<vmem>>, vector<16xf32>,
    %swap3A_15 = vector.shape_cast %swap3A_14 : vector<16xf32> to vector<16xf32>
    %swap3A_16 = vector.shape_cast %broadcast_in_dim3A_1 : vector<16xf32> to vector<16xf32>
    tpu.vector_store %arg5[%swap3A_13], %swap3A_16 {strides = array<i32>} : memref<128xf32, #tpu.memory_space<vmem>>, vector<16xf32>,
    %swap3A_17 = arith.constant 64 : index
    %swap3A_18 = tpu.vector_load %arg5[%swap3A_17] {strides = array<i32>} : memref<128xf32, #tpu.memory_space<vmem>>, vector<16xf32>,
    %swap3A_19 = vector.shape_cast %swap3A_18 : vector<16xf32> to vector<16xf32>
    %swap3A_20 = vector.shape_cast %broadcast_in_dim3A_1 : vector<16xf32> to vector<16xf32>
    tpu.vector_store %arg5[%swap3A_17], %swap3A_20 {strides = array<i32>} : memref<128xf32, #tpu.memory_space<vmem>>, vector<16xf32>,
    %swap3A_21 = arith.constant 80 : index
    %swap3A_22 = tpu.vector_load %arg5[%swap3A_21] {strides = array<i32>} : memref<128xf32, #tpu.memory_space<vmem>>, vector<16xf32>,
    %swap3A_23 = vector.shape_cast %swap3A_22 : vector<16xf32> to vector<16xf32>
    %swap3A_24 = vector.shape_cast %broadcast_in_dim3A_1 : vector<16xf32> to vector<16xf32>
    tpu.vector_store %arg5[%swap3A_21], %swap3A_24 {strides = array<i32>} : memref<128xf32, #tpu.memory_space<vmem>>, vector<16xf32>,
    %swap3A_25 = arith.constant 96 : index
    %swap3A_26 = tpu.vector_load %arg5[%swap3A_25] {strides = array<i32>} : memref<128xf32, #tpu.memory_space<vmem>>, vector<16xf32>,
    %swap3A_27 = vector.shape_cast %swap3A_26 : vector<16xf32> to vector<16xf32>
    %swap3A_28 = vector.shape_cast %broadcast_in_dim3A_1 : vector<16xf32> to vector<16xf32>
    tpu.vector_store %arg5[%swap3A_25], %swap3A_28 {strides = array<i32>} : memref<128xf32, #tpu.memory_space<vmem>>, vector<16xf32>,
    %swap3A_29 = arith.constant 112 : index
    %swap3A_30 = tpu.vector_load %arg5[%swap3A_29] {strides = array<i32>} : memref<128xf32, #tpu.memory_space<vmem>>, vector<16xf32>,
    %swap3A_31 = vector.shape_cast %swap3A_30 : vector<16xf32> to vector<16xf32>
    %swap3A_32 = vector.shape_cast %broadcast_in_dim3A_1 : vector<16xf32> to vector<16xf32>
    tpu.vector_store %arg5[%swap3A_29], %swap3A_32 {strides = array<i32>} : memref<128xf32, #tpu.memory_space<vmem>>, vector<16xf32>,
    %broadcast_in_dim3A_33 = arith.constant 0.000000e+00 : f32
    %broadcast_in_dim3A_34 = vector.broadcast %broadcast_in_dim3A_33 : f32 to vector<16xf32>
    %swap3A_35 = arith.constant 0 : index
    %swap3A_36 = tpu.vector_load %arg6[%swap3A_35] {strides = array<i32>} : memref<640xf32, #tpu.memory_space<vmem>>, vector<16xf32>,
    %swap3A_37 = vector.shape_cast %swap3A_36 : vector<16xf32> to vector<16xf32>
    %swap3A_38 = vector.shape_cast %broadcast_in_dim3A_34 : vector<16xf32> to vector<16xf32>
    tpu.vector_store %arg6[%swap3A_35], %swap3A_38 {strides = array<i32>} : memref<640xf32, #tpu.memory_space<vmem>>, vector<16xf32>,
    %swap3A_39 = arith.constant 16 : index
    %swap3A_40 = tpu.vector_load %arg6[%swap3A_39] {strides = array<i32>} : memref<640xf32, #tpu.memory_space<vmem>>, vector<16xf32>,
    %swap3A_41 = vector.shape_cast %swap3A_40 : vector<16xf32> to vector<16xf32>
    %swap3A_42 = vector.shape_cast %broadcast_in_dim3A_34 : vector<16xf32> to vector<16xf32>
    tpu.vector_store %arg6[%swap3A_39], %swap3A_42 {strides = array<i32>} : memref<640xf32, #tpu.memory_space<vmem>>, vector<16xf32>,
    %swap3A_43 = arith.constant 32 : index
    %swap3A_44 = tpu.vector_load %arg6[%swap3A_43] {strides = array<i32>} : memref<640xf32, #tpu.memory_space<vmem>>, vector<16xf32>,
    %swap3A_45 = vector.shape_cast %swap3A_44 : vector<16xf32> to vector<16xf32>
    %swap3A_46 = vector.shape_cast %broadcast_in_dim3A_34 : vector<16xf32> to vector<16xf32>
    tpu.vector_store %arg6[%swap3A_43], %swap3A_46 {strides = array<i32>} : memref<640xf32, #tpu.memory_space<vmem>>, vector<16xf32>,
    %swap3A_47 = arith.constant 48 : index
    %swap3A_48 = tpu.vector_load %arg6[%swap3A_47] {strides = array<i32>} : memref<640xf32, #tpu.memory_space<vmem>>, vector<16xf32>,
    %swap3A_49 = vector.shape_cast %swap3A_48 : vector<16xf32> to vector<16xf32>
    %swap3A_50 = vector.shape_cast %broadcast_in_dim3A_34 : vector<16xf32> to vector<16xf32>
    tpu.vector_store %arg6[%swap3A_47], %swap3A_50 {strides = array<i32>} : memref<640xf32, #tpu.memory_space<vmem>>, vector<16xf32>,
    %swap3A_51 = arith.constant 64 : index
    %swap3A_52 = tpu.vector_load %arg6[%swap3A_51] {strides = array<i32>} : memref<640xf32, #tpu.memory_space<vmem>>, vector<16xf32>,
    %swap3A_53 = vector.shape_cast %swap3A_52 : vector<16xf32> to vector<16xf32>
    %swap3A_54 = vector.shape_cast %broadcast_in_dim3A_34 : vector<16xf32> to vector<16xf32>
    tpu.vector_store %arg6[%swap3A_51], %swap3A_54 {strides = array<i32>} : memref<640xf32, #tpu.memory_space<vmem>>, vector<16xf32>,
    %swap3A_55 = arith.constant 80 : index
    %swap3A_56 = tpu.vector_load %arg6[%swap3A_55] {strides = array<i32>} : memref<640xf32, #tpu.memory_space<vmem>>, vector<16xf32>,
    %swap3A_57 = vector.shape_cast %swap3A_56 : vector<16xf32> to vector<16xf32>
    %swap3A_58 = vector.shape_cast %broadcast_in_dim3A_34 : vector<16xf32> to vector<16xf32>
    tpu.vector_store %arg6[%swap3A_55], %swap3A_58 {strides = array<i32>} : memref<640xf32, #tpu.memory_space<vmem>>, vector<16xf32>,
    %swap3A_59 = arith.constant 96 : index
    %swap3A_60 = tpu.vector_load %arg6[%swap3A_59] {strides = array<i32>} : memref<640xf32, #tpu.memory_space<vmem>>, vector<16xf32>,
    %swap3A_61 = vector.shape_cast %swap3A_60 : vector<16xf32> to vector<16xf32>
    %swap3A_62 = vector.shape_cast %broadcast_in_dim3A_34 : vector<16xf32> to vector<16xf32>
    tpu.vector_store %arg6[%swap3A_59], %swap3A_62 {strides = array<i32>} : memref<640xf32, #tpu.memory_space<vmem>>, vector<16xf32>,
    %swap3A_63 = arith.constant 112 : index
    %swap3A_64 = tpu.vector_load %arg6[%swap3A_63] {strides = array<i32>} : memref<640xf32, #tpu.memory_space<vmem>>, vector<16xf32>,
    %swap3A_65 = vector.shape_cast %swap3A_64 : vector<16xf32> to vector<16xf32>
    %swap3A_66 = vector.shape_cast %broadcast_in_dim3A_34 : vector<16xf32> to vector<16xf32>
    tpu.vector_store %arg6[%swap3A_63], %swap3A_66 {strides = array<i32>} : memref<640xf32, #tpu.memory_space<vmem>>, vector<16xf32>,
    %swap3A_67 = arith.constant 128 : index
    %swap3A_68 = tpu.vector_load %arg6[%swap3A_67] {strides = array<i32>} : memref<640xf32, #tpu.memory_space<vmem>>, vector<16xf32>,
    %swap3A_69 = vector.shape_cast %swap3A_68 : vector<16xf32> to vector<16xf32>
    %swap3A_70 = vector.shape_cast %broadcast_in_dim3A_34 : vector<16xf32> to vector<16xf32>
    tpu.vector_store %arg6[%swap3A_67], %swap3A_70 {strides = array<i32>} : memref<640xf32, #tpu.memory_space<vmem>>, vector<16xf32>,
    %swap3A_71 = arith.constant 144 : index
    %swap3A_72 = tpu.vector_load %arg6[%swap3A_71] {strides = array<i32>} : memref<640xf32, #tpu.memory_space<vmem>>, vector<16xf32>,
    %swap3A_73 = vector.shape_cast %swap3A_72 : vector<16xf32> to vector<16xf32>
    %swap3A_74 = vector.shape_cast %broadcast_in_dim3A_34 : vector<16xf32> to vector<16xf32>
    tpu.vector_store %arg6[%swap3A_71], %swap3A_74 {strides = array<i32>} : memref<640xf32, #tpu.memory_space<vmem>>, vector<16xf32>,
    %swap3A_75 = arith.constant 160 : index
    %swap3A_76 = tpu.vector_load %arg6[%swap3A_75] {strides = array<i32>} : memref<640xf32, #tpu.memory_space<vmem>>, vector<16xf32>,
    %swap3A_77 = vector.shape_cast %swap3A_76 : vector<16xf32> to vector<16xf32>
    %swap3A_78 = vector.shape_cast %broadcast_in_dim3A_34 : vector<16xf32> to vector<16xf32>
    tpu.vector_store %arg6[%swap3A_75], %swap3A_78 {strides = array<i32>} : memref<640xf32, #tpu.memory_space<vmem>>, vector<16xf32>,
    %swap3A_79 = arith.constant 176 : index
    %swap3A_80 = tpu.vector_load %arg6[%swap3A_79] {strides = array<i32>} : memref<640xf32, #tpu.memory_space<vmem>>, vector<16xf32>,
    %swap3A_81 = vector.shape_cast %swap3A_80 : vector<16xf32> to vector<16xf32>
    %swap3A_82 = vector.shape_cast %broadcast_in_dim3A_34 : vector<16xf32> to vector<16xf32>
    tpu.vector_store %arg6[%swap3A_79], %swap3A_82 {strides = array<i32>} : memref<640xf32, #tpu.memory_space<vmem>>, vector<16xf32>,
    %swap3A_83 = arith.constant 192 : index
    %swap3A_84 = tpu.vector_load %arg6[%swap3A_83] {strides = array<i32>} : memref<640xf32, #tpu.memory_space<vmem>>, vector<16xf32>,
    %swap3A_85 = vector.shape_cast %swap3A_84 : vector<16xf32> to vector<16xf32>
    %swap3A_86 = vector.shape_cast %broadcast_in_dim3A_34 : vector<16xf32> to vector<16xf32>
    tpu.vector_store %arg6[%swap3A_83], %swap3A_86 {strides = array<i32>} : memref<640xf32, #tpu.memory_space<vmem>>, vector<16xf32>,
    %swap3A_87 = arith.constant 208 : index
    %swap3A_88 = tpu.vector_load %arg6[%swap3A_87] {strides = array<i32>} : memref<640xf32, #tpu.memory_space<vmem>>, vector<16xf32>,
    %swap3A_89 = vector.shape_cast %swap3A_88 : vector<16xf32> to vector<16xf32>
    %swap3A_90 = vector.shape_cast %broadcast_in_dim3A_34 : vector<16xf32> to vector<16xf32>
    tpu.vector_store %arg6[%swap3A_87], %swap3A_90 {strides = array<i32>} : memref<640xf32, #tpu.memory_space<vmem>>, vector<16xf32>,
    %swap3A_91 = arith.constant 224 : index
    %swap3A_92 = tpu.vector_load %arg6[%swap3A_91] {strides = array<i32>} : memref<640xf32, #tpu.memory_space<vmem>>, vector<16xf32>,
    %swap3A_93 = vector.shape_cast %swap3A_92 : vector<16xf32> to vector<16xf32>
    %swap3A_94 = vector.shape_cast %broadcast_in_dim3A_34 : vector<16xf32> to vector<16xf32>
    tpu.vector_store %arg6[%swap3A_91], %swap3A_94 {strides = array<i32>} : memref<640xf32, #tpu.memory_space<vmem>>, vector<16xf32>,
    %swap3A_95 = arith.constant 240 : index
    %swap3A_96 = tpu.vector_load %arg6[%swap3A_95] {strides = array<i32>} : memref<640xf32, #tpu.memory_space<vmem>>, vector<16xf32>,
    %swap3A_97 = vector.shape_cast %swap3A_96 : vector<16xf32> to vector<16xf32>
    %swap3A_98 = vector.shape_cast %broadcast_in_dim3A_34 : vector<16xf32> to vector<16xf32>
    tpu.vector_store %arg6[%swap3A_95], %swap3A_98 {strides = array<i32>} : memref<640xf32, #tpu.memory_space<vmem>>, vector<16xf32>,
    %swap3A_99 = arith.constant 256 : index
    %swap3A_100 = tpu.vector_load %arg6[%swap3A_99] {strides = array<i32>} : memref<640xf32, #tpu.memory_space<vmem>>, vector<16xf32>,
    %swap3A_101 = vector.shape_cast %swap3A_100 : vector<16xf32> to vector<16xf32>
    %swap3A_102 = vector.shape_cast %broadcast_in_dim3A_34 : vector<16xf32> to vector<16xf32>
    tpu.vector_store %arg6[%swap3A_99], %swap3A_102 {strides = array<i32>} : memref<640xf32, #tpu.memory_space<vmem>>, vector<16xf32>,
    %swap3A_103 = arith.constant 272 : index
    %swap3A_104 = tpu.vector_load %arg6[%swap3A_103] {strides = array<i32>} : memref<640xf32, #tpu.memory_space<vmem>>, vector<16xf32>,
    %swap3A_105 = vector.shape_cast %swap3A_104 : vector<16xf32> to vector<16xf32>
    %swap3A_106 = vector.shape_cast %broadcast_in_dim3A_34 : vector<16xf32> to vector<16xf32>
    tpu.vector_store %arg6[%swap3A_103], %swap3A_106 {strides = array<i32>} : memref<640xf32, #tpu.memory_space<vmem>>, vector<16xf32>,
    %swap3A_107 = arith.constant 288 : index
    %swap3A_108 = tpu.vector_load %arg6[%swap3A_107] {strides = array<i32>} : memref<640xf32, #tpu.memory_space<vmem>>, vector<16xf32>,
    %swap3A_109 = vector.shape_cast %swap3A_108 : vector<16xf32> to vector<16xf32>
    %swap3A_110 = vector.shape_cast %broadcast_in_dim3A_34 : vector<16xf32> to vector<16xf32>
    tpu.vector_store %arg6[%swap3A_107], %swap3A_110 {strides = array<i32>} : memref<640xf32, #tpu.memory_space<vmem>>, vector<16xf32>,
    %swap3A_111 = arith.constant 304 : index
    %swap3A_112 = tpu.vector_load %arg6[%swap3A_111] {strides = array<i32>} : memref<640xf32, #tpu.memory_space<vmem>>, vector<16xf32>,
    %swap3A_113 = vector.shape_cast %swap3A_112 : vector<16xf32> to vector<16xf32>
    %swap3A_114 = vector.shape_cast %broadcast_in_dim3A_34 : vector<16xf32> to vector<16xf32>
    tpu.vector_store %arg6[%swap3A_111], %swap3A_114 {strides = array<i32>} : memref<640xf32, #tpu.memory_space<vmem>>, vector<16xf32>,
    %swap3A_115 = arith.constant 320 : index
    %swap3A_116 = tpu.vector_load %arg6[%swap3A_115] {strides = array<i32>} : memref<640xf32, #tpu.memory_space<vmem>>, vector<16xf32>,
    %swap3A_117 = vector.shape_cast %swap3A_116 : vector<16xf32> to vector<16xf32>
    %swap3A_118 = vector.shape_cast %broadcast_in_dim3A_34 : vector<16xf32> to vector<16xf32>
    tpu.vector_store %arg6[%swap3A_115], %swap3A_118 {strides = array<i32>} : memref<640xf32, #tpu.memory_space<vmem>>, vector<16xf32>,
    %swap3A_119 = arith.constant 336 : index
    %swap3A_120 = tpu.vector_load %arg6[%swap3A_119] {strides = array<i32>} : memref<640xf32, #tpu.memory_space<vmem>>, vector<16xf32>,
    %swap3A_121 = vector.shape_cast %swap3A_120 : vector<16xf32> to vector<16xf32>
    %swap3A_122 = vector.shape_cast %broadcast_in_dim3A_34 : vector<16xf32> to vector<16xf32>
    tpu.vector_store %arg6[%swap3A_119], %swap3A_122 {strides = array<i32>} : memref<640xf32, #tpu.memory_space<vmem>>, vector<16xf32>,
    %swap3A_123 = arith.constant 352 : index
    %swap3A_124 = tpu.vector_load %arg6[%swap3A_123] {strides = array<i32>} : memref<640xf32, #tpu.memory_space<vmem>>, vector<16xf32>,
    %swap3A_125 = vector.shape_cast %swap3A_124 : vector<16xf32> to vector<16xf32>
    %swap3A_126 = vector.shape_cast %broadcast_in_dim3A_34 : vector<16xf32> to vector<16xf32>
    tpu.vector_store %arg6[%swap3A_123], %swap3A_126 {strides = array<i32>} : memref<640xf32, #tpu.memory_space<vmem>>, vector<16xf32>,
    %swap3A_127 = arith.constant 368 : index
    %swap3A_128 = tpu.vector_load %arg6[%swap3A_127] {strides = array<i32>} : memref<640xf32, #tpu.memory_space<vmem>>, vector<16xf32>,
    %swap3A_129 = vector.shape_cast %swap3A_128 : vector<16xf32> to vector<16xf32>
    %swap3A_130 = vector.shape_cast %broadcast_in_dim3A_34 : vector<16xf32> to vector<16xf32>
    tpu.vector_store %arg6[%swap3A_127], %swap3A_130 {strides = array<i32>} : memref<640xf32, #tpu.memory_space<vmem>>, vector<16xf32>,
    %swap3A_131 = arith.constant 384 : index
    %swap3A_132 = tpu.vector_load %arg6[%swap3A_131] {strides = array<i32>} : memref<640xf32, #tpu.memory_space<vmem>>, vector<16xf32>,
    %swap3A_133 = vector.shape_cast %swap3A_132 : vector<16xf32> to vector<16xf32>
    %swap3A_134 = vector.shape_cast %broadcast_in_dim3A_34 : vector<16xf32> to vector<16xf32>
    tpu.vector_store %arg6[%swap3A_131], %swap3A_134 {strides = array<i32>} : memref<640xf32, #tpu.memory_space<vmem>>, vector<16xf32>,
    %swap3A_135 = arith.constant 400 : index
    %swap3A_136 = tpu.vector_load %arg6[%swap3A_135] {strides = array<i32>} : memref<640xf32, #tpu.memory_space<vmem>>, vector<16xf32>,
    %swap3A_137 = vector.shape_cast %swap3A_136 : vector<16xf32> to vector<16xf32>
    %swap3A_138 = vector.shape_cast %broadcast_in_dim3A_34 : vector<16xf32> to vector<16xf32>
    tpu.vector_store %arg6[%swap3A_135], %swap3A_138 {strides = array<i32>} : memref<640xf32, #tpu.memory_space<vmem>>, vector<16xf32>,
    %swap3A_139 = arith.constant 416 : index
    %swap3A_140 = tpu.vector_load %arg6[%swap3A_139] {strides = array<i32>} : memref<640xf32, #tpu.memory_space<vmem>>, vector<16xf32>,
    %swap3A_141 = vector.shape_cast %swap3A_140 : vector<16xf32> to vector<16xf32>
    %swap3A_142 = vector.shape_cast %broadcast_in_dim3A_34 : vector<16xf32> to vector<16xf32>
    tpu.vector_store %arg6[%swap3A_139], %swap3A_142 {strides = array<i32>} : memref<640xf32, #tpu.memory_space<vmem>>, vector<16xf32>,
    %swap3A_143 = arith.constant 432 : index
    %swap3A_144 = tpu.vector_load %arg6[%swap3A_143] {strides = array<i32>} : memref<640xf32, #tpu.memory_space<vmem>>, vector<16xf32>,
    %swap3A_145 = vector.shape_cast %swap3A_144 : vector<16xf32> to vector<16xf32>
    %swap3A_146 = vector.shape_cast %broadcast_in_dim3A_34 : vector<16xf32> to vector<16xf32>
    tpu.vector_store %arg6[%swap3A_143], %swap3A_146 {strides = array<i32>} : memref<640xf32, #tpu.memory_space<vmem>>, vector<16xf32>,
    %swap3A_147 = arith.constant 448 : index
    %swap3A_148 = tpu.vector_load %arg6[%swap3A_147] {strides = array<i32>} : memref<640xf32, #tpu.memory_space<vmem>>, vector<16xf32>,
    %swap3A_149 = vector.shape_cast %swap3A_148 : vector<16xf32> to vector<16xf32>
    %swap3A_150 = vector.shape_cast %broadcast_in_dim3A_34 : vector<16xf32> to vector<16xf32>
    tpu.vector_store %arg6[%swap3A_147], %swap3A_150 {strides = array<i32>} : memref<640xf32, #tpu.memory_space<vmem>>, vector<16xf32>,
    %swap3A_151 = arith.constant 464 : index
    %swap3A_152 = tpu.vector_load %arg6[%swap3A_151] {strides = array<i32>} : memref<640xf32, #tpu.memory_space<vmem>>, vector<16xf32>,
    %swap3A_153 = vector.shape_cast %swap3A_152 : vector<16xf32> to vector<16xf32>
    %swap3A_154 = vector.shape_cast %broadcast_in_dim3A_34 : vector<16xf32> to vector<16xf32>
    tpu.vector_store %arg6[%swap3A_151], %swap3A_154 {strides = array<i32>} : memref<640xf32, #tpu.memory_space<vmem>>, vector<16xf32>,
    %swap3A_155 = arith.constant 480 : index
    %swap3A_156 = tpu.vector_load %arg6[%swap3A_155] {strides = array<i32>} : memref<640xf32, #tpu.memory_space<vmem>>, vector<16xf32>,
    %swap3A_157 = vector.shape_cast %swap3A_156 : vector<16xf32> to vector<16xf32>
    %swap3A_158 = vector.shape_cast %broadcast_in_dim3A_34 : vector<16xf32> to vector<16xf32>
    tpu.vector_store %arg6[%swap3A_155], %swap3A_158 {strides = array<i32>} : memref<640xf32, #tpu.memory_space<vmem>>, vector<16xf32>,
    %swap3A_159 = arith.constant 496 : index
    %swap3A_160 = tpu.vector_load %arg6[%swap3A_159] {strides = array<i32>} : memref<640xf32, #tpu.memory_space<vmem>>, vector<16xf32>,
    %swap3A_161 = vector.shape_cast %swap3A_160 : vector<16xf32> to vector<16xf32>
    %swap3A_162 = vector.shape_cast %broadcast_in_dim3A_34 : vector<16xf32> to vector<16xf32>
    tpu.vector_store %arg6[%swap3A_159], %swap3A_162 {strides = array<i32>} : memref<640xf32, #tpu.memory_space<vmem>>, vector<16xf32>,
    %swap3A_163 = arith.constant 512 : index
    %swap3A_164 = tpu.vector_load %arg6[%swap3A_163] {strides = array<i32>} : memref<640xf32, #tpu.memory_space<vmem>>, vector<16xf32>,
    %swap3A_165 = vector.shape_cast %swap3A_164 : vector<16xf32> to vector<16xf32>
    %swap3A_166 = vector.shape_cast %broadcast_in_dim3A_34 : vector<16xf32> to vector<16xf32>
    tpu.vector_store %arg6[%swap3A_163], %swap3A_166 {strides = array<i32>} : memref<640xf32, #tpu.memory_space<vmem>>, vector<16xf32>,
    %swap3A_167 = arith.constant 528 : index
    %swap3A_168 = tpu.vector_load %arg6[%swap3A_167] {strides = array<i32>} : memref<640xf32, #tpu.memory_space<vmem>>, vector<16xf32>,
    %swap3A_169 = vector.shape_cast %swap3A_168 : vector<16xf32> to vector<16xf32>
    %swap3A_170 = vector.shape_cast %broadcast_in_dim3A_34 : vector<16xf32> to vector<16xf32>
    tpu.vector_store %arg6[%swap3A_167], %swap3A_170 {strides = array<i32>} : memref<640xf32, #tpu.memory_space<vmem>>, vector<16xf32>,
    %swap3A_171 = arith.constant 544 : index
    %swap3A_172 = tpu.vector_load %arg6[%swap3A_171] {strides = array<i32>} : memref<640xf32, #tpu.memory_space<vmem>>, vector<16xf32>,
    %swap3A_173 = vector.shape_cast %swap3A_172 : vector<16xf32> to vector<16xf32>
    %swap3A_174 = vector.shape_cast %broadcast_in_dim3A_34 : vector<16xf32> to vector<16xf32>
    tpu.vector_store %arg6[%swap3A_171], %swap3A_174 {strides = array<i32>} : memref<640xf32, #tpu.memory_space<vmem>>, vector<16xf32>,
    %swap3A_175 = arith.constant 560 : index
    %swap3A_176 = tpu.vector_load %arg6[%swap3A_175] {strides = array<i32>} : memref<640xf32, #tpu.memory_space<vmem>>, vector<16xf32>,
    %swap3A_177 = vector.shape_cast %swap3A_176 : vector<16xf32> to vector<16xf32>
    %swap3A_178 = vector.shape_cast %broadcast_in_dim3A_34 : vector<16xf32> to vector<16xf32>
    tpu.vector_store %arg6[%swap3A_175], %swap3A_178 {strides = array<i32>} : memref<640xf32, #tpu.memory_space<vmem>>, vector<16xf32>,
    %swap3A_179 = arith.constant 576 : index
    %swap3A_180 = tpu.vector_load %arg6[%swap3A_179] {strides = array<i32>} : memref<640xf32, #tpu.memory_space<vmem>>, vector<16xf32>,
    %swap3A_181 = vector.shape_cast %swap3A_180 : vector<16xf32> to vector<16xf32>
    %swap3A_182 = vector.shape_cast %broadcast_in_dim3A_34 : vector<16xf32> to vector<16xf32>
    tpu.vector_store %arg6[%swap3A_179], %swap3A_182 {strides = array<i32>} : memref<640xf32, #tpu.memory_space<vmem>>, vector<16xf32>,
    %swap3A_183 = arith.constant 592 : index
    %swap3A_184 = tpu.vector_load %arg6[%swap3A_183] {strides = array<i32>} : memref<640xf32, #tpu.memory_space<vmem>>, vector<16xf32>,
    %swap3A_185 = vector.shape_cast %swap3A_184 : vector<16xf32> to vector<16xf32>
    %swap3A_186 = vector.shape_cast %broadcast_in_dim3A_34 : vector<16xf32> to vector<16xf32>
    tpu.vector_store %arg6[%swap3A_183], %swap3A_186 {strides = array<i32>} : memref<640xf32, #tpu.memory_space<vmem>>, vector<16xf32>,
    %swap3A_187 = arith.constant 608 : index
    %swap3A_188 = tpu.vector_load %arg6[%swap3A_187] {strides = array<i32>} : memref<640xf32, #tpu.memory_space<vmem>>, vector<16xf32>,
    %swap3A_189 = vector.shape_cast %swap3A_188 : vector<16xf32> to vector<16xf32>
    %swap3A_190 = vector.shape_cast %broadcast_in_dim3A_34 : vector<16xf32> to vector<16xf32>
    tpu.vector_store %arg6[%swap3A_187], %swap3A_190 {strides = array<i32>} : memref<640xf32, #tpu.memory_space<vmem>>, vector<16xf32>,
    %swap3A_191 = arith.constant 624 : index
    %swap3A_192 = tpu.vector_load %arg6[%swap3A_191] {strides = array<i32>} : memref<640xf32, #tpu.memory_space<vmem>>, vector<16xf32>,
    %swap3A_193 = vector.shape_cast %swap3A_192 : vector<16xf32> to vector<16xf32>
    %swap3A_194 = vector.shape_cast %broadcast_in_dim3A_34 : vector<16xf32> to vector<16xf32>
    tpu.vector_store %arg6[%swap3A_191], %swap3A_194 {strides = array<i32>} : memref<640xf32, #tpu.memory_space<vmem>>, vector<16xf32>,
    %mul3A_195 = arith.constant 640 : i32
    %mul3A_196 = arith.muli %arg1, %mul3A_195 : i32
    "tpu.region"() ({
      %run_scoped3A = tpu.sem_alloc : memref<!tpu.dma_semaphore, #tpu.memory_space<semaphore_mem>>
      %dma_start3A = tpu.memref_slice %arg7[%mul3A_196] : memref<10240xf32, #tpu.memory_space<vmem_shared>> -> memref<640xf32, #tpu.memory_space<vmem_shared>>
      %dma_start3A_210 = tpu.memref_slice %arg7[%mul3A_196] : memref<10240xf32, #tpu.memory_space<vmem_shared>> -> memref<640xf32, #tpu.memory_space<vmem_shared>>
      tpu.enqueue_dma source(%arg6 : memref<640xf32, #tpu.memory_space<vmem>>) target(%dma_start3A_210 : memref<640xf32, #tpu.memory_space<vmem_shared>>) target_semaphore(%run_scoped3A : memref<!tpu.dma_semaphore, #tpu.memory_space<semaphore_mem>>)
      %dma_wait3A = tpu.memref_slice %arg7[%mul3A_196] : memref<10240xf32, #tpu.memory_space<vmem_shared>> -> memref<640xf32, #tpu.memory_space<vmem_shared>>
      %dma_wait3A_211 = tpu.memref_slice %arg7[%mul3A_196] : memref<10240xf32, #tpu.memory_space<vmem_shared>> -> memref<640xf32, #tpu.memory_space<vmem_shared>>
      tpu.wait_dma2 semaphore(%run_scoped3A : memref<!tpu.dma_semaphore, #tpu.memory_space<semaphore_mem>>) src(%arg6 : memref<640xf32, #tpu.memory_space<vmem>>) dst(%dma_wait3A_211 : memref<640xf32, #tpu.memory_space<vmem_shared>>)
      tpu.yield
    }) : () -> ()
    %barrier3A = arith.constant 0 : index
    tpu.barrier barrier_id(%barrier3A)
    %scan3A = arith.constant 0 : i32
    %scan3A_197 = arith.constant 0 : i32
    %scan3A_198 = arith.constant 84 : i32
    %scan3A_199 = arith.addi %scan3A_197, %scan3A_198 : i32
    %scan3A_200 = arith.constant 1 : i32
    scf.for %scan3A_210 = %scan3A_197 to %scan3A_199 step %scan3A_200  : i32 {
      "tpu.region"() ({
        %run_scoped3A = tpu.sem_alloc : memref<!tpu.dma_semaphore, #tpu.memory_space<semaphore_mem>>
        %dma_start3A = arith.constant 0 : i32
        %dma_start3A_211 = tpu.memref_slice %arg4[%scan3A_210, %dma_start3A] : memref<84x128xi32, #tpu.memory_space<vmem>> -> memref<1x128xi32, #tpu.memory_space<vmem>>
        %dma_start3A_212 = tpu.memref_squeeze %dma_start3A_211 : memref<1x128xi32, #tpu.memory_space<vmem>> -> memref<128xi32, #tpu.memory_space<vmem>>
        %dma_start3A_213 = arith.constant 0 : i32
        %dma_start3A_214 = tpu.memref_slice %arg7[%dma_start3A_213] : memref<10240xf32, #tpu.memory_space<vmem_shared>> -> memref<10240xf32, #tpu.memory_space<vmem_shared>>
        tpu.enqueue_indirect_dma source(%arg5 : memref<128xf32, #tpu.memory_space<vmem>>) target(%dma_start3A_214 : memref<10240xf32, #tpu.memory_space<vmem_shared>>) offsets(%dma_start3A_212 : memref<128xi32, #tpu.memory_space<vmem>>) semaphore(%run_scoped3A : memref<!tpu.dma_semaphore, #tpu.memory_space<semaphore_mem>>) {add = true}
        %dma_wait3A = arith.constant 0 : i32
        %dma_wait3A_215 = tpu.memref_slice %arg4[%scan3A_210, %dma_wait3A] : memref<84x128xi32, #tpu.memory_space<vmem>> -> memref<1x128xi32, #tpu.memory_space<vmem>>
        %dma_wait3A_216 = tpu.memref_squeeze %dma_wait3A_215 : memref<1x128xi32, #tpu.memory_space<vmem>> -> memref<128xi32, #tpu.memory_space<vmem>>
        %dma_wait3A_217 = arith.constant 0 : i32
        %dma_wait3A_218 = tpu.memref_slice %arg7[%dma_wait3A_217] : memref<10240xf32, #tpu.memory_space<vmem_shared>> -> memref<10240xf32, #tpu.memory_space<vmem_shared>>
        tpu.wait_indirect_dma semaphore(%run_scoped3A : memref<!tpu.dma_semaphore, #tpu.memory_space<semaphore_mem>>) src(%arg5 : memref<128xf32, #tpu.memory_space<vmem>>) dst(%dma_wait3A_218 : memref<10240xf32, #tpu.memory_space<vmem_shared>>)
        tpu.yield
      }) : () -> ()
    }
    %scan3A_201 = arith.constant 84 : i32
    %barrier3A_202 = arith.constant 0 : index
    tpu.barrier barrier_id(%barrier3A_202)
    %mul3A_203 = arith.constant 640 : i32
    %mul3A_204 = arith.muli %arg1, %mul3A_203 : i32
    %mul3A_205 = arith.constant 10240 : i32
    %mul3A_206 = arith.muli %arg0, %mul3A_205 : i32
    %mul3A_207 = arith.constant 640 : i32
    %mul3A_208 = arith.muli %arg1, %mul3A_207 : i32
    %add3A_209 = arith.addi %mul3A_206, %mul3A_208 : i32
    "tpu.region"() ({
      %run_scoped3A = tpu.sem_alloc : memref<!tpu.dma_semaphore, #tpu.memory_space<semaphore_mem>>
      %dma_start3A = tpu.memref_slice %arg3[%add3A_209] : memref<20480xf32, #tpu.memory_space<hbm>> -> memref<640xf32, #tpu.memory_space<hbm>>
      %dma_start3A_210 = tpu.memref_slice %arg7[%mul3A_204] : memref<10240xf32, #tpu.memory_space<vmem_shared>> -> memref<640xf32, #tpu.memory_space<vmem_shared>>
      tpu.enqueue_dma source(%dma_start3A_210 : memref<640xf32, #tpu.memory_space<vmem_shared>>) target(%dma_start3A : memref<640xf32, #tpu.memory_space<hbm>>) target_semaphore(%run_scoped3A : memref<!tpu.dma_semaphore, #tpu.memory_space<semaphore_mem>>)
      %dma_wait3A = tpu.memref_slice %arg3[%add3A_209] : memref<20480xf32, #tpu.memory_space<hbm>> -> memref<640xf32, #tpu.memory_space<hbm>>
      %dma_wait3A_211 = tpu.memref_slice %arg7[%mul3A_204] : memref<10240xf32, #tpu.memory_space<vmem_shared>> -> memref<640xf32, #tpu.memory_space<vmem_shared>>
      tpu.wait_dma2 semaphore(%run_scoped3A : memref<!tpu.dma_semaphore, #tpu.memory_space<semaphore_mem>>) src(%dma_wait3A_211 : memref<640xf32, #tpu.memory_space<vmem_shared>>) dst(%dma_wait3A : memref<640xf32, #tpu.memory_space<hbm>>)
      tpu.yield
    }) : () -> ()
    return
  }
}

#map = affine_map<(d0, d1) -> (0, 0)>
#map1 = affine_map<(d0, d1) -> (0, 0, 0, 0, 0)>
module attributes {stable_mosaic.version = 14 : i64} {
  func.func @hop_kernel(%arg0: i32, %arg1: i32, %arg2: memref<10240x128xf32, #tpu.memory_space<hbm>>, %arg3: memref<32x16x2x6x112xi32, #tpu.memory_space<hbm>>, %arg4: memref<640x128xf32, #tpu.memory_space<hbm>>, %arg5: memref<20480x128xf32, #tpu.memory_space<hbm>>, %arg6: memref<2x6x112xi32, #tpu.memory_space<vmem>>, %arg7: memref<2x6x112xi32, #tpu.memory_space<vmem>>, %arg8: memref<112x128xf32, #tpu.memory_space<vmem>>, %arg9: memref<112x128xf32, #tpu.memory_space<vmem>>, %arg10: memref<112x128xf32, #tpu.memory_space<vmem>>, %arg11: memref<10240x128xf32, #tpu.memory_space<vmem_shared>>, %arg12: memref<!tpu.dma_semaphore, #tpu.memory_space<semaphore_mem>>, %arg13: memref<!tpu.dma_semaphore, #tpu.memory_space<semaphore_mem>>, %arg14: memref<!tpu.dma_semaphore, #tpu.memory_space<semaphore_mem>>, %arg15: memref<!tpu.dma_semaphore, #tpu.memory_space<semaphore_mem>>, %arg16: memref<!tpu.dma_semaphore, #tpu.memory_space<semaphore_mem>>, %arg17: memref<!tpu.dma_semaphore, #tpu.memory_space<semaphore_mem>>, %arg18: memref<!tpu.dma_semaphore, #tpu.memory_space<semaphore_mem>>) attributes {dimension_semantics = [#tpu.dimension_semantics<core_parallel>, #tpu.dimension_semantics<subcore_parallel>], iteration_bounds = array<i64: 2, 16>, scalar_prefetch = 0 : i64, scratch_operands = 13 : i64, tpu.core_type = #tpu.core_type<sc_vector_subcore>, window_params = [{transform_indices = #map}, {transform_indices = #map1}, {transform_indices = #map}, {transform_indices = #map}]} {
    %mul3A = arith.constant 2 : i32
    %mul3A_0 = arith.muli %arg1, %mul3A : i32
    %add3A = arith.addi %mul3A_0, %arg0 : i32
    %mul3A_1 = arith.constant 640 : i32
    %mul3A_2 = arith.muli %arg1, %mul3A_1 : i32
    "tpu.region"() ({
      %run_scoped3A_66 = tpu.sem_alloc : memref<!tpu.dma_semaphore, #tpu.memory_space<semaphore_mem>>
      %dma_start3A_67 = arith.constant 0 : i32
      %dma_start3A_68 = tpu.memref_slice %arg11[%mul3A_2, %dma_start3A_67] : memref<10240x128xf32, #tpu.memory_space<vmem_shared>> -> memref<640x128xf32, #tpu.memory_space<vmem_shared>>
      tpu.enqueue_dma source(%arg4 : memref<640x128xf32, #tpu.memory_space<hbm>>) target(%dma_start3A_68 : memref<640x128xf32, #tpu.memory_space<vmem_shared>>) target_semaphore(%run_scoped3A_66 : memref<!tpu.dma_semaphore, #tpu.memory_space<semaphore_mem>>)
      %dma_wait3A_69 = arith.constant 0 : i32
      %dma_wait3A_70 = tpu.memref_slice %arg11[%mul3A_2, %dma_wait3A_69] : memref<10240x128xf32, #tpu.memory_space<vmem_shared>> -> memref<640x128xf32, #tpu.memory_space<vmem_shared>>
      tpu.wait_dma2 semaphore(%run_scoped3A_66 : memref<!tpu.dma_semaphore, #tpu.memory_space<semaphore_mem>>) src(%arg4 : memref<640x128xf32, #tpu.memory_space<hbm>>) dst(%dma_wait3A_70 : memref<640x128xf32, #tpu.memory_space<vmem_shared>>)
      tpu.yield
    }) : () -> ()
    %run_scoped3A = arith.constant 0 : i32
    "tpu.region"() ({
      %run_scoped3A_66 = tpu.sem_alloc : memref<!tpu.dma_semaphore, #tpu.memory_space<semaphore_mem>>
      %dma_start3A_67 = arith.constant 0 : i32
      %dma_start3A_68 = arith.constant 0 : i32
      %dma_start3A_69 = arith.constant 0 : i32
      %dma_start3A_70 = tpu.memref_slice %arg3[%add3A, %run_scoped3A, %dma_start3A_67, %dma_start3A_68, %dma_start3A_69] : memref<32x16x2x6x112xi32, #tpu.memory_space<hbm>> -> memref<1x1x2x6x112xi32, #tpu.memory_space<hbm>>
      %dma_start3A_71 = tpu.memref_squeeze %dma_start3A_70 : memref<1x1x2x6x112xi32, #tpu.memory_space<hbm>> -> memref<2x6x112xi32, #tpu.memory_space<hbm>>
      %dma_start3A_72 = arith.constant 0 : i32
      %dma_start3A_73 = arith.constant 0 : i32
      %dma_start3A_74 = arith.constant 0 : i32
      %dma_start3A_75 = tpu.memref_slice %arg3[%add3A, %run_scoped3A, %dma_start3A_72, %dma_start3A_73, %dma_start3A_74] : memref<32x16x2x6x112xi32, #tpu.memory_space<hbm>> -> memref<1x1x2x6x112xi32, #tpu.memory_space<hbm>>
      %dma_start3A_76 = tpu.memref_squeeze %dma_start3A_75 : memref<1x1x2x6x112xi32, #tpu.memory_space<hbm>> -> memref<2x6x112xi32, #tpu.memory_space<hbm>>
      tpu.enqueue_dma source(%dma_start3A_76 : memref<2x6x112xi32, #tpu.memory_space<hbm>>) target(%arg6 : memref<2x6x112xi32, #tpu.memory_space<vmem>>) target_semaphore(%run_scoped3A_66 : memref<!tpu.dma_semaphore, #tpu.memory_space<semaphore_mem>>)
      %dma_wait3A_77 = arith.constant 0 : i32
      %dma_wait3A_78 = arith.constant 0 : i32
      %dma_wait3A_79 = arith.constant 0 : i32
      %dma_wait3A_80 = tpu.memref_slice %arg3[%add3A, %run_scoped3A, %dma_wait3A_77, %dma_wait3A_78, %dma_wait3A_79] : memref<32x16x2x6x112xi32, #tpu.memory_space<hbm>> -> memref<1x1x2x6x112xi32, #tpu.memory_space<hbm>>
      %dma_wait3A_81 = tpu.memref_squeeze %dma_wait3A_80 : memref<1x1x2x6x112xi32, #tpu.memory_space<hbm>> -> memref<2x6x112xi32, #tpu.memory_space<hbm>>
      %dma_wait3A_82 = arith.constant 0 : i32
      %dma_wait3A_83 = arith.constant 0 : i32
      %dma_wait3A_84 = arith.constant 0 : i32
      %dma_wait3A_85 = tpu.memref_slice %arg3[%add3A, %run_scoped3A, %dma_wait3A_82, %dma_wait3A_83, %dma_wait3A_84] : memref<32x16x2x6x112xi32, #tpu.memory_space<hbm>> -> memref<1x1x2x6x112xi32, #tpu.memory_space<hbm>>
      %dma_wait3A_86 = tpu.memref_squeeze %dma_wait3A_85 : memref<1x1x2x6x112xi32, #tpu.memory_space<hbm>> -> memref<2x6x112xi32, #tpu.memory_space<hbm>>
      tpu.wait_dma2 semaphore(%run_scoped3A_66 : memref<!tpu.dma_semaphore, #tpu.memory_space<semaphore_mem>>) src(%dma_wait3A_86 : memref<2x6x112xi32, #tpu.memory_space<hbm>>) dst(%arg6 : memref<2x6x112xi32, #tpu.memory_space<vmem>>)
      tpu.yield
    }) : () -> ()
    %barrier3A = arith.constant 0 : index
    tpu.barrier barrier_id(%barrier3A)
    %dma_start3A = arith.constant 0 : i32
    %dma_start3A_3 = arith.constant 0 : i32
    %dma_start3A_4 = arith.constant 0 : i32
    %dma_start3A_5 = tpu.memref_slice %arg6[%dma_start3A, %dma_start3A_3, %dma_start3A_4] : memref<2x6x112xi32, #tpu.memory_space<vmem>> -> memref<1x1x112xi32, #tpu.memory_space<vmem>>
    %dma_start3A_6 = tpu.memref_squeeze %dma_start3A_5 : memref<1x1x112xi32, #tpu.memory_space<vmem>> -> memref<112xi32, #tpu.memory_space<vmem>>
    %dma_start3A_7 = arith.constant 0 : i32
    %dma_start3A_8 = arith.constant 0 : i32
    %dma_start3A_9 = tpu.memref_slice %arg2[%dma_start3A_7, %dma_start3A_8] : memref<10240x128xf32, #tpu.memory_space<hbm>> -> memref<10240x128xf32, #tpu.memory_space<hbm>>
    tpu.enqueue_indirect_dma source(%dma_start3A_9 : memref<10240x128xf32, #tpu.memory_space<hbm>>) target(%arg8 : memref<112x128xf32, #tpu.memory_space<vmem>>) offsets(%dma_start3A_6 : memref<112xi32, #tpu.memory_space<vmem>>) semaphore(%arg12 : memref<!tpu.dma_semaphore, #tpu.memory_space<semaphore_mem>>)
    %dma_start3A_10 = arith.constant 0 : i32
    %dma_start3A_11 = arith.constant 1 : i32
    %dma_start3A_12 = arith.constant 0 : i32
    %dma_start3A_13 = tpu.memref_slice %arg6[%dma_start3A_10, %dma_start3A_11, %dma_start3A_12] : memref<2x6x112xi32, #tpu.memory_space<vmem>> -> memref<1x1x112xi32, #tpu.memory_space<vmem>>
    %dma_start3A_14 = tpu.memref_squeeze %dma_start3A_13 : memref<1x1x112xi32, #tpu.memory_space<vmem>> -> memref<112xi32, #tpu.memory_space<vmem>>
    %dma_start3A_15 = arith.constant 0 : i32
    %dma_start3A_16 = arith.constant 0 : i32
    %dma_start3A_17 = tpu.memref_slice %arg2[%dma_start3A_15, %dma_start3A_16] : memref<10240x128xf32, #tpu.memory_space<hbm>> -> memref<10240x128xf32, #tpu.memory_space<hbm>>
    tpu.enqueue_indirect_dma source(%dma_start3A_17 : memref<10240x128xf32, #tpu.memory_space<hbm>>) target(%arg9 : memref<112x128xf32, #tpu.memory_space<vmem>>) offsets(%dma_start3A_14 : memref<112xi32, #tpu.memory_space<vmem>>) semaphore(%arg13 : memref<!tpu.dma_semaphore, #tpu.memory_space<semaphore_mem>>)
    %scan3A = arith.constant 0 : i32
    %scan3A_18 = arith.constant 0 : i32
    %scan3A_19 = arith.constant 8 : i32
    %scan3A_20 = arith.addi %scan3A_18, %scan3A_19 : i32
    %scan3A_21 = arith.constant 1 : i32
    scf.for %scan3A_66 = %scan3A_18 to %scan3A_20 step %scan3A_21  : i32 {
      %mul3A_67 = arith.constant 2 : i32
      %mul3A_68 = arith.muli %mul3A_67, %scan3A_66 : i32
      %add3A_69 = arith.constant 1 : i32
      %add3A_70 = arith.addi %mul3A_68, %add3A_69 : i32
      %dma_start3A_71 = arith.constant 0 : i32
      %dma_start3A_72 = arith.constant 0 : i32
      %dma_start3A_73 = arith.constant 0 : i32
      %dma_start3A_74 = tpu.memref_slice %arg3[%add3A, %add3A_70, %dma_start3A_71, %dma_start3A_72, %dma_start3A_73] : memref<32x16x2x6x112xi32, #tpu.memory_space<hbm>> -> memref<1x1x2x6x112xi32, #tpu.memory_space<hbm>>
      %dma_start3A_75 = tpu.memref_squeeze %dma_start3A_74 : memref<1x1x2x6x112xi32, #tpu.memory_space<hbm>> -> memref<2x6x112xi32, #tpu.memory_space<hbm>>
      %dma_start3A_76 = arith.constant 0 : i32
      %dma_start3A_77 = arith.constant 0 : i32
      %dma_start3A_78 = arith.constant 0 : i32
      %dma_start3A_79 = tpu.memref_slice %arg3[%add3A, %add3A_70, %dma_start3A_76, %dma_start3A_77, %dma_start3A_78] : memref<32x16x2x6x112xi32, #tpu.memory_space<hbm>> -> memref<1x1x2x6x112xi32, #tpu.memory_space<hbm>>
      %dma_start3A_80 = tpu.memref_squeeze %dma_start3A_79 : memref<1x1x2x6x112xi32, #tpu.memory_space<hbm>> -> memref<2x6x112xi32, #tpu.memory_space<hbm>>
      tpu.enqueue_dma source(%dma_start3A_80 : memref<2x6x112xi32, #tpu.memory_space<hbm>>) target(%arg7 : memref<2x6x112xi32, #tpu.memory_space<vmem>>) target_semaphore(%arg18 : memref<!tpu.dma_semaphore, #tpu.memory_space<semaphore_mem>>)
      %gt3A = arith.constant 0 : i32
      %gt3A_81 = arith.cmpi sgt, %scan3A_66, %gt3A : i32
      %convert_element_type3A = arith.extui %gt3A_81 : i1 to i32
      %cond3A = arith.constant 0 : i32
      %cond3A_82 = arith.cmpi ne, %convert_element_type3A, %cond3A : i32
      scf.if %cond3A_82 {
        %dma_wait3A_468 = arith.constant 1 : i32
        %dma_wait3A_469 = arith.constant 0 : i32
        %dma_wait3A_470 = arith.constant 0 : i32
        %dma_wait3A_471 = tpu.memref_slice %arg6[%dma_wait3A_468, %dma_wait3A_469, %dma_wait3A_470] : memref<2x6x112xi32, #tpu.memory_space<vmem>> -> memref<1x1x112xi32, #tpu.memory_space<vmem>>
        %dma_wait3A_472 = tpu.memref_squeeze %dma_wait3A_471 : memref<1x1x112xi32, #tpu.memory_space<vmem>> -> memref<112xi32, #tpu.memory_space<vmem>>
        %dma_wait3A_473 = arith.constant 0 : i32
        %dma_wait3A_474 = arith.constant 0 : i32
        %dma_wait3A_475 = tpu.memref_slice %arg11[%dma_wait3A_473, %dma_wait3A_474] : memref<10240x128xf32, #tpu.memory_space<vmem_shared>> -> memref<10240x128xf32, #tpu.memory_space<vmem_shared>>
        tpu.wait_indirect_dma semaphore(%arg17 : memref<!tpu.dma_semaphore, #tpu.memory_space<semaphore_mem>>) src(%arg10 : memref<112x128xf32, #tpu.memory_space<vmem>>) dst(%dma_wait3A_475 : memref<10240x128xf32, #tpu.memory_space<vmem_shared>>)
      } else {
      }
      %dma_start3A_83 = arith.constant 0 : i32
      %dma_start3A_84 = arith.constant 2 : i32
      %dma_start3A_85 = arith.constant 0 : i32
      %dma_start3A_86 = tpu.memref_slice %arg6[%dma_start3A_83, %dma_start3A_84, %dma_start3A_85] : memref<2x6x112xi32, #tpu.memory_space<vmem>> -> memref<1x1x112xi32, #tpu.memory_space<vmem>>
      %dma_start3A_87 = tpu.memref_squeeze %dma_start3A_86 : memref<1x1x112xi32, #tpu.memory_space<vmem>> -> memref<112xi32, #tpu.memory_space<vmem>>
      %dma_start3A_88 = arith.constant 0 : i32
      %dma_start3A_89 = arith.constant 0 : i32
      %dma_start3A_90 = tpu.memref_slice %arg2[%dma_start3A_88, %dma_start3A_89] : memref<10240x128xf32, #tpu.memory_space<hbm>> -> memref<10240x128xf32, #tpu.memory_space<hbm>>
      tpu.enqueue_indirect_dma source(%dma_start3A_90 : memref<10240x128xf32, #tpu.memory_space<hbm>>) target(%arg10 : memref<112x128xf32, #tpu.memory_space<vmem>>) offsets(%dma_start3A_87 : memref<112xi32, #tpu.memory_space<vmem>>) semaphore(%arg14 : memref<!tpu.dma_semaphore, #tpu.memory_space<semaphore_mem>>)
      %dma_wait3A_91 = arith.constant 0 : i32
      %dma_wait3A_92 = arith.constant 0 : i32
      %dma_wait3A_93 = arith.constant 0 : i32
      %dma_wait3A_94 = tpu.memref_slice %arg6[%dma_wait3A_91, %dma_wait3A_92, %dma_wait3A_93] : memref<2x6x112xi32, #tpu.memory_space<vmem>> -> memref<1x1x112xi32, #tpu.memory_space<vmem>>
      %dma_wait3A_95 = tpu.memref_squeeze %dma_wait3A_94 : memref<1x1x112xi32, #tpu.memory_space<vmem>> -> memref<112xi32, #tpu.memory_space<vmem>>
      %dma_wait3A_96 = arith.constant 0 : i32
      %dma_wait3A_97 = arith.constant 0 : i32
      %dma_wait3A_98 = tpu.memref_slice %arg2[%dma_wait3A_96, %dma_wait3A_97] : memref<10240x128xf32, #tpu.memory_space<hbm>> -> memref<10240x128xf32, #tpu.memory_space<hbm>>
      tpu.wait_indirect_dma semaphore(%arg12 : memref<!tpu.dma_semaphore, #tpu.memory_space<semaphore_mem>>) src(%dma_wait3A_98 : memref<10240x128xf32, #tpu.memory_space<hbm>>) dst(%arg8 : memref<112x128xf32, #tpu.memory_space<vmem>>)
      %dma_start3A_99 = arith.constant 1 : i32
      %dma_start3A_100 = arith.constant 0 : i32
      %dma_start3A_101 = arith.constant 0 : i32
      %dma_start3A_102 = tpu.memref_slice %arg6[%dma_start3A_99, %dma_start3A_100, %dma_start3A_101] : memref<2x6x112xi32, #tpu.memory_space<vmem>> -> memref<1x1x112xi32, #tpu.memory_space<vmem>>
      %dma_start3A_103 = tpu.memref_squeeze %dma_start3A_102 : memref<1x1x112xi32, #tpu.memory_space<vmem>> -> memref<112xi32, #tpu.memory_space<vmem>>
      %dma_start3A_104 = arith.constant 0 : i32
      %dma_start3A_105 = arith.constant 0 : i32
      %dma_start3A_106 = tpu.memref_slice %arg11[%dma_start3A_104, %dma_start3A_105] : memref<10240x128xf32, #tpu.memory_space<vmem_shared>> -> memref<10240x128xf32, #tpu.memory_space<vmem_shared>>
      tpu.enqueue_indirect_dma source(%arg8 : memref<112x128xf32, #tpu.memory_space<vmem>>) target(%dma_start3A_106 : memref<10240x128xf32, #tpu.memory_space<vmem_shared>>) offsets(%dma_start3A_103 : memref<112xi32, #tpu.memory_space<vmem>>) semaphore(%arg15 : memref<!tpu.dma_semaphore, #tpu.memory_space<semaphore_mem>>) {add = true}
      %dma_wait3A_107 = arith.constant 1 : i32
      %dma_wait3A_108 = arith.constant 0 : i32
      %dma_wait3A_109 = arith.constant 0 : i32
      %dma_wait3A_110 = tpu.memref_slice %arg6[%dma_wait3A_107, %dma_wait3A_108, %dma_wait3A_109] : memref<2x6x112xi32, #tpu.memory_space<vmem>> -> memref<1x1x112xi32, #tpu.memory_space<vmem>>
      %dma_wait3A_111 = tpu.memref_squeeze %dma_wait3A_110 : memref<1x1x112xi32, #tpu.memory_space<vmem>> -> memref<112xi32, #tpu.memory_space<vmem>>
      %dma_wait3A_112 = arith.constant 0 : i32
      %dma_wait3A_113 = arith.constant 0 : i32
      %dma_wait3A_114 = tpu.memref_slice %arg11[%dma_wait3A_112, %dma_wait3A_113] : memref<10240x128xf32, #tpu.memory_space<vmem_shared>> -> memref<10240x128xf32, #tpu.memory_space<vmem_shared>>
      tpu.wait_indirect_dma semaphore(%arg15 : memref<!tpu.dma_semaphore, #tpu.memory_space<semaphore_mem>>) src(%arg8 : memref<112x128xf32, #tpu.memory_space<vmem>>) dst(%dma_wait3A_114 : memref<10240x128xf32, #tpu.memory_space<vmem_shared>>)
      %dma_start3A_115 = arith.constant 0 : i32
      %dma_start3A_116 = arith.constant 3 : i32
      %dma_start3A_117 = arith.constant 0 : i32
      %dma_start3A_118 = tpu.memref_slice %arg6[%dma_start3A_115, %dma_start3A_116, %dma_start3A_117] : memref<2x6x112xi32, #tpu.memory_space<vmem>> -> memref<1x1x112xi32, #tpu.memory_space<vmem>>
      %dma_start3A_119 = tpu.memref_squeeze %dma_start3A_118 : memref<1x1x112xi32, #tpu.memory_space<vmem>> -> memref<112xi32, #tpu.memory_space<vmem>>
      %dma_start3A_120 = arith.constant 0 : i32
      %dma_start3A_121 = arith.constant 0 : i32
      %dma_start3A_122 = tpu.memref_slice %arg2[%dma_start3A_120, %dma_start3A_121] : memref<10240x128xf32, #tpu.memory_space<hbm>> -> memref<10240x128xf32, #tpu.memory_space<hbm>>
      tpu.enqueue_indirect_dma source(%dma_start3A_122 : memref<10240x128xf32, #tpu.memory_space<hbm>>) target(%arg8 : memref<112x128xf32, #tpu.memory_space<vmem>>) offsets(%dma_start3A_119 : memref<112xi32, #tpu.memory_space<vmem>>) semaphore(%arg12 : memref<!tpu.dma_semaphore, #tpu.memory_space<semaphore_mem>>)
      %dma_wait3A_123 = arith.constant 0 : i32
      %dma_wait3A_124 = arith.constant 1 : i32
      %dma_wait3A_125 = arith.constant 0 : i32
      %dma_wait3A_126 = tpu.memref_slice %arg6[%dma_wait3A_123, %dma_wait3A_124, %dma_wait3A_125] : memref<2x6x112xi32, #tpu.memory_space<vmem>> -> memref<1x1x112xi32, #tpu.memory_space<vmem>>
      %dma_wait3A_127 = tpu.memref_squeeze %dma_wait3A_126 : memref<1x1x112xi32, #tpu.memory_space<vmem>> -> memref<112xi32, #tpu.memory_space<vmem>>
      %dma_wait3A_128 = arith.constant 0 : i32
      %dma_wait3A_129 = arith.constant 0 : i32
      %dma_wait3A_130 = tpu.memref_slice %arg2[%dma_wait3A_128, %dma_wait3A_129] : memref<10240x128xf32, #tpu.memory_space<hbm>> -> memref<10240x128xf32, #tpu.memory_space<hbm>>
      tpu.wait_indirect_dma semaphore(%arg13 : memref<!tpu.dma_semaphore, #tpu.memory_space<semaphore_mem>>) src(%dma_wait3A_130 : memref<10240x128xf32, #tpu.memory_space<hbm>>) dst(%arg9 : memref<112x128xf32, #tpu.memory_space<vmem>>)
      %dma_start3A_131 = arith.constant 1 : i32
      %dma_start3A_132 = arith.constant 1 : i32
      %dma_start3A_133 = arith.constant 0 : i32
      %dma_start3A_134 = tpu.memref_slice %arg6[%dma_start3A_131, %dma_start3A_132, %dma_start3A_133] : memref<2x6x112xi32, #tpu.memory_space<vmem>> -> memref<1x1x112xi32, #tpu.memory_space<vmem>>
      %dma_start3A_135 = tpu.memref_squeeze %dma_start3A_134 : memref<1x1x112xi32, #tpu.memory_space<vmem>> -> memref<112xi32, #tpu.memory_space<vmem>>
      %dma_start3A_136 = arith.constant 0 : i32
      %dma_start3A_137 = arith.constant 0 : i32
      %dma_start3A_138 = tpu.memref_slice %arg11[%dma_start3A_136, %dma_start3A_137] : memref<10240x128xf32, #tpu.memory_space<vmem_shared>> -> memref<10240x128xf32, #tpu.memory_space<vmem_shared>>
      tpu.enqueue_indirect_dma source(%arg9 : memref<112x128xf32, #tpu.memory_space<vmem>>) target(%dma_start3A_138 : memref<10240x128xf32, #tpu.memory_space<vmem_shared>>) offsets(%dma_start3A_135 : memref<112xi32, #tpu.memory_space<vmem>>) semaphore(%arg16 : memref<!tpu.dma_semaphore, #tpu.memory_space<semaphore_mem>>) {add = true}
      %dma_wait3A_139 = arith.constant 1 : i32
      %dma_wait3A_140 = arith.constant 0 : i32
      %dma_wait3A_141 = arith.constant 0 : i32
      %dma_wait3A_142 = tpu.memref_slice %arg6[%dma_wait3A_139, %dma_wait3A_140, %dma_wait3A_141] : memref<2x6x112xi32, #tpu.memory_space<vmem>> -> memref<1x1x112xi32, #tpu.memory_space<vmem>>
      %dma_wait3A_143 = tpu.memref_squeeze %dma_wait3A_142 : memref<1x1x112xi32, #tpu.memory_space<vmem>> -> memref<112xi32, #tpu.memory_space<vmem>>
      %dma_wait3A_144 = arith.constant 0 : i32
      %dma_wait3A_145 = arith.constant 0 : i32
      %dma_wait3A_146 = tpu.memref_slice %arg11[%dma_wait3A_144, %dma_wait3A_145] : memref<10240x128xf32, #tpu.memory_space<vmem_shared>> -> memref<10240x128xf32, #tpu.memory_space<vmem_shared>>
      tpu.wait_indirect_dma semaphore(%arg16 : memref<!tpu.dma_semaphore, #tpu.memory_space<semaphore_mem>>) src(%arg9 : memref<112x128xf32, #tpu.memory_space<vmem>>) dst(%dma_wait3A_146 : memref<10240x128xf32, #tpu.memory_space<vmem_shared>>)
      %dma_start3A_147 = arith.constant 0 : i32
      %dma_start3A_148 = arith.constant 4 : i32
      %dma_start3A_149 = arith.constant 0 : i32
      %dma_start3A_150 = tpu.memref_slice %arg6[%dma_start3A_147, %dma_start3A_148, %dma_start3A_149] : memref<2x6x112xi32, #tpu.memory_space<vmem>> -> memref<1x1x112xi32, #tpu.memory_space<vmem>>
      %dma_start3A_151 = tpu.memref_squeeze %dma_start3A_150 : memref<1x1x112xi32, #tpu.memory_space<vmem>> -> memref<112xi32, #tpu.memory_space<vmem>>
      %dma_start3A_152 = arith.constant 0 : i32
      %dma_start3A_153 = arith.constant 0 : i32
      %dma_start3A_154 = tpu.memref_slice %arg2[%dma_start3A_152, %dma_start3A_153] : memref<10240x128xf32, #tpu.memory_space<hbm>> -> memref<10240x128xf32, #tpu.memory_space<hbm>>
      tpu.enqueue_indirect_dma source(%dma_start3A_154 : memref<10240x128xf32, #tpu.memory_space<hbm>>) target(%arg9 : memref<112x128xf32, #tpu.memory_space<vmem>>) offsets(%dma_start3A_151 : memref<112xi32, #tpu.memory_space<vmem>>) semaphore(%arg13 : memref<!tpu.dma_semaphore, #tpu.memory_space<semaphore_mem>>)
      %dma_wait3A_155 = arith.constant 0 : i32
      %dma_wait3A_156 = arith.constant 2 : i32
      %dma_wait3A_157 = arith.constant 0 : i32
      %dma_wait3A_158 = tpu.memref_slice %arg6[%dma_wait3A_155, %dma_wait3A_156, %dma_wait3A_157] : memref<2x6x112xi32, #tpu.memory_space<vmem>> -> memref<1x1x112xi32, #tpu.memory_space<vmem>>
      %dma_wait3A_159 = tpu.memref_squeeze %dma_wait3A_158 : memref<1x1x112xi32, #tpu.memory_space<vmem>> -> memref<112xi32, #tpu.memory_space<vmem>>
      %dma_wait3A_160 = arith.constant 0 : i32
      %dma_wait3A_161 = arith.constant 0 : i32
      %dma_wait3A_162 = tpu.memref_slice %arg2[%dma_wait3A_160, %dma_wait3A_161] : memref<10240x128xf32, #tpu.memory_space<hbm>> -> memref<10240x128xf32, #tpu.memory_space<hbm>>
      tpu.wait_indirect_dma semaphore(%arg14 : memref<!tpu.dma_semaphore, #tpu.memory_space<semaphore_mem>>) src(%dma_wait3A_162 : memref<10240x128xf32, #tpu.memory_space<hbm>>) dst(%arg10 : memref<112x128xf32, #tpu.memory_space<vmem>>)
      %dma_start3A_163 = arith.constant 1 : i32
      %dma_start3A_164 = arith.constant 2 : i32
      %dma_start3A_165 = arith.constant 0 : i32
      %dma_start3A_166 = tpu.memref_slice %arg6[%dma_start3A_163, %dma_start3A_164, %dma_start3A_165] : memref<2x6x112xi32, #tpu.memory_space<vmem>> -> memref<1x1x112xi32, #tpu.memory_space<vmem>>
      %dma_start3A_167 = tpu.memref_squeeze %dma_start3A_166 : memref<1x1x112xi32, #tpu.memory_space<vmem>> -> memref<112xi32, #tpu.memory_space<vmem>>
      %dma_start3A_168 = arith.constant 0 : i32
      %dma_start3A_169 = arith.constant 0 : i32
      %dma_start3A_170 = tpu.memref_slice %arg11[%dma_start3A_168, %dma_start3A_169] : memref<10240x128xf32, #tpu.memory_space<vmem_shared>> -> memref<10240x128xf32, #tpu.memory_space<vmem_shared>>
      tpu.enqueue_indirect_dma source(%arg10 : memref<112x128xf32, #tpu.memory_space<vmem>>) target(%dma_start3A_170 : memref<10240x128xf32, #tpu.memory_space<vmem_shared>>) offsets(%dma_start3A_167 : memref<112xi32, #tpu.memory_space<vmem>>) semaphore(%arg17 : memref<!tpu.dma_semaphore, #tpu.memory_space<semaphore_mem>>) {add = true}
      %dma_wait3A_171 = arith.constant 1 : i32
      %dma_wait3A_172 = arith.constant 0 : i32
      %dma_wait3A_173 = arith.constant 0 : i32
      %dma_wait3A_174 = tpu.memref_slice %arg6[%dma_wait3A_171, %dma_wait3A_172, %dma_wait3A_173] : memref<2x6x112xi32, #tpu.memory_space<vmem>> -> memref<1x1x112xi32, #tpu.memory_space<vmem>>
      %dma_wait3A_175 = tpu.memref_squeeze %dma_wait3A_174 : memref<1x1x112xi32, #tpu.memory_space<vmem>> -> memref<112xi32, #tpu.memory_space<vmem>>
      %dma_wait3A_176 = arith.constant 0 : i32
      %dma_wait3A_177 = arith.constant 0 : i32
      %dma_wait3A_178 = tpu.memref_slice %arg11[%dma_wait3A_176, %dma_wait3A_177] : memref<10240x128xf32, #tpu.memory_space<vmem_shared>> -> memref<10240x128xf32, #tpu.memory_space<vmem_shared>>
      tpu.wait_indirect_dma semaphore(%arg17 : memref<!tpu.dma_semaphore, #tpu.memory_space<semaphore_mem>>) src(%arg10 : memref<112x128xf32, #tpu.memory_space<vmem>>) dst(%dma_wait3A_178 : memref<10240x128xf32, #tpu.memory_space<vmem_shared>>)
      %dma_start3A_179 = arith.constant 0 : i32
      %dma_start3A_180 = arith.constant 5 : i32
      %dma_start3A_181 = arith.constant 0 : i32
      %dma_start3A_182 = tpu.memref_slice %arg6[%dma_start3A_179, %dma_start3A_180, %dma_start3A_181] : memref<2x6x112xi32, #tpu.memory_space<vmem>> -> memref<1x1x112xi32, #tpu.memory_space<vmem>>
      %dma_start3A_183 = tpu.memref_squeeze %dma_start3A_182 : memref<1x1x112xi32, #tpu.memory_space<vmem>> -> memref<112xi32, #tpu.memory_space<vmem>>
      %dma_start3A_184 = arith.constant 0 : i32
      %dma_start3A_185 = arith.constant 0 : i32
      %dma_start3A_186 = tpu.memref_slice %arg2[%dma_start3A_184, %dma_start3A_185] : memref<10240x128xf32, #tpu.memory_space<hbm>> -> memref<10240x128xf32, #tpu.memory_space<hbm>>
      tpu.enqueue_indirect_dma source(%dma_start3A_186 : memref<10240x128xf32, #tpu.memory_space<hbm>>) target(%arg10 : memref<112x128xf32, #tpu.memory_space<vmem>>) offsets(%dma_start3A_183 : memref<112xi32, #tpu.memory_space<vmem>>) semaphore(%arg14 : memref<!tpu.dma_semaphore, #tpu.memory_space<semaphore_mem>>)
      %dma_wait3A_187 = arith.constant 0 : i32
      %dma_wait3A_188 = arith.constant 3 : i32
      %dma_wait3A_189 = arith.constant 0 : i32
      %dma_wait3A_190 = tpu.memref_slice %arg6[%dma_wait3A_187, %dma_wait3A_188, %dma_wait3A_189] : memref<2x6x112xi32, #tpu.memory_space<vmem>> -> memref<1x1x112xi32, #tpu.memory_space<vmem>>
      %dma_wait3A_191 = tpu.memref_squeeze %dma_wait3A_190 : memref<1x1x112xi32, #tpu.memory_space<vmem>> -> memref<112xi32, #tpu.memory_space<vmem>>
      %dma_wait3A_192 = arith.constant 0 : i32
      %dma_wait3A_193 = arith.constant 0 : i32
      %dma_wait3A_194 = tpu.memref_slice %arg2[%dma_wait3A_192, %dma_wait3A_193] : memref<10240x128xf32, #tpu.memory_space<hbm>> -> memref<10240x128xf32, #tpu.memory_space<hbm>>
      tpu.wait_indirect_dma semaphore(%arg12 : memref<!tpu.dma_semaphore, #tpu.memory_space<semaphore_mem>>) src(%dma_wait3A_194 : memref<10240x128xf32, #tpu.memory_space<hbm>>) dst(%arg8 : memref<112x128xf32, #tpu.memory_space<vmem>>)
      %dma_start3A_195 = arith.constant 1 : i32
      %dma_start3A_196 = arith.constant 3 : i32
      %dma_start3A_197 = arith.constant 0 : i32
      %dma_start3A_198 = tpu.memref_slice %arg6[%dma_start3A_195, %dma_start3A_196, %dma_start3A_197] : memref<2x6x112xi32, #tpu.memory_space<vmem>> -> memref<1x1x112xi32, #tpu.memory_space<vmem>>
      %dma_start3A_199 = tpu.memref_squeeze %dma_start3A_198 : memref<1x1x112xi32, #tpu.memory_space<vmem>> -> memref<112xi32, #tpu.memory_space<vmem>>
      %dma_start3A_200 = arith.constant 0 : i32
      %dma_start3A_201 = arith.constant 0 : i32
      %dma_start3A_202 = tpu.memref_slice %arg11[%dma_start3A_200, %dma_start3A_201] : memref<10240x128xf32, #tpu.memory_space<vmem_shared>> -> memref<10240x128xf32, #tpu.memory_space<vmem_shared>>
      tpu.enqueue_indirect_dma source(%arg8 : memref<112x128xf32, #tpu.memory_space<vmem>>) target(%dma_start3A_202 : memref<10240x128xf32, #tpu.memory_space<vmem_shared>>) offsets(%dma_start3A_199 : memref<112xi32, #tpu.memory_space<vmem>>) semaphore(%arg15 : memref<!tpu.dma_semaphore, #tpu.memory_space<semaphore_mem>>) {add = true}
      %dma_wait3A_203 = arith.constant 1 : i32
      %dma_wait3A_204 = arith.constant 0 : i32
      %dma_wait3A_205 = arith.constant 0 : i32
      %dma_wait3A_206 = tpu.memref_slice %arg6[%dma_wait3A_203, %dma_wait3A_204, %dma_wait3A_205] : memref<2x6x112xi32, #tpu.memory_space<vmem>> -> memref<1x1x112xi32, #tpu.memory_space<vmem>>
      %dma_wait3A_207 = tpu.memref_squeeze %dma_wait3A_206 : memref<1x1x112xi32, #tpu.memory_space<vmem>> -> memref<112xi32, #tpu.memory_space<vmem>>
      %dma_wait3A_208 = arith.constant 0 : i32
      %dma_wait3A_209 = arith.constant 0 : i32
      %dma_wait3A_210 = tpu.memref_slice %arg11[%dma_wait3A_208, %dma_wait3A_209] : memref<10240x128xf32, #tpu.memory_space<vmem_shared>> -> memref<10240x128xf32, #tpu.memory_space<vmem_shared>>
      tpu.wait_indirect_dma semaphore(%arg15 : memref<!tpu.dma_semaphore, #tpu.memory_space<semaphore_mem>>) src(%arg8 : memref<112x128xf32, #tpu.memory_space<vmem>>) dst(%dma_wait3A_210 : memref<10240x128xf32, #tpu.memory_space<vmem_shared>>)
      %dma_wait3A_211 = arith.constant 0 : i32
      %dma_wait3A_212 = arith.constant 0 : i32
      %dma_wait3A_213 = arith.constant 0 : i32
      %dma_wait3A_214 = arith.constant 0 : i32
      %dma_wait3A_215 = tpu.memref_slice %arg3[%add3A, %dma_wait3A_211, %dma_wait3A_212, %dma_wait3A_213, %dma_wait3A_214] : memref<32x16x2x6x112xi32, #tpu.memory_space<hbm>> -> memref<1x1x2x6x112xi32, #tpu.memory_space<hbm>>
      %dma_wait3A_216 = tpu.memref_squeeze %dma_wait3A_215 : memref<1x1x2x6x112xi32, #tpu.memory_space<hbm>> -> memref<2x6x112xi32, #tpu.memory_space<hbm>>
      %dma_wait3A_217 = arith.constant 0 : i32
      %dma_wait3A_218 = arith.constant 0 : i32
      %dma_wait3A_219 = arith.constant 0 : i32
      %dma_wait3A_220 = tpu.memref_slice %arg3[%add3A, %dma_wait3A_211, %dma_wait3A_217, %dma_wait3A_218, %dma_wait3A_219] : memref<32x16x2x6x112xi32, #tpu.memory_space<hbm>> -> memref<1x1x2x6x112xi32, #tpu.memory_space<hbm>>
      %dma_wait3A_221 = tpu.memref_squeeze %dma_wait3A_220 : memref<1x1x2x6x112xi32, #tpu.memory_space<hbm>> -> memref<2x6x112xi32, #tpu.memory_space<hbm>>
      tpu.wait_dma2 semaphore(%arg18 : memref<!tpu.dma_semaphore, #tpu.memory_space<semaphore_mem>>) src(%dma_wait3A_221 : memref<2x6x112xi32, #tpu.memory_space<hbm>>) dst(%arg7 : memref<2x6x112xi32, #tpu.memory_space<vmem>>)
      %dma_start3A_222 = arith.constant 0 : i32
      %dma_start3A_223 = arith.constant 0 : i32
      %dma_start3A_224 = arith.constant 0 : i32
      %dma_start3A_225 = tpu.memref_slice %arg7[%dma_start3A_222, %dma_start3A_223, %dma_start3A_224] : memref<2x6x112xi32, #tpu.memory_space<vmem>> -> memref<1x1x112xi32, #tpu.memory_space<vmem>>
      %dma_start3A_226 = tpu.memref_squeeze %dma_start3A_225 : memref<1x1x112xi32, #tpu.memory_space<vmem>> -> memref<112xi32, #tpu.memory_space<vmem>>
      %dma_start3A_227 = arith.constant 0 : i32
      %dma_start3A_228 = arith.constant 0 : i32
      %dma_start3A_229 = tpu.memref_slice %arg2[%dma_start3A_227, %dma_start3A_228] : memref<10240x128xf32, #tpu.memory_space<hbm>> -> memref<10240x128xf32, #tpu.memory_space<hbm>>
      tpu.enqueue_indirect_dma source(%dma_start3A_229 : memref<10240x128xf32, #tpu.memory_space<hbm>>) target(%arg8 : memref<112x128xf32, #tpu.memory_space<vmem>>) offsets(%dma_start3A_226 : memref<112xi32, #tpu.memory_space<vmem>>) semaphore(%arg12 : memref<!tpu.dma_semaphore, #tpu.memory_space<semaphore_mem>>)
      %dma_wait3A_230 = arith.constant 0 : i32
      %dma_wait3A_231 = arith.constant 4 : i32
      %dma_wait3A_232 = arith.constant 0 : i32
      %dma_wait3A_233 = tpu.memref_slice %arg6[%dma_wait3A_230, %dma_wait3A_231, %dma_wait3A_232] : memref<2x6x112xi32, #tpu.memory_space<vmem>> -> memref<1x1x112xi32, #tpu.memory_space<vmem>>
      %dma_wait3A_234 = tpu.memref_squeeze %dma_wait3A_233 : memref<1x1x112xi32, #tpu.memory_space<vmem>> -> memref<112xi32, #tpu.memory_space<vmem>>
      %dma_wait3A_235 = arith.constant 0 : i32
      %dma_wait3A_236 = arith.constant 0 : i32
      %dma_wait3A_237 = tpu.memref_slice %arg2[%dma_wait3A_235, %dma_wait3A_236] : memref<10240x128xf32, #tpu.memory_space<hbm>> -> memref<10240x128xf32, #tpu.memory_space<hbm>>
      tpu.wait_indirect_dma semaphore(%arg13 : memref<!tpu.dma_semaphore, #tpu.memory_space<semaphore_mem>>) src(%dma_wait3A_237 : memref<10240x128xf32, #tpu.memory_space<hbm>>) dst(%arg9 : memref<112x128xf32, #tpu.memory_space<vmem>>)
      %dma_start3A_238 = arith.constant 1 : i32
      %dma_start3A_239 = arith.constant 4 : i32
      %dma_start3A_240 = arith.constant 0 : i32
      %dma_start3A_241 = tpu.memref_slice %arg6[%dma_start3A_238, %dma_start3A_239, %dma_start3A_240] : memref<2x6x112xi32, #tpu.memory_space<vmem>> -> memref<1x1x112xi32, #tpu.memory_space<vmem>>
      %dma_start3A_242 = tpu.memref_squeeze %dma_start3A_241 : memref<1x1x112xi32, #tpu.memory_space<vmem>> -> memref<112xi32, #tpu.memory_space<vmem>>
      %dma_start3A_243 = arith.constant 0 : i32
      %dma_start3A_244 = arith.constant 0 : i32
      %dma_start3A_245 = tpu.memref_slice %arg11[%dma_start3A_243, %dma_start3A_244] : memref<10240x128xf32, #tpu.memory_space<vmem_shared>> -> memref<10240x128xf32, #tpu.memory_space<vmem_shared>>
      tpu.enqueue_indirect_dma source(%arg9 : memref<112x128xf32, #tpu.memory_space<vmem>>) target(%dma_start3A_245 : memref<10240x128xf32, #tpu.memory_space<vmem_shared>>) offsets(%dma_start3A_242 : memref<112xi32, #tpu.memory_space<vmem>>) semaphore(%arg16 : memref<!tpu.dma_semaphore, #tpu.memory_space<semaphore_mem>>) {add = true}
      %dma_wait3A_246 = arith.constant 1 : i32
      %dma_wait3A_247 = arith.constant 0 : i32
      %dma_wait3A_248 = arith.constant 0 : i32
      %dma_wait3A_249 = tpu.memref_slice %arg6[%dma_wait3A_246, %dma_wait3A_247, %dma_wait3A_248] : memref<2x6x112xi32, #tpu.memory_space<vmem>> -> memref<1x1x112xi32, #tpu.memory_space<vmem>>
      %dma_wait3A_250 = tpu.memref_squeeze %dma_wait3A_249 : memref<1x1x112xi32, #tpu.memory_space<vmem>> -> memref<112xi32, #tpu.memory_space<vmem>>
      %dma_wait3A_251 = arith.constant 0 : i32
      %dma_wait3A_252 = arith.constant 0 : i32
      %dma_wait3A_253 = tpu.memref_slice %arg11[%dma_wait3A_251, %dma_wait3A_252] : memref<10240x128xf32, #tpu.memory_space<vmem_shared>> -> memref<10240x128xf32, #tpu.memory_space<vmem_shared>>
      tpu.wait_indirect_dma semaphore(%arg16 : memref<!tpu.dma_semaphore, #tpu.memory_space<semaphore_mem>>) src(%arg9 : memref<112x128xf32, #tpu.memory_space<vmem>>) dst(%dma_wait3A_253 : memref<10240x128xf32, #tpu.memory_space<vmem_shared>>)
      %dma_start3A_254 = arith.constant 0 : i32
      %dma_start3A_255 = arith.constant 1 : i32
      %dma_start3A_256 = arith.constant 0 : i32
      %dma_start3A_257 = tpu.memref_slice %arg7[%dma_start3A_254, %dma_start3A_255, %dma_start3A_256] : memref<2x6x112xi32, #tpu.memory_space<vmem>> -> memref<1x1x112xi32, #tpu.memory_space<vmem>>
      %dma_start3A_258 = tpu.memref_squeeze %dma_start3A_257 : memref<1x1x112xi32, #tpu.memory_space<vmem>> -> memref<112xi32, #tpu.memory_space<vmem>>
      %dma_start3A_259 = arith.constant 0 : i32
      %dma_start3A_260 = arith.constant 0 : i32
      %dma_start3A_261 = tpu.memref_slice %arg2[%dma_start3A_259, %dma_start3A_260] : memref<10240x128xf32, #tpu.memory_space<hbm>> -> memref<10240x128xf32, #tpu.memory_space<hbm>>
      tpu.enqueue_indirect_dma source(%dma_start3A_261 : memref<10240x128xf32, #tpu.memory_space<hbm>>) target(%arg9 : memref<112x128xf32, #tpu.memory_space<vmem>>) offsets(%dma_start3A_258 : memref<112xi32, #tpu.memory_space<vmem>>) semaphore(%arg13 : memref<!tpu.dma_semaphore, #tpu.memory_space<semaphore_mem>>)
      %dma_wait3A_262 = arith.constant 0 : i32
      %dma_wait3A_263 = arith.constant 5 : i32
      %dma_wait3A_264 = arith.constant 0 : i32
      %dma_wait3A_265 = tpu.memref_slice %arg6[%dma_wait3A_262, %dma_wait3A_263, %dma_wait3A_264] : memref<2x6x112xi32, #tpu.memory_space<vmem>> -> memref<1x1x112xi32, #tpu.memory_space<vmem>>
      %dma_wait3A_266 = tpu.memref_squeeze %dma_wait3A_265 : memref<1x1x112xi32, #tpu.memory_space<vmem>> -> memref<112xi32, #tpu.memory_space<vmem>>
      %dma_wait3A_267 = arith.constant 0 : i32
      %dma_wait3A_268 = arith.constant 0 : i32
      %dma_wait3A_269 = tpu.memref_slice %arg2[%dma_wait3A_267, %dma_wait3A_268] : memref<10240x128xf32, #tpu.memory_space<hbm>> -> memref<10240x128xf32, #tpu.memory_space<hbm>>
      tpu.wait_indirect_dma semaphore(%arg14 : memref<!tpu.dma_semaphore, #tpu.memory_space<semaphore_mem>>) src(%dma_wait3A_269 : memref<10240x128xf32, #tpu.memory_space<hbm>>) dst(%arg10 : memref<112x128xf32, #tpu.memory_space<vmem>>)
      %dma_start3A_270 = arith.constant 1 : i32
      %dma_start3A_271 = arith.constant 5 : i32
      %dma_start3A_272 = arith.constant 0 : i32
      %dma_start3A_273 = tpu.memref_slice %arg6[%dma_start3A_270, %dma_start3A_271, %dma_start3A_272] : memref<2x6x112xi32, #tpu.memory_space<vmem>> -> memref<1x1x112xi32, #tpu.memory_space<vmem>>
      %dma_start3A_274 = tpu.memref_squeeze %dma_start3A_273 : memref<1x1x112xi32, #tpu.memory_space<vmem>> -> memref<112xi32, #tpu.memory_space<vmem>>
      %dma_start3A_275 = arith.constant 0 : i32
      %dma_start3A_276 = arith.constant 0 : i32
      %dma_start3A_277 = tpu.memref_slice %arg11[%dma_start3A_275, %dma_start3A_276] : memref<10240x128xf32, #tpu.memory_space<vmem_shared>> -> memref<10240x128xf32, #tpu.memory_space<vmem_shared>>
      tpu.enqueue_indirect_dma source(%arg10 : memref<112x128xf32, #tpu.memory_space<vmem>>) target(%dma_start3A_277 : memref<10240x128xf32, #tpu.memory_space<vmem_shared>>) offsets(%dma_start3A_274 : memref<112xi32, #tpu.memory_space<vmem>>) semaphore(%arg17 : memref<!tpu.dma_semaphore, #tpu.memory_space<semaphore_mem>>) {add = true}
      %lt3A = arith.constant 7 : i32
      %lt3A_278 = arith.cmpi slt, %scan3A_66, %lt3A : i32
      %convert_element_type3A_279 = arith.extui %lt3A_278 : i1 to i32
      %cond3A_280 = arith.constant 0 : i32
      %cond3A_281 = arith.cmpi ne, %convert_element_type3A_279, %cond3A_280 : i32
      scf.if %cond3A_281 {
        %add3A_468 = arith.constant 2 : i32
        %add3A_469 = arith.addi %mul3A_68, %add3A_468 : i32
        %dma_start3A_470 = arith.constant 0 : i32
        %dma_start3A_471 = arith.constant 0 : i32
        %dma_start3A_472 = arith.constant 0 : i32
        %dma_start3A_473 = tpu.memref_slice %arg3[%add3A, %add3A_469, %dma_start3A_470, %dma_start3A_471, %dma_start3A_472] : memref<32x16x2x6x112xi32, #tpu.memory_space<hbm>> -> memref<1x1x2x6x112xi32, #tpu.memory_space<hbm>>
        %dma_start3A_474 = tpu.memref_squeeze %dma_start3A_473 : memref<1x1x2x6x112xi32, #tpu.memory_space<hbm>> -> memref<2x6x112xi32, #tpu.memory_space<hbm>>
        %dma_start3A_475 = arith.constant 0 : i32
        %dma_start3A_476 = arith.constant 0 : i32
        %dma_start3A_477 = arith.constant 0 : i32
        %dma_start3A_478 = tpu.memref_slice %arg3[%add3A, %add3A_469, %dma_start3A_475, %dma_start3A_476, %dma_start3A_477] : memref<32x16x2x6x112xi32, #tpu.memory_space<hbm>> -> memref<1x1x2x6x112xi32, #tpu.memory_space<hbm>>
        %dma_start3A_479 = tpu.memref_squeeze %dma_start3A_478 : memref<1x1x2x6x112xi32, #tpu.memory_space<hbm>> -> memref<2x6x112xi32, #tpu.memory_space<hbm>>
        tpu.enqueue_dma source(%dma_start3A_479 : memref<2x6x112xi32, #tpu.memory_space<hbm>>) target(%arg6 : memref<2x6x112xi32, #tpu.memory_space<vmem>>) target_semaphore(%arg18 : memref<!tpu.dma_semaphore, #tpu.memory_space<semaphore_mem>>)
      } else {
      }
      %dma_wait3A_282 = arith.constant 1 : i32
      %dma_wait3A_283 = arith.constant 0 : i32
      %dma_wait3A_284 = arith.constant 0 : i32
      %dma_wait3A_285 = tpu.memref_slice %arg6[%dma_wait3A_282, %dma_wait3A_283, %dma_wait3A_284] : memref<2x6x112xi32, #tpu.memory_space<vmem>> -> memref<1x1x112xi32, #tpu.memory_space<vmem>>
      %dma_wait3A_286 = tpu.memref_squeeze %dma_wait3A_285 : memref<1x1x112xi32, #tpu.memory_space<vmem>> -> memref<112xi32, #tpu.memory_space<vmem>>
      %dma_wait3A_287 = arith.constant 0 : i32
      %dma_wait3A_288 = arith.constant 0 : i32
      %dma_wait3A_289 = tpu.memref_slice %arg11[%dma_wait3A_287, %dma_wait3A_288] : memref<10240x128xf32, #tpu.memory_space<vmem_shared>> -> memref<10240x128xf32, #tpu.memory_space<vmem_shared>>
      tpu.wait_indirect_dma semaphore(%arg17 : memref<!tpu.dma_semaphore, #tpu.memory_space<semaphore_mem>>) src(%arg10 : memref<112x128xf32, #tpu.memory_space<vmem>>) dst(%dma_wait3A_289 : memref<10240x128xf32, #tpu.memory_space<vmem_shared>>)
      %dma_start3A_290 = arith.constant 0 : i32
      %dma_start3A_291 = arith.constant 2 : i32
      %dma_start3A_292 = arith.constant 0 : i32
      %dma_start3A_293 = tpu.memref_slice %arg7[%dma_start3A_290, %dma_start3A_291, %dma_start3A_292] : memref<2x6x112xi32, #tpu.memory_space<vmem>> -> memref<1x1x112xi32, #tpu.memory_space<vmem>>
      %dma_start3A_294 = tpu.memref_squeeze %dma_start3A_293 : memref<1x1x112xi32, #tpu.memory_space<vmem>> -> memref<112xi32, #tpu.memory_space<vmem>>
      %dma_start3A_295 = arith.constant 0 : i32
      %dma_start3A_296 = arith.constant 0 : i32
      %dma_start3A_297 = tpu.memref_slice %arg2[%dma_start3A_295, %dma_start3A_296] : memref<10240x128xf32, #tpu.memory_space<hbm>> -> memref<10240x128xf32, #tpu.memory_space<hbm>>
      tpu.enqueue_indirect_dma source(%dma_start3A_297 : memref<10240x128xf32, #tpu.memory_space<hbm>>) target(%arg10 : memref<112x128xf32, #tpu.memory_space<vmem>>) offsets(%dma_start3A_294 : memref<112xi32, #tpu.memory_space<vmem>>) semaphore(%arg14 : memref<!tpu.dma_semaphore, #tpu.memory_space<semaphore_mem>>)
      %dma_wait3A_298 = arith.constant 0 : i32
      %dma_wait3A_299 = arith.constant 0 : i32
      %dma_wait3A_300 = arith.constant 0 : i32
      %dma_wait3A_301 = tpu.memref_slice %arg7[%dma_wait3A_298, %dma_wait3A_299, %dma_wait3A_300] : memref<2x6x112xi32, #tpu.memory_space<vmem>> -> memref<1x1x112xi32, #tpu.memory_space<vmem>>
      %dma_wait3A_302 = tpu.memref_squeeze %dma_wait3A_301 : memref<1x1x112xi32, #tpu.memory_space<vmem>> -> memref<112xi32, #tpu.memory_space<vmem>>
      %dma_wait3A_303 = arith.constant 0 : i32
      %dma_wait3A_304 = arith.constant 0 : i32
      %dma_wait3A_305 = tpu.memref_slice %arg2[%dma_wait3A_303, %dma_wait3A_304] : memref<10240x128xf32, #tpu.memory_space<hbm>> -> memref<10240x128xf32, #tpu.memory_space<hbm>>
      tpu.wait_indirect_dma semaphore(%arg12 : memref<!tpu.dma_semaphore, #tpu.memory_space<semaphore_mem>>) src(%dma_wait3A_305 : memref<10240x128xf32, #tpu.memory_space<hbm>>) dst(%arg8 : memref<112x128xf32, #tpu.memory_space<vmem>>)
      %dma_start3A_306 = arith.constant 1 : i32
      %dma_start3A_307 = arith.constant 0 : i32
      %dma_start3A_308 = arith.constant 0 : i32
      %dma_start3A_309 = tpu.memref_slice %arg7[%dma_start3A_306, %dma_start3A_307, %dma_start3A_308] : memref<2x6x112xi32, #tpu.memory_space<vmem>> -> memref<1x1x112xi32, #tpu.memory_space<vmem>>
      %dma_start3A_310 = tpu.memref_squeeze %dma_start3A_309 : memref<1x1x112xi32, #tpu.memory_space<vmem>> -> memref<112xi32, #tpu.memory_space<vmem>>
      %dma_start3A_311 = arith.constant 0 : i32
      %dma_start3A_312 = arith.constant 0 : i32
      %dma_start3A_313 = tpu.memref_slice %arg11[%dma_start3A_311, %dma_start3A_312] : memref<10240x128xf32, #tpu.memory_space<vmem_shared>> -> memref<10240x128xf32, #tpu.memory_space<vmem_shared>>
      tpu.enqueue_indirect_dma source(%arg8 : memref<112x128xf32, #tpu.memory_space<vmem>>) target(%dma_start3A_313 : memref<10240x128xf32, #tpu.memory_space<vmem_shared>>) offsets(%dma_start3A_310 : memref<112xi32, #tpu.memory_space<vmem>>) semaphore(%arg15 : memref<!tpu.dma_semaphore, #tpu.memory_space<semaphore_mem>>) {add = true}
      %dma_wait3A_314 = arith.constant 1 : i32
      %dma_wait3A_315 = arith.constant 0 : i32
      %dma_wait3A_316 = arith.constant 0 : i32
      %dma_wait3A_317 = tpu.memref_slice %arg6[%dma_wait3A_314, %dma_wait3A_315, %dma_wait3A_316] : memref<2x6x112xi32, #tpu.memory_space<vmem>> -> memref<1x1x112xi32, #tpu.memory_space<vmem>>
      %dma_wait3A_318 = tpu.memref_squeeze %dma_wait3A_317 : memref<1x1x112xi32, #tpu.memory_space<vmem>> -> memref<112xi32, #tpu.memory_space<vmem>>
      %dma_wait3A_319 = arith.constant 0 : i32
      %dma_wait3A_320 = arith.constant 0 : i32
      %dma_wait3A_321 = tpu.memref_slice %arg11[%dma_wait3A_319, %dma_wait3A_320] : memref<10240x128xf32, #tpu.memory_space<vmem_shared>> -> memref<10240x128xf32, #tpu.memory_space<vmem_shared>>
      tpu.wait_indirect_dma semaphore(%arg15 : memref<!tpu.dma_semaphore, #tpu.memory_space<semaphore_mem>>) src(%arg8 : memref<112x128xf32, #tpu.memory_space<vmem>>) dst(%dma_wait3A_321 : memref<10240x128xf32, #tpu.memory_space<vmem_shared>>)
      %dma_start3A_322 = arith.constant 0 : i32
      %dma_start3A_323 = arith.constant 3 : i32
      %dma_start3A_324 = arith.constant 0 : i32
      %dma_start3A_325 = tpu.memref_slice %arg7[%dma_start3A_322, %dma_start3A_323, %dma_start3A_324] : memref<2x6x112xi32, #tpu.memory_space<vmem>> -> memref<1x1x112xi32, #tpu.memory_space<vmem>>
      %dma_start3A_326 = tpu.memref_squeeze %dma_start3A_325 : memref<1x1x112xi32, #tpu.memory_space<vmem>> -> memref<112xi32, #tpu.memory_space<vmem>>
      %dma_start3A_327 = arith.constant 0 : i32
      %dma_start3A_328 = arith.constant 0 : i32
      %dma_start3A_329 = tpu.memref_slice %arg2[%dma_start3A_327, %dma_start3A_328] : memref<10240x128xf32, #tpu.memory_space<hbm>> -> memref<10240x128xf32, #tpu.memory_space<hbm>>
      tpu.enqueue_indirect_dma source(%dma_start3A_329 : memref<10240x128xf32, #tpu.memory_space<hbm>>) target(%arg8 : memref<112x128xf32, #tpu.memory_space<vmem>>) offsets(%dma_start3A_326 : memref<112xi32, #tpu.memory_space<vmem>>) semaphore(%arg12 : memref<!tpu.dma_semaphore, #tpu.memory_space<semaphore_mem>>)
      %dma_wait3A_330 = arith.constant 0 : i32
      %dma_wait3A_331 = arith.constant 1 : i32
      %dma_wait3A_332 = arith.constant 0 : i32
      %dma_wait3A_333 = tpu.memref_slice %arg7[%dma_wait3A_330, %dma_wait3A_331, %dma_wait3A_332] : memref<2x6x112xi32, #tpu.memory_space<vmem>> -> memref<1x1x112xi32, #tpu.memory_space<vmem>>
      %dma_wait3A_334 = tpu.memref_squeeze %dma_wait3A_333 : memref<1x1x112xi32, #tpu.memory_space<vmem>> -> memref<112xi32, #tpu.memory_space<vmem>>
      %dma_wait3A_335 = arith.constant 0 : i32
      %dma_wait3A_336 = arith.constant 0 : i32
      %dma_wait3A_337 = tpu.memref_slice %arg2[%dma_wait3A_335, %dma_wait3A_336] : memref<10240x128xf32, #tpu.memory_space<hbm>> -> memref<10240x128xf32, #tpu.memory_space<hbm>>
      tpu.wait_indirect_dma semaphore(%arg13 : memref<!tpu.dma_semaphore, #tpu.memory_space<semaphore_mem>>) src(%dma_wait3A_337 : memref<10240x128xf32, #tpu.memory_space<hbm>>) dst(%arg9 : memref<112x128xf32, #tpu.memory_space<vmem>>)
      %dma_start3A_338 = arith.constant 1 : i32
      %dma_start3A_339 = arith.constant 1 : i32
      %dma_start3A_340 = arith.constant 0 : i32
      %dma_start3A_341 = tpu.memref_slice %arg7[%dma_start3A_338, %dma_start3A_339, %dma_start3A_340] : memref<2x6x112xi32, #tpu.memory_space<vmem>> -> memref<1x1x112xi32, #tpu.memory_space<vmem>>
      %dma_start3A_342 = tpu.memref_squeeze %dma_start3A_341 : memref<1x1x112xi32, #tpu.memory_space<vmem>> -> memref<112xi32, #tpu.memory_space<vmem>>
      %dma_start3A_343 = arith.constant 0 : i32
      %dma_start3A_344 = arith.constant 0 : i32
      %dma_start3A_345 = tpu.memref_slice %arg11[%dma_start3A_343, %dma_start3A_344] : memref<10240x128xf32, #tpu.memory_space<vmem_shared>> -> memref<10240x128xf32, #tpu.memory_space<vmem_shared>>
      tpu.enqueue_indirect_dma source(%arg9 : memref<112x128xf32, #tpu.memory_space<vmem>>) target(%dma_start3A_345 : memref<10240x128xf32, #tpu.memory_space<vmem_shared>>) offsets(%dma_start3A_342 : memref<112xi32, #tpu.memory_space<vmem>>) semaphore(%arg16 : memref<!tpu.dma_semaphore, #tpu.memory_space<semaphore_mem>>) {add = true}
      %dma_wait3A_346 = arith.constant 1 : i32
      %dma_wait3A_347 = arith.constant 0 : i32
      %dma_wait3A_348 = arith.constant 0 : i32
      %dma_wait3A_349 = tpu.memref_slice %arg6[%dma_wait3A_346, %dma_wait3A_347, %dma_wait3A_348] : memref<2x6x112xi32, #tpu.memory_space<vmem>> -> memref<1x1x112xi32, #tpu.memory_space<vmem>>
      %dma_wait3A_350 = tpu.memref_squeeze %dma_wait3A_349 : memref<1x1x112xi32, #tpu.memory_space<vmem>> -> memref<112xi32, #tpu.memory_space<vmem>>
      %dma_wait3A_351 = arith.constant 0 : i32
      %dma_wait3A_352 = arith.constant 0 : i32
      %dma_wait3A_353 = tpu.memref_slice %arg11[%dma_wait3A_351, %dma_wait3A_352] : memref<10240x128xf32, #tpu.memory_space<vmem_shared>> -> memref<10240x128xf32, #tpu.memory_space<vmem_shared>>
      tpu.wait_indirect_dma semaphore(%arg16 : memref<!tpu.dma_semaphore, #tpu.memory_space<semaphore_mem>>) src(%arg9 : memref<112x128xf32, #tpu.memory_space<vmem>>) dst(%dma_wait3A_353 : memref<10240x128xf32, #tpu.memory_space<vmem_shared>>)
      %dma_start3A_354 = arith.constant 0 : i32
      %dma_start3A_355 = arith.constant 4 : i32
      %dma_start3A_356 = arith.constant 0 : i32
      %dma_start3A_357 = tpu.memref_slice %arg7[%dma_start3A_354, %dma_start3A_355, %dma_start3A_356] : memref<2x6x112xi32, #tpu.memory_space<vmem>> -> memref<1x1x112xi32, #tpu.memory_space<vmem>>
      %dma_start3A_358 = tpu.memref_squeeze %dma_start3A_357 : memref<1x1x112xi32, #tpu.memory_space<vmem>> -> memref<112xi32, #tpu.memory_space<vmem>>
      %dma_start3A_359 = arith.constant 0 : i32
      %dma_start3A_360 = arith.constant 0 : i32
      %dma_start3A_361 = tpu.memref_slice %arg2[%dma_start3A_359, %dma_start3A_360] : memref<10240x128xf32, #tpu.memory_space<hbm>> -> memref<10240x128xf32, #tpu.memory_space<hbm>>
      tpu.enqueue_indirect_dma source(%dma_start3A_361 : memref<10240x128xf32, #tpu.memory_space<hbm>>) target(%arg9 : memref<112x128xf32, #tpu.memory_space<vmem>>) offsets(%dma_start3A_358 : memref<112xi32, #tpu.memory_space<vmem>>) semaphore(%arg13 : memref<!tpu.dma_semaphore, #tpu.memory_space<semaphore_mem>>)
      %dma_wait3A_362 = arith.constant 0 : i32
      %dma_wait3A_363 = arith.constant 2 : i32
      %dma_wait3A_364 = arith.constant 0 : i32
      %dma_wait3A_365 = tpu.memref_slice %arg7[%dma_wait3A_362, %dma_wait3A_363, %dma_wait3A_364] : memref<2x6x112xi32, #tpu.memory_space<vmem>> -> memref<1x1x112xi32, #tpu.memory_space<vmem>>
      %dma_wait3A_366 = tpu.memref_squeeze %dma_wait3A_365 : memref<1x1x112xi32, #tpu.memory_space<vmem>> -> memref<112xi32, #tpu.memory_space<vmem>>
      %dma_wait3A_367 = arith.constant 0 : i32
      %dma_wait3A_368 = arith.constant 0 : i32
      %dma_wait3A_369 = tpu.memref_slice %arg2[%dma_wait3A_367, %dma_wait3A_368] : memref<10240x128xf32, #tpu.memory_space<hbm>> -> memref<10240x128xf32, #tpu.memory_space<hbm>>
      tpu.wait_indirect_dma semaphore(%arg14 : memref<!tpu.dma_semaphore, #tpu.memory_space<semaphore_mem>>) src(%dma_wait3A_369 : memref<10240x128xf32, #tpu.memory_space<hbm>>) dst(%arg10 : memref<112x128xf32, #tpu.memory_space<vmem>>)
      %dma_start3A_370 = arith.constant 1 : i32
      %dma_start3A_371 = arith.constant 2 : i32
      %dma_start3A_372 = arith.constant 0 : i32
      %dma_start3A_373 = tpu.memref_slice %arg7[%dma_start3A_370, %dma_start3A_371, %dma_start3A_372] : memref<2x6x112xi32, #tpu.memory_space<vmem>> -> memref<1x1x112xi32, #tpu.memory_space<vmem>>
      %dma_start3A_374 = tpu.memref_squeeze %dma_start3A_373 : memref<1x1x112xi32, #tpu.memory_space<vmem>> -> memref<112xi32, #tpu.memory_space<vmem>>
      %dma_start3A_375 = arith.constant 0 : i32
      %dma_start3A_376 = arith.constant 0 : i32
      %dma_start3A_377 = tpu.memref_slice %arg11[%dma_start3A_375, %dma_start3A_376] : memref<10240x128xf32, #tpu.memory_space<vmem_shared>> -> memref<10240x128xf32, #tpu.memory_space<vmem_shared>>
      tpu.enqueue_indirect_dma source(%arg10 : memref<112x128xf32, #tpu.memory_space<vmem>>) target(%dma_start3A_377 : memref<10240x128xf32, #tpu.memory_space<vmem_shared>>) offsets(%dma_start3A_374 : memref<112xi32, #tpu.memory_space<vmem>>) semaphore(%arg17 : memref<!tpu.dma_semaphore, #tpu.memory_space<semaphore_mem>>) {add = true}
      %dma_wait3A_378 = arith.constant 1 : i32
      %dma_wait3A_379 = arith.constant 0 : i32
      %dma_wait3A_380 = arith.constant 0 : i32
      %dma_wait3A_381 = tpu.memref_slice %arg6[%dma_wait3A_378, %dma_wait3A_379, %dma_wait3A_380] : memref<2x6x112xi32, #tpu.memory_space<vmem>> -> memref<1x1x112xi32, #tpu.memory_space<vmem>>
      %dma_wait3A_382 = tpu.memref_squeeze %dma_wait3A_381 : memref<1x1x112xi32, #tpu.memory_space<vmem>> -> memref<112xi32, #tpu.memory_space<vmem>>
      %dma_wait3A_383 = arith.constant 0 : i32
      %dma_wait3A_384 = arith.constant 0 : i32
      %dma_wait3A_385 = tpu.memref_slice %arg11[%dma_wait3A_383, %dma_wait3A_384] : memref<10240x128xf32, #tpu.memory_space<vmem_shared>> -> memref<10240x128xf32, #tpu.memory_space<vmem_shared>>
      tpu.wait_indirect_dma semaphore(%arg17 : memref<!tpu.dma_semaphore, #tpu.memory_space<semaphore_mem>>) src(%arg10 : memref<112x128xf32, #tpu.memory_space<vmem>>) dst(%dma_wait3A_385 : memref<10240x128xf32, #tpu.memory_space<vmem_shared>>)
      %dma_start3A_386 = arith.constant 0 : i32
      %dma_start3A_387 = arith.constant 5 : i32
      %dma_start3A_388 = arith.constant 0 : i32
      %dma_start3A_389 = tpu.memref_slice %arg7[%dma_start3A_386, %dma_start3A_387, %dma_start3A_388] : memref<2x6x112xi32, #tpu.memory_space<vmem>> -> memref<1x1x112xi32, #tpu.memory_space<vmem>>
      %dma_start3A_390 = tpu.memref_squeeze %dma_start3A_389 : memref<1x1x112xi32, #tpu.memory_space<vmem>> -> memref<112xi32, #tpu.memory_space<vmem>>
      %dma_start3A_391 = arith.constant 0 : i32
      %dma_start3A_392 = arith.constant 0 : i32
      %dma_start3A_393 = tpu.memref_slice %arg2[%dma_start3A_391, %dma_start3A_392] : memref<10240x128xf32, #tpu.memory_space<hbm>> -> memref<10240x128xf32, #tpu.memory_space<hbm>>
      tpu.enqueue_indirect_dma source(%dma_start3A_393 : memref<10240x128xf32, #tpu.memory_space<hbm>>) target(%arg10 : memref<112x128xf32, #tpu.memory_space<vmem>>) offsets(%dma_start3A_390 : memref<112xi32, #tpu.memory_space<vmem>>) semaphore(%arg14 : memref<!tpu.dma_semaphore, #tpu.memory_space<semaphore_mem>>)
      %dma_wait3A_394 = arith.constant 0 : i32
      %dma_wait3A_395 = arith.constant 3 : i32
      %dma_wait3A_396 = arith.constant 0 : i32
      %dma_wait3A_397 = tpu.memref_slice %arg7[%dma_wait3A_394, %dma_wait3A_395, %dma_wait3A_396] : memref<2x6x112xi32, #tpu.memory_space<vmem>> -> memref<1x1x112xi32, #tpu.memory_space<vmem>>
      %dma_wait3A_398 = tpu.memref_squeeze %dma_wait3A_397 : memref<1x1x112xi32, #tpu.memory_space<vmem>> -> memref<112xi32, #tpu.memory_space<vmem>>
      %dma_wait3A_399 = arith.constant 0 : i32
      %dma_wait3A_400 = arith.constant 0 : i32
      %dma_wait3A_401 = tpu.memref_slice %arg2[%dma_wait3A_399, %dma_wait3A_400] : memref<10240x128xf32, #tpu.memory_space<hbm>> -> memref<10240x128xf32, #tpu.memory_space<hbm>>
      tpu.wait_indirect_dma semaphore(%arg12 : memref<!tpu.dma_semaphore, #tpu.memory_space<semaphore_mem>>) src(%dma_wait3A_401 : memref<10240x128xf32, #tpu.memory_space<hbm>>) dst(%arg8 : memref<112x128xf32, #tpu.memory_space<vmem>>)
      %dma_start3A_402 = arith.constant 1 : i32
      %dma_start3A_403 = arith.constant 3 : i32
      %dma_start3A_404 = arith.constant 0 : i32
      %dma_start3A_405 = tpu.memref_slice %arg7[%dma_start3A_402, %dma_start3A_403, %dma_start3A_404] : memref<2x6x112xi32, #tpu.memory_space<vmem>> -> memref<1x1x112xi32, #tpu.memory_space<vmem>>
      %dma_start3A_406 = tpu.memref_squeeze %dma_start3A_405 : memref<1x1x112xi32, #tpu.memory_space<vmem>> -> memref<112xi32, #tpu.memory_space<vmem>>
      %dma_start3A_407 = arith.constant 0 : i32
      %dma_start3A_408 = arith.constant 0 : i32
      %dma_start3A_409 = tpu.memref_slice %arg11[%dma_start3A_407, %dma_start3A_408] : memref<10240x128xf32, #tpu.memory_space<vmem_shared>> -> memref<10240x128xf32, #tpu.memory_space<vmem_shared>>
      tpu.enqueue_indirect_dma source(%arg8 : memref<112x128xf32, #tpu.memory_space<vmem>>) target(%dma_start3A_409 : memref<10240x128xf32, #tpu.memory_space<vmem_shared>>) offsets(%dma_start3A_406 : memref<112xi32, #tpu.memory_space<vmem>>) semaphore(%arg15 : memref<!tpu.dma_semaphore, #tpu.memory_space<semaphore_mem>>) {add = true}
      %dma_wait3A_410 = arith.constant 1 : i32
      %dma_wait3A_411 = arith.constant 0 : i32
      %dma_wait3A_412 = arith.constant 0 : i32
      %dma_wait3A_413 = tpu.memref_slice %arg6[%dma_wait3A_410, %dma_wait3A_411, %dma_wait3A_412] : memref<2x6x112xi32, #tpu.memory_space<vmem>> -> memref<1x1x112xi32, #tpu.memory_space<vmem>>
      %dma_wait3A_414 = tpu.memref_squeeze %dma_wait3A_413 : memref<1x1x112xi32, #tpu.memory_space<vmem>> -> memref<112xi32, #tpu.memory_space<vmem>>
      %dma_wait3A_415 = arith.constant 0 : i32
      %dma_wait3A_416 = arith.constant 0 : i32
      %dma_wait3A_417 = tpu.memref_slice %arg11[%dma_wait3A_415, %dma_wait3A_416] : memref<10240x128xf32, #tpu.memory_space<vmem_shared>> -> memref<10240x128xf32, #tpu.memory_space<vmem_shared>>
      tpu.wait_indirect_dma semaphore(%arg15 : memref<!tpu.dma_semaphore, #tpu.memory_space<semaphore_mem>>) src(%arg8 : memref<112x128xf32, #tpu.memory_space<vmem>>) dst(%dma_wait3A_417 : memref<10240x128xf32, #tpu.memory_space<vmem_shared>>)
      %lt3A_418 = arith.constant 7 : i32
      %lt3A_419 = arith.cmpi slt, %scan3A_66, %lt3A_418 : i32
      %convert_element_type3A_420 = arith.extui %lt3A_419 : i1 to i32
      %cond3A_421 = arith.constant 0 : i32
      %cond3A_422 = arith.cmpi ne, %convert_element_type3A_420, %cond3A_421 : i32
      scf.if %cond3A_422 {
        %dma_wait3A_468 = arith.constant 0 : i32
        %dma_wait3A_469 = arith.constant 0 : i32
        %dma_wait3A_470 = arith.constant 0 : i32
        %dma_wait3A_471 = arith.constant 0 : i32
        %dma_wait3A_472 = tpu.memref_slice %arg3[%add3A, %dma_wait3A_468, %dma_wait3A_469, %dma_wait3A_470, %dma_wait3A_471] : memref<32x16x2x6x112xi32, #tpu.memory_space<hbm>> -> memref<1x1x2x6x112xi32, #tpu.memory_space<hbm>>
        %dma_wait3A_473 = tpu.memref_squeeze %dma_wait3A_472 : memref<1x1x2x6x112xi32, #tpu.memory_space<hbm>> -> memref<2x6x112xi32, #tpu.memory_space<hbm>>
        %dma_wait3A_474 = arith.constant 0 : i32
        %dma_wait3A_475 = arith.constant 0 : i32
        %dma_wait3A_476 = arith.constant 0 : i32
        %dma_wait3A_477 = tpu.memref_slice %arg3[%add3A, %dma_wait3A_468, %dma_wait3A_474, %dma_wait3A_475, %dma_wait3A_476] : memref<32x16x2x6x112xi32, #tpu.memory_space<hbm>> -> memref<1x1x2x6x112xi32, #tpu.memory_space<hbm>>
        %dma_wait3A_478 = tpu.memref_squeeze %dma_wait3A_477 : memref<1x1x2x6x112xi32, #tpu.memory_space<hbm>> -> memref<2x6x112xi32, #tpu.memory_space<hbm>>
        tpu.wait_dma2 semaphore(%arg18 : memref<!tpu.dma_semaphore, #tpu.memory_space<semaphore_mem>>) src(%dma_wait3A_478 : memref<2x6x112xi32, #tpu.memory_space<hbm>>) dst(%arg6 : memref<2x6x112xi32, #tpu.memory_space<vmem>>)
        %dma_start3A_479 = arith.constant 0 : i32
        %dma_start3A_480 = arith.constant 0 : i32
        %dma_start3A_481 = arith.constant 0 : i32
        %dma_start3A_482 = tpu.memref_slice %arg6[%dma_start3A_479, %dma_start3A_480, %dma_start3A_481] : memref<2x6x112xi32, #tpu.memory_space<vmem>> -> memref<1x1x112xi32, #tpu.memory_space<vmem>>
        %dma_start3A_483 = tpu.memref_squeeze %dma_start3A_482 : memref<1x1x112xi32, #tpu.memory_space<vmem>> -> memref<112xi32, #tpu.memory_space<vmem>>
        %dma_start3A_484 = arith.constant 0 : i32
        %dma_start3A_485 = arith.constant 0 : i32
        %dma_start3A_486 = tpu.memref_slice %arg2[%dma_start3A_484, %dma_start3A_485] : memref<10240x128xf32, #tpu.memory_space<hbm>> -> memref<10240x128xf32, #tpu.memory_space<hbm>>
        tpu.enqueue_indirect_dma source(%dma_start3A_486 : memref<10240x128xf32, #tpu.memory_space<hbm>>) target(%arg8 : memref<112x128xf32, #tpu.memory_space<vmem>>) offsets(%dma_start3A_483 : memref<112xi32, #tpu.memory_space<vmem>>) semaphore(%arg12 : memref<!tpu.dma_semaphore, #tpu.memory_space<semaphore_mem>>)
      } else {
      }
      %dma_wait3A_423 = arith.constant 0 : i32
      %dma_wait3A_424 = arith.constant 4 : i32
      %dma_wait3A_425 = arith.constant 0 : i32
      %dma_wait3A_426 = tpu.memref_slice %arg7[%dma_wait3A_423, %dma_wait3A_424, %dma_wait3A_425] : memref<2x6x112xi32, #tpu.memory_space<vmem>> -> memref<1x1x112xi32, #tpu.memory_space<vmem>>
      %dma_wait3A_427 = tpu.memref_squeeze %dma_wait3A_426 : memref<1x1x112xi32, #tpu.memory_space<vmem>> -> memref<112xi32, #tpu.memory_space<vmem>>
      %dma_wait3A_428 = arith.constant 0 : i32
      %dma_wait3A_429 = arith.constant 0 : i32
      %dma_wait3A_430 = tpu.memref_slice %arg2[%dma_wait3A_428, %dma_wait3A_429] : memref<10240x128xf32, #tpu.memory_space<hbm>> -> memref<10240x128xf32, #tpu.memory_space<hbm>>
      tpu.wait_indirect_dma semaphore(%arg13 : memref<!tpu.dma_semaphore, #tpu.memory_space<semaphore_mem>>) src(%dma_wait3A_430 : memref<10240x128xf32, #tpu.memory_space<hbm>>) dst(%arg9 : memref<112x128xf32, #tpu.memory_space<vmem>>)
      %dma_start3A_431 = arith.constant 1 : i32
      %dma_start3A_432 = arith.constant 4 : i32
      %dma_start3A_433 = arith.constant 0 : i32
      %dma_start3A_434 = tpu.memref_slice %arg7[%dma_start3A_431, %dma_start3A_432, %dma_start3A_433] : memref<2x6x112xi32, #tpu.memory_space<vmem>> -> memref<1x1x112xi32, #tpu.memory_space<vmem>>
      %dma_start3A_435 = tpu.memref_squeeze %dma_start3A_434 : memref<1x1x112xi32, #tpu.memory_space<vmem>> -> memref<112xi32, #tpu.memory_space<vmem>>
      %dma_start3A_436 = arith.constant 0 : i32
      %dma_start3A_437 = arith.constant 0 : i32
      %dma_start3A_438 = tpu.memref_slice %arg11[%dma_start3A_436, %dma_start3A_437] : memref<10240x128xf32, #tpu.memory_space<vmem_shared>> -> memref<10240x128xf32, #tpu.memory_space<vmem_shared>>
      tpu.enqueue_indirect_dma source(%arg9 : memref<112x128xf32, #tpu.memory_space<vmem>>) target(%dma_start3A_438 : memref<10240x128xf32, #tpu.memory_space<vmem_shared>>) offsets(%dma_start3A_435 : memref<112xi32, #tpu.memory_space<vmem>>) semaphore(%arg16 : memref<!tpu.dma_semaphore, #tpu.memory_space<semaphore_mem>>) {add = true}
      %dma_wait3A_439 = arith.constant 1 : i32
      %dma_wait3A_440 = arith.constant 0 : i32
      %dma_wait3A_441 = arith.constant 0 : i32
      %dma_wait3A_442 = tpu.memref_slice %arg6[%dma_wait3A_439, %dma_wait3A_440, %dma_wait3A_441] : memref<2x6x112xi32, #tpu.memory_space<vmem>> -> memref<1x1x112xi32, #tpu.memory_space<vmem>>
      %dma_wait3A_443 = tpu.memref_squeeze %dma_wait3A_442 : memref<1x1x112xi32, #tpu.memory_space<vmem>> -> memref<112xi32, #tpu.memory_space<vmem>>
      %dma_wait3A_444 = arith.constant 0 : i32
      %dma_wait3A_445 = arith.constant 0 : i32
      %dma_wait3A_446 = tpu.memref_slice %arg11[%dma_wait3A_444, %dma_wait3A_445] : memref<10240x128xf32, #tpu.memory_space<vmem_shared>> -> memref<10240x128xf32, #tpu.memory_space<vmem_shared>>
      tpu.wait_indirect_dma semaphore(%arg16 : memref<!tpu.dma_semaphore, #tpu.memory_space<semaphore_mem>>) src(%arg9 : memref<112x128xf32, #tpu.memory_space<vmem>>) dst(%dma_wait3A_446 : memref<10240x128xf32, #tpu.memory_space<vmem_shared>>)
      %lt3A_447 = arith.constant 7 : i32
      %lt3A_448 = arith.cmpi slt, %scan3A_66, %lt3A_447 : i32
      %convert_element_type3A_449 = arith.extui %lt3A_448 : i1 to i32
      %cond3A_450 = arith.constant 0 : i32
      %cond3A_451 = arith.cmpi ne, %convert_element_type3A_449, %cond3A_450 : i32
      scf.if %cond3A_451 {
        %dma_start3A_468 = arith.constant 0 : i32
        %dma_start3A_469 = arith.constant 1 : i32
        %dma_start3A_470 = arith.constant 0 : i32
        %dma_start3A_471 = tpu.memref_slice %arg6[%dma_start3A_468, %dma_start3A_469, %dma_start3A_470] : memref<2x6x112xi32, #tpu.memory_space<vmem>> -> memref<1x1x112xi32, #tpu.memory_space<vmem>>
        %dma_start3A_472 = tpu.memref_squeeze %dma_start3A_471 : memref<1x1x112xi32, #tpu.memory_space<vmem>> -> memref<112xi32, #tpu.memory_space<vmem>>
        %dma_start3A_473 = arith.constant 0 : i32
        %dma_start3A_474 = arith.constant 0 : i32
        %dma_start3A_475 = tpu.memref_slice %arg2[%dma_start3A_473, %dma_start3A_474] : memref<10240x128xf32, #tpu.memory_space<hbm>> -> memref<10240x128xf32, #tpu.memory_space<hbm>>
        tpu.enqueue_indirect_dma source(%dma_start3A_475 : memref<10240x128xf32, #tpu.memory_space<hbm>>) target(%arg9 : memref<112x128xf32, #tpu.memory_space<vmem>>) offsets(%dma_start3A_472 : memref<112xi32, #tpu.memory_space<vmem>>) semaphore(%arg13 : memref<!tpu.dma_semaphore, #tpu.memory_space<semaphore_mem>>)
      } else {
      }
      %dma_wait3A_452 = arith.constant 0 : i32
      %dma_wait3A_453 = arith.constant 5 : i32
      %dma_wait3A_454 = arith.constant 0 : i32
      %dma_wait3A_455 = tpu.memref_slice %arg7[%dma_wait3A_452, %dma_wait3A_453, %dma_wait3A_454] : memref<2x6x112xi32, #tpu.memory_space<vmem>> -> memref<1x1x112xi32, #tpu.memory_space<vmem>>
      %dma_wait3A_456 = tpu.memref_squeeze %dma_wait3A_455 : memref<1x1x112xi32, #tpu.memory_space<vmem>> -> memref<112xi32, #tpu.memory_space<vmem>>
      %dma_wait3A_457 = arith.constant 0 : i32
      %dma_wait3A_458 = arith.constant 0 : i32
      %dma_wait3A_459 = tpu.memref_slice %arg2[%dma_wait3A_457, %dma_wait3A_458] : memref<10240x128xf32, #tpu.memory_space<hbm>> -> memref<10240x128xf32, #tpu.memory_space<hbm>>
      tpu.wait_indirect_dma semaphore(%arg14 : memref<!tpu.dma_semaphore, #tpu.memory_space<semaphore_mem>>) src(%dma_wait3A_459 : memref<10240x128xf32, #tpu.memory_space<hbm>>) dst(%arg10 : memref<112x128xf32, #tpu.memory_space<vmem>>)
      %dma_start3A_460 = arith.constant 1 : i32
      %dma_start3A_461 = arith.constant 5 : i32
      %dma_start3A_462 = arith.constant 0 : i32
      %dma_start3A_463 = tpu.memref_slice %arg7[%dma_start3A_460, %dma_start3A_461, %dma_start3A_462] : memref<2x6x112xi32, #tpu.memory_space<vmem>> -> memref<1x1x112xi32, #tpu.memory_space<vmem>>
      %dma_start3A_464 = tpu.memref_squeeze %dma_start3A_463 : memref<1x1x112xi32, #tpu.memory_space<vmem>> -> memref<112xi32, #tpu.memory_space<vmem>>
      %dma_start3A_465 = arith.constant 0 : i32
      %dma_start3A_466 = arith.constant 0 : i32
      %dma_start3A_467 = tpu.memref_slice %arg11[%dma_start3A_465, %dma_start3A_466] : memref<10240x128xf32, #tpu.memory_space<vmem_shared>> -> memref<10240x128xf32, #tpu.memory_space<vmem_shared>>
      tpu.enqueue_indirect_dma source(%arg10 : memref<112x128xf32, #tpu.memory_space<vmem>>) target(%dma_start3A_467 : memref<10240x128xf32, #tpu.memory_space<vmem_shared>>) offsets(%dma_start3A_464 : memref<112xi32, #tpu.memory_space<vmem>>) semaphore(%arg17 : memref<!tpu.dma_semaphore, #tpu.memory_space<semaphore_mem>>) {add = true}
    }
    %scan3A_22 = arith.constant 8 : i32
    %dma_wait3A = arith.constant 1 : i32
    %dma_wait3A_23 = arith.constant 0 : i32
    %dma_wait3A_24 = arith.constant 0 : i32
    %dma_wait3A_25 = tpu.memref_slice %arg6[%dma_wait3A, %dma_wait3A_23, %dma_wait3A_24] : memref<2x6x112xi32, #tpu.memory_space<vmem>> -> memref<1x1x112xi32, #tpu.memory_space<vmem>>
    %dma_wait3A_26 = tpu.memref_squeeze %dma_wait3A_25 : memref<1x1x112xi32, #tpu.memory_space<vmem>> -> memref<112xi32, #tpu.memory_space<vmem>>
    %dma_wait3A_27 = arith.constant 0 : i32
    %dma_wait3A_28 = arith.constant 0 : i32
    %dma_wait3A_29 = tpu.memref_slice %arg11[%dma_wait3A_27, %dma_wait3A_28] : memref<10240x128xf32, #tpu.memory_space<vmem_shared>> -> memref<10240x128xf32, #tpu.memory_space<vmem_shared>>
    tpu.wait_indirect_dma semaphore(%arg17 : memref<!tpu.dma_semaphore, #tpu.memory_space<semaphore_mem>>) src(%arg10 : memref<112x128xf32, #tpu.memory_space<vmem>>) dst(%dma_wait3A_29 : memref<10240x128xf32, #tpu.memory_space<vmem_shared>>)
    %barrier3A_30 = arith.constant 0 : index
    tpu.barrier barrier_id(%barrier3A_30)
    %mul3A_31 = arith.constant 640 : i32
    %mul3A_32 = arith.muli %arg1, %mul3A_31 : i32
    %add3A_33 = arith.constant 0 : i32
    %add3A_34 = arith.addi %mul3A_32, %add3A_33 : i32
    %mul3A_35 = arith.constant 10240 : i32
    %mul3A_36 = arith.muli %arg0, %mul3A_35 : i32
    %add3A_37 = arith.addi %mul3A_36, %add3A_34 : i32
    "tpu.region"() ({
      %run_scoped3A_66 = tpu.sem_alloc : memref<!tpu.dma_semaphore, #tpu.memory_space<semaphore_mem>>
      %dma_start3A_67 = arith.constant 0 : i32
      %dma_start3A_68 = tpu.memref_slice %arg5[%add3A_37, %dma_start3A_67] : memref<20480x128xf32, #tpu.memory_space<hbm>> -> memref<128x128xf32, #tpu.memory_space<hbm>>
      %dma_start3A_69 = arith.constant 0 : i32
      %dma_start3A_70 = tpu.memref_slice %arg11[%add3A_34, %dma_start3A_69] : memref<10240x128xf32, #tpu.memory_space<vmem_shared>> -> memref<128x128xf32, #tpu.memory_space<vmem_shared>>
      tpu.enqueue_dma source(%dma_start3A_70 : memref<128x128xf32, #tpu.memory_space<vmem_shared>>) target(%dma_start3A_68 : memref<128x128xf32, #tpu.memory_space<hbm>>) target_semaphore(%run_scoped3A_66 : memref<!tpu.dma_semaphore, #tpu.memory_space<semaphore_mem>>)
      %dma_wait3A_71 = arith.constant 0 : i32
      %dma_wait3A_72 = tpu.memref_slice %arg5[%add3A_37, %dma_wait3A_71] : memref<20480x128xf32, #tpu.memory_space<hbm>> -> memref<128x128xf32, #tpu.memory_space<hbm>>
      %dma_wait3A_73 = arith.constant 0 : i32
      %dma_wait3A_74 = tpu.memref_slice %arg11[%add3A_34, %dma_wait3A_73] : memref<10240x128xf32, #tpu.memory_space<vmem_shared>> -> memref<128x128xf32, #tpu.memory_space<vmem_shared>>
      tpu.wait_dma2 semaphore(%run_scoped3A_66 : memref<!tpu.dma_semaphore, #tpu.memory_space<semaphore_mem>>) src(%dma_wait3A_74 : memref<128x128xf32, #tpu.memory_space<vmem_shared>>) dst(%dma_wait3A_72 : memref<128x128xf32, #tpu.memory_space<hbm>>)
      tpu.yield
    }) : () -> ()
    %mul3A_38 = arith.constant 640 : i32
    %mul3A_39 = arith.muli %arg1, %mul3A_38 : i32
    %add3A_40 = arith.constant 128 : i32
    %add3A_41 = arith.addi %mul3A_39, %add3A_40 : i32
    %mul3A_42 = arith.constant 10240 : i32
    %mul3A_43 = arith.muli %arg0, %mul3A_42 : i32
    %add3A_44 = arith.addi %mul3A_43, %add3A_41 : i32
    "tpu.region"() ({
      %run_scoped3A_66 = tpu.sem_alloc : memref<!tpu.dma_semaphore, #tpu.memory_space<semaphore_mem>>
      %dma_start3A_67 = arith.constant 0 : i32
      %dma_start3A_68 = tpu.memref_slice %arg5[%add3A_44, %dma_start3A_67] : memref<20480x128xf32, #tpu.memory_space<hbm>> -> memref<128x128xf32, #tpu.memory_space<hbm>>
      %dma_start3A_69 = arith.constant 0 : i32
      %dma_start3A_70 = tpu.memref_slice %arg11[%add3A_41, %dma_start3A_69] : memref<10240x128xf32, #tpu.memory_space<vmem_shared>> -> memref<128x128xf32, #tpu.memory_space<vmem_shared>>
      tpu.enqueue_dma source(%dma_start3A_70 : memref<128x128xf32, #tpu.memory_space<vmem_shared>>) target(%dma_start3A_68 : memref<128x128xf32, #tpu.memory_space<hbm>>) target_semaphore(%run_scoped3A_66 : memref<!tpu.dma_semaphore, #tpu.memory_space<semaphore_mem>>)
      %dma_wait3A_71 = arith.constant 0 : i32
      %dma_wait3A_72 = tpu.memref_slice %arg5[%add3A_44, %dma_wait3A_71] : memref<20480x128xf32, #tpu.memory_space<hbm>> -> memref<128x128xf32, #tpu.memory_space<hbm>>
      %dma_wait3A_73 = arith.constant 0 : i32
      %dma_wait3A_74 = tpu.memref_slice %arg11[%add3A_41, %dma_wait3A_73] : memref<10240x128xf32, #tpu.memory_space<vmem_shared>> -> memref<128x128xf32, #tpu.memory_space<vmem_shared>>
      tpu.wait_dma2 semaphore(%run_scoped3A_66 : memref<!tpu.dma_semaphore, #tpu.memory_space<semaphore_mem>>) src(%dma_wait3A_74 : memref<128x128xf32, #tpu.memory_space<vmem_shared>>) dst(%dma_wait3A_72 : memref<128x128xf32, #tpu.memory_space<hbm>>)
      tpu.yield
    }) : () -> ()
    %mul3A_45 = arith.constant 640 : i32
    %mul3A_46 = arith.muli %arg1, %mul3A_45 : i32
    %add3A_47 = arith.constant 256 : i32
    %add3A_48 = arith.addi %mul3A_46, %add3A_47 : i32
    %mul3A_49 = arith.constant 10240 : i32
    %mul3A_50 = arith.muli %arg0, %mul3A_49 : i32
    %add3A_51 = arith.addi %mul3A_50, %add3A_48 : i32
    "tpu.region"() ({
      %run_scoped3A_66 = tpu.sem_alloc : memref<!tpu.dma_semaphore, #tpu.memory_space<semaphore_mem>>
      %dma_start3A_67 = arith.constant 0 : i32
      %dma_start3A_68 = tpu.memref_slice %arg5[%add3A_51, %dma_start3A_67] : memref<20480x128xf32, #tpu.memory_space<hbm>> -> memref<128x128xf32, #tpu.memory_space<hbm>>
      %dma_start3A_69 = arith.constant 0 : i32
      %dma_start3A_70 = tpu.memref_slice %arg11[%add3A_48, %dma_start3A_69] : memref<10240x128xf32, #tpu.memory_space<vmem_shared>> -> memref<128x128xf32, #tpu.memory_space<vmem_shared>>
      tpu.enqueue_dma source(%dma_start3A_70 : memref<128x128xf32, #tpu.memory_space<vmem_shared>>) target(%dma_start3A_68 : memref<128x128xf32, #tpu.memory_space<hbm>>) target_semaphore(%run_scoped3A_66 : memref<!tpu.dma_semaphore, #tpu.memory_space<semaphore_mem>>)
      %dma_wait3A_71 = arith.constant 0 : i32
      %dma_wait3A_72 = tpu.memref_slice %arg5[%add3A_51, %dma_wait3A_71] : memref<20480x128xf32, #tpu.memory_space<hbm>> -> memref<128x128xf32, #tpu.memory_space<hbm>>
      %dma_wait3A_73 = arith.constant 0 : i32
      %dma_wait3A_74 = tpu.memref_slice %arg11[%add3A_48, %dma_wait3A_73] : memref<10240x128xf32, #tpu.memory_space<vmem_shared>> -> memref<128x128xf32, #tpu.memory_space<vmem_shared>>
      tpu.wait_dma2 semaphore(%run_scoped3A_66 : memref<!tpu.dma_semaphore, #tpu.memory_space<semaphore_mem>>) src(%dma_wait3A_74 : memref<128x128xf32, #tpu.memory_space<vmem_shared>>) dst(%dma_wait3A_72 : memref<128x128xf32, #tpu.memory_space<hbm>>)
      tpu.yield
    }) : () -> ()
    %mul3A_52 = arith.constant 640 : i32
    %mul3A_53 = arith.muli %arg1, %mul3A_52 : i32
    %add3A_54 = arith.constant 384 : i32
    %add3A_55 = arith.addi %mul3A_53, %add3A_54 : i32
    %mul3A_56 = arith.constant 10240 : i32
    %mul3A_57 = arith.muli %arg0, %mul3A_56 : i32
    %add3A_58 = arith.addi %mul3A_57, %add3A_55 : i32
    "tpu.region"() ({
      %run_scoped3A_66 = tpu.sem_alloc : memref<!tpu.dma_semaphore, #tpu.memory_space<semaphore_mem>>
      %dma_start3A_67 = arith.constant 0 : i32
      %dma_start3A_68 = tpu.memref_slice %arg5[%add3A_58, %dma_start3A_67] : memref<20480x128xf32, #tpu.memory_space<hbm>> -> memref<128x128xf32, #tpu.memory_space<hbm>>
      %dma_start3A_69 = arith.constant 0 : i32
      %dma_start3A_70 = tpu.memref_slice %arg11[%add3A_55, %dma_start3A_69] : memref<10240x128xf32, #tpu.memory_space<vmem_shared>> -> memref<128x128xf32, #tpu.memory_space<vmem_shared>>
      tpu.enqueue_dma source(%dma_start3A_70 : memref<128x128xf32, #tpu.memory_space<vmem_shared>>) target(%dma_start3A_68 : memref<128x128xf32, #tpu.memory_space<hbm>>) target_semaphore(%run_scoped3A_66 : memref<!tpu.dma_semaphore, #tpu.memory_space<semaphore_mem>>)
      %dma_wait3A_71 = arith.constant 0 : i32
      %dma_wait3A_72 = tpu.memref_slice %arg5[%add3A_58, %dma_wait3A_71] : memref<20480x128xf32, #tpu.memory_space<hbm>> -> memref<128x128xf32, #tpu.memory_space<hbm>>
      %dma_wait3A_73 = arith.constant 0 : i32
      %dma_wait3A_74 = tpu.memref_slice %arg11[%add3A_55, %dma_wait3A_73] : memref<10240x128xf32, #tpu.memory_space<vmem_shared>> -> memref<128x128xf32, #tpu.memory_space<vmem_shared>>
      tpu.wait_dma2 semaphore(%run_scoped3A_66 : memref<!tpu.dma_semaphore, #tpu.memory_space<semaphore_mem>>) src(%dma_wait3A_74 : memref<128x128xf32, #tpu.memory_space<vmem_shared>>) dst(%dma_wait3A_72 : memref<128x128xf32, #tpu.memory_space<hbm>>)
      tpu.yield
    }) : () -> ()
    %mul3A_59 = arith.constant 640 : i32
    %mul3A_60 = arith.muli %arg1, %mul3A_59 : i32
    %add3A_61 = arith.constant 512 : i32
    %add3A_62 = arith.addi %mul3A_60, %add3A_61 : i32
    %mul3A_63 = arith.constant 10240 : i32
    %mul3A_64 = arith.muli %arg0, %mul3A_63 : i32
    %add3A_65 = arith.addi %mul3A_64, %add3A_62 : i32
    "tpu.region"() ({
      %run_scoped3A_66 = tpu.sem_alloc : memref<!tpu.dma_semaphore, #tpu.memory_space<semaphore_mem>>
      %dma_start3A_67 = arith.constant 0 : i32
      %dma_start3A_68 = tpu.memref_slice %arg5[%add3A_65, %dma_start3A_67] : memref<20480x128xf32, #tpu.memory_space<hbm>> -> memref<128x128xf32, #tpu.memory_space<hbm>>
      %dma_start3A_69 = arith.constant 0 : i32
      %dma_start3A_70 = tpu.memref_slice %arg11[%add3A_62, %dma_start3A_69] : memref<10240x128xf32, #tpu.memory_space<vmem_shared>> -> memref<128x128xf32, #tpu.memory_space<vmem_shared>>
      tpu.enqueue_dma source(%dma_start3A_70 : memref<128x128xf32, #tpu.memory_space<vmem_shared>>) target(%dma_start3A_68 : memref<128x128xf32, #tpu.memory_space<hbm>>) target_semaphore(%run_scoped3A_66 : memref<!tpu.dma_semaphore, #tpu.memory_space<semaphore_mem>>)
      %dma_wait3A_71 = arith.constant 0 : i32
      %dma_wait3A_72 = tpu.memref_slice %arg5[%add3A_65, %dma_wait3A_71] : memref<20480x128xf32, #tpu.memory_space<hbm>> -> memref<128x128xf32, #tpu.memory_space<hbm>>
      %dma_wait3A_73 = arith.constant 0 : i32
      %dma_wait3A_74 = tpu.memref_slice %arg11[%add3A_62, %dma_wait3A_73] : memref<10240x128xf32, #tpu.memory_space<vmem_shared>> -> memref<128x128xf32, #tpu.memory_space<vmem_shared>>
      tpu.wait_dma2 semaphore(%run_scoped3A_66 : memref<!tpu.dma_semaphore, #tpu.memory_space<semaphore_mem>>) src(%dma_wait3A_74 : memref<128x128xf32, #tpu.memory_space<vmem_shared>>) dst(%dma_wait3A_72 : memref<128x128xf32, #tpu.memory_space<hbm>>)
      tpu.yield
    }) : () -> ()
    return
  }
}

module attributes {stable_mosaic.version = 14 : i64} {
  func.func @body(%arg0: i32, %arg1: memref<2048x128xf32, #tpu.memory_space<vmem>>, %arg2: memref<2x2048xf32, #tpu.memory_space<vmem>>, %arg3: memref<2048x128xf32, #tpu.memory_space<vmem>>, %arg4: memref<2048x8xf32, #tpu.memory_space<vmem>>) attributes {dimension_semantics = [#tpu.dimension_semantics<arbitrary>], iteration_bounds = array<i64: 5>, scalar_prefetch = 0 : i64, scratch_operands = 0 : i64, tpu.core_type = #tpu.core_type<tc>, window_params = [{transform_indices = @transform_0, window_bounds = array<i64: 2048, 128>}, {transform_indices = @transform_1, window_bounds = array<i64: 2, 2048>}, {transform_indices = @transform_2, window_bounds = array<i64: 2048, 128>}, {transform_indices = @transform_3, window_bounds = array<i64: 2048, 8>}]} {
    %get3A = arith.constant 0 : index
    %get3A_0 = arith.constant 0 : index
    %get3A_1 = vector.load %arg2[%get3A, %get3A_0] : memref<2x2048xf32, #tpu.memory_space<vmem>>, vector<1x2048xf32>
    %get3A_2 = vector.shape_cast %get3A_1 : vector<1x2048xf32> to vector<2048xf32>
    %get3A_3 = arith.constant 1 : index
    %get3A_4 = arith.constant 0 : index
    %get3A_5 = vector.load %arg2[%get3A_3, %get3A_4] : memref<2x2048xf32, #tpu.memory_space<vmem>>, vector<1x2048xf32>
    %get3A_6 = vector.shape_cast %get3A_5 : vector<1x2048xf32> to vector<2048xf32>
    %add3A = arith.addf %get3A_2, %get3A_6 : vector<2048xf32>
    %gt3A = arith.constant 0.000000e+00 : f32
    %gt3A_7 = vector.broadcast %gt3A : f32 to vector<2048xf32>
    %gt3A_8 = arith.cmpf ogt, %add3A, %gt3A_7 : vector<2048xf32>
    %rsqrt3A = math.rsqrt %add3A : vector<2048xf32>
    %jit3A = arith.constant 0.000000e+00 : f32
    %broadcast_in_dim3A = vector.broadcast %jit3A : f32 to vector<2048xf32>
    %select_n3A = arith.select %gt3A_8, %rsqrt3A, %broadcast_in_dim3A : vector<2048xi1>, vector<2048xf32>
    %broadcast_in_dim3A_9 = vector.shape_cast %select_n3A : vector<2048xf32> to vector<2048x1xf32>
    %broadcast_in_dim3A_10 = vector.shape_cast %broadcast_in_dim3A_9 : vector<2048x1xf32> to vector<2048x1xf32>
    %broadcast_in_dim3A_11 = vector.broadcast %broadcast_in_dim3A_10 : vector<2048x1xf32> to vector<2048x8xf32>
    %swap3A = arith.constant 0 : index
    %swap3A_12 = arith.constant 0 : index
    %swap3A_13 = vector.load %arg4[%swap3A, %swap3A_12] : memref<2048x8xf32, #tpu.memory_space<vmem>>, vector<2048x8xf32>
    tpu.vector_store %arg4[%swap3A, %swap3A_12], %broadcast_in_dim3A_11 {strides = array<i32>} : memref<2048x8xf32, #tpu.memory_space<vmem>>, vector<2048x8xf32>,
    %get3A_14 = arith.constant 0 : index
    %get3A_15 = arith.constant 0 : index
    %get3A_16 = vector.load %arg1[%get3A_14, %get3A_15] : memref<2048x128xf32, #tpu.memory_space<vmem>>, vector<2048x128xf32>
    %broadcast_in_dim3A_17 = vector.shape_cast %select_n3A : vector<2048xf32> to vector<2048x1xf32>
    %mul3A = vector.broadcast %broadcast_in_dim3A_17 : vector<2048x1xf32> to vector<2048x128xf32>
    %mul3A_18 = arith.mulf %get3A_16, %mul3A : vector<2048x128xf32>
    %swap3A_19 = arith.constant 0 : index
    %swap3A_20 = arith.constant 0 : index
    %swap3A_21 = vector.load %arg3[%swap3A_19, %swap3A_20] : memref<2048x128xf32, #tpu.memory_space<vmem>>, vector<2048x128xf32>
    tpu.vector_store %arg3[%swap3A_19, %swap3A_20], %mul3A_18 {strides = array<i32>} : memref<2048x128xf32, #tpu.memory_space<vmem>>, vector<2048x128xf32>,
    return
  }
  func.func @transform_0(%arg0: i32) -> (i32, i32) {
    %c0_i32 = arith.constant 0 : i32
    %c0_i32_0 = arith.constant 0 : i32
    return %arg0, %c0_i32 : i32, i32
  }
  func.func @transform_1(%arg0: i32) -> (i32, i32) {
    %c0_i32 = arith.constant 0 : i32
    %c0_i32_0 = arith.constant 0 : i32
    return %c0_i32, %arg0 : i32, i32
  }
  func.func @transform_2(%arg0: i32) -> (i32, i32) {
    %c0_i32 = arith.constant 0 : i32
    %c0_i32_0 = arith.constant 0 : i32
    return %arg0, %c0_i32 : i32, i32
  }
  func.func @transform_3(%arg0: i32) -> (i32, i32) {
    %c0_i32 = arith.constant 0 : i32
    %c0_i32_0 = arith.constant 0 : i32
    return %arg0, %c0_i32 : i32, i32
  }
}

module attributes {stable_mosaic.version = 14 : i64} {
  func.func @body(%arg0: i32, %arg1: memref<2x2048x128xf32, #tpu.memory_space<vmem>>, %arg2: memref<2048x8xf32, #tpu.memory_space<vmem>>, %arg3: memref<2048x128xf32, #tpu.memory_space<vmem>>) attributes {dimension_semantics = [#tpu.dimension_semantics<arbitrary>], iteration_bounds = array<i64: 5>, scalar_prefetch = 0 : i64, scratch_operands = 0 : i64, tpu.core_type = #tpu.core_type<tc>, window_params = [{transform_indices = @transform_0, window_bounds = array<i64: 2, 2048, 128>}, {transform_indices = @transform_1, window_bounds = array<i64: 2048, 8>}, {transform_indices = @transform_2, window_bounds = array<i64: 2048, 128>}]} {
    %get3A = arith.constant 0 : index
    %get3A_0 = arith.constant 0 : index
    %get3A_1 = vector.load %arg2[%get3A, %get3A_0] : memref<2048x8xf32, #tpu.memory_space<vmem>>, vector<2048x1xf32>
    %get3A_2 = arith.constant 0 : index
    %get3A_3 = arith.constant 0 : index
    %get3A_4 = arith.constant 0 : index
    %get3A_5 = vector.load %arg1[%get3A_2, %get3A_3, %get3A_4] : memref<2x2048x128xf32, #tpu.memory_space<vmem>>, vector<1x2048x128xf32>
    %get3A_6 = vector.shape_cast %get3A_5 : vector<1x2048x128xf32> to vector<2048x128xf32>
    %get3A_7 = arith.constant 1 : index
    %get3A_8 = arith.constant 0 : index
    %get3A_9 = arith.constant 0 : index
    %get3A_10 = vector.load %arg1[%get3A_7, %get3A_8, %get3A_9] : memref<2x2048x128xf32, #tpu.memory_space<vmem>>, vector<1x2048x128xf32>
    %get3A_11 = vector.shape_cast %get3A_10 : vector<1x2048x128xf32> to vector<2048x128xf32>
    %add3A = arith.addf %get3A_6, %get3A_11 : vector<2048x128xf32>
    %mul3A = arith.mulf %get3A_1, %get3A_1 : vector<2048x1xf32>
    %mul3A_12 = vector.broadcast %mul3A : vector<2048x1xf32> to vector<2048x128xf32>
    %mul3A_13 = arith.mulf %add3A, %mul3A_12 : vector<2048x128xf32>
    %swap3A = arith.constant 0 : index
    %swap3A_14 = arith.constant 0 : index
    %swap3A_15 = vector.load %arg3[%swap3A, %swap3A_14] : memref<2048x128xf32, #tpu.memory_space<vmem>>, vector<2048x128xf32>
    tpu.vector_store %arg3[%swap3A, %swap3A_14], %mul3A_13 {strides = array<i32>} : memref<2048x128xf32, #tpu.memory_space<vmem>>, vector<2048x128xf32>,
    return
  }
  func.func @transform_0(%arg0: i32) -> (i32, i32, i32) {
    %c0_i32 = arith.constant 0 : i32
    %c0_i32_0 = arith.constant 0 : i32
    %c0_i32_1 = arith.constant 0 : i32
    return %c0_i32, %arg0, %c0_i32_0 : i32, i32, i32
  }
  func.func @transform_1(%arg0: i32) -> (i32, i32) {
    %c0_i32 = arith.constant 0 : i32
    %c0_i32_0 = arith.constant 0 : i32
    return %arg0, %c0_i32 : i32, i32
  }
  func.func @transform_2(%arg0: i32) -> (i32, i32) {
    %c0_i32 = arith.constant 0 : i32
    %c0_i32_0 = arith.constant 0 : i32
    return %arg0, %c0_i32 : i32, i32
  }
}

module attributes {stable_mosaic.version = 14 : i64} {
  func.func @body(%arg0: i32, %arg1: memref<2x2000x128xf32, #tpu.memory_space<vmem>>, %arg2: memref<2000x8xf32, #tpu.memory_space<vmem>>, %arg3: memref<128x128xf32, #tpu.memory_space<vmem>>, %arg4: memref<1x128xf32, #tpu.memory_space<vmem>>, %arg5: memref<2000x128xf32, #tpu.memory_space<vmem>>) attributes {dimension_semantics = [#tpu.dimension_semantics<arbitrary>], iteration_bounds = array<i64: 5>, scalar_prefetch = 0 : i64, scratch_operands = 0 : i64, tpu.core_type = #tpu.core_type<tc>, window_params = [{transform_indices = @transform_0, window_bounds = array<i64: 2, 2000, 128>}, {transform_indices = @transform_1, window_bounds = array<i64: 2000, 8>}, {pipeline_mode = #tpu.pipeline_mode<synchronous>, transform_indices = @transform_2, window_bounds = array<i64: 128, 128>}, {pipeline_mode = #tpu.pipeline_mode<synchronous>, transform_indices = @transform_3, window_bounds = array<i64: 1, 128>}, {transform_indices = @transform_4, window_bounds = array<i64: 2000, 128>}]} {
    %get3A = arith.constant 0 : index
    %get3A_0 = arith.constant 0 : index
    %get3A_1 = arith.constant 0 : index
    %get3A_2 = vector.load %arg1[%get3A, %get3A_0, %get3A_1] : memref<2x2000x128xf32, #tpu.memory_space<vmem>>, vector<1x2000x128xf32>
    %get3A_3 = vector.shape_cast %get3A_2 : vector<1x2000x128xf32> to vector<2000x128xf32>
    %get3A_4 = arith.constant 1 : index
    %get3A_5 = arith.constant 0 : index
    %get3A_6 = arith.constant 0 : index
    %get3A_7 = vector.load %arg1[%get3A_4, %get3A_5, %get3A_6] : memref<2x2000x128xf32, #tpu.memory_space<vmem>>, vector<1x2000x128xf32>
    %get3A_8 = vector.shape_cast %get3A_7 : vector<1x2000x128xf32> to vector<2000x128xf32>
    %add3A = arith.addf %get3A_3, %get3A_8 : vector<2000x128xf32>
    %get3A_9 = arith.constant 0 : index
    %get3A_10 = arith.constant 0 : index
    %get3A_11 = vector.load %arg2[%get3A_9, %get3A_10] : memref<2000x8xf32, #tpu.memory_space<vmem>>, vector<2000x1xf32>
    %mul3A = vector.broadcast %get3A_11 : vector<2000x1xf32> to vector<2000x128xf32>
    %mul3A_12 = arith.mulf %add3A, %mul3A : vector<2000x128xf32>
    %get3A_13 = arith.constant 0 : index
    %get3A_14 = arith.constant 0 : index
    %get3A_15 = vector.load %arg3[%get3A_13, %get3A_14] : memref<128x128xf32, #tpu.memory_space<vmem>>, vector<128x128xf32>
    %dot_general3A = arith.constant dense<0.000000e+00> : vector<2000x128xf32>
    %dot_general3A_16 = tpu.matmul %mul3A_12, %get3A_15, %dot_general3A {dimension_numbers = #tpu.dot_dimension_numbers<[1], [1], [0], [0], [0, 0, 1, 0], [], []>, precision = #tpu.contract_precision<fp32>, transpose_lhs_hint = false} : vector<2000x128xf32>, vector<128x128xf32>, vector<2000x128xf32> -> vector<2000x128xf32>
    %get3A_17 = arith.constant 0 : index
    %get3A_18 = arith.constant 0 : index
    %get3A_19 = vector.load %arg4[%get3A_17, %get3A_18] : memref<1x128xf32, #tpu.memory_space<vmem>>, vector<1x128xf32>
    %add3A_20 = vector.broadcast %get3A_19 : vector<1x128xf32> to vector<2000x128xf32>
    %add3A_21 = arith.addf %dot_general3A_16, %add3A_20 : vector<2000x128xf32>
    %swap3A = arith.constant 0 : index
    %swap3A_22 = arith.constant 0 : index
    %swap3A_23 = vector.load %arg5[%swap3A, %swap3A_22] : memref<2000x128xf32, #tpu.memory_space<vmem>>, vector<2000x128xf32>
    tpu.vector_store %arg5[%swap3A, %swap3A_22], %add3A_21 {strides = array<i32>} : memref<2000x128xf32, #tpu.memory_space<vmem>>, vector<2000x128xf32>,
    return
  }
  func.func @transform_0(%arg0: i32) -> (i32, i32, i32) {
    %c0_i32 = arith.constant 0 : i32
    %c0_i32_0 = arith.constant 0 : i32
    %c0_i32_1 = arith.constant 0 : i32
    return %c0_i32, %arg0, %c0_i32_0 : i32, i32, i32
  }
  func.func @transform_1(%arg0: i32) -> (i32, i32) {
    %c0_i32 = arith.constant 0 : i32
    %c0_i32_0 = arith.constant 0 : i32
    return %arg0, %c0_i32 : i32, i32
  }
  func.func @transform_2(%arg0: i32) -> (i32, i32) {
    %c0_i32 = arith.constant 0 : i32
    %c0_i32_0 = arith.constant 0 : i32
    %c0_i32_1 = arith.constant 0 : i32
    return %c0_i32, %c0_i32_0 : i32, i32
  }
  func.func @transform_3(%arg0: i32) -> (i32, i32) {
    %c0_i32 = arith.constant 0 : i32
    %c0_i32_0 = arith.constant 0 : i32
    %c0_i32_1 = arith.constant 0 : i32
    return %c0_i32, %c0_i32_0 : i32, i32
  }
  func.func @transform_4(%arg0: i32) -> (i32, i32) {
    %c0_i32 = arith.constant 0 : i32
    %c0_i32_0 = arith.constant 0 : i32
    return %arg0, %c0_i32 : i32, i32
  }
}

</mosaic_0001>

<sc_bundles>
// kernel: kernel.11.cloned.1.call-start
scs
__scs_entry_jumppad:
0x0: {  	(pc) =	sbr.rel $0x88, $3  }
0x1: {  	(tag) =	ssettag $0x0;
	lr =	simm.s32 $0x1  }
0x2: {  	[smem:$0x3F9D] =	sst lr;
	_ =	strace $0xD0000000  }
0x3: {  	_ = 	snop  }
0x4: {  	_ = 	snop  }
0x5: {  	_ = 	snop  }
0x6: {  	_ = 	snop  }
0x7: {  	_ = 	snop  }
__scs_overlays_trampoline_lowered:
0x8: {  	[smem:$0x3FAC] =	sst s0  }
0x9: {  	[smem:$0x3FAD] =	sst s1  }
0xa: {  	[smem:$0x3FAE] =	sst s2  }
0xb: {  	[smem:$0x3FAF] =	sst s3  }
0xc: {  	[smem:$0x3FB0] =	sst s4  }
0xd: {  	[smem:$0x3FB1] =	sst s5  }
0xe: {  	[smem:$0x3FB2] =	sst s6  }
0xf: {  	[smem:$0x3FB3] =	sst s7  }
0x10: {  	[smem:$0x3FB4] =	sst s8  }
0x11: {  	[smem:$0x3FB5] =	sst s9;
	s0 =	simm.s32 @!p0 $0x0  }
0x12: {  	s1 =	sld [smem:$0x3F9B];
	s0 =	simm.s32 @p0 $0x1  }
0x13: {  	[smem:$0x3FB6] =	sst s0;
	s0 =	simm.s32 @!p1 $0x0  }
0x14: {  	s2 =	sld [smem:$0x3F9A];
	s0 =	simm.s32 @p1 $0x1  }
0x15: {  	[smem:$0x3FB7] =	sst s0;
	s0 =	simm.s32 @!p2 $0x0  }
0x16: {  	s3 =	sld [smem:$0x3FDB];
	s0 =	simm.s32 @p2 $0x1  }
0x17: {  	s4 =	simm.s32 $0x1BF5;
	[smem:$0x3FB9] =	sst s0  }
0x18: {  	s0 =	sld [smem:$0x3F9C];
	_ =	swait.ge [sflag:s4], $0x0  }
0x19: {  	s7 =	sld [smem:$0x3F9D]  }
0x1a: {  	s8 =	sadd.s32 $0xFFFFE003, lr  }
0x1b: {  	s9 =	sadd.s32 $0xFFFFFEF7, lr;
	s5 =	simm.s32 $0xFFFFFFFF;
	p2 =	slt.u32 s8, $0xFFFFF086  }
0x1c: {  	p1 =	slt.u32 s9, $0xF7A;
	s5 =	simm.s32 @!p2 $0x0  }
0x1d: {  	s5 =	simm.s32 @p1 $0x1;
	p0 =	seq.s32 s7, s2  }
0x1e: {  	s7 =	smul.u32 @!p0 $0xF7A, s2;
	p2 =	seq.s32 @!p0 s5, $0x0  }
0x1f: {  	s9 =	smul.u32 $0xF7A, s1;
	s8 =	simm.s32 @!p0 $0x1BF5;
	p2 =	por !p2, p0  }
0x20: {  	[sflag:s8] =	ssyncset.s32 @!p0 $0xFFFFF086;
	s6 =	sadd.s32 @!p0 s3, s7;
	s7 =	simm.s32 @!p0 $0x108  }
0x21: {  	s3 =	sadd.s32 s3, s9;
	s6 =	sadd.s32 @!p0 $0x88, s6;
	s7 =	simm.s32 @p2 $0x1082  }
0x22: {  	[simem:s7], [sflag:s8] =	dma.local @!p0 [hbm:s6], $0xF7A  }
0x23: {  	s9 =	sor.u32 $0xD0000000, s2;
	s6 =	simm.s32 $0x108;
	_ =	swait.ge @!p0 [sflag:s8], $0x0  }
0x24: {  	s3 =	sadd.s32 $0x88, s3;
	s6 =	simm.s32 @!p1 $0x1082;
	[sflag:s4] =	ssyncset.s32 $0xFFFFF086  }
0x25: {  	[simem:s6], [sflag:s4] =	dma.local [hbm:s3], $0xF7A  }
0x26: {  	[smem:$0x3F9D] =	sst s1;
	(tag) =	ssettag s2;
	_ =	strace s9  }
0x27: {  	s1 =	sld [smem:$0x3FAD]  }
0x28: {  	s2 =	sld [smem:$0x3FAE]  }
0x29: {  	s4 =	sld [smem:$0x3FB0]  }
0x2a: {  	p0 =	seq.s32 s5, $0x0;
	s5 =	sld [smem:$0x3FB1]  }
0x2b: {  	s6 =	sld [smem:$0x3FB2]  }
0x2c: {  	s7 =	sld [smem:$0x3FB3]  }
0x2d: {  	s3 =	simm.s32 $0x108;
	s8 =	sld [smem:$0x3FB4]  }
0x2e: {  	s3 =	simm.s32 @!p0 $0x1082;
	s9 =	sld [smem:$0x3FB5]  }
0x2f: {  	lr =	sadd.s32 s0, s3;
	s0 =	sld [smem:$0x3FAC]  }
0x30: {  	s3 =	sld [smem:$0x3FAF]  }
0x31: {  	[smem:$0x3FB8] =	sst s10  }
0x32: {  	s10 =	sld [smem:$0x3FB6];
	_ =	sdelay $0x3  }
0x33: {  	p0 =	seq.s32 s10, $0x1;
	s10 =	sld [smem:$0x3FB8];
	_ =	sdelay $0x3  }
0x34: {  	[smem:$0x3FB8] =	sst s10  }
0x35: {  	s10 =	sld [smem:$0x3FB7];
	_ =	sdelay $0x3  }
0x36: {  	p1 =	seq.s32 s10, $0x1;
	s10 =	sld [smem:$0x3FB8];
	_ =	sdelay $0x3  }
0x37: {  	[smem:$0x3FB8] =	sst s10  }
0x38: {  	s10 =	sld [smem:$0x3FB9]  }
0x39: {  	_ = 	snop;
	(pc) =	sbr.ind lr, $3  }
0x3a: {  	_ = 	snop  }
0x3b: {  	_ = 	snop  }
0x3c: {  	p2 =	seq.s32 s10, $0x1;
	s10 =	sld [smem:$0x3FB8]  }
0x3d: {  	_ =	shalt  }
0x3e: {  	_ =	shalt  }
0x3f: {  	_ =	shalt  }
0x40: {  	_ =	shalt  }
0x41: {  	_ =	shalt  }
0x42: {  	_ =	shalt  }
0x43: {  	_ =	shalt  }
0x44: {  	_ =	shalt  }
0x45: {  	_ =	shalt  }
0x46: {  	_ =	shalt  }
0x47: {  	_ =	shalt  }
0x48: {  	_ =	shalt  }
0x49: {  	_ =	shalt  }
0x4a: {  	_ =	shalt  }
0x4b: {  	_ =	shalt  }
0x4c: {  	_ =	shalt  }
0x4d: {  	_ =	shalt  }
0x4e: {  	_ =	shalt  }
0x4f: {  	_ =	shalt  }
0x50: {  	_ =	shalt  }
0x51: {  	_ =	shalt  }
0x52: {  	_ =	shalt  }
0x53: {  	_ =	shalt  }
0x54: {  	_ =	shalt  }
0x55: {  	_ =	shalt  }
0x56: {  	_ =	shalt  }
0x57: {  	_ =	shalt  }
0x58: {  	_ =	shalt  }
0x59: {  	_ =	shalt  }
0x5a: {  	_ =	shalt  }
0x5b: {  	_ =	shalt  }
0x5c: {  	_ =	shalt  }
0x5d: {  	_ =	shalt  }
0x5e: {  	_ =	shalt  }
0x5f: {  	_ =	shalt  }
0x60: {  	_ =	shalt  }
0x61: {  	_ =	shalt  }
0x62: {  	_ =	shalt  }
0x63: {  	_ =	shalt  }
0x64: {  	_ =	shalt  }
0x65: {  	_ =	shalt  }
0x66: {  	_ =	shalt  }
0x67: {  	_ =	shalt  }
0x68: {  	_ =	shalt  }
0x69: {  	_ =	shalt  }
0x6a: {  	_ =	shalt  }
0x6b: {  	_ =	shalt  }
0x6c: {  	_ =	shalt  }
0x6d: {  	_ =	shalt  }
0x6e: {  	_ =	shalt  }
0x6f: {  	_ =	shalt  }
0x70: {  	_ =	shalt  }
0x71: {  	_ =	shalt  }
0x72: {  	_ =	shalt  }
0x73: {  	_ =	shalt  }
0x74: {  	_ =	shalt  }
0x75: {  	_ =	shalt  }
0x76: {  	_ =	shalt  }
0x77: {  	_ =	shalt  }
0x78: {  	_ =	shalt  }
0x79: {  	_ =	shalt  }
0x7a: {  	_ =	shalt  }
0x7b: {  	_ =	shalt  }
0x7c: {  	_ =	shalt  }
0x7d: {  	_ =	shalt  }
0x7e: {  	_ =	shalt  }
0x7f: {  	_ =	shalt  }
0x80: {  	_ =	shalt  }
0x81: {  	_ =	shalt  }
0x82: {  	_ =	shalt  }
0x83: {  	_ =	shalt  }
0x84: {  	_ =	shalt  }
0x85: {  	_ =	shalt  }
0x86: {  	_ =	shalt  }
0x87: {  	_ =	shalt  }
.Lfunc_end0:
.L_simem_size_0:
called_computation.1_lowered:
.L_overlay_start_0:
0x88: {  	s2 =	sld [smem:$0x3FD9]  }
0x89: {  	s3 =	sld [smem:$0x3FFE];
	_ =	sdelay $0x1  }
0x8a: {  	s1 =	srdreg.scid  }
0x8b: {  	s0 =	sand.u32 $0x1, s1  }
0x8c: {  	s17 =	sshll.u32 s0, $0xA;
	s2 =	sadd.s32 s3, s2  }
0x8d: {  	s2 =	sadd.s32 s2, s17  }
0x8e: {  	[smem:$0x3FC4] =	sst s2  }
0x8f: {  	_ = 	snop  }
0x90: {  	s2 =	sld [smem:$0x3FD0];
	(tm) =	ssettm $0x1  }
0x91: {  	s18 =	sld [smem:$0x3FFB];
	_ =	sdelay $0x3  }
0x92: {  	_ =	strace s18  }
0x93: {  	s3 =	sld [smem:$0x3FFC];
	_ =	sdelay $0x3  }
0x94: {  	_ =	strace s3  }
0x95: {  	s3 =	sld [smem:$0x3FFD];
	_ =	sdelay $0x3  }
0x96: {  	_ =	strace s3  }
0x97: {  	_ =	strace $0x8FFFFFFF  }
0x98: {  	s19 =	sld [smem:$0x3FDB];
	_ =	sdelay $0x1  }
0x99: {  	s4 =	simm.s32 $_scs_section_size  }
0x9a: {  	s5 =	simm.s32 $_size__tile_overlayer_lowered;
	s6 =	simm.s32 $_tile_overlayer_lowered  }
0x9b: {  	s22 =	simm.s32 $0x1BFF;
	s21 =	sshll.u32 s6, $0x1;
	s3 =	sadd.s32 s4, s19  }
0x9c: {  	s7 =	simm.s32 $0x0;
	s20 =	sshll.u32 s5, $0x1;
	s5 =	sadd.s32 s21, s3  }
0x9d: {  	[timem:s7], [sflag:s22] =	dma.local [hbm:s5], s20  }
0x9e: {  	_ =	swait.ge [sflag:s22], s20  }
0x9f: {  	s4 =	ssub.s32 $0x0, s20;
	[sflag:s22] =	ssyncset.done $0x0  }
0xa0: {  	[sflag:s22] =	ssyncadd.s32 s4;
	_ =	sdelay $0x1  }
0xa1: {  	s23 =	simm.s32 $0x1B8B  }
0xa2: {  	_ =	swait.ge [sflag:s23], $0x1  }
0xa3: {  	[sflag:s23] =	ssyncset.done $0x0  }
0xa4: {  	s25 =	simm.s32 $0x1B8E;
	s24 =	sld [smem:$0x3FFE];
	[sflag:s23] =	ssyncadd.s32 $0xFFFFFFFF  }
0xa5: {  	s26 =	simm.s32 $execute0_lowered;
	[smem:$0x3FD2] =	sst s25  }
0xa6: {  	s5 =	sshll.u32 s26, $0x1;
	_ =	strace $0x80000049;
	[dreg:$0x1] =	wrdreg $0xFFFFFFFF  }
0xa7: {  	s28 =	simm.s32 $_size_execute0_lowered;
	s3 =	sadd.s32 s3, s5;
	[dreg:$0x0] =	wrdreg $0x0  }
0xa8: {  	s5 =	sshll.u32 s28, $0x1;
	[dreg:$0x2] =	wrdreg s3  }
0xa9: {  	[dreg:$0x3] =	wrdreg s5  }
0xaa: {  	[dreg:$0x4] =	wrdreg $0xC0  }
0xab: {  	_ =	task [dreg:s7], $0x5FFFF  }
0xac: {  	[dreg:$0x1] =	wrdreg $0xFFFFFFFF  }
0xad: {  	[dreg:$0x0] =	wrdreg $0x60  }
0xae: {  	[dreg:$0x2] =	wrdreg s24  }
0xaf: {  	[dreg:$0x3] =	wrdreg s2  }
0xb0: {  	[dreg:$0x4] =	wrdreg $0xB8000  }
0xb1: {  	[dreg:$0x5] =	wrdreg $0x9  }
0xb2: {  	_ =	task.clear_ibuf [dreg:s7], $0x6FFFF;
	_ =	strace $0x90000049  }
0xb3: {  	s29 =	simm.s32 $0x9;
	_ =	strace $0x8000004B  }
0xb4: {  	_ =	swait.ge [sflag:s29], $0x1  }
0xb5: {  	[sflag:s29] =	ssyncadd.s32 $0xFFFFFFFF  }
0xb6: {  	_ =	strace $0x9000004B  }
0xb7: {  	_ =	sfence  }
0xb8: {  	s30 =	sld [smem:$0x0];
	_ =	sdelay $0x2  }
0xb9: {  	s31 =	sshll.u32 s1, $0xD;
	s1 =	sshrl.u32 s1, $0x2  }
0xba: {  	s3 =	sand.u32 $0x4000, s31;
	s1 =	sadd.s32 s1, s30  }
0xbb: {  	s0 =	sor.u32 s3, s0;
	s1 =	sshll.u32 s1, $0x11  }
0xbc: {  	s0 =	sor.u32 s1, s0  }
0xbd: {  	s0 =	sadd.s32 $0x8F2B, s0  }
0xbe: {  	[sflag:s0] =	ssyncadd.remote.s32 $0x1  }
0xbf: {  	_ =	sfence.sel $0xFFFF  }
0xc0: {  	[dreg:$0x0] =	wrdreg $0xFFFFFFFF;
	(pc) =	sbr.abs _section_cstart, $3  }
0xc1: {  	[dreg:$0x1] =	wrdreg $0xFFFFFFFF  }
0xc2: {  	_ =	task.clear_ibuf [dreg:s7], $0x2FFFF;
	_ =	strace $0x9FFFFFFF  }
0xc3: {  	(tm) =	ssettm $0x7FFFFFFF  }
tec
execute0_lowered:
.L_overlay_start_1:
0x0: {  	(tag) =	ssettag $0x1  }
0x1: {  	s0 =	rddreg [dreg:$0x0]  }
0x2: {  	s9 =	rddreg [dreg:$0x1]  }
0x3: {  	s1 =	rddreg [dreg:$0x2];
	s2 =	simm.s32 $0x0  }
0x4: {  	s3 =	srdreg.scid;
	s8 =	stileid.u32;
	s28 =	simm.s32 $0x8000  }
0x5: {  	s29 =	simm.s32 $0x1;
	s30 =	simm.s32 $0x4;
	s31 =	simm.s32 $0x2  }
0x6: {  	[smem:$0x7FF] =	sst s2;
	s4 =	sadd.s32 $0x1A00, s0;
	s6 =	sand.u32 $0x1, s3  }
0x7: {  	s19 =	sadd.s32 $0x29A00, s0;
	s7 =	smul.u32 $0x50000, s8;
	s3 =	sadd.s32 $0x2C200, s0  }
0x8: {  	s10 =	smul.u32 $0x280, s8;
	s22 =	sshll.u32 s8, $0x10;
	s23 =	sshll.u32 s8, $0x6  }
0x9: {  	_ =	strace $0x8000004A;
	[dreg:$0x18] =	wrdreg s19;
	s5 =	ssub.s32 $0x2, s6  }
0xa: {  	s11 =	smul.u32 $0x2800, s6;
	s6 =	sshll.u32 s6, $0xF;
	s19 =	simm.s32 $0x100  }
0xb: {  	s20 =	sshrl.u32 s5, $0x1;
	s21 =	sshrl.u32 s7, $0x2;
	s12 =	sor.u32 s6, s22  }
0xc: {  	s7 =	sor.u32 $0x1C08, s23;
	s25 =	sadd.s32 $0x80, s10;
	s14 =	sadd.s32 $0x100, s10  }
0xd: {  	[dreg:$0x6] =	wrdreg s19;
	s23 =	simm.s32 $0x480;
	s19 =	simm.s32 $0x980  }
0xe: {  	s5 =	ssub.s32 s5, s20;
	s0 =	sadd.s32 s21, s1;
	s24 =	sadd.s32 s10, s11  }
0xf: {  	s6 =	sshrl.u32 s12, $0x3;
	s26 =	sshll.u32 s25, $0x7;
	s13 =	sadd.s32 s11, s25  }
0x10: {  	s15 =	sshll.u32 s14, $0x7;
	s12 =	sor.u32 $0x1000, s12;
	[dreg:$0x8] =	wrdreg s23  }
0x11: {  	s16 =	sadd.s32 s11, s14;
	s20 =	sadd.s32 $0x180, s10;
	[dreg:$0x11] =	wrdreg s19  }
0x12: {  	s21 =	simm.s32 $0x180;
	s25 =	simm.s32 $0x500;
	[dreg:$0x19] =	wrdreg s0  }
0x13: {  	s10 =	sadd.s32 $0x200, s10;
	s14 =	simm.s32 $0x600;
	[dreg:$0x7] =	wrdreg s21  }
0x14: {  	s23 =	simm.s32 $0xA80;
	s19 =	simm.s32 $0x6;
	[dreg:$0xa] =	wrdreg s25  }
0x15: {  	s0 =	sshll.u32 s24, $0x4;
	s8 =	sadd.s32 s6, s9;
	[dreg:$0xd] =	wrdreg s14  }
0x16: {  	s13 =	sshll.u32 s13, $0x4;
	s24 =	simm.s32 $0x200;
	[dreg:$0x15] =	wrdreg s23  }
0x17: {  	s12 =	sshrl.u32 s12, $0x3;
	s5 =	smax.u32 s5, $0x1;
	[dreg:$0x9] =	wrdreg s24  }
0x18: {  	s22 =	sshll.u32 s20, $0x7;
	s21 =	simm.s32 $0xA00;
	[dreg:$0x1f] =	wrdreg s5  }
0x19: {  	s25 =	simm.s32 $0xE80;
	s0 =	sadd.s32 s3, s0;
	[dreg:$0x13] =	wrdreg s21  }
0x1a: {  	s6 =	sadd.s32 s3, s13;
	s17 =	sadd.s32 $0x100, s8;
	[dreg:$0x17] =	wrdreg s25  }
0x1b: {  	s13 =	sshll.u32 s16, $0x4;
	s9 =	sadd.s32 s12, s9;
	[dreg:$0x1a] =	wrdreg s0  }
0x1c: {  	s12 =	sadd.s32 s11, s20;
	s16 =	simm.s32 $0x880;
	[dreg:$0x1b] =	wrdreg s6  }
0x1d: {  	s20 =	simm.s32 $0xC80;
	s24 =	simm.s32 $0xD80;
	[dreg:$0x4] =	wrdreg s17  }
0x1e: {  	s21 =	simm.s32 $0x800;
	s5 =	simm.s32 $0x7;
	[dreg:$0x5] =	wrdreg s9  }
0x1f: {  	s0 =	sadd.s32 s26, s1;
	s6 =	sadd.s32 s15, s1;
	[dreg:$0xe] =	wrdreg s16  }
0x20: {  	s18 =	sadd.s32 s3, s13;
	s13 =	sadd.s32 s22, s1;
	[dreg:$0x12] =	wrdreg s20  }
0x21: {  	s12 =	sshll.u32 s12, $0x4;
	s26 =	simm.s32 $0x280;
	[dreg:$0x16] =	wrdreg s24  }
0x22: {  	s15 =	sshll.u32 s10, $0x7;
	s17 =	simm.s32 $0x680;
	[dreg:$0x1c] =	wrdreg s18  }
0x23: {  	s10 =	sadd.s32 s11, s10;
	s22 =	simm.s32 $0xD00;
	[dreg:$0xb] =	wrdreg s26  }
0x24: {  	s16 =	simm.s32 $0x400;
	s20 =	simm.s32 $0x4800;
	[dreg:$0xf] =	wrdreg s17  }
0x25: {  	s12 =	sadd.s32 s3, s12;
	s18 =	simm.s32 $0x900;
	[dreg:$0x14] =	wrdreg s22  }
0x26: {  	s10 =	sshll.u32 s10, $0x4;
	s17 =	simm.s32 $0x70;
	[dreg:$0x1d] =	wrdreg s12  }
0x27: {  	s0 =	sshrl.u32 s0, $0x3;
	s26 =	sshrl.u32 s6, $0x3;
	[dreg:$0x10] =	wrdreg s18  }
0x28: {  	s24 =	sshrl.u32 s13, $0x3;
	s6 =	simm.s32 $0x0;
	[smem:$0x7FC] =	sst s0  }
0x29: {  	s12 =	simm.s32 $0x580;
	s3 =	sadd.s32 s3, s10;
	[smem:$0x7FD] =	sst s26  }
0x2a: {  	s18 =	simm.s32 $0x1000;
	s26 =	simm.s32 $0xC00;
	[dreg:$0xc] =	wrdreg s12  }
0x2b: {  	s0 =	simm.s32 $0x5;
	s12 =	sadd.s32 s15, s1;
	[dreg:$0x1e] =	wrdreg s3  }
0x2c: {  	s15 =	simm.s32 $0x8;
	s3 =	simm.s32 $0x3;
	s25 =	sshrl.u32 s12, $0x3  }
.LBB2_1:
0x2d: {  	s9 =	rddreg [dreg:$0x19]  }
0x2e: {  	s10 =	rddreg [dreg:$0x18];
	s9 =	sshrl.u32 s9, $0x3  }
0x2f: {  	[spmem:s9], [sflag:s7] =	dma.local [hbm:s10], $0x2800  }
0x30: {  	_ =	swait.ge [sflag:s15], $0x2800  }
0x31: {  	[sflag:s15] =	ssyncset.done $0x0  }
0x32: {  	[sflag:s15] =	ssyncadd.s32 $0xFFFFD800  }
0x33: {  	[tilespmem:s2], [sflag:$0x8] =	stream.linear.gather [hbm4b:s8+s2], $0x300, $0x38;
	[tilespmem:$0x1F800] =	vst v63  }
0x34: {  	s14 =	sadd.s32 $0x80, s8  }
0x35: {  	[tilespmem:s16], [sflag:$0x8] =	stream.linear.gather [hbm4b:s14+s2], $0x300, $0x38;
	[tilespmem:$0x1F800] =	vst v63  }
0x36: {  	_ =	swait.ge [sflag:s15], $0x600  }
0x37: {  	[sflag:s15] =	ssyncset.done $0x0  }
0x38: {  	[sflag:s15] =	ssyncadd.s32 $0xFFFFFA00  }
0x39: {  	[bflag:$0x0] =	sbarrier.arrive $0xFFFF  }
0x3a: {  	[tilespmem:s18], [sflag:$0x1] =	stream.indirect.gather [hbm4b:s4+s17], $0x80, s2, s17, $0xb8;
	[tilespmem:$0x1F800] =	vst v63  }
0x3b: {  	s11 =	simm.s32 $0x80;
	s22 =	rddreg [dreg:$0x4]  }
0x3c: {  	[tilespmem:s20], [sflag:$0x2] =	stream.indirect.gather [hbm4b:s4+s17], $0x80, s11, s17, $0xb8;
	[tilespmem:$0x1F800] =	vst v63  }
0x3d: {  	s10 =	sadd.s32 $0x0, s22  }
0x3e: {  	[tilespmem:s21], [sflag:$0x7] =	stream.linear.gather [hbm4b:s10+s2], $0x300, $0x38;
	[tilespmem:$0x1F800] =	vst v63  }
0x3f: {  	p0 =	por $0x1, $0x1;
	s10 =	sadd.s32 $0x80, s10  }
0x40: {  	[tilespmem:s26], [sflag:$0x7] =	stream.linear.gather [hbm4b:s10+s2], $0x300, $0x38;
	[tilespmem:$0x1F800] =	vst v63  }
0x41: {  	s10 =	simm.s32 @!p0 $0x6  }
0x42: {  	_ =	swait.ge @!p0 [sflag:s10], $0x3800  }
0x43: {  	[sflag:s10] =	ssyncset.done @!p0 $0x0  }
0x44: {  	s23 =	rddreg [dreg:$0x6];
	[sflag:s10] =	ssyncadd.s32 @!p0 $0xFFFFC800  }
0x45: {  	[tilespmem:s28], [sflag:$0x3] =	stream.indirect.gather [hbm4b:s4+s17], $0x80, s23, s17, $0xb8;
	[tilespmem:$0x1F800] =	vst v63  }
0x46: {  	_ =	swait.ge [sflag:s29], $0x3800  }
0x47: {  	[sflag:s29] =	ssyncset.done $0x0  }
0x48: {  	[sflag:s29] =	ssyncadd.s32 $0xFFFFC800  }
0x49: {  	[spmem:s1] =	stream.indirect.scatter.add.f32 [tilespmem:s18], [sflag:$0x4], $0x80, s16, s17, $0xb8;
	[tilespmem:$0x1F800] =	vst v63  }
0x4a: {  	_ =	swait.ge [sflag:s30], $0x3800  }
0x4b: {  	[sflag:s30] =	ssyncset.done $0x0  }
0x4c: {  	s12 =	rddreg [dreg:$0x7];
	[sflag:s30] =	ssyncadd.s32 $0xFFFFC800  }
0x4d: {  	[tilespmem:s18], [sflag:$0x1] =	stream.indirect.gather [hbm4b:s4+s17], $0x80, s12, s17, $0xb8;
	[tilespmem:$0x1F800] =	vst v63  }
0x4e: {  	_ =	swait.ge [sflag:s31], $0x3800  }
0x4f: {  	[sflag:s31] =	ssyncset.done $0x0  }
0x50: {  	s13 =	rddreg [dreg:$0x8];
	[sflag:s31] =	ssyncadd.s32 $0xFFFFC800  }
0x51: {  	[spmem:s1] =	stream.indirect.scatter.add.f32 [tilespmem:s20], [sflag:$0x5], $0x80, s13, s17, $0xb8;
	[tilespmem:$0x1F800] =	vst v63  }
0x52: {  	_ =	swait.ge [sflag:s0], $0x3800  }
0x53: {  	[sflag:s0] =	ssyncset.done $0x0  }
0x54: {  	s14 =	rddreg [dreg:$0x9];
	[sflag:s0] =	ssyncadd.s32 $0xFFFFC800  }
0x55: {  	[tilespmem:s20], [sflag:$0x2] =	stream.indirect.gather [hbm4b:s4+s17], $0x80, s14, s17, $0xb8;
	[tilespmem:$0x1F800] =	vst v63  }
0x56: {  	_ =	swait.ge [sflag:s3], $0x3800  }
0x57: {  	[sflag:s3] =	ssyncset.done $0x0  }
0x58: {  	s22 =	rddreg [dreg:$0xa];
	[sflag:s3] =	ssyncadd.s32 $0xFFFFC800  }
0x59: {  	[spmem:s1] =	stream.indirect.scatter.add.f32 [tilespmem:s28], [sflag:$0x6], $0x80, s22, s17, $0xb8;
	[tilespmem:$0x1F800] =	vst v63  }
0x5a: {  	_ =	swait.ge [sflag:s19], $0x3800  }
0x5b: {  	[sflag:s19] =	ssyncset.done $0x0  }
0x5c: {  	s23 =	rddreg [dreg:$0xb];
	[sflag:s19] =	ssyncadd.s32 $0xFFFFC800  }
0x5d: {  	[tilespmem:s28], [sflag:$0x3] =	stream.indirect.gather [hbm4b:s4+s17], $0x80, s23, s17, $0xb8;
	[tilespmem:$0x1F800] =	vst v63  }
0x5e: {  	_ =	swait.ge [sflag:s29], $0x3800  }
0x5f: {  	[sflag:s29] =	ssyncset.done $0x0  }
0x60: {  	s11 =	rddreg [dreg:$0xc];
	[sflag:s29] =	ssyncadd.s32 $0xFFFFC800  }
0x61: {  	[spmem:s1] =	stream.indirect.scatter.add.f32 [tilespmem:s18], [sflag:$0x4], $0x80, s11, s17, $0xb8;
	[tilespmem:$0x1F800] =	vst v63  }
0x62: {  	_ =	swait.ge [sflag:s30], $0x3800  }
0x63: {  	[sflag:s30] =	ssyncset.done $0x0  }
0x64: {  	[sflag:s30] =	ssyncadd.s32 $0xFFFFC800  }
0x65: {  	_ =	swait.ge [sflag:s5], $0x600  }
0x66: {  	[sflag:s5] =	ssyncset.done $0x0  }
0x67: {  	[sflag:s5] =	ssyncadd.s32 $0xFFFFFA00  }
0x68: {  	[tilespmem:s18], [sflag:$0x1] =	stream.indirect.gather [hbm4b:s4+s17], $0x80, s21, s17, $0xb8;
	[tilespmem:$0x1F800] =	vst v63  }
0x69: {  	_ =	swait.ge [sflag:s31], $0x3800  }
0x6a: {  	[sflag:s31] =	ssyncset.done $0x0  }
0x6b: {  	s12 =	rddreg [dreg:$0xd];
	[sflag:s31] =	ssyncadd.s32 $0xFFFFC800  }
0x6c: {  	[spmem:s1] =	stream.indirect.scatter.add.f32 [tilespmem:s20], [sflag:$0x5], $0x80, s12, s17, $0xb8;
	[tilespmem:$0x1F800] =	vst v63  }
0x6d: {  	_ =	swait.ge [sflag:s0], $0x3800  }
0x6e: {  	[sflag:s0] =	ssyncset.done $0x0  }
0x6f: {  	s13 =	rddreg [dreg:$0xe];
	[sflag:s0] =	ssyncadd.s32 $0xFFFFC800  }
0x70: {  	[tilespmem:s20], [sflag:$0x2] =	stream.indirect.gather [hbm4b:s4+s17], $0x80, s13, s17, $0xb8;
	[tilespmem:$0x1F800] =	vst v63  }
0x71: {  	_ =	swait.ge [sflag:s3], $0x3800  }
0x72: {  	s14 =	rddreg [dreg:$0xf];
	[sflag:s3] =	ssyncset.done $0x0  }
0x73: {  	p0 =	por $0x0, $0x0;
	s11 =	rddreg [dreg:$0x5];
	[sflag:s3] =	ssyncadd.s32 $0xFFFFC800  }
0x74: {  	[spmem:s1] =	stream.indirect.scatter.add.f32 [tilespmem:s28], [sflag:$0x6], $0x80, s14, s17, $0xb8;
	[tilespmem:$0x1F800] =	vst v63  }
0x75: {  	s10 =	simm.s32 @!p0 $0x0;
	s11 =	sadd.s32 @!p0 $0x0, s11  }
0x76: {  	[tilespmem:s10], [sflag:$0x7] =	stream.linear.gather @!p0 [hbm4b:s11+s10], $0x300, $0x38;
	[tilespmem:$0x1F800] =	vst v63  }
0x77: {  	s12 =	simm.s32 @!p0 $0x400;
	s11 =	sadd.s32 @!p0 $0x80, s11  }
0x78: {  	[tilespmem:s12], [sflag:$0x7] =	stream.linear.gather @!p0 [hbm4b:s11+s10], $0x300, $0x38;
	[tilespmem:$0x1F800] =	vst v63  }
0x79: {  	_ =	swait.ge [sflag:s19], $0x3800  }
0x7a: {  	[sflag:s19] =	ssyncset.done $0x0  }
0x7b: {  	s22 =	rddreg [dreg:$0x10];
	[sflag:s19] =	ssyncadd.s32 $0xFFFFC800  }
0x7c: {  	[tilespmem:s28], [sflag:$0x3] =	stream.indirect.gather [hbm4b:s4+s17], $0x80, s22, s17, $0xb8;
	[tilespmem:$0x1F800] =	vst v63  }
0x7d: {  	_ =	swait.ge [sflag:s29], $0x3800  }
0x7e: {  	[sflag:s29] =	ssyncset.done $0x0  }
0x7f: {  	[sflag:s29] =	ssyncadd.s32 $0xFFFFC800  }
0x80: {  	[spmem:s1] =	stream.indirect.scatter.add.f32 [tilespmem:s18], [sflag:$0x4], $0x80, s26, s17, $0xb8;
	[tilespmem:$0x1F800] =	vst v63  }
0x81: {  	_ =	swait.ge [sflag:s30], $0x3800  }
0x82: {  	[sflag:s30] =	ssyncset.done $0x0  }
0x83: {  	s23 =	rddreg [dreg:$0x11];
	[sflag:s30] =	ssyncadd.s32 $0xFFFFC800  }
0x84: {  	[tilespmem:s18], [sflag:$0x1] =	stream.indirect.gather [hbm4b:s4+s17], $0x80, s23, s17, $0xb8;
	[tilespmem:$0x1F800] =	vst v63  }
0x85: {  	_ =	swait.ge [sflag:s31], $0x3800  }
0x86: {  	[sflag:s31] =	ssyncset.done $0x0  }
0x87: {  	s12 =	rddreg [dreg:$0x12];
	[sflag:s31] =	ssyncadd.s32 $0xFFFFC800  }
0x88: {  	[spmem:s1] =	stream.indirect.scatter.add.f32 [tilespmem:s20], [sflag:$0x5], $0x80, s12, s17, $0xb8;
	[tilespmem:$0x1F800] =	vst v63  }
0x89: {  	_ =	swait.ge [sflag:s0], $0x3800  }
0x8a: {  	[sflag:s0] =	ssyncset.done $0x0  }
0x8b: {  	s13 =	rddreg [dreg:$0x13];
	[sflag:s0] =	ssyncadd.s32 $0xFFFFC800  }
0x8c: {  	[tilespmem:s20], [sflag:$0x2] =	stream.indirect.gather [hbm4b:s4+s17], $0x80, s13, s17, $0xb8;
	[tilespmem:$0x1F800] =	vst v63  }
0x8d: {  	_ =	swait.ge [sflag:s3], $0x3800  }
0x8e: {  	[sflag:s3] =	ssyncset.done $0x0  }
0x8f: {  	s14 =	rddreg [dreg:$0x14];
	[sflag:s3] =	ssyncadd.s32 $0xFFFFC800  }
0x90: {  	[spmem:s1] =	stream.indirect.scatter.add.f32 [tilespmem:s28], [sflag:$0x6], $0x80, s14, s17, $0xb8;
	[tilespmem:$0x1F800] =	vst v63  }
0x91: {  	_ =	swait.ge [sflag:s19], $0x3800  }
0x92: {  	[sflag:s19] =	ssyncset.done $0x0  }
0x93: {  	s22 =	rddreg [dreg:$0x15];
	[sflag:s19] =	ssyncadd.s32 $0xFFFFC800  }
0x94: {  	[tilespmem:s28], [sflag:$0x3] =	stream.indirect.gather [hbm4b:s4+s17], $0x80, s22, s17, $0xb8;
	[tilespmem:$0x1F800] =	vst v63  }
0x95: {  	_ =	swait.ge [sflag:s29], $0x3800  }
0x96: {  	[sflag:s29] =	ssyncset.done $0x0  }
0x97: {  	s23 =	rddreg [dreg:$0x16];
	[sflag:s29] =	ssyncadd.s32 $0xFFFFC800  }
0x98: {  	[spmem:s1] =	stream.indirect.scatter.add.f32 [tilespmem:s18], [sflag:$0x4], $0x80, s23, s17, $0xb8;
	[tilespmem:$0x1F800] =	vst v63  }
0x99: {  	_ =	swait.ge [sflag:s30], $0x3800  }
0x9a: {  	[sflag:s30] =	ssyncset.done $0x0  }
0x9b: {  	s11 =	simm.s32 @p0 $0x2;
	[sflag:s30] =	ssyncadd.s32 $0xFFFFC800  }
0x9c: {  	_ =	swait.ge @p0 [sflag:s11], $0x3800  }
0x9d: {  	s12 =	simm.s32 @p0 $0x4800;
	[sflag:s11] =	ssyncset.done @p0 $0x0  }
0x9e: {  	s13 =	simm.s32 @p0 $0x70;
	[sflag:s11] =	ssyncadd.s32 @p0 $0xFFFFC800;
	s11 =	simm.s32 @p0 $0xE00  }
0x9f: {  	[spmem:s1] =	stream.indirect.scatter.add.f32 @p0 [tilespmem:s12], [sflag:$0x5], $0x80, s11, s13, $0xb8;
	[tilespmem:$0x1F800] =	vst v63  }
0xa0: {  	s11 =	simm.s32 @p0 $0x5  }
0xa1: {  	_ =	swait.ge @p0 [sflag:s11], $0x3800  }
0xa2: {  	[sflag:s11] =	ssyncset.done @p0 $0x0  }
0xa3: {  	s12 =	simm.s32 @!p0 $0x7;
	[sflag:s11] =	ssyncadd.s32 @p0 $0xFFFFC800  }
0xa4: {  	_ =	swait.ge @!p0 [sflag:s12], $0x600  }
0xa5: {  	s13 =	simm.s32 @!p0 $0x1000;
	[sflag:s12] =	ssyncset.done @!p0 $0x0  }
0xa6: {  	s11 =	simm.s32 @!p0 $0x70;
	[sflag:s12] =	ssyncadd.s32 @!p0 $0xFFFFFA00;
	s12 =	simm.s32 @!p0 $0x2  }
0xa7: {  	[tilespmem:s13], [sflag:$0x1] =	stream.indirect.gather @!p0 [hbm4b:s4+s11], $0x80, s10, s11, $0xb8;
	[tilespmem:$0x1F800] =	vst v63  }
0xa8: {  	_ =	swait.ge @!p0 [sflag:s12], $0x3800  }
0xa9: {  	s10 =	simm.s32 @!p0 $0xE00;
	[sflag:s12] =	ssyncset.done @!p0 $0x0  }
0xaa: {  	s13 =	simm.s32 @!p0 $0x4800;
	[sflag:s12] =	ssyncadd.s32 @!p0 $0xFFFFC800;
	s12 =	simm.s32 @!p0 $0x5  }
0xab: {  	[spmem:s1] =	stream.indirect.scatter.add.f32 @!p0 [tilespmem:s13], [sflag:$0x5], $0x80, s10, s11, $0xb8;
	[tilespmem:$0x1F800] =	vst v63  }
0xac: {  	_ =	swait.ge @!p0 [sflag:s12], $0x3800  }
0xad: {  	[sflag:s12] =	ssyncset.done @!p0 $0x0  }
0xae: {  	s10 =	simm.s32 @!p0 $0x80;
	[sflag:s12] =	ssyncadd.s32 @!p0 $0xFFFFC800  }
0xaf: {  	[tilespmem:s13], [sflag:$0x2] =	stream.indirect.gather @!p0 [hbm4b:s4+s11], $0x80, s10, s11, $0xb8;
	[tilespmem:$0x1F800] =	vst v63  }
0xb0: {  	_ =	swait.ge [sflag:s3], $0x3800  }
0xb1: {  	s10 =	simm.s32 $0x200;
	[sflag:s3] =	ssyncset.done $0x0;
	s13 =	rddreg [dreg:$0x17]  }
0xb2: {  	s11 =	simm.s32 $0x400;
	s14 =	rddreg [dreg:$0x4];
	[sflag:s3] =	ssyncadd.s32 $0xFFFFC800  }
.LBB2_2:
0xb3: {  	[spmem:s1] =	stream.indirect.scatter.add.f32 [tilespmem:s28], [sflag:$0x6], $0x80, s13, s17, $0xb8;
	[tilespmem:$0x1F800] =	vst v63  }
0xb4: {  	s14 =	sadd.s32 s10, s14  }
0xb5: {  	[tilespmem:s21], [sflag:$0x7] =	stream.linear.gather [hbm4b:s14+s2], $0x300, $0x38;
	[tilespmem:$0x1F800] =	vst v63  }
0xb6: {  	p1 =	seq.s32 s10, $0x0;
	s13 =	sadd.s32 $0x80, s14  }
0xb7: {  	[tilespmem:s26], [sflag:$0x7] =	stream.linear.gather [hbm4b:s13+s2], $0x300, $0x38;
	[tilespmem:$0x1F800] =	vst v63  }
0xb8: {  	s13 =	simm.s32 @!p1 $0x6  }
0xb9: {  	_ =	swait.ge @!p1 [sflag:s13], $0x3800  }
0xba: {  	[sflag:s13] =	ssyncset.done @!p1 $0x0  }
0xbb: {  	s22 =	rddreg [dreg:$0x6];
	[sflag:s13] =	ssyncadd.s32 @!p1 $0xFFFFC800  }
0xbc: {  	[tilespmem:s28], [sflag:$0x3] =	stream.indirect.gather [hbm4b:s4+s17], $0x80, s22, s17, $0xb8;
	[tilespmem:$0x1F800] =	vst v63  }
0xbd: {  	_ =	swait.ge [sflag:s29], $0x3800  }
0xbe: {  	[sflag:s29] =	ssyncset.done $0x0  }
0xbf: {  	[sflag:s29] =	ssyncadd.s32 $0xFFFFC800  }
0xc0: {  	[spmem:s1] =	stream.indirect.scatter.add.f32 [tilespmem:s18], [sflag:$0x4], $0x80, s16, s17, $0xb8;
	[tilespmem:$0x1F800] =	vst v63  }
0xc1: {  	_ =	swait.ge [sflag:s30], $0x3800  }
0xc2: {  	[sflag:s30] =	ssyncset.done $0x0  }
0xc3: {  	s23 =	rddreg [dreg:$0x7];
	[sflag:s30] =	ssyncadd.s32 $0xFFFFC800  }
0xc4: {  	[tilespmem:s18], [sflag:$0x1] =	stream.indirect.gather [hbm4b:s4+s17], $0x80, s23, s17, $0xb8;
	[tilespmem:$0x1F800] =	vst v63  }
0xc5: {  	_ =	swait.ge [sflag:s31], $0x3800  }
0xc6: {  	[sflag:s31] =	ssyncset.done $0x0  }
0xc7: {  	s14 =	rddreg [dreg:$0x8];
	[sflag:s31] =	ssyncadd.s32 $0xFFFFC800  }
0xc8: {  	[spmem:s1] =	stream.indirect.scatter.add.f32 [tilespmem:s20], [sflag:$0x5], $0x80, s14, s17, $0xb8;
	[tilespmem:$0x1F800] =	vst v63  }
0xc9: {  	_ =	swait.ge [sflag:s0], $0x3800  }
0xca: {  	[sflag:s0] =	ssyncset.done $0x0  }
0xcb: {  	s22 =	rddreg [dreg:$0x9];
	[sflag:s0] =	ssyncadd.s32 $0xFFFFC800  }
0xcc: {  	[tilespmem:s20], [sflag:$0x2] =	stream.indirect.gather [hbm4b:s4+s17], $0x80, s22, s17, $0xb8;
	[tilespmem:$0x1F800] =	vst v63  }
0xcd: {  	_ =	swait.ge [sflag:s3], $0x3800  }
0xce: {  	[sflag:s3] =	ssyncset.done $0x0  }
0xcf: {  	s23 =	rddreg [dreg:$0xa];
	[sflag:s3] =	ssyncadd.s32 $0xFFFFC800  }
0xd0: {  	[spmem:s1] =	stream.indirect.scatter.add.f32 [tilespmem:s28], [sflag:$0x6], $0x80, s23, s17, $0xb8;
	[tilespmem:$0x1F800] =	vst v63  }
0xd1: {  	_ =	swait.ge [sflag:s19], $0x3800  }
0xd2: {  	[sflag:s19] =	ssyncset.done $0x0  }
0xd3: {  	s14 =	rddreg [dreg:$0xb];
	[sflag:s19] =	ssyncadd.s32 $0xFFFFC800  }
0xd4: {  	[tilespmem:s28], [sflag:$0x3] =	stream.indirect.gather [hbm4b:s4+s17], $0x80, s14, s17, $0xb8;
	[tilespmem:$0x1F800] =	vst v63  }
0xd5: {  	_ =	swait.ge [sflag:s29], $0x3800  }
0xd6: {  	[sflag:s29] =	ssyncset.done $0x0  }
0xd7: {  	s22 =	rddreg [dreg:$0xc];
	[sflag:s29] =	ssyncadd.s32 $0xFFFFC800  }
0xd8: {  	[spmem:s1] =	stream.indirect.scatter.add.f32 [tilespmem:s18], [sflag:$0x4], $0x80, s22, s17, $0xb8;
	[tilespmem:$0x1F800] =	vst v63  }
0xd9: {  	_ =	swait.ge [sflag:s30], $0x3800  }
0xda: {  	[sflag:s30] =	ssyncset.done $0x0  }
0xdb: {  	[sflag:s30] =	ssyncadd.s32 $0xFFFFC800  }
0xdc: {  	_ =	swait.ge [sflag:s5], $0x600  }
0xdd: {  	[sflag:s5] =	ssyncset.done $0x0  }
0xde: {  	[sflag:s5] =	ssyncadd.s32 $0xFFFFFA00  }
0xdf: {  	[tilespmem:s18], [sflag:$0x1] =	stream.indirect.gather [hbm4b:s4+s17], $0x80, s21, s17, $0xb8;
	[tilespmem:$0x1F800] =	vst v63  }
0xe0: {  	_ =	swait.ge [sflag:s31], $0x3800  }
0xe1: {  	[sflag:s31] =	ssyncset.done $0x0  }
0xe2: {  	s23 =	rddreg [dreg:$0xd];
	[sflag:s31] =	ssyncadd.s32 $0xFFFFC800  }
0xe3: {  	[spmem:s1] =	stream.indirect.scatter.add.f32 [tilespmem:s20], [sflag:$0x5], $0x80, s23, s17, $0xb8;
	[tilespmem:$0x1F800] =	vst v63  }
0xe4: {  	_ =	swait.ge [sflag:s0], $0x3800  }
0xe5: {  	[sflag:s0] =	ssyncset.done $0x0  }
0xe6: {  	s14 =	rddreg [dreg:$0xe];
	[sflag:s0] =	ssyncadd.s32 $0xFFFFC800  }
0xe7: {  	[tilespmem:s20], [sflag:$0x2] =	stream.indirect.gather [hbm4b:s4+s17], $0x80, s14, s17, $0xb8;
	[tilespmem:$0x1F800] =	vst v63  }
0xe8: {  	_ =	swait.ge [sflag:s3], $0x3800  }
0xe9: {  	[sflag:s3] =	ssyncset.done $0x0;
	s22 =	rddreg [dreg:$0xf]  }
0xea: {  	p1 =	seq.s32 s10, $0xE00;
	s14 =	rddreg [dreg:$0x5];
	[sflag:s3] =	ssyncadd.s32 $0xFFFFC800  }
0xeb: {  	[spmem:s1] =	stream.indirect.scatter.add.f32 [tilespmem:s28], [sflag:$0x6], $0x80, s22, s17, $0xb8;
	[tilespmem:$0x1F800] =	vst v63  }
0xec: {  	s13 =	simm.s32 @!p1 $0x0;
	s10 =	sadd.s32 @!p1 s10, s14  }
0xed: {  	[tilespmem:s13], [sflag:$0x7] =	stream.linear.gather @!p1 [hbm4b:s10+s13], $0x300, $0x38;
	[tilespmem:$0x1F800] =	vst v63  }
0xee: {  	s14 =	simm.s32 @!p1 $0x400;
	s22 =	sadd.s32 @!p1 $0x80, s10  }
0xef: {  	[tilespmem:s14], [sflag:$0x7] =	stream.linear.gather @!p1 [hbm4b:s22+s13], $0x300, $0x38;
	[tilespmem:$0x1F800] =	vst v63  }
0xf0: {  	_ =	swait.ge [sflag:s19], $0x3800  }
0xf1: {  	[sflag:s19] =	ssyncset.done $0x0  }
0xf2: {  	s23 =	rddreg [dreg:$0x10];
	[sflag:s19] =	ssyncadd.s32 $0xFFFFC800  }
0xf3: {  	[tilespmem:s28], [sflag:$0x3] =	stream.indirect.gather [hbm4b:s4+s17], $0x80, s23, s17, $0xb8;
	[tilespmem:$0x1F800] =	vst v63  }
0xf4: {  	_ =	swait.ge [sflag:s29], $0x3800  }
0xf5: {  	[sflag:s29] =	ssyncset.done $0x0  }
0xf6: {  	[sflag:s29] =	ssyncadd.s32 $0xFFFFC800  }
0xf7: {  	[spmem:s1] =	stream.indirect.scatter.add.f32 [tilespmem:s18], [sflag:$0x4], $0x80, s26, s17, $0xb8;
	[tilespmem:$0x1F800] =	vst v63  }
0xf8: {  	_ =	swait.ge [sflag:s30], $0x3800  }
0xf9: {  	[sflag:s30] =	ssyncset.done $0x0  }
0xfa: {  	s14 =	rddreg [dreg:$0x11];
	[sflag:s30] =	ssyncadd.s32 $0xFFFFC800  }
0xfb: {  	[tilespmem:s18], [sflag:$0x1] =	stream.indirect.gather [hbm4b:s4+s17], $0x80, s14, s17, $0xb8;
	[tilespmem:$0x1F800] =	vst v63  }
0xfc: {  	_ =	swait.ge [sflag:s31], $0x3800  }
0xfd: {  	[sflag:s31] =	ssyncset.done $0x0  }
0xfe: {  	s22 =	rddreg [dreg:$0x12];
	[sflag:s31] =	ssyncadd.s32 $0xFFFFC800  }
0xff: {  	[spmem:s1] =	stream.indirect.scatter.add.f32 [tilespmem:s20], [sflag:$0x5], $0x80, s22, s17, $0xb8;
	[tilespmem:$0x1F800] =	vst v63  }
0x100: {  	_ =	swait.ge [sflag:s0], $0x3800  }
0x101: {  	[sflag:s0] =	ssyncset.done $0x0  }
0x102: {  	s23 =	rddreg [dreg:$0x13];
	[sflag:s0] =	ssyncadd.s32 $0xFFFFC800  }
0x103: {  	[tilespmem:s20], [sflag:$0x2] =	stream.indirect.gather [hbm4b:s4+s17], $0x80, s23, s17, $0xb8;
	[tilespmem:$0x1F800] =	vst v63  }
0x104: {  	_ =	swait.ge [sflag:s3], $0x3800  }
0x105: {  	[sflag:s3] =	ssyncset.done $0x0  }
0x106: {  	s14 =	rddreg [dreg:$0x14];
	[sflag:s3] =	ssyncadd.s32 $0xFFFFC800  }
0x107: {  	[spmem:s1] =	stream.indirect.scatter.add.f32 [tilespmem:s28], [sflag:$0x6], $0x80, s14, s17, $0xb8;
	[tilespmem:$0x1F800] =	vst v63  }
0x108: {  	_ =	swait.ge [sflag:s19], $0x3800  }
0x109: {  	[sflag:s19] =	ssyncset.done $0x0  }
0x10a: {  	s22 =	rddreg [dreg:$0x15];
	[sflag:s19] =	ssyncadd.s32 $0xFFFFC800  }
0x10b: {  	[tilespmem:s28], [sflag:$0x3] =	stream.indirect.gather [hbm4b:s4+s17], $0x80, s22, s17, $0xb8;
	[tilespmem:$0x1F800] =	vst v63  }
0x10c: {  	_ =	swait.ge [sflag:s29], $0x3800  }
0x10d: {  	[sflag:s29] =	ssyncset.done $0x0  }
0x10e: {  	s23 =	rddreg [dreg:$0x16];
	[sflag:s29] =	ssyncadd.s32 $0xFFFFC800  }
0x10f: {  	[spmem:s1] =	stream.indirect.scatter.add.f32 [tilespmem:s18], [sflag:$0x4], $0x80, s23, s17, $0xb8;
	[tilespmem:$0x1F800] =	vst v63  }
0x110: {  	_ =	swait.ge [sflag:s30], $0x3800  }
0x111: {  	s12 =	smov.u32 s11;
	[sflag:s30] =	ssyncset.done $0x0  }
0x112: {  	s10 =	smov.u32 s12;
	s12 =	simm.s32 @p1 $0x2;
	[sflag:s30] =	ssyncadd.s32 $0xFFFFC800  }
0x113: {  	_ =	swait.ge @p1 [sflag:s12], $0x3800  }
0x114: {  	s14 =	simm.s32 @p1 $0x4800;
	s22 =	simm.s32 @p1 $0x70;
	[sflag:s12] =	ssyncset.done @p1 $0x0  }
0x115: {  	s23 =	simm.s32 @p1 $0xE00;
	[sflag:s12] =	ssyncadd.s32 @p1 $0xFFFFC800;
	s12 =	simm.s32 @p1 $0x5  }
0x116: {  	[spmem:s1] =	stream.indirect.scatter.add.f32 @p1 [tilespmem:s14], [sflag:$0x5], $0x80, s23, s22, $0xb8;
	[tilespmem:$0x1F800] =	vst v63  }
0x117: {  	_ =	swait.ge @p1 [sflag:s12], $0x3800  }
0x118: {  	[sflag:s12] =	ssyncset.done @p1 $0x0  }
0x119: {  	s14 =	simm.s32 @!p1 $0x7;
	[sflag:s12] =	ssyncadd.s32 @p1 $0xFFFFC800  }
0x11a: {  	_ =	swait.ge @!p1 [sflag:s14], $0x600  }
0x11b: {  	s22 =	simm.s32 @!p1 $0x1000;
	[sflag:s14] =	ssyncset.done @!p1 $0x0  }
0x11c: {  	s12 =	simm.s32 @!p1 $0x70;
	[sflag:s14] =	ssyncadd.s32 @!p1 $0xFFFFFA00;
	s14 =	simm.s32 @!p1 $0x2  }
0x11d: {  	[tilespmem:s22], [sflag:$0x1] =	stream.indirect.gather @!p1 [hbm4b:s4+s12], $0x80, s13, s12, $0xb8;
	[tilespmem:$0x1F800] =	vst v63  }
0x11e: {  	_ =	swait.ge @!p1 [sflag:s14], $0x3800  }
0x11f: {  	s13 =	simm.s32 @!p1 $0xE00;
	[sflag:s14] =	ssyncset.done @!p1 $0x0  }
0x120: {  	s22 =	simm.s32 @!p1 $0x4800;
	[sflag:s14] =	ssyncadd.s32 @!p1 $0xFFFFC800;
	s14 =	simm.s32 @!p1 $0x5  }
0x121: {  	[spmem:s1] =	stream.indirect.scatter.add.f32 @!p1 [tilespmem:s22], [sflag:$0x5], $0x80, s13, s12, $0xb8;
	[tilespmem:$0x1F800] =	vst v63  }
0x122: {  	s11 =	sadd.s32 $0x200, s11;
	_ =	swait.ge @!p1 [sflag:s14], $0x3800  }
0x123: {  	p0 =	sne.s32 s11, $0x1000;
	[sflag:s14] =	ssyncset.done @!p1 $0x0  }
.Ltmp0:
0x124: {  	s13 =	simm.s32 @!p1 $0x80;
	[sflag:s14] =	ssyncadd.s32 @!p1 $0xFFFFC800;
	(pc) =	sbr.rel @p0 .LBB2_2-.Ltmp0, $4  }
0x125: {  	[tilespmem:s22], [sflag:$0x2] =	stream.indirect.gather @!p1 [hbm4b:s4+s12], $0x80, s13, s12, $0xb8;
	[tilespmem:$0x1F800] =	vst v63  }
0x126: {  	_ =	swait.ge [sflag:s3], $0x3800  }
0x127: {  	[sflag:s3] =	ssyncset.done $0x0;
	s13 =	rddreg [dreg:$0x17]  }
0x128: {  	s14 =	rddreg [dreg:$0x4];
	[sflag:s3] =	ssyncadd.s32 $0xFFFFC800  }
0x129: {  	[spmem:s1] =	stream.indirect.scatter.add.f32 [tilespmem:s28], [sflag:$0x6], $0x80, s13, s17, $0xb8;
	[tilespmem:$0x1F800] =	vst v63  }
0x12a: {  	s11 =	sadd.s32 s10, s14  }
0x12b: {  	[tilespmem:s21], [sflag:$0x7] =	stream.linear.gather [hbm4b:s11+s2], $0x300, $0x38;
	[tilespmem:$0x1F800] =	vst v63  }
0x12c: {  	p0 =	seq.s32 s10, $0x0;
	s11 =	sadd.s32 $0x80, s11  }
0x12d: {  	[tilespmem:s26], [sflag:$0x7] =	stream.linear.gather [hbm4b:s11+s2], $0x300, $0x38;
	[tilespmem:$0x1F800] =	vst v63  }
0x12e: {  	s11 =	simm.s32 @!p0 $0x6  }
0x12f: {  	_ =	swait.ge @!p0 [sflag:s11], $0x3800  }
0x130: {  	[sflag:s11] =	ssyncset.done @!p0 $0x0  }
0x131: {  	s12 =	rddreg [dreg:$0x6];
	[sflag:s11] =	ssyncadd.s32 @!p0 $0xFFFFC800  }
0x132: {  	[tilespmem:s28], [sflag:$0x3] =	stream.indirect.gather [hbm4b:s4+s17], $0x80, s12, s17, $0xb8;
	[tilespmem:$0x1F800] =	vst v63  }
0x133: {  	_ =	swait.ge [sflag:s29], $0x3800  }
0x134: {  	[sflag:s29] =	ssyncset.done $0x0  }
0x135: {  	[sflag:s29] =	ssyncadd.s32 $0xFFFFC800  }
0x136: {  	[spmem:s1] =	stream.indirect.scatter.add.f32 [tilespmem:s18], [sflag:$0x4], $0x80, s16, s17, $0xb8;
	[tilespmem:$0x1F800] =	vst v63  }
0x137: {  	_ =	swait.ge [sflag:s30], $0x3800  }
0x138: {  	[sflag:s30] =	ssyncset.done $0x0  }
0x139: {  	s13 =	rddreg [dreg:$0x7];
	[sflag:s30] =	ssyncadd.s32 $0xFFFFC800  }
0x13a: {  	[tilespmem:s18], [sflag:$0x1] =	stream.indirect.gather [hbm4b:s4+s17], $0x80, s13, s17, $0xb8;
	[tilespmem:$0x1F800] =	vst v63  }
0x13b: {  	_ =	swait.ge [sflag:s31], $0x3800  }
0x13c: {  	[sflag:s31] =	ssyncset.done $0x0  }
0x13d: {  	s14 =	rddreg [dreg:$0x8];
	[sflag:s31] =	ssyncadd.s32 $0xFFFFC800  }
0x13e: {  	[spmem:s1] =	stream.indirect.scatter.add.f32 [tilespmem:s20], [sflag:$0x5], $0x80, s14, s17, $0xb8;
	[tilespmem:$0x1F800] =	vst v63  }
0x13f: {  	_ =	swait.ge [sflag:s0], $0x3800  }
0x140: {  	[sflag:s0] =	ssyncset.done $0x0  }
0x141: {  	s22 =	rddreg [dreg:$0x9];
	[sflag:s0] =	ssyncadd.s32 $0xFFFFC800  }
0x142: {  	[tilespmem:s20], [sflag:$0x2] =	stream.indirect.gather [hbm4b:s4+s17], $0x80, s22, s17, $0xb8;
	[tilespmem:$0x1F800] =	vst v63  }
0x143: {  	_ =	swait.ge [sflag:s3], $0x3800  }
0x144: {  	[sflag:s3] =	ssyncset.done $0x0  }
0x145: {  	s23 =	rddreg [dreg:$0xa];
	[sflag:s3] =	ssyncadd.s32 $0xFFFFC800  }
0x146: {  	[spmem:s1] =	stream.indirect.scatter.add.f32 [tilespmem:s28], [sflag:$0x6], $0x80, s23, s17, $0xb8;
	[tilespmem:$0x1F800] =	vst v63  }
0x147: {  	_ =	swait.ge [sflag:s19], $0x3800  }
0x148: {  	[sflag:s19] =	ssyncset.done $0x0  }
0x149: {  	s12 =	rddreg [dreg:$0xb];
	[sflag:s19] =	ssyncadd.s32 $0xFFFFC800  }
0x14a: {  	[tilespmem:s28], [sflag:$0x3] =	stream.indirect.gather [hbm4b:s4+s17], $0x80, s12, s17, $0xb8;
	[tilespmem:$0x1F800] =	vst v63  }
0x14b: {  	_ =	swait.ge [sflag:s29], $0x3800  }
0x14c: {  	[sflag:s29] =	ssyncset.done $0x0  }
0x14d: {  	s13 =	rddreg [dreg:$0xc];
	[sflag:s29] =	ssyncadd.s32 $0xFFFFC800  }
0x14e: {  	[spmem:s1] =	stream.indirect.scatter.add.f32 [tilespmem:s18], [sflag:$0x4], $0x80, s13, s17, $0xb8;
	[tilespmem:$0x1F800] =	vst v63  }
0x14f: {  	_ =	swait.ge [sflag:s30], $0x3800  }
0x150: {  	[sflag:s30] =	ssyncset.done $0x0  }
0x151: {  	[sflag:s30] =	ssyncadd.s32 $0xFFFFC800  }
0x152: {  	_ =	swait.ge [sflag:s5], $0x600  }
0x153: {  	[sflag:s5] =	ssyncset.done $0x0  }
0x154: {  	[sflag:s5] =	ssyncadd.s32 $0xFFFFFA00  }
0x155: {  	[tilespmem:s18], [sflag:$0x1] =	stream.indirect.gather [hbm4b:s4+s17], $0x80, s21, s17, $0xb8;
	[tilespmem:$0x1F800] =	vst v63  }
0x156: {  	_ =	swait.ge [sflag:s31], $0x3800  }
0x157: {  	[sflag:s31] =	ssyncset.done $0x0  }
0x158: {  	s14 =	rddreg [dreg:$0xd];
	[sflag:s31] =	ssyncadd.s32 $0xFFFFC800  }
0x159: {  	[spmem:s1] =	stream.indirect.scatter.add.f32 [tilespmem:s20], [sflag:$0x5], $0x80, s14, s17, $0xb8;
	[tilespmem:$0x1F800] =	vst v63  }
0x15a: {  	_ =	swait.ge [sflag:s0], $0x3800  }
0x15b: {  	[sflag:s0] =	ssyncset.done $0x0  }
0x15c: {  	s22 =	rddreg [dreg:$0xe];
	[sflag:s0] =	ssyncadd.s32 $0xFFFFC800  }
0x15d: {  	[tilespmem:s20], [sflag:$0x2] =	stream.indirect.gather [hbm4b:s4+s17], $0x80, s22, s17, $0xb8;
	[tilespmem:$0x1F800] =	vst v63  }
0x15e: {  	_ =	swait.ge [sflag:s3], $0x3800  }
0x15f: {  	s23 =	rddreg [dreg:$0xf];
	[sflag:s3] =	ssyncset.done $0x0  }
0x160: {  	p0 =	seq.s32 s10, $0xE00;
	s12 =	rddreg [dreg:$0x5];
	[sflag:s3] =	ssyncadd.s32 $0xFFFFC800  }
0x161: {  	[spmem:s1] =	stream.indirect.scatter.add.f32 [tilespmem:s28], [sflag:$0x6], $0x80, s23, s17, $0xb8;
	[tilespmem:$0x1F800] =	vst v63  }
0x162: {  	s11 =	sadd.s32 @!p0 s10, s12;
	s10 =	simm.s32 @!p0 $0x0  }
0x163: {  	[tilespmem:s10], [sflag:$0x7] =	stream.linear.gather @!p0 [hbm4b:s11+s10], $0x300, $0x38;
	[tilespmem:$0x1F800] =	vst v63  }
0x164: {  	s12 =	simm.s32 @!p0 $0x400;
	s11 =	sadd.s32 @!p0 $0x80, s11  }
0x165: {  	[tilespmem:s12], [sflag:$0x7] =	stream.linear.gather @!p0 [hbm4b:s11+s10], $0x300, $0x38;
	[tilespmem:$0x1F800] =	vst v63  }
0x166: {  	_ =	swait.ge [sflag:s19], $0x3800  }
0x167: {  	[sflag:s19] =	ssyncset.done $0x0  }
0x168: {  	s13 =	rddreg [dreg:$0x10];
	[sflag:s19] =	ssyncadd.s32 $0xFFFFC800  }
0x169: {  	[tilespmem:s28], [sflag:$0x3] =	stream.indirect.gather [hbm4b:s4+s17], $0x80, s13, s17, $0xb8;
	[tilespmem:$0x1F800] =	vst v63  }
0x16a: {  	_ =	swait.ge [sflag:s29], $0x3800  }
0x16b: {  	[sflag:s29] =	ssyncset.done $0x0  }
0x16c: {  	[sflag:s29] =	ssyncadd.s32 $0xFFFFC800  }
0x16d: {  	[spmem:s1] =	stream.indirect.scatter.add.f32 [tilespmem:s18], [sflag:$0x4], $0x80, s26, s17, $0xb8;
	[tilespmem:$0x1F800] =	vst v63  }
0x16e: {  	_ =	swait.ge [sflag:s30], $0x3800  }
0x16f: {  	[sflag:s30] =	ssyncset.done $0x0  }
0x170: {  	s14 =	rddreg [dreg:$0x11];
	[sflag:s30] =	ssyncadd.s32 $0xFFFFC800  }
0x171: {  	[tilespmem:s18], [sflag:$0x1] =	stream.indirect.gather [hbm4b:s4+s17], $0x80, s14, s17, $0xb8;
	[tilespmem:$0x1F800] =	vst v63  }
0x172: {  	_ =	swait.ge [sflag:s31], $0x3800  }
0x173: {  	[sflag:s31] =	ssyncset.done $0x0  }
0x174: {  	s22 =	rddreg [dreg:$0x12];
	[sflag:s31] =	ssyncadd.s32 $0xFFFFC800  }
0x175: {  	[spmem:s1] =	stream.indirect.scatter.add.f32 [tilespmem:s20], [sflag:$0x5], $0x80, s22, s17, $0xb8;
	[tilespmem:$0x1F800] =	vst v63  }
0x176: {  	_ =	swait.ge [sflag:s0], $0x3800  }
0x177: {  	[sflag:s0] =	ssyncset.done $0x0  }
0x178: {  	s23 =	rddreg [dreg:$0x13];
	[sflag:s0] =	ssyncadd.s32 $0xFFFFC800  }
0x179: {  	[tilespmem:s20], [sflag:$0x2] =	stream.indirect.gather [hbm4b:s4+s17], $0x80, s23, s17, $0xb8;
	[tilespmem:$0x1F800] =	vst v63  }
0x17a: {  	_ =	swait.ge [sflag:s3], $0x3800  }
0x17b: {  	[sflag:s3] =	ssyncset.done $0x0  }
0x17c: {  	s12 =	rddreg [dreg:$0x14];
	[sflag:s3] =	ssyncadd.s32 $0xFFFFC800  }
0x17d: {  	[spmem:s1] =	stream.indirect.scatter.add.f32 [tilespmem:s28], [sflag:$0x6], $0x80, s12, s17, $0xb8;
	[tilespmem:$0x1F800] =	vst v63  }
0x17e: {  	_ =	swait.ge [sflag:s19], $0x3800  }
0x17f: {  	[sflag:s19] =	ssyncset.done $0x0  }
0x180: {  	s13 =	rddreg [dreg:$0x15];
	[sflag:s19] =	ssyncadd.s32 $0xFFFFC800  }
0x181: {  	[tilespmem:s28], [sflag:$0x3] =	stream.indirect.gather [hbm4b:s4+s17], $0x80, s13, s17, $0xb8;
	[tilespmem:$0x1F800] =	vst v63  }
0x182: {  	_ =	swait.ge [sflag:s29], $0x3800  }
0x183: {  	[sflag:s29] =	ssyncset.done $0x0  }
0x184: {  	s14 =	rddreg [dreg:$0x16];
	[sflag:s29] =	ssyncadd.s32 $0xFFFFC800  }
0x185: {  	[spmem:s1] =	stream.indirect.scatter.add.f32 [tilespmem:s18], [sflag:$0x4], $0x80, s14, s17, $0xb8;
	[tilespmem:$0x1F800] =	vst v63  }
0x186: {  	_ =	swait.ge [sflag:s30], $0x3800  }
0x187: {  	[sflag:s30] =	ssyncset.done $0x0  }
0x188: {  	s11 =	simm.s32 @p0 $0x2;
	[sflag:s30] =	ssyncadd.s32 $0xFFFFC800  }
0x189: {  	_ =	swait.ge @p0 [sflag:s11], $0x3800  }
0x18a: {  	s12 =	simm.s32 @p0 $0x4800;
	[sflag:s11] =	ssyncset.done @p0 $0x0  }
0x18b: {  	s13 =	simm.s32 @p0 $0x70;
	[sflag:s11] =	ssyncadd.s32 @p0 $0xFFFFC800;
	s11 =	simm.s32 @p0 $0xE00  }
0x18c: {  	[spmem:s1] =	stream.indirect.scatter.add.f32 @p0 [tilespmem:s12], [sflag:$0x5], $0x80, s11, s13, $0xb8;
	[tilespmem:$0x1F800] =	vst v63  }
0x18d: {  	s11 =	simm.s32 @p0 $0x5  }
0x18e: {  	_ =	swait.ge @p0 [sflag:s11], $0x3800  }
0x18f: {  	[sflag:s11] =	ssyncset.done @p0 $0x0  }
0x190: {  	s12 =	simm.s32 @!p0 $0x7;
	[sflag:s11] =	ssyncadd.s32 @p0 $0xFFFFC800  }
0x191: {  	_ =	swait.ge @!p0 [sflag:s12], $0x600  }
0x192: {  	[sflag:s12] =	ssyncset.done @!p0 $0x0  }
0x193: {  	s11 =	simm.s32 @!p0 $0x70;
	[sflag:s12] =	ssyncadd.s32 @!p0 $0xFFFFFA00;
	s12 =	simm.s32 @!p0 $0x1000  }
0x194: {  	[tilespmem:s12], [sflag:$0x1] =	stream.indirect.gather @!p0 [hbm4b:s4+s11], $0x80, s10, s11, $0xb8;
	[tilespmem:$0x1F800] =	vst v63  }
0x195: {  	s10 =	simm.s32 @!p0 $0x2  }
0x196: {  	_ =	swait.ge @!p0 [sflag:s10], $0x3800  }
0x197: {  	[sflag:s10] =	ssyncset.done @!p0 $0x0  }
0x198: {  	s12 =	simm.s32 @!p0 $0xE00;
	[sflag:s10] =	ssyncadd.s32 @!p0 $0xFFFFC800;
	s10 =	simm.s32 @!p0 $0x4800  }
0x199: {  	[spmem:s1] =	stream.indirect.scatter.add.f32 @!p0 [tilespmem:s10], [sflag:$0x5], $0x80, s12, s11, $0xb8;
	[tilespmem:$0x1F800] =	vst v63  }
0x19a: {  	s12 =	simm.s32 @!p0 $0x5  }
0x19b: {  	_ =	swait.ge @!p0 [sflag:s12], $0x3800  }
0x19c: {  	[sflag:s12] =	ssyncset.done @!p0 $0x0  }
0x19d: {  	[sflag:s12] =	ssyncadd.s32 @!p0 $0xFFFFC800;
	s12 =	simm.s32 @!p0 $0x80  }
0x19e: {  	[tilespmem:s10], [sflag:$0x2] =	stream.indirect.gather @!p0 [hbm4b:s4+s11], $0x80, s12, s11, $0xb8;
	[tilespmem:$0x1F800] =	vst v63  }
0x19f: {  	_ =	swait.ge [sflag:s3], $0x3800  }
0x1a0: {  	[sflag:s3] =	ssyncset.done $0x0  }
0x1a1: {  	s22 =	rddreg [dreg:$0x17];
	[sflag:s3] =	ssyncadd.s32 $0xFFFFC800  }
0x1a2: {  	[spmem:s1] =	stream.indirect.scatter.add.f32 [tilespmem:s28], [sflag:$0x6], $0x80, s22, s17, $0xb8;
	[tilespmem:$0x1F800] =	vst v63  }
0x1a3: {  	_ =	swait.ge [sflag:s19], $0x3800  }
0x1a4: {  	[sflag:s19] =	ssyncset.done $0x0  }
0x1a5: {  	[sflag:s19] =	ssyncadd.s32 $0xFFFFC800  }
0x1a6: {  	[bflag:$0x0] =	sbarrier.arrive $0xFFFF  }
0x1a7: {  	s23 =	rddreg [dreg:$0x1a]  }
0x1a8: {  	[hbm:s23], [sflag:s7] =	dma.local [spmem:s9], $0x800  }
0x1a9: {  	_ =	swait.ge [sflag:s15], $0x800  }
0x1aa: {  	s11 =	sld [smem:$0x7FC]  }
0x1ab: {  	[sflag:s15] =	ssyncset.done $0x0  }
0x1ac: {  	s10 =	rddreg [dreg:$0x1b];
	[sflag:s15] =	ssyncadd.s32 $0xFFFFF800  }
0x1ad: {  	[hbm:s10], [sflag:s7] =	dma.local [spmem:s11], $0x800  }
0x1ae: {  	_ =	swait.ge [sflag:s15], $0x800  }
0x1af: {  	s13 =	sld [smem:$0x7FD]  }
0x1b0: {  	[sflag:s15] =	ssyncset.done $0x0  }
0x1b1: {  	s12 =	rddreg [dreg:$0x1c];
	[sflag:s15] =	ssyncadd.s32 $0xFFFFF800  }
0x1b2: {  	[hbm:s12], [sflag:s7] =	dma.local [spmem:s13], $0x800  }
0x1b3: {  	_ =	swait.ge [sflag:s15], $0x800  }
0x1b4: {  	[sflag:s15] =	ssyncset.done $0x0  }
0x1b5: {  	s14 =	rddreg [dreg:$0x1d];
	[sflag:s15] =	ssyncadd.s32 $0xFFFFF800  }
0x1b6: {  	[hbm:s14], [sflag:s7] =	dma.local [spmem:s24], $0x800  }
0x1b7: {  	_ =	swait.ge [sflag:s15], $0x800  }
0x1b8: {  	[sflag:s15] =	ssyncset.done $0x0  }
0x1b9: {  	s22 =	rddreg [dreg:$0x1e];
	[sflag:s15] =	ssyncadd.s32 $0xFFFFF800  }
0x1ba: {  	[hbm:s22], [sflag:s7] =	dma.local [spmem:s25], $0x800  }
0x1bb: {  	_ =	swait.ge [sflag:s15], $0x800  }
0x1bc: {  	s6 =	sadd.s32 $0x1, s6;
	s23 =	rddreg [dreg:$0x1f]  }
0x1bd: {  	p0 =	sne.s32 s6, s23  }
.Ltmp1:
0x1be: {  	_ = 	snop;
	(pc) =	sbr.rel @p0 .LBB2_1-.Ltmp1, $3  }
0x1bf: {  	_ =	sdelay $0x1  }
0x1c0: {  	[sflag:s15] =	ssyncset.done $0x0  }
0x1c1: {  	[sflag:s15] =	ssyncadd.s32 $0xFFFFF800  }
0x1c2: {  	_ =	sfence.sel $0x180000  }
0x1c3: {  	[bflag:$0x0] =	sbarrier.arrive $0xFFFF  }
0x1c4: {  	_ =	strace $0x9000004A  }
0x1c5: {  	s0 =	stileid.u32;
	[bflag:$0x2] =	sbarrier.arrive $0xFFFF  }
0x1c6: {  	p0 =	sne.s32 s0, $0x0;
	s0 =	rddreg [dreg:$0x3]  }
0x1c7: {  	s0 =	sadd.s32 @!p0 $0x100000, s0  }
0x1c8: {  	[sflag:s0] =	ssyncadd.tile.s32 @!p0 $0x1;
	_ =	shalt  }
.Lfunc_end2:
_tile_overlayer_lowered:
.L_overlay_start_2:
0x1c9: {  	(tag) =	ssettag $0x2  }
0x1ca: {  	s0 =	rddreg [dreg:$0x0];
	s2 =	stileid.u32  }
0x1cb: {  	s1 =	rddreg [dreg:$0x1];
	p0 =	sne.s32 s2, $0x0  }
0x1cc: {  	s3 =	rddreg [dreg:$0x2];
	[bflag:$0x3] =	sbarrier.arrive $0xFFFF;
	s2 =	simm.s32 @!p0 $0x1C08  }
0x1cd: {  	[timem:s3], [sflag:s2] =	dma.local @!p0 [hbm:s0], s1  }
0x1ce: {  	s0 =	simm.s32 @!p0 $0x8  }
0x1cf: {  	_ =	swait.ge @!p0 [sflag:s0], s1  }
0x1d0: {  	s1 =	ssub.s32 @!p0 $0x0, s1;
	[sflag:s0] =	ssyncset.done @!p0 $0x0  }
0x1d1: {  	[sflag:s0] =	ssyncadd.s32 @!p0 s1  }
0x1d2: {  	[bflag:$0x3] =	sbarrier.arrive $0xFFFF  }
0x1d3: {  	_ =	shalt  }

// kernel: kernel.14.cloned.1.call-start
scs
__scs_entry_jumppad:
0x0: {  	(pc) =	sbr.rel $0x88, $3  }
0x1: {  	(tag) =	ssettag $0x0;
	lr =	simm.s32 $0x1  }
0x2: {  	[smem:$0x3F9D] =	sst lr;
	_ =	strace $0xD0000000  }
0x3: {  	_ = 	snop  }
0x4: {  	_ = 	snop  }
0x5: {  	_ = 	snop  }
0x6: {  	_ = 	snop  }
0x7: {  	_ = 	snop  }
__scs_overlays_trampoline_lowered:
0x8: {  	[smem:$0x3FAC] =	sst s0  }
0x9: {  	[smem:$0x3FAD] =	sst s1  }
0xa: {  	[smem:$0x3FAE] =	sst s2  }
0xb: {  	[smem:$0x3FAF] =	sst s3  }
0xc: {  	[smem:$0x3FB0] =	sst s4  }
0xd: {  	[smem:$0x3FB1] =	sst s5  }
0xe: {  	[smem:$0x3FB2] =	sst s6  }
0xf: {  	[smem:$0x3FB3] =	sst s7  }
0x10: {  	[smem:$0x3FB4] =	sst s8  }
0x11: {  	[smem:$0x3FB5] =	sst s9;
	s0 =	simm.s32 @!p0 $0x0  }
0x12: {  	s1 =	sld [smem:$0x3F9B];
	s0 =	simm.s32 @p0 $0x1  }
0x13: {  	[smem:$0x3FB6] =	sst s0;
	s0 =	simm.s32 @!p1 $0x0  }
0x14: {  	s2 =	sld [smem:$0x3F9A];
	s0 =	simm.s32 @p1 $0x1  }
0x15: {  	[smem:$0x3FB7] =	sst s0;
	s0 =	simm.s32 @!p2 $0x0  }
0x16: {  	s3 =	sld [smem:$0x3FDB];
	s0 =	simm.s32 @p2 $0x1  }
0x17: {  	s4 =	simm.s32 $0x1BF5;
	[smem:$0x3FB9] =	sst s0  }
0x18: {  	s0 =	sld [smem:$0x3F9C];
	_ =	swait.ge [sflag:s4], $0x0  }
0x19: {  	s7 =	sld [smem:$0x3F9D]  }
0x1a: {  	s8 =	sadd.s32 $0xFFFFE003, lr  }
0x1b: {  	s9 =	sadd.s32 $0xFFFFFEF7, lr;
	s5 =	simm.s32 $0xFFFFFFFF;
	p2 =	slt.u32 s8, $0xFFFFF086  }
0x1c: {  	p1 =	slt.u32 s9, $0xF7A;
	s5 =	simm.s32 @!p2 $0x0  }
0x1d: {  	s5 =	simm.s32 @p1 $0x1;
	p0 =	seq.s32 s7, s2  }
0x1e: {  	s7 =	smul.u32 @!p0 $0xF7A, s2;
	p2 =	seq.s32 @!p0 s5, $0x0  }
0x1f: {  	s9 =	smul.u32 $0xF7A, s1;
	s8 =	simm.s32 @!p0 $0x1BF5;
	p2 =	por !p2, p0  }
0x20: {  	[sflag:s8] =	ssyncset.s32 @!p0 $0xFFFFF086;
	s6 =	sadd.s32 @!p0 s3, s7;
	s7 =	simm.s32 @!p0 $0x108  }
0x21: {  	s3 =	sadd.s32 s3, s9;
	s6 =	sadd.s32 @!p0 $0x88, s6;
	s7 =	simm.s32 @p2 $0x1082  }
0x22: {  	[simem:s7], [sflag:s8] =	dma.local @!p0 [hbm:s6], $0xF7A  }
0x23: {  	s9 =	sor.u32 $0xD0000000, s2;
	s6 =	simm.s32 $0x108;
	_ =	swait.ge @!p0 [sflag:s8], $0x0  }
0x24: {  	s3 =	sadd.s32 $0x88, s3;
	s6 =	simm.s32 @!p1 $0x1082;
	[sflag:s4] =	ssyncset.s32 $0xFFFFF086  }
0x25: {  	[simem:s6], [sflag:s4] =	dma.local [hbm:s3], $0xF7A  }
0x26: {  	[smem:$0x3F9D] =	sst s1;
	(tag) =	ssettag s2;
	_ =	strace s9  }
0x27: {  	s1 =	sld [smem:$0x3FAD]  }
0x28: {  	s2 =	sld [smem:$0x3FAE]  }
0x29: {  	s4 =	sld [smem:$0x3FB0]  }
0x2a: {  	p0 =	seq.s32 s5, $0x0;
	s5 =	sld [smem:$0x3FB1]  }
0x2b: {  	s6 =	sld [smem:$0x3FB2]  }
0x2c: {  	s7 =	sld [smem:$0x3FB3]  }
0x2d: {  	s3 =	simm.s32 $0x108;
	s8 =	sld [smem:$0x3FB4]  }
0x2e: {  	s3 =	simm.s32 @!p0 $0x1082;
	s9 =	sld [smem:$0x3FB5]  }
0x2f: {  	lr =	sadd.s32 s0, s3;
	s0 =	sld [smem:$0x3FAC]  }
0x30: {  	s3 =	sld [smem:$0x3FAF]  }
0x31: {  	[smem:$0x3FB8] =	sst s10  }
0x32: {  	s10 =	sld [smem:$0x3FB6];
	_ =	sdelay $0x3  }
0x33: {  	p0 =	seq.s32 s10, $0x1;
	s10 =	sld [smem:$0x3FB8];
	_ =	sdelay $0x3  }
0x34: {  	[smem:$0x3FB8] =	sst s10  }
0x35: {  	s10 =	sld [smem:$0x3FB7];
	_ =	sdelay $0x3  }
0x36: {  	p1 =	seq.s32 s10, $0x1;
	s10 =	sld [smem:$0x3FB8];
	_ =	sdelay $0x3  }
0x37: {  	[smem:$0x3FB8] =	sst s10  }
0x38: {  	s10 =	sld [smem:$0x3FB9]  }
0x39: {  	_ = 	snop;
	(pc) =	sbr.ind lr, $3  }
0x3a: {  	_ = 	snop  }
0x3b: {  	_ = 	snop  }
0x3c: {  	p2 =	seq.s32 s10, $0x1;
	s10 =	sld [smem:$0x3FB8]  }
0x3d: {  	_ =	shalt  }
0x3e: {  	_ =	shalt  }
0x3f: {  	_ =	shalt  }
0x40: {  	_ =	shalt  }
0x41: {  	_ =	shalt  }
0x42: {  	_ =	shalt  }
0x43: {  	_ =	shalt  }
0x44: {  	_ =	shalt  }
0x45: {  	_ =	shalt  }
0x46: {  	_ =	shalt  }
0x47: {  	_ =	shalt  }
0x48: {  	_ =	shalt  }
0x49: {  	_ =	shalt  }
0x4a: {  	_ =	shalt  }
0x4b: {  	_ =	shalt  }
0x4c: {  	_ =	shalt  }
0x4d: {  	_ =	shalt  }
0x4e: {  	_ =	shalt  }
0x4f: {  	_ =	shalt  }
0x50: {  	_ =	shalt  }
0x51: {  	_ =	shalt  }
0x52: {  	_ =	shalt  }
0x53: {  	_ =	shalt  }
0x54: {  	_ =	shalt  }
0x55: {  	_ =	shalt  }
0x56: {  	_ =	shalt  }
0x57: {  	_ =	shalt  }
0x58: {  	_ =	shalt  }
0x59: {  	_ =	shalt  }
0x5a: {  	_ =	shalt  }
0x5b: {  	_ =	shalt  }
0x5c: {  	_ =	shalt  }
0x5d: {  	_ =	shalt  }
0x5e: {  	_ =	shalt  }
0x5f: {  	_ =	shalt  }
0x60: {  	_ =	shalt  }
0x61: {  	_ =	shalt  }
0x62: {  	_ =	shalt  }
0x63: {  	_ =	shalt  }
0x64: {  	_ =	shalt  }
0x65: {  	_ =	shalt  }
0x66: {  	_ =	shalt  }
0x67: {  	_ =	shalt  }
0x68: {  	_ =	shalt  }
0x69: {  	_ =	shalt  }
0x6a: {  	_ =	shalt  }
0x6b: {  	_ =	shalt  }
0x6c: {  	_ =	shalt  }
0x6d: {  	_ =	shalt  }
0x6e: {  	_ =	shalt  }
0x6f: {  	_ =	shalt  }
0x70: {  	_ =	shalt  }
0x71: {  	_ =	shalt  }
0x72: {  	_ =	shalt  }
0x73: {  	_ =	shalt  }
0x74: {  	_ =	shalt  }
0x75: {  	_ =	shalt  }
0x76: {  	_ =	shalt  }
0x77: {  	_ =	shalt  }
0x78: {  	_ =	shalt  }
0x79: {  	_ =	shalt  }
0x7a: {  	_ =	shalt  }
0x7b: {  	_ =	shalt  }
0x7c: {  	_ =	shalt  }
0x7d: {  	_ =	shalt  }
0x7e: {  	_ =	shalt  }
0x7f: {  	_ =	shalt  }
0x80: {  	_ =	shalt  }
0x81: {  	_ =	shalt  }
0x82: {  	_ =	shalt  }
0x83: {  	_ =	shalt  }
0x84: {  	_ =	shalt  }
0x85: {  	_ =	shalt  }
0x86: {  	_ =	shalt  }
0x87: {  	_ =	shalt  }
.Lfunc_end0:
.L_simem_size_0:
called_computation.2_lowered:
.L_overlay_start_0:
0x88: {  	s2 =	sld [smem:$0x3FD9]  }
0x89: {  	s3 =	sld [smem:$0x3FFE];
	_ =	sdelay $0x1  }
0x8a: {  	s1 =	srdreg.scid  }
0x8b: {  	s0 =	sand.u32 $0x1, s1  }
0x8c: {  	s17 =	sshll.u32 s0, $0xA;
	s2 =	sadd.s32 s3, s2  }
0x8d: {  	s2 =	sadd.s32 s2, s17  }
0x8e: {  	[smem:$0x3FC4] =	sst s2  }
0x8f: {  	_ = 	snop  }
0x90: {  	s2 =	sld [smem:$0x3FD0];
	(tm) =	ssettm $0x1  }
0x91: {  	s18 =	sld [smem:$0x3FFB];
	_ =	sdelay $0x3  }
0x92: {  	_ =	strace s18  }
0x93: {  	s3 =	sld [smem:$0x3FFC];
	_ =	sdelay $0x3  }
0x94: {  	_ =	strace s3  }
0x95: {  	s3 =	sld [smem:$0x3FFD];
	_ =	sdelay $0x3  }
0x96: {  	_ =	strace s3  }
0x97: {  	_ =	strace $0x8FFFFFFF  }
0x98: {  	s19 =	sld [smem:$0x3FDB];
	_ =	sdelay $0x1  }
0x99: {  	s4 =	simm.s32 $_scs_section_size  }
0x9a: {  	s5 =	simm.s32 $_size__tile_overlayer_lowered;
	s6 =	simm.s32 $_tile_overlayer_lowered  }
0x9b: {  	s22 =	simm.s32 $0x1BFF;
	s21 =	sshll.u32 s6, $0x1;
	s3 =	sadd.s32 s4, s19  }
0x9c: {  	s7 =	simm.s32 $0x0;
	s20 =	sshll.u32 s5, $0x1;
	s5 =	sadd.s32 s21, s3  }
0x9d: {  	[timem:s7], [sflag:s22] =	dma.local [hbm:s5], s20  }
0x9e: {  	_ =	swait.ge [sflag:s22], s20  }
0x9f: {  	s4 =	ssub.s32 $0x0, s20;
	[sflag:s22] =	ssyncset.done $0x0  }
0xa0: {  	[sflag:s22] =	ssyncadd.s32 s4;
	_ =	sdelay $0x1  }
0xa1: {  	s23 =	simm.s32 $0x1B8B  }
0xa2: {  	_ =	swait.ge [sflag:s23], $0x1  }
0xa3: {  	[sflag:s23] =	ssyncset.done $0x0  }
0xa4: {  	s25 =	simm.s32 $0x1B8E;
	s24 =	sld [smem:$0x3FFE];
	[sflag:s23] =	ssyncadd.s32 $0xFFFFFFFF  }
0xa5: {  	s26 =	simm.s32 $execute0_lowered;
	[smem:$0x3FD2] =	sst s25  }
0xa6: {  	s5 =	sshll.u32 s26, $0x1;
	_ =	strace $0x8000004C;
	[dreg:$0x1] =	wrdreg $0xFFFFFFFF  }
0xa7: {  	s28 =	simm.s32 $_size_execute0_lowered;
	s3 =	sadd.s32 s3, s5;
	[dreg:$0x0] =	wrdreg $0x0  }
0xa8: {  	s5 =	sshll.u32 s28, $0x1;
	[dreg:$0x2] =	wrdreg s3  }
0xa9: {  	[dreg:$0x3] =	wrdreg s5  }
0xaa: {  	[dreg:$0x4] =	wrdreg $0xC0  }
0xab: {  	_ =	task [dreg:s7], $0x5FFFF  }
0xac: {  	[dreg:$0x1] =	wrdreg $0xFFFFFFFF  }
0xad: {  	[dreg:$0x0] =	wrdreg $0x60  }
0xae: {  	[dreg:$0x2] =	wrdreg s24  }
0xaf: {  	[dreg:$0x3] =	wrdreg s2  }
0xb0: {  	[dreg:$0x4] =	wrdreg $0xB8000  }
0xb1: {  	[dreg:$0x5] =	wrdreg $0x9  }
0xb2: {  	_ =	task.clear_ibuf [dreg:s7], $0x6FFFF;
	_ =	strace $0x9000004C  }
0xb3: {  	s29 =	simm.s32 $0x9;
	_ =	strace $0x8000004E  }
0xb4: {  	_ =	swait.ge [sflag:s29], $0x1  }
0xb5: {  	[sflag:s29] =	ssyncadd.s32 $0xFFFFFFFF  }
0xb6: {  	_ =	strace $0x9000004E  }
0xb7: {  	_ =	sfence  }
0xb8: {  	s30 =	sld [smem:$0x0];
	_ =	sdelay $0x2  }
0xb9: {  	s31 =	sshll.u32 s1, $0xD;
	s1 =	sshrl.u32 s1, $0x2  }
0xba: {  	s3 =	sand.u32 $0x4000, s31;
	s1 =	sadd.s32 s1, s30  }
0xbb: {  	s0 =	sor.u32 s3, s0;
	s1 =	sshll.u32 s1, $0x11  }
0xbc: {  	s0 =	sor.u32 s1, s0  }
0xbd: {  	s0 =	sadd.s32 $0x8F2B, s0  }
0xbe: {  	[sflag:s0] =	ssyncadd.remote.s32 $0x1  }
0xbf: {  	_ =	sfence.sel $0xFFFF  }
0xc0: {  	[dreg:$0x0] =	wrdreg $0xFFFFFFFF;
	(pc) =	sbr.abs _section_cstart, $3  }
0xc1: {  	[dreg:$0x1] =	wrdreg $0xFFFFFFFF  }
0xc2: {  	_ =	task.clear_ibuf [dreg:s7], $0x2FFFF;
	_ =	strace $0x9FFFFFFF  }
0xc3: {  	(tm) =	ssettm $0x7FFFFFFF  }
tec
execute0_lowered:
.L_overlay_start_1:
0x0: {  	(tag) =	ssettag $0x1  }
0x1: {  	s0 =	rddreg [dreg:$0x0]  }
0x2: {  	s9 =	rddreg [dreg:$0x1]  }
0x3: {  	s1 =	rddreg [dreg:$0x2];
	s2 =	simm.s32 $0x0  }
0x4: {  	s3 =	srdreg.scid;
	s8 =	stileid.u32;
	s28 =	simm.s32 $0x8000  }
0x5: {  	s29 =	simm.s32 $0x1;
	s30 =	simm.s32 $0x4;
	s31 =	simm.s32 $0x2  }
0x6: {  	[smem:$0x7FF] =	sst s2;
	s4 =	sadd.s32 $0x1A00, s0;
	s6 =	sand.u32 $0x1, s3  }
0x7: {  	s19 =	sadd.s32 $0x29A00, s0;
	s7 =	smul.u32 $0x50000, s8;
	s3 =	sadd.s32 $0x2C200, s0  }
0x8: {  	s10 =	smul.u32 $0x280, s8;
	s22 =	sshll.u32 s8, $0x10;
	s23 =	sshll.u32 s8, $0x6  }
0x9: {  	_ =	strace $0x8000004D;
	[dreg:$0x18] =	wrdreg s19;
	s5 =	ssub.s32 $0x2, s6  }
0xa: {  	s11 =	smul.u32 $0x2800, s6;
	s6 =	sshll.u32 s6, $0xF;
	s19 =	simm.s32 $0x100  }
0xb: {  	s20 =	sshrl.u32 s5, $0x1;
	s21 =	sshrl.u32 s7, $0x2;
	s12 =	sor.u32 s6, s22  }
0xc: {  	s7 =	sor.u32 $0x1C08, s23;
	s25 =	sadd.s32 $0x80, s10;
	s14 =	sadd.s32 $0x100, s10  }
0xd: {  	[dreg:$0x6] =	wrdreg s19;
	s23 =	simm.s32 $0x480;
	s19 =	simm.s32 $0x980  }
0xe: {  	s5 =	ssub.s32 s5, s20;
	s0 =	sadd.s32 s21, s1;
	s24 =	sadd.s32 s10, s11  }
0xf: {  	s6 =	sshrl.u32 s12, $0x3;
	s26 =	sshll.u32 s25, $0x7;
	s13 =	sadd.s32 s11, s25  }
0x10: {  	s15 =	sshll.u32 s14, $0x7;
	s12 =	sor.u32 $0x1000, s12;
	[dreg:$0x8] =	wrdreg s23  }
0x11: {  	s16 =	sadd.s32 s11, s14;
	s20 =	sadd.s32 $0x180, s10;
	[dreg:$0x11] =	wrdreg s19  }
0x12: {  	s21 =	simm.s32 $0x180;
	s25 =	simm.s32 $0x500;
	[dreg:$0x19] =	wrdreg s0  }
0x13: {  	s10 =	sadd.s32 $0x200, s10;
	s14 =	simm.s32 $0x600;
	[dreg:$0x7] =	wrdreg s21  }
0x14: {  	s23 =	simm.s32 $0xA80;
	s19 =	simm.s32 $0x6;
	[dreg:$0xa] =	wrdreg s25  }
0x15: {  	s0 =	sshll.u32 s24, $0x4;
	s8 =	sadd.s32 s6, s9;
	[dreg:$0xd] =	wrdreg s14  }
0x16: {  	s13 =	sshll.u32 s13, $0x4;
	s24 =	simm.s32 $0x200;
	[dreg:$0x15] =	wrdreg s23  }
0x17: {  	s12 =	sshrl.u32 s12, $0x3;
	s5 =	smax.u32 s5, $0x1;
	[dreg:$0x9] =	wrdreg s24  }
0x18: {  	s22 =	sshll.u32 s20, $0x7;
	s21 =	simm.s32 $0xA00;
	[dreg:$0x1f] =	wrdreg s5  }
0x19: {  	s25 =	simm.s32 $0xE80;
	s0 =	sadd.s32 s3, s0;
	[dreg:$0x13] =	wrdreg s21  }
0x1a: {  	s6 =	sadd.s32 s3, s13;
	s17 =	sadd.s32 $0x100, s8;
	[dreg:$0x17] =	wrdreg s25  }
0x1b: {  	s13 =	sshll.u32 s16, $0x4;
	s9 =	sadd.s32 s12, s9;
	[dreg:$0x1a] =	wrdreg s0  }
0x1c: {  	s12 =	sadd.s32 s11, s20;
	s16 =	simm.s32 $0x880;
	[dreg:$0x1b] =	wrdreg s6  }
0x1d: {  	s20 =	simm.s32 $0xC80;
	s24 =	simm.s32 $0xD80;
	[dreg:$0x4] =	wrdreg s17  }
0x1e: {  	s21 =	simm.s32 $0x800;
	s5 =	simm.s32 $0x7;
	[dreg:$0x5] =	wrdreg s9  }
0x1f: {  	s0 =	sadd.s32 s26, s1;
	s6 =	sadd.s32 s15, s1;
	[dreg:$0xe] =	wrdreg s16  }
0x20: {  	s18 =	sadd.s32 s3, s13;
	s13 =	sadd.s32 s22, s1;
	[dreg:$0x12] =	wrdreg s20  }
0x21: {  	s12 =	sshll.u32 s12, $0x4;
	s26 =	simm.s32 $0x280;
	[dreg:$0x16] =	wrdreg s24  }
0x22: {  	s15 =	sshll.u32 s10, $0x7;
	s17 =	simm.s32 $0x680;
	[dreg:$0x1c] =	wrdreg s18  }
0x23: {  	s10 =	sadd.s32 s11, s10;
	s22 =	simm.s32 $0xD00;
	[dreg:$0xb] =	wrdreg s26  }
0x24: {  	s16 =	simm.s32 $0x400;
	s20 =	simm.s32 $0x4800;
	[dreg:$0xf] =	wrdreg s17  }
0x25: {  	s12 =	sadd.s32 s3, s12;
	s18 =	simm.s32 $0x900;
	[dreg:$0x14] =	wrdreg s22  }
0x26: {  	s10 =	sshll.u32 s10, $0x4;
	s17 =	simm.s32 $0x70;
	[dreg:$0x1d] =	wrdreg s12  }
0x27: {  	s0 =	sshrl.u32 s0, $0x3;
	s26 =	sshrl.u32 s6, $0x3;
	[dreg:$0x10] =	wrdreg s18  }
0x28: {  	s24 =	sshrl.u32 s13, $0x3;
	s6 =	simm.s32 $0x0;
	[smem:$0x7FC] =	sst s0  }
0x29: {  	s12 =	simm.s32 $0x580;
	s3 =	sadd.s32 s3, s10;
	[smem:$0x7FD] =	sst s26  }
0x2a: {  	s18 =	simm.s32 $0x1000;
	s26 =	simm.s32 $0xC00;
	[dreg:$0xc] =	wrdreg s12  }
0x2b: {  	s0 =	simm.s32 $0x5;
	s12 =	sadd.s32 s15, s1;
	[dreg:$0x1e] =	wrdreg s3  }
0x2c: {  	s15 =	simm.s32 $0x8;
	s3 =	simm.s32 $0x3;
	s25 =	sshrl.u32 s12, $0x3  }
.LBB2_1:
0x2d: {  	s9 =	rddreg [dreg:$0x19]  }
0x2e: {  	s10 =	rddreg [dreg:$0x18];
	s9 =	sshrl.u32 s9, $0x3  }
0x2f: {  	[spmem:s9], [sflag:s7] =	dma.local [hbm:s10], $0x2800  }
0x30: {  	_ =	swait.ge [sflag:s15], $0x2800  }
0x31: {  	[sflag:s15] =	ssyncset.done $0x0  }
0x32: {  	[sflag:s15] =	ssyncadd.s32 $0xFFFFD800  }
0x33: {  	[tilespmem:s2], [sflag:$0x8] =	stream.linear.gather [hbm4b:s8+s2], $0x300, $0x38;
	[tilespmem:$0x1F800] =	vst v63  }
0x34: {  	s14 =	sadd.s32 $0x80, s8  }
0x35: {  	[tilespmem:s16], [sflag:$0x8] =	stream.linear.gather [hbm4b:s14+s2], $0x300, $0x38;
	[tilespmem:$0x1F800] =	vst v63  }
0x36: {  	_ =	swait.ge [sflag:s15], $0x600  }
0x37: {  	[sflag:s15] =	ssyncset.done $0x0  }
0x38: {  	[sflag:s15] =	ssyncadd.s32 $0xFFFFFA00  }
0x39: {  	[bflag:$0x0] =	sbarrier.arrive $0xFFFF  }
0x3a: {  	[tilespmem:s18], [sflag:$0x1] =	stream.indirect.gather [hbm4b:s4+s17], $0x80, s2, s17, $0xb8;
	[tilespmem:$0x1F800] =	vst v63  }
0x3b: {  	s11 =	simm.s32 $0x80;
	s22 =	rddreg [dreg:$0x4]  }
0x3c: {  	[tilespmem:s20], [sflag:$0x2] =	stream.indirect.gather [hbm4b:s4+s17], $0x80, s11, s17, $0xb8;
	[tilespmem:$0x1F800] =	vst v63  }
0x3d: {  	s10 =	sadd.s32 $0x0, s22  }
0x3e: {  	[tilespmem:s21], [sflag:$0x7] =	stream.linear.gather [hbm4b:s10+s2], $0x300, $0x38;
	[tilespmem:$0x1F800] =	vst v63  }
0x3f: {  	p0 =	por $0x1, $0x1;
	s10 =	sadd.s32 $0x80, s10  }
0x40: {  	[tilespmem:s26], [sflag:$0x7] =	stream.linear.gather [hbm4b:s10+s2], $0x300, $0x38;
	[tilespmem:$0x1F800] =	vst v63  }
0x41: {  	s10 =	simm.s32 @!p0 $0x6  }
0x42: {  	_ =	swait.ge @!p0 [sflag:s10], $0x3800  }
0x43: {  	[sflag:s10] =	ssyncset.done @!p0 $0x0  }
0x44: {  	s23 =	rddreg [dreg:$0x6];
	[sflag:s10] =	ssyncadd.s32 @!p0 $0xFFFFC800  }
0x45: {  	[tilespmem:s28], [sflag:$0x3] =	stream.indirect.gather [hbm4b:s4+s17], $0x80, s23, s17, $0xb8;
	[tilespmem:$0x1F800] =	vst v63  }
0x46: {  	_ =	swait.ge [sflag:s29], $0x3800  }
0x47: {  	[sflag:s29] =	ssyncset.done $0x0  }
0x48: {  	[sflag:s29] =	ssyncadd.s32 $0xFFFFC800  }
0x49: {  	[spmem:s1] =	stream.indirect.scatter.add.f32 [tilespmem:s18], [sflag:$0x4], $0x80, s16, s17, $0xb8;
	[tilespmem:$0x1F800] =	vst v63  }
0x4a: {  	_ =	swait.ge [sflag:s30], $0x3800  }
0x4b: {  	[sflag:s30] =	ssyncset.done $0x0  }
0x4c: {  	s12 =	rddreg [dreg:$0x7];
	[sflag:s30] =	ssyncadd.s32 $0xFFFFC800  }
0x4d: {  	[tilespmem:s18], [sflag:$0x1] =	stream.indirect.gather [hbm4b:s4+s17], $0x80, s12, s17, $0xb8;
	[tilespmem:$0x1F800] =	vst v63  }
0x4e: {  	_ =	swait.ge [sflag:s31], $0x3800  }
0x4f: {  	[sflag:s31] =	ssyncset.done $0x0  }
0x50: {  	s13 =	rddreg [dreg:$0x8];
	[sflag:s31] =	ssyncadd.s32 $0xFFFFC800  }
0x51: {  	[spmem:s1] =	stream.indirect.scatter.add.f32 [tilespmem:s20], [sflag:$0x5], $0x80, s13, s17, $0xb8;
	[tilespmem:$0x1F800] =	vst v63  }
0x52: {  	_ =	swait.ge [sflag:s0], $0x3800  }
0x53: {  	[sflag:s0] =	ssyncset.done $0x0  }
0x54: {  	s14 =	rddreg [dreg:$0x9];
	[sflag:s0] =	ssyncadd.s32 $0xFFFFC800  }
0x55: {  	[tilespmem:s20], [sflag:$0x2] =	stream.indirect.gather [hbm4b:s4+s17], $0x80, s14, s17, $0xb8;
	[tilespmem:$0x1F800] =	vst v63  }
0x56: {  	_ =	swait.ge [sflag:s3], $0x3800  }
0x57: {  	[sflag:s3] =	ssyncset.done $0x0  }
0x58: {  	s22 =	rddreg [dreg:$0xa];
	[sflag:s3] =	ssyncadd.s32 $0xFFFFC800  }
0x59: {  	[spmem:s1] =	stream.indirect.scatter.add.f32 [tilespmem:s28], [sflag:$0x6], $0x80, s22, s17, $0xb8;
	[tilespmem:$0x1F800] =	vst v63  }
0x5a: {  	_ =	swait.ge [sflag:s19], $0x3800  }
0x5b: {  	[sflag:s19] =	ssyncset.done $0x0  }
0x5c: {  	s23 =	rddreg [dreg:$0xb];
	[sflag:s19] =	ssyncadd.s32 $0xFFFFC800  }
0x5d: {  	[tilespmem:s28], [sflag:$0x3] =	stream.indirect.gather [hbm4b:s4+s17], $0x80, s23, s17, $0xb8;
	[tilespmem:$0x1F800] =	vst v63  }
0x5e: {  	_ =	swait.ge [sflag:s29], $0x3800  }
0x5f: {  	[sflag:s29] =	ssyncset.done $0x0  }
0x60: {  	s11 =	rddreg [dreg:$0xc];
	[sflag:s29] =	ssyncadd.s32 $0xFFFFC800  }
0x61: {  	[spmem:s1] =	stream.indirect.scatter.add.f32 [tilespmem:s18], [sflag:$0x4], $0x80, s11, s17, $0xb8;
	[tilespmem:$0x1F800] =	vst v63  }
0x62: {  	_ =	swait.ge [sflag:s30], $0x3800  }
0x63: {  	[sflag:s30] =	ssyncset.done $0x0  }
0x64: {  	[sflag:s30] =	ssyncadd.s32 $0xFFFFC800  }
0x65: {  	_ =	swait.ge [sflag:s5], $0x600  }
0x66: {  	[sflag:s5] =	ssyncset.done $0x0  }
0x67: {  	[sflag:s5] =	ssyncadd.s32 $0xFFFFFA00  }
0x68: {  	[tilespmem:s18], [sflag:$0x1] =	stream.indirect.gather [hbm4b:s4+s17], $0x80, s21, s17, $0xb8;
	[tilespmem:$0x1F800] =	vst v63  }
0x69: {  	_ =	swait.ge [sflag:s31], $0x3800  }
0x6a: {  	[sflag:s31] =	ssyncset.done $0x0  }
0x6b: {  	s12 =	rddreg [dreg:$0xd];
	[sflag:s31] =	ssyncadd.s32 $0xFFFFC800  }
0x6c: {  	[spmem:s1] =	stream.indirect.scatter.add.f32 [tilespmem:s20], [sflag:$0x5], $0x80, s12, s17, $0xb8;
	[tilespmem:$0x1F800] =	vst v63  }
0x6d: {  	_ =	swait.ge [sflag:s0], $0x3800  }
0x6e: {  	[sflag:s0] =	ssyncset.done $0x0  }
0x6f: {  	s13 =	rddreg [dreg:$0xe];
	[sflag:s0] =	ssyncadd.s32 $0xFFFFC800  }
0x70: {  	[tilespmem:s20], [sflag:$0x2] =	stream.indirect.gather [hbm4b:s4+s17], $0x80, s13, s17, $0xb8;
	[tilespmem:$0x1F800] =	vst v63  }
0x71: {  	_ =	swait.ge [sflag:s3], $0x3800  }
0x72: {  	s14 =	rddreg [dreg:$0xf];
	[sflag:s3] =	ssyncset.done $0x0  }
0x73: {  	p0 =	por $0x0, $0x0;
	s11 =	rddreg [dreg:$0x5];
	[sflag:s3] =	ssyncadd.s32 $0xFFFFC800  }
0x74: {  	[spmem:s1] =	stream.indirect.scatter.add.f32 [tilespmem:s28], [sflag:$0x6], $0x80, s14, s17, $0xb8;
	[tilespmem:$0x1F800] =	vst v63  }
0x75: {  	s10 =	simm.s32 @!p0 $0x0;
	s11 =	sadd.s32 @!p0 $0x0, s11  }
0x76: {  	[tilespmem:s10], [sflag:$0x7] =	stream.linear.gather @!p0 [hbm4b:s11+s10], $0x300, $0x38;
	[tilespmem:$0x1F800] =	vst v63  }
0x77: {  	s12 =	simm.s32 @!p0 $0x400;
	s11 =	sadd.s32 @!p0 $0x80, s11  }
0x78: {  	[tilespmem:s12], [sflag:$0x7] =	stream.linear.gather @!p0 [hbm4b:s11+s10], $0x300, $0x38;
	[tilespmem:$0x1F800] =	vst v63  }
0x79: {  	_ =	swait.ge [sflag:s19], $0x3800  }
0x7a: {  	[sflag:s19] =	ssyncset.done $0x0  }
0x7b: {  	s22 =	rddreg [dreg:$0x10];
	[sflag:s19] =	ssyncadd.s32 $0xFFFFC800  }
0x7c: {  	[tilespmem:s28], [sflag:$0x3] =	stream.indirect.gather [hbm4b:s4+s17], $0x80, s22, s17, $0xb8;
	[tilespmem:$0x1F800] =	vst v63  }
0x7d: {  	_ =	swait.ge [sflag:s29], $0x3800  }
0x7e: {  	[sflag:s29] =	ssyncset.done $0x0  }
0x7f: {  	[sflag:s29] =	ssyncadd.s32 $0xFFFFC800  }
0x80: {  	[spmem:s1] =	stream.indirect.scatter.add.f32 [tilespmem:s18], [sflag:$0x4], $0x80, s26, s17, $0xb8;
	[tilespmem:$0x1F800] =	vst v63  }
0x81: {  	_ =	swait.ge [sflag:s30], $0x3800  }
0x82: {  	[sflag:s30] =	ssyncset.done $0x0  }
0x83: {  	s23 =	rddreg [dreg:$0x11];
	[sflag:s30] =	ssyncadd.s32 $0xFFFFC800  }
0x84: {  	[tilespmem:s18], [sflag:$0x1] =	stream.indirect.gather [hbm4b:s4+s17], $0x80, s23, s17, $0xb8;
	[tilespmem:$0x1F800] =	vst v63  }
0x85: {  	_ =	swait.ge [sflag:s31], $0x3800  }
0x86: {  	[sflag:s31] =	ssyncset.done $0x0  }
0x87: {  	s12 =	rddreg [dreg:$0x12];
	[sflag:s31] =	ssyncadd.s32 $0xFFFFC800  }
0x88: {  	[spmem:s1] =	stream.indirect.scatter.add.f32 [tilespmem:s20], [sflag:$0x5], $0x80, s12, s17, $0xb8;
	[tilespmem:$0x1F800] =	vst v63  }
0x89: {  	_ =	swait.ge [sflag:s0], $0x3800  }
0x8a: {  	[sflag:s0] =	ssyncset.done $0x0  }
0x8b: {  	s13 =	rddreg [dreg:$0x13];
	[sflag:s0] =	ssyncadd.s32 $0xFFFFC800  }
0x8c: {  	[tilespmem:s20], [sflag:$0x2] =	stream.indirect.gather [hbm4b:s4+s17], $0x80, s13, s17, $0xb8;
	[tilespmem:$0x1F800] =	vst v63  }
0x8d: {  	_ =	swait.ge [sflag:s3], $0x3800  }
0x8e: {  	[sflag:s3] =	ssyncset.done $0x0  }
0x8f: {  	s14 =	rddreg [dreg:$0x14];
	[sflag:s3] =	ssyncadd.s32 $0xFFFFC800  }
0x90: {  	[spmem:s1] =	stream.indirect.scatter.add.f32 [tilespmem:s28], [sflag:$0x6], $0x80, s14, s17, $0xb8;
	[tilespmem:$0x1F800] =	vst v63  }
0x91: {  	_ =	swait.ge [sflag:s19], $0x3800  }
0x92: {  	[sflag:s19] =	ssyncset.done $0x0  }
0x93: {  	s22 =	rddreg [dreg:$0x15];
	[sflag:s19] =	ssyncadd.s32 $0xFFFFC800  }
0x94: {  	[tilespmem:s28], [sflag:$0x3] =	stream.indirect.gather [hbm4b:s4+s17], $0x80, s22, s17, $0xb8;
	[tilespmem:$0x1F800] =	vst v63  }
0x95: {  	_ =	swait.ge [sflag:s29], $0x3800  }
0x96: {  	[sflag:s29] =	ssyncset.done $0x0  }
0x97: {  	s23 =	rddreg [dreg:$0x16];
	[sflag:s29] =	ssyncadd.s32 $0xFFFFC800  }
0x98: {  	[spmem:s1] =	stream.indirect.scatter.add.f32 [tilespmem:s18], [sflag:$0x4], $0x80, s23, s17, $0xb8;
	[tilespmem:$0x1F800] =	vst v63  }
0x99: {  	_ =	swait.ge [sflag:s30], $0x3800  }
0x9a: {  	[sflag:s30] =	ssyncset.done $0x0  }
0x9b: {  	s11 =	simm.s32 @p0 $0x2;
	[sflag:s30] =	ssyncadd.s32 $0xFFFFC800  }
0x9c: {  	_ =	swait.ge @p0 [sflag:s11], $0x3800  }
0x9d: {  	s12 =	simm.s32 @p0 $0x4800;
	[sflag:s11] =	ssyncset.done @p0 $0x0  }
0x9e: {  	s13 =	simm.s32 @p0 $0x70;
	[sflag:s11] =	ssyncadd.s32 @p0 $0xFFFFC800;
	s11 =	simm.s32 @p0 $0xE00  }
0x9f: {  	[spmem:s1] =	stream.indirect.scatter.add.f32 @p0 [tilespmem:s12], [sflag:$0x5], $0x80, s11, s13, $0xb8;
	[tilespmem:$0x1F800] =	vst v63  }
0xa0: {  	s11 =	simm.s32 @p0 $0x5  }
0xa1: {  	_ =	swait.ge @p0 [sflag:s11], $0x3800  }
0xa2: {  	[sflag:s11] =	ssyncset.done @p0 $0x0  }
0xa3: {  	s12 =	simm.s32 @!p0 $0x7;
	[sflag:s11] =	ssyncadd.s32 @p0 $0xFFFFC800  }
0xa4: {  	_ =	swait.ge @!p0 [sflag:s12], $0x600  }
0xa5: {  	s13 =	simm.s32 @!p0 $0x1000;
	[sflag:s12] =	ssyncset.done @!p0 $0x0  }
0xa6: {  	s11 =	simm.s32 @!p0 $0x70;
	[sflag:s12] =	ssyncadd.s32 @!p0 $0xFFFFFA00;
	s12 =	simm.s32 @!p0 $0x2  }
0xa7: {  	[tilespmem:s13], [sflag:$0x1] =	stream.indirect.gather @!p0 [hbm4b:s4+s11], $0x80, s10, s11, $0xb8;
	[tilespmem:$0x1F800] =	vst v63  }
0xa8: {  	_ =	swait.ge @!p0 [sflag:s12], $0x3800  }
0xa9: {  	s10 =	simm.s32 @!p0 $0xE00;
	[sflag:s12] =	ssyncset.done @!p0 $0x0  }
0xaa: {  	s13 =	simm.s32 @!p0 $0x4800;
	[sflag:s12] =	ssyncadd.s32 @!p0 $0xFFFFC800;
	s12 =	simm.s32 @!p0 $0x5  }
0xab: {  	[spmem:s1] =	stream.indirect.scatter.add.f32 @!p0 [tilespmem:s13], [sflag:$0x5], $0x80, s10, s11, $0xb8;
	[tilespmem:$0x1F800] =	vst v63  }
0xac: {  	_ =	swait.ge @!p0 [sflag:s12], $0x3800  }
0xad: {  	[sflag:s12] =	ssyncset.done @!p0 $0x0  }
0xae: {  	s10 =	simm.s32 @!p0 $0x80;
	[sflag:s12] =	ssyncadd.s32 @!p0 $0xFFFFC800  }
0xaf: {  	[tilespmem:s13], [sflag:$0x2] =	stream.indirect.gather @!p0 [hbm4b:s4+s11], $0x80, s10, s11, $0xb8;
	[tilespmem:$0x1F800] =	vst v63  }
0xb0: {  	_ =	swait.ge [sflag:s3], $0x3800  }
0xb1: {  	s10 =	simm.s32 $0x200;
	[sflag:s3] =	ssyncset.done $0x0;
	s13 =	rddreg [dreg:$0x17]  }
0xb2: {  	s11 =	simm.s32 $0x400;
	s14 =	rddreg [dreg:$0x4];
	[sflag:s3] =	ssyncadd.s32 $0xFFFFC800  }
.LBB2_2:
0xb3: {  	[spmem:s1] =	stream.indirect.scatter.add.f32 [tilespmem:s28], [sflag:$0x6], $0x80, s13, s17, $0xb8;
	[tilespmem:$0x1F800] =	vst v63  }
0xb4: {  	s14 =	sadd.s32 s10, s14  }
0xb5: {  	[tilespmem:s21], [sflag:$0x7] =	stream.linear.gather [hbm4b:s14+s2], $0x300, $0x38;
	[tilespmem:$0x1F800] =	vst v63  }
0xb6: {  	p1 =	seq.s32 s10, $0x0;
	s13 =	sadd.s32 $0x80, s14  }
0xb7: {  	[tilespmem:s26], [sflag:$0x7] =	stream.linear.gather [hbm4b:s13+s2], $0x300, $0x38;
	[tilespmem:$0x1F800] =	vst v63  }
0xb8: {  	s13 =	simm.s32 @!p1 $0x6  }
0xb9: {  	_ =	swait.ge @!p1 [sflag:s13], $0x3800  }
0xba: {  	[sflag:s13] =	ssyncset.done @!p1 $0x0  }
0xbb: {  	s22 =	rddreg [dreg:$0x6];
	[sflag:s13] =	ssyncadd.s32 @!p1 $0xFFFFC800  }
0xbc: {  	[tilespmem:s28], [sflag:$0x3] =	stream.indirect.gather [hbm4b:s4+s17], $0x80, s22, s17, $0xb8;
	[tilespmem:$0x1F800] =	vst v63  }
0xbd: {  	_ =	swait.ge [sflag:s29], $0x3800  }
0xbe: {  	[sflag:s29] =	ssyncset.done $0x0  }
0xbf: {  	[sflag:s29] =	ssyncadd.s32 $0xFFFFC800  }
0xc0: {  	[spmem:s1] =	stream.indirect.scatter.add.f32 [tilespmem:s18], [sflag:$0x4], $0x80, s16, s17, $0xb8;
	[tilespmem:$0x1F800] =	vst v63  }
0xc1: {  	_ =	swait.ge [sflag:s30], $0x3800  }
0xc2: {  	[sflag:s30] =	ssyncset.done $0x0  }
0xc3: {  	s23 =	rddreg [dreg:$0x7];
	[sflag:s30] =	ssyncadd.s32 $0xFFFFC800  }
0xc4: {  	[tilespmem:s18], [sflag:$0x1] =	stream.indirect.gather [hbm4b:s4+s17], $0x80, s23, s17, $0xb8;
	[tilespmem:$0x1F800] =	vst v63  }
0xc5: {  	_ =	swait.ge [sflag:s31], $0x3800  }
0xc6: {  	[sflag:s31] =	ssyncset.done $0x0  }
0xc7: {  	s14 =	rddreg [dreg:$0x8];
	[sflag:s31] =	ssyncadd.s32 $0xFFFFC800  }
0xc8: {  	[spmem:s1] =	stream.indirect.scatter.add.f32 [tilespmem:s20], [sflag:$0x5], $0x80, s14, s17, $0xb8;
	[tilespmem:$0x1F800] =	vst v63  }
0xc9: {  	_ =	swait.ge [sflag:s0], $0x3800  }
0xca: {  	[sflag:s0] =	ssyncset.done $0x0  }
0xcb: {  	s22 =	rddreg [dreg:$0x9];
	[sflag:s0] =	ssyncadd.s32 $0xFFFFC800  }
0xcc: {  	[tilespmem:s20], [sflag:$0x2] =	stream.indirect.gather [hbm4b:s4+s17], $0x80, s22, s17, $0xb8;
	[tilespmem:$0x1F800] =	vst v63  }
0xcd: {  	_ =	swait.ge [sflag:s3], $0x3800  }
0xce: {  	[sflag:s3] =	ssyncset.done $0x0  }
0xcf: {  	s23 =	rddreg [dreg:$0xa];
	[sflag:s3] =	ssyncadd.s32 $0xFFFFC800  }
0xd0: {  	[spmem:s1] =	stream.indirect.scatter.add.f32 [tilespmem:s28], [sflag:$0x6], $0x80, s23, s17, $0xb8;
	[tilespmem:$0x1F800] =	vst v63  }
0xd1: {  	_ =	swait.ge [sflag:s19], $0x3800  }
0xd2: {  	[sflag:s19] =	ssyncset.done $0x0  }
0xd3: {  	s14 =	rddreg [dreg:$0xb];
	[sflag:s19] =	ssyncadd.s32 $0xFFFFC800  }
0xd4: {  	[tilespmem:s28], [sflag:$0x3] =	stream.indirect.gather [hbm4b:s4+s17], $0x80, s14, s17, $0xb8;
	[tilespmem:$0x1F800] =	vst v63  }
0xd5: {  	_ =	swait.ge [sflag:s29], $0x3800  }
0xd6: {  	[sflag:s29] =	ssyncset.done $0x0  }
0xd7: {  	s22 =	rddreg [dreg:$0xc];
	[sflag:s29] =	ssyncadd.s32 $0xFFFFC800  }
0xd8: {  	[spmem:s1] =	stream.indirect.scatter.add.f32 [tilespmem:s18], [sflag:$0x4], $0x80, s22, s17, $0xb8;
	[tilespmem:$0x1F800] =	vst v63  }
0xd9: {  	_ =	swait.ge [sflag:s30], $0x3800  }
0xda: {  	[sflag:s30] =	ssyncset.done $0x0  }
0xdb: {  	[sflag:s30] =	ssyncadd.s32 $0xFFFFC800  }
0xdc: {  	_ =	swait.ge [sflag:s5], $0x600  }
0xdd: {  	[sflag:s5] =	ssyncset.done $0x0  }
0xde: {  	[sflag:s5] =	ssyncadd.s32 $0xFFFFFA00  }
0xdf: {  	[tilespmem:s18], [sflag:$0x1] =	stream.indirect.gather [hbm4b:s4+s17], $0x80, s21, s17, $0xb8;
	[tilespmem:$0x1F800] =	vst v63  }
0xe0: {  	_ =	swait.ge [sflag:s31], $0x3800  }
0xe1: {  	[sflag:s31] =	ssyncset.done $0x0  }
0xe2: {  	s23 =	rddreg [dreg:$0xd];
	[sflag:s31] =	ssyncadd.s32 $0xFFFFC800  }
0xe3: {  	[spmem:s1] =	stream.indirect.scatter.add.f32 [tilespmem:s20], [sflag:$0x5], $0x80, s23, s17, $0xb8;
	[tilespmem:$0x1F800] =	vst v63  }
0xe4: {  	_ =	swait.ge [sflag:s0], $0x3800  }
0xe5: {  	[sflag:s0] =	ssyncset.done $0x0  }
0xe6: {  	s14 =	rddreg [dreg:$0xe];
	[sflag:s0] =	ssyncadd.s32 $0xFFFFC800  }
0xe7: {  	[tilespmem:s20], [sflag:$0x2] =	stream.indirect.gather [hbm4b:s4+s17], $0x80, s14, s17, $0xb8;
	[tilespmem:$0x1F800] =	vst v63  }
0xe8: {  	_ =	swait.ge [sflag:s3], $0x3800  }
0xe9: {  	[sflag:s3] =	ssyncset.done $0x0;
	s22 =	rddreg [dreg:$0xf]  }
0xea: {  	p1 =	seq.s32 s10, $0xE00;
	s14 =	rddreg [dreg:$0x5];
	[sflag:s3] =	ssyncadd.s32 $0xFFFFC800  }
0xeb: {  	[spmem:s1] =	stream.indirect.scatter.add.f32 [tilespmem:s28], [sflag:$0x6], $0x80, s22, s17, $0xb8;
	[tilespmem:$0x1F800] =	vst v63  }
0xec: {  	s13 =	simm.s32 @!p1 $0x0;
	s10 =	sadd.s32 @!p1 s10, s14  }
0xed: {  	[tilespmem:s13], [sflag:$0x7] =	stream.linear.gather @!p1 [hbm4b:s10+s13], $0x300, $0x38;
	[tilespmem:$0x1F800] =	vst v63  }
0xee: {  	s14 =	simm.s32 @!p1 $0x400;
	s22 =	sadd.s32 @!p1 $0x80, s10  }
0xef: {  	[tilespmem:s14], [sflag:$0x7] =	stream.linear.gather @!p1 [hbm4b:s22+s13], $0x300, $0x38;
	[tilespmem:$0x1F800] =	vst v63  }
0xf0: {  	_ =	swait.ge [sflag:s19], $0x3800  }
0xf1: {  	[sflag:s19] =	ssyncset.done $0x0  }
0xf2: {  	s23 =	rddreg [dreg:$0x10];
	[sflag:s19] =	ssyncadd.s32 $0xFFFFC800  }
0xf3: {  	[tilespmem:s28], [sflag:$0x3] =	stream.indirect.gather [hbm4b:s4+s17], $0x80, s23, s17, $0xb8;
	[tilespmem:$0x1F800] =	vst v63  }
0xf4: {  	_ =	swait.ge [sflag:s29], $0x3800  }
0xf5: {  	[sflag:s29] =	ssyncset.done $0x0  }
0xf6: {  	[sflag:s29] =	ssyncadd.s32 $0xFFFFC800  }
0xf7: {  	[spmem:s1] =	stream.indirect.scatter.add.f32 [tilespmem:s18], [sflag:$0x4], $0x80, s26, s17, $0xb8;
	[tilespmem:$0x1F800] =	vst v63  }
0xf8: {  	_ =	swait.ge [sflag:s30], $0x3800  }
0xf9: {  	[sflag:s30] =	ssyncset.done $0x0  }
0xfa: {  	s14 =	rddreg [dreg:$0x11];
	[sflag:s30] =	ssyncadd.s32 $0xFFFFC800  }
0xfb: {  	[tilespmem:s18], [sflag:$0x1] =	stream.indirect.gather [hbm4b:s4+s17], $0x80, s14, s17, $0xb8;
	[tilespmem:$0x1F800] =	vst v63  }
0xfc: {  	_ =	swait.ge [sflag:s31], $0x3800  }
0xfd: {  	[sflag:s31] =	ssyncset.done $0x0  }
0xfe: {  	s22 =	rddreg [dreg:$0x12];
	[sflag:s31] =	ssyncadd.s32 $0xFFFFC800  }
0xff: {  	[spmem:s1] =	stream.indirect.scatter.add.f32 [tilespmem:s20], [sflag:$0x5], $0x80, s22, s17, $0xb8;
	[tilespmem:$0x1F800] =	vst v63  }
0x100: {  	_ =	swait.ge [sflag:s0], $0x3800  }
0x101: {  	[sflag:s0] =	ssyncset.done $0x0  }
0x102: {  	s23 =	rddreg [dreg:$0x13];
	[sflag:s0] =	ssyncadd.s32 $0xFFFFC800  }
0x103: {  	[tilespmem:s20], [sflag:$0x2] =	stream.indirect.gather [hbm4b:s4+s17], $0x80, s23, s17, $0xb8;
	[tilespmem:$0x1F800] =	vst v63  }
0x104: {  	_ =	swait.ge [sflag:s3], $0x3800  }
0x105: {  	[sflag:s3] =	ssyncset.done $0x0  }
0x106: {  	s14 =	rddreg [dreg:$0x14];
	[sflag:s3] =	ssyncadd.s32 $0xFFFFC800  }
0x107: {  	[spmem:s1] =	stream.indirect.scatter.add.f32 [tilespmem:s28], [sflag:$0x6], $0x80, s14, s17, $0xb8;
	[tilespmem:$0x1F800] =	vst v63  }
0x108: {  	_ =	swait.ge [sflag:s19], $0x3800  }
0x109: {  	[sflag:s19] =	ssyncset.done $0x0  }
0x10a: {  	s22 =	rddreg [dreg:$0x15];
	[sflag:s19] =	ssyncadd.s32 $0xFFFFC800  }
0x10b: {  	[tilespmem:s28], [sflag:$0x3] =	stream.indirect.gather [hbm4b:s4+s17], $0x80, s22, s17, $0xb8;
	[tilespmem:$0x1F800] =	vst v63  }
0x10c: {  	_ =	swait.ge [sflag:s29], $0x3800  }
0x10d: {  	[sflag:s29] =	ssyncset.done $0x0  }
0x10e: {  	s23 =	rddreg [dreg:$0x16];
	[sflag:s29] =	ssyncadd.s32 $0xFFFFC800  }
0x10f: {  	[spmem:s1] =	stream.indirect.scatter.add.f32 [tilespmem:s18], [sflag:$0x4], $0x80, s23, s17, $0xb8;
	[tilespmem:$0x1F800] =	vst v63  }
0x110: {  	_ =	swait.ge [sflag:s30], $0x3800  }
0x111: {  	s12 =	smov.u32 s11;
	[sflag:s30] =	ssyncset.done $0x0  }
0x112: {  	s10 =	smov.u32 s12;
	s12 =	simm.s32 @p1 $0x2;
	[sflag:s30] =	ssyncadd.s32 $0xFFFFC800  }
0x113: {  	_ =	swait.ge @p1 [sflag:s12], $0x3800  }
0x114: {  	s14 =	simm.s32 @p1 $0x4800;
	s22 =	simm.s32 @p1 $0x70;
	[sflag:s12] =	ssyncset.done @p1 $0x0  }
0x115: {  	s23 =	simm.s32 @p1 $0xE00;
	[sflag:s12] =	ssyncadd.s32 @p1 $0xFFFFC800;
	s12 =	simm.s32 @p1 $0x5  }
0x116: {  	[spmem:s1] =	stream.indirect.scatter.add.f32 @p1 [tilespmem:s14], [sflag:$0x5], $0x80, s23, s22, $0xb8;
	[tilespmem:$0x1F800] =	vst v63  }
0x117: {  	_ =	swait.ge @p1 [sflag:s12], $0x3800  }
0x118: {  	[sflag:s12] =	ssyncset.done @p1 $0x0  }
0x119: {  	s14 =	simm.s32 @!p1 $0x7;
	[sflag:s12] =	ssyncadd.s32 @p1 $0xFFFFC800  }
0x11a: {  	_ =	swait.ge @!p1 [sflag:s14], $0x600  }
0x11b: {  	s22 =	simm.s32 @!p1 $0x1000;
	[sflag:s14] =	ssyncset.done @!p1 $0x0  }
0x11c: {  	s12 =	simm.s32 @!p1 $0x70;
	[sflag:s14] =	ssyncadd.s32 @!p1 $0xFFFFFA00;
	s14 =	simm.s32 @!p1 $0x2  }
0x11d: {  	[tilespmem:s22], [sflag:$0x1] =	stream.indirect.gather @!p1 [hbm4b:s4+s12], $0x80, s13, s12, $0xb8;
	[tilespmem:$0x1F800] =	vst v63  }
0x11e: {  	_ =	swait.ge @!p1 [sflag:s14], $0x3800  }
0x11f: {  	s13 =	simm.s32 @!p1 $0xE00;
	[sflag:s14] =	ssyncset.done @!p1 $0x0  }
0x120: {  	s22 =	simm.s32 @!p1 $0x4800;
	[sflag:s14] =	ssyncadd.s32 @!p1 $0xFFFFC800;
	s14 =	simm.s32 @!p1 $0x5  }
0x121: {  	[spmem:s1] =	stream.indirect.scatter.add.f32 @!p1 [tilespmem:s22], [sflag:$0x5], $0x80, s13, s12, $0xb8;
	[tilespmem:$0x1F800] =	vst v63  }
0x122: {  	s11 =	sadd.s32 $0x200, s11;
	_ =	swait.ge @!p1 [sflag:s14], $0x3800  }
0x123: {  	p0 =	sne.s32 s11, $0x1000;
	[sflag:s14] =	ssyncset.done @!p1 $0x0  }
.Ltmp0:
0x124: {  	s13 =	simm.s32 @!p1 $0x80;
	[sflag:s14] =	ssyncadd.s32 @!p1 $0xFFFFC800;
	(pc) =	sbr.rel @p0 .LBB2_2-.Ltmp0, $4  }
0x125: {  	[tilespmem:s22], [sflag:$0x2] =	stream.indirect.gather @!p1 [hbm4b:s4+s12], $0x80, s13, s12, $0xb8;
	[tilespmem:$0x1F800] =	vst v63  }
0x126: {  	_ =	swait.ge [sflag:s3], $0x3800  }
0x127: {  	[sflag:s3] =	ssyncset.done $0x0;
	s13 =	rddreg [dreg:$0x17]  }
0x128: {  	s14 =	rddreg [dreg:$0x4];
	[sflag:s3] =	ssyncadd.s32 $0xFFFFC800  }
0x129: {  	[spmem:s1] =	stream.indirect.scatter.add.f32 [tilespmem:s28], [sflag:$0x6], $0x80, s13, s17, $0xb8;
	[tilespmem:$0x1F800] =	vst v63  }
0x12a: {  	s11 =	sadd.s32 s10, s14  }
0x12b: {  	[tilespmem:s21], [sflag:$0x7] =	stream.linear.gather [hbm4b:s11+s2], $0x300, $0x38;
	[tilespmem:$0x1F800] =	vst v63  }
0x12c: {  	p0 =	seq.s32 s10, $0x0;
	s11 =	sadd.s32 $0x80, s11  }
0x12d: {  	[tilespmem:s26], [sflag:$0x7] =	stream.linear.gather [hbm4b:s11+s2], $0x300, $0x38;
	[tilespmem:$0x1F800] =	vst v63  }
0x12e: {  	s11 =	simm.s32 @!p0 $0x6  }
0x12f: {  	_ =	swait.ge @!p0 [sflag:s11], $0x3800  }
0x130: {  	[sflag:s11] =	ssyncset.done @!p0 $0x0  }
0x131: {  	s12 =	rddreg [dreg:$0x6];
	[sflag:s11] =	ssyncadd.s32 @!p0 $0xFFFFC800  }
0x132: {  	[tilespmem:s28], [sflag:$0x3] =	stream.indirect.gather [hbm4b:s4+s17], $0x80, s12, s17, $0xb8;
	[tilespmem:$0x1F800] =	vst v63  }
0x133: {  	_ =	swait.ge [sflag:s29], $0x3800  }
0x134: {  	[sflag:s29] =	ssyncset.done $0x0  }
0x135: {  	[sflag:s29] =	ssyncadd.s32 $0xFFFFC800  }
0x136: {  	[spmem:s1] =	stream.indirect.scatter.add.f32 [tilespmem:s18], [sflag:$0x4], $0x80, s16, s17, $0xb8;
	[tilespmem:$0x1F800] =	vst v63  }
0x137: {  	_ =	swait.ge [sflag:s30], $0x3800  }
0x138: {  	[sflag:s30] =	ssyncset.done $0x0  }
0x139: {  	s13 =	rddreg [dreg:$0x7];
	[sflag:s30] =	ssyncadd.s32 $0xFFFFC800  }
0x13a: {  	[tilespmem:s18], [sflag:$0x1] =	stream.indirect.gather [hbm4b:s4+s17], $0x80, s13, s17, $0xb8;
	[tilespmem:$0x1F800] =	vst v63  }
0x13b: {  	_ =	swait.ge [sflag:s31], $0x3800  }
0x13c: {  	[sflag:s31] =	ssyncset.done $0x0  }
0x13d: {  	s14 =	rddreg [dreg:$0x8];
	[sflag:s31] =	ssyncadd.s32 $0xFFFFC800  }
0x13e: {  	[spmem:s1] =	stream.indirect.scatter.add.f32 [tilespmem:s20], [sflag:$0x5], $0x80, s14, s17, $0xb8;
	[tilespmem:$0x1F800] =	vst v63  }
0x13f: {  	_ =	swait.ge [sflag:s0], $0x3800  }
0x140: {  	[sflag:s0] =	ssyncset.done $0x0  }
0x141: {  	s22 =	rddreg [dreg:$0x9];
	[sflag:s0] =	ssyncadd.s32 $0xFFFFC800  }
0x142: {  	[tilespmem:s20], [sflag:$0x2] =	stream.indirect.gather [hbm4b:s4+s17], $0x80, s22, s17, $0xb8;
	[tilespmem:$0x1F800] =	vst v63  }
0x143: {  	_ =	swait.ge [sflag:s3], $0x3800  }
0x144: {  	[sflag:s3] =	ssyncset.done $0x0  }
0x145: {  	s23 =	rddreg [dreg:$0xa];
	[sflag:s3] =	ssyncadd.s32 $0xFFFFC800  }
0x146: {  	[spmem:s1] =	stream.indirect.scatter.add.f32 [tilespmem:s28], [sflag:$0x6], $0x80, s23, s17, $0xb8;
	[tilespmem:$0x1F800] =	vst v63  }
0x147: {  	_ =	swait.ge [sflag:s19], $0x3800  }
0x148: {  	[sflag:s19] =	ssyncset.done $0x0  }
0x149: {  	s12 =	rddreg [dreg:$0xb];
	[sflag:s19] =	ssyncadd.s32 $0xFFFFC800  }
0x14a: {  	[tilespmem:s28], [sflag:$0x3] =	stream.indirect.gather [hbm4b:s4+s17], $0x80, s12, s17, $0xb8;
	[tilespmem:$0x1F800] =	vst v63  }
0x14b: {  	_ =	swait.ge [sflag:s29], $0x3800  }
0x14c: {  	[sflag:s29] =	ssyncset.done $0x0  }
0x14d: {  	s13 =	rddreg [dreg:$0xc];
	[sflag:s29] =	ssyncadd.s32 $0xFFFFC800  }
0x14e: {  	[spmem:s1] =	stream.indirect.scatter.add.f32 [tilespmem:s18], [sflag:$0x4], $0x80, s13, s17, $0xb8;
	[tilespmem:$0x1F800] =	vst v63  }
0x14f: {  	_ =	swait.ge [sflag:s30], $0x3800  }
0x150: {  	[sflag:s30] =	ssyncset.done $0x0  }
0x151: {  	[sflag:s30] =	ssyncadd.s32 $0xFFFFC800  }
0x152: {  	_ =	swait.ge [sflag:s5], $0x600  }
0x153: {  	[sflag:s5] =	ssyncset.done $0x0  }
0x154: {  	[sflag:s5] =	ssyncadd.s32 $0xFFFFFA00  }
0x155: {  	[tilespmem:s18], [sflag:$0x1] =	stream.indirect.gather [hbm4b:s4+s17], $0x80, s21, s17, $0xb8;
	[tilespmem:$0x1F800] =	vst v63  }
0x156: {  	_ =	swait.ge [sflag:s31], $0x3800  }
0x157: {  	[sflag:s31] =	ssyncset.done $0x0  }
0x158: {  	s14 =	rddreg [dreg:$0xd];
	[sflag:s31] =	ssyncadd.s32 $0xFFFFC800  }
0x159: {  	[spmem:s1] =	stream.indirect.scatter.add.f32 [tilespmem:s20], [sflag:$0x5], $0x80, s14, s17, $0xb8;
	[tilespmem:$0x1F800] =	vst v63  }
0x15a: {  	_ =	swait.ge [sflag:s0], $0x3800  }
0x15b: {  	[sflag:s0] =	ssyncset.done $0x0  }
0x15c: {  	s22 =	rddreg [dreg:$0xe];
	[sflag:s0] =	ssyncadd.s32 $0xFFFFC800  }
0x15d: {  	[tilespmem:s20], [sflag:$0x2] =	stream.indirect.gather [hbm4b:s4+s17], $0x80, s22, s17, $0xb8;
	[tilespmem:$0x1F800] =	vst v63  }
0x15e: {  	_ =	swait.ge [sflag:s3], $0x3800  }
0x15f: {  	s23 =	rddreg [dreg:$0xf];
	[sflag:s3] =	ssyncset.done $0x0  }
0x160: {  	p0 =	seq.s32 s10, $0xE00;
	s12 =	rddreg [dreg:$0x5];
	[sflag:s3] =	ssyncadd.s32 $0xFFFFC800  }
0x161: {  	[spmem:s1] =	stream.indirect.scatter.add.f32 [tilespmem:s28], [sflag:$0x6], $0x80, s23, s17, $0xb8;
	[tilespmem:$0x1F800] =	vst v63  }
0x162: {  	s11 =	sadd.s32 @!p0 s10, s12;
	s10 =	simm.s32 @!p0 $0x0  }
0x163: {  	[tilespmem:s10], [sflag:$0x7] =	stream.linear.gather @!p0 [hbm4b:s11+s10], $0x300, $0x38;
	[tilespmem:$0x1F800] =	vst v63  }
0x164: {  	s12 =	simm.s32 @!p0 $0x400;
	s11 =	sadd.s32 @!p0 $0x80, s11  }
0x165: {  	[tilespmem:s12], [sflag:$0x7] =	stream.linear.gather @!p0 [hbm4b:s11+s10], $0x300, $0x38;
	[tilespmem:$0x1F800] =	vst v63  }
0x166: {  	_ =	swait.ge [sflag:s19], $0x3800  }
0x167: {  	[sflag:s19] =	ssyncset.done $0x0  }
0x168: {  	s13 =	rddreg [dreg:$0x10];
	[sflag:s19] =	ssyncadd.s32 $0xFFFFC800  }
0x169: {  	[tilespmem:s28], [sflag:$0x3] =	stream.indirect.gather [hbm4b:s4+s17], $0x80, s13, s17, $0xb8;
	[tilespmem:$0x1F800] =	vst v63  }
0x16a: {  	_ =	swait.ge [sflag:s29], $0x3800  }
0x16b: {  	[sflag:s29] =	ssyncset.done $0x0  }
0x16c: {  	[sflag:s29] =	ssyncadd.s32 $0xFFFFC800  }
0x16d: {  	[spmem:s1] =	stream.indirect.scatter.add.f32 [tilespmem:s18], [sflag:$0x4], $0x80, s26, s17, $0xb8;
	[tilespmem:$0x1F800] =	vst v63  }
0x16e: {  	_ =	swait.ge [sflag:s30], $0x3800  }
0x16f: {  	[sflag:s30] =	ssyncset.done $0x0  }
0x170: {  	s14 =	rddreg [dreg:$0x11];
	[sflag:s30] =	ssyncadd.s32 $0xFFFFC800  }
0x171: {  	[tilespmem:s18], [sflag:$0x1] =	stream.indirect.gather [hbm4b:s4+s17], $0x80, s14, s17, $0xb8;
	[tilespmem:$0x1F800] =	vst v63  }
0x172: {  	_ =	swait.ge [sflag:s31], $0x3800  }
0x173: {  	[sflag:s31] =	ssyncset.done $0x0  }
0x174: {  	s22 =	rddreg [dreg:$0x12];
	[sflag:s31] =	ssyncadd.s32 $0xFFFFC800  }
0x175: {  	[spmem:s1] =	stream.indirect.scatter.add.f32 [tilespmem:s20], [sflag:$0x5], $0x80, s22, s17, $0xb8;
	[tilespmem:$0x1F800] =	vst v63  }
0x176: {  	_ =	swait.ge [sflag:s0], $0x3800  }
0x177: {  	[sflag:s0] =	ssyncset.done $0x0  }
0x178: {  	s23 =	rddreg [dreg:$0x13];
	[sflag:s0] =	ssyncadd.s32 $0xFFFFC800  }
0x179: {  	[tilespmem:s20], [sflag:$0x2] =	stream.indirect.gather [hbm4b:s4+s17], $0x80, s23, s17, $0xb8;
	[tilespmem:$0x1F800] =	vst v63  }
0x17a: {  	_ =	swait.ge [sflag:s3], $0x3800  }
0x17b: {  	[sflag:s3] =	ssyncset.done $0x0  }
0x17c: {  	s12 =	rddreg [dreg:$0x14];
	[sflag:s3] =	ssyncadd.s32 $0xFFFFC800  }
0x17d: {  	[spmem:s1] =	stream.indirect.scatter.add.f32 [tilespmem:s28], [sflag:$0x6], $0x80, s12, s17, $0xb8;
	[tilespmem:$0x1F800] =	vst v63  }
0x17e: {  	_ =	swait.ge [sflag:s19], $0x3800  }
0x17f: {  	[sflag:s19] =	ssyncset.done $0x0  }
0x180: {  	s13 =	rddreg [dreg:$0x15];
	[sflag:s19] =	ssyncadd.s32 $0xFFFFC800  }
0x181: {  	[tilespmem:s28], [sflag:$0x3] =	stream.indirect.gather [hbm4b:s4+s17], $0x80, s13, s17, $0xb8;
	[tilespmem:$0x1F800] =	vst v63  }
0x182: {  	_ =	swait.ge [sflag:s29], $0x3800  }
0x183: {  	[sflag:s29] =	ssyncset.done $0x0  }
0x184: {  	s14 =	rddreg [dreg:$0x16];
	[sflag:s29] =	ssyncadd.s32 $0xFFFFC800  }
0x185: {  	[spmem:s1] =	stream.indirect.scatter.add.f32 [tilespmem:s18], [sflag:$0x4], $0x80, s14, s17, $0xb8;
	[tilespmem:$0x1F800] =	vst v63  }
0x186: {  	_ =	swait.ge [sflag:s30], $0x3800  }
0x187: {  	[sflag:s30] =	ssyncset.done $0x0  }
0x188: {  	s11 =	simm.s32 @p0 $0x2;
	[sflag:s30] =	ssyncadd.s32 $0xFFFFC800  }
0x189: {  	_ =	swait.ge @p0 [sflag:s11], $0x3800  }
0x18a: {  	s12 =	simm.s32 @p0 $0x4800;
	[sflag:s11] =	ssyncset.done @p0 $0x0  }
0x18b: {  	s13 =	simm.s32 @p0 $0x70;
	[sflag:s11] =	ssyncadd.s32 @p0 $0xFFFFC800;
	s11 =	simm.s32 @p0 $0xE00  }
0x18c: {  	[spmem:s1] =	stream.indirect.scatter.add.f32 @p0 [tilespmem:s12], [sflag:$0x5], $0x80, s11, s13, $0xb8;
	[tilespmem:$0x1F800] =	vst v63  }
0x18d: {  	s11 =	simm.s32 @p0 $0x5  }
0x18e: {  	_ =	swait.ge @p0 [sflag:s11], $0x3800  }
0x18f: {  	[sflag:s11] =	ssyncset.done @p0 $0x0  }
0x190: {  	s12 =	simm.s32 @!p0 $0x7;
	[sflag:s11] =	ssyncadd.s32 @p0 $0xFFFFC800  }
0x191: {  	_ =	swait.ge @!p0 [sflag:s12], $0x600  }
0x192: {  	[sflag:s12] =	ssyncset.done @!p0 $0x0  }
0x193: {  	s11 =	simm.s32 @!p0 $0x70;
	[sflag:s12] =	ssyncadd.s32 @!p0 $0xFFFFFA00;
	s12 =	simm.s32 @!p0 $0x1000  }
0x194: {  	[tilespmem:s12], [sflag:$0x1] =	stream.indirect.gather @!p0 [hbm4b:s4+s11], $0x80, s10, s11, $0xb8;
	[tilespmem:$0x1F800] =	vst v63  }
0x195: {  	s10 =	simm.s32 @!p0 $0x2  }
0x196: {  	_ =	swait.ge @!p0 [sflag:s10], $0x3800  }
0x197: {  	[sflag:s10] =	ssyncset.done @!p0 $0x0  }
0x198: {  	s12 =	simm.s32 @!p0 $0xE00;
	[sflag:s10] =	ssyncadd.s32 @!p0 $0xFFFFC800;
	s10 =	simm.s32 @!p0 $0x4800  }
0x199: {  	[spmem:s1] =	stream.indirect.scatter.add.f32 @!p0 [tilespmem:s10], [sflag:$0x5], $0x80, s12, s11, $0xb8;
	[tilespmem:$0x1F800] =	vst v63  }
0x19a: {  	s12 =	simm.s32 @!p0 $0x5  }
0x19b: {  	_ =	swait.ge @!p0 [sflag:s12], $0x3800  }
0x19c: {  	[sflag:s12] =	ssyncset.done @!p0 $0x0  }
0x19d: {  	[sflag:s12] =	ssyncadd.s32 @!p0 $0xFFFFC800;
	s12 =	simm.s32 @!p0 $0x80  }
0x19e: {  	[tilespmem:s10], [sflag:$0x2] =	stream.indirect.gather @!p0 [hbm4b:s4+s11], $0x80, s12, s11, $0xb8;
	[tilespmem:$0x1F800] =	vst v63  }
0x19f: {  	_ =	swait.ge [sflag:s3], $0x3800  }
0x1a0: {  	[sflag:s3] =	ssyncset.done $0x0  }
0x1a1: {  	s22 =	rddreg [dreg:$0x17];
	[sflag:s3] =	ssyncadd.s32 $0xFFFFC800  }
0x1a2: {  	[spmem:s1] =	stream.indirect.scatter.add.f32 [tilespmem:s28], [sflag:$0x6], $0x80, s22, s17, $0xb8;
	[tilespmem:$0x1F800] =	vst v63  }
0x1a3: {  	_ =	swait.ge [sflag:s19], $0x3800  }
0x1a4: {  	[sflag:s19] =	ssyncset.done $0x0  }
0x1a5: {  	[sflag:s19] =	ssyncadd.s32 $0xFFFFC800  }
0x1a6: {  	[bflag:$0x0] =	sbarrier.arrive $0xFFFF  }
0x1a7: {  	s23 =	rddreg [dreg:$0x1a]  }
0x1a8: {  	[hbm:s23], [sflag:s7] =	dma.local [spmem:s9], $0x800  }
0x1a9: {  	_ =	swait.ge [sflag:s15], $0x800  }
0x1aa: {  	s11 =	sld [smem:$0x7FC]  }
0x1ab: {  	[sflag:s15] =	ssyncset.done $0x0  }
0x1ac: {  	s10 =	rddreg [dreg:$0x1b];
	[sflag:s15] =	ssyncadd.s32 $0xFFFFF800  }
0x1ad: {  	[hbm:s10], [sflag:s7] =	dma.local [spmem:s11], $0x800  }
0x1ae: {  	_ =	swait.ge [sflag:s15], $0x800  }
0x1af: {  	s13 =	sld [smem:$0x7FD]  }
0x1b0: {  	[sflag:s15] =	ssyncset.done $0x0  }
0x1b1: {  	s12 =	rddreg [dreg:$0x1c];
	[sflag:s15] =	ssyncadd.s32 $0xFFFFF800  }
0x1b2: {  	[hbm:s12], [sflag:s7] =	dma.local [spmem:s13], $0x800  }
0x1b3: {  	_ =	swait.ge [sflag:s15], $0x800  }
0x1b4: {  	[sflag:s15] =	ssyncset.done $0x0  }
0x1b5: {  	s14 =	rddreg [dreg:$0x1d];
	[sflag:s15] =	ssyncadd.s32 $0xFFFFF800  }
0x1b6: {  	[hbm:s14], [sflag:s7] =	dma.local [spmem:s24], $0x800  }
0x1b7: {  	_ =	swait.ge [sflag:s15], $0x800  }
0x1b8: {  	[sflag:s15] =	ssyncset.done $0x0  }
0x1b9: {  	s22 =	rddreg [dreg:$0x1e];
	[sflag:s15] =	ssyncadd.s32 $0xFFFFF800  }
0x1ba: {  	[hbm:s22], [sflag:s7] =	dma.local [spmem:s25], $0x800  }
0x1bb: {  	_ =	swait.ge [sflag:s15], $0x800  }
0x1bc: {  	s6 =	sadd.s32 $0x1, s6;
	s23 =	rddreg [dreg:$0x1f]  }
0x1bd: {  	p0 =	sne.s32 s6, s23  }
.Ltmp1:
0x1be: {  	_ = 	snop;
	(pc) =	sbr.rel @p0 .LBB2_1-.Ltmp1, $3  }
0x1bf: {  	_ =	sdelay $0x1  }
0x1c0: {  	[sflag:s15] =	ssyncset.done $0x0  }
0x1c1: {  	[sflag:s15] =	ssyncadd.s32 $0xFFFFF800  }
0x1c2: {  	_ =	sfence.sel $0x180000  }
0x1c3: {  	[bflag:$0x0] =	sbarrier.arrive $0xFFFF  }
0x1c4: {  	_ =	strace $0x9000004D  }
0x1c5: {  	s0 =	stileid.u32;
	[bflag:$0x2] =	sbarrier.arrive $0xFFFF  }
0x1c6: {  	p0 =	sne.s32 s0, $0x0;
	s0 =	rddreg [dreg:$0x3]  }
0x1c7: {  	s0 =	sadd.s32 @!p0 $0x100000, s0  }
0x1c8: {  	[sflag:s0] =	ssyncadd.tile.s32 @!p0 $0x1;
	_ =	shalt  }
.Lfunc_end2:
_tile_overlayer_lowered:
.L_overlay_start_2:
0x1c9: {  	(tag) =	ssettag $0x2  }
0x1ca: {  	s0 =	rddreg [dreg:$0x0];
	s2 =	stileid.u32  }
0x1cb: {  	s1 =	rddreg [dreg:$0x1];
	p0 =	sne.s32 s2, $0x0  }
0x1cc: {  	s3 =	rddreg [dreg:$0x2];
	[bflag:$0x3] =	sbarrier.arrive $0xFFFF;
	s2 =	simm.s32 @!p0 $0x1C08  }
0x1cd: {  	[timem:s3], [sflag:s2] =	dma.local @!p0 [hbm:s0], s1  }
0x1ce: {  	s0 =	simm.s32 @!p0 $0x8  }
0x1cf: {  	_ =	swait.ge @!p0 [sflag:s0], s1  }
0x1d0: {  	s1 =	ssub.s32 @!p0 $0x0, s1;
	[sflag:s0] =	ssyncset.done @!p0 $0x0  }
0x1d1: {  	[sflag:s0] =	ssyncadd.s32 @!p0 s1  }
0x1d2: {  	[bflag:$0x3] =	sbarrier.arrive $0xFFFF  }
0x1d3: {  	_ =	shalt  }

// kernel: kernel.8.cloned.1.call-start
scs
__scs_entry_jumppad:
0x0: {  	(pc) =	sbr.rel $0x88, $3  }
0x1: {  	(tag) =	ssettag $0x0;
	lr =	simm.s32 $0x1  }
0x2: {  	[smem:$0x3F9D] =	sst lr;
	_ =	strace $0xD0000000  }
0x3: {  	_ = 	snop  }
0x4: {  	_ = 	snop  }
0x5: {  	_ = 	snop  }
0x6: {  	_ = 	snop  }
0x7: {  	_ = 	snop  }
__scs_overlays_trampoline_lowered:
0x8: {  	[smem:$0x3FAC] =	sst s0  }
0x9: {  	[smem:$0x3FAD] =	sst s1  }
0xa: {  	[smem:$0x3FAE] =	sst s2  }
0xb: {  	[smem:$0x3FAF] =	sst s3  }
0xc: {  	[smem:$0x3FB0] =	sst s4  }
0xd: {  	[smem:$0x3FB1] =	sst s5  }
0xe: {  	[smem:$0x3FB2] =	sst s6  }
0xf: {  	[smem:$0x3FB3] =	sst s7  }
0x10: {  	[smem:$0x3FB4] =	sst s8  }
0x11: {  	[smem:$0x3FB5] =	sst s9;
	s0 =	simm.s32 @!p0 $0x0  }
0x12: {  	s1 =	sld [smem:$0x3F9B];
	s0 =	simm.s32 @p0 $0x1  }
0x13: {  	[smem:$0x3FB6] =	sst s0;
	s0 =	simm.s32 @!p1 $0x0  }
0x14: {  	s2 =	sld [smem:$0x3F9A];
	s0 =	simm.s32 @p1 $0x1  }
0x15: {  	[smem:$0x3FB7] =	sst s0;
	s0 =	simm.s32 @!p2 $0x0  }
0x16: {  	s3 =	sld [smem:$0x3FDB];
	s0 =	simm.s32 @p2 $0x1  }
0x17: {  	s4 =	simm.s32 $0x1BF5;
	[smem:$0x3FB9] =	sst s0  }
0x18: {  	s0 =	sld [smem:$0x3F9C];
	_ =	swait.ge [sflag:s4], $0x0  }
0x19: {  	s7 =	sld [smem:$0x3F9D]  }
0x1a: {  	s8 =	sadd.s32 $0xFFFFE003, lr  }
0x1b: {  	s9 =	sadd.s32 $0xFFFFFEF7, lr;
	s5 =	simm.s32 $0xFFFFFFFF;
	p2 =	slt.u32 s8, $0xFFFFF086  }
0x1c: {  	p1 =	slt.u32 s9, $0xF7A;
	s5 =	simm.s32 @!p2 $0x0  }
0x1d: {  	s5 =	simm.s32 @p1 $0x1;
	p0 =	seq.s32 s7, s2  }
0x1e: {  	s7 =	smul.u32 @!p0 $0xF7A, s2;
	p2 =	seq.s32 @!p0 s5, $0x0  }
0x1f: {  	s9 =	smul.u32 $0xF7A, s1;
	s8 =	simm.s32 @!p0 $0x1BF5;
	p2 =	por !p2, p0  }
0x20: {  	[sflag:s8] =	ssyncset.s32 @!p0 $0xFFFFF086;
	s6 =	sadd.s32 @!p0 s3, s7;
	s7 =	simm.s32 @!p0 $0x108  }
0x21: {  	s3 =	sadd.s32 s3, s9;
	s6 =	sadd.s32 @!p0 $0x88, s6;
	s7 =	simm.s32 @p2 $0x1082  }
0x22: {  	[simem:s7], [sflag:s8] =	dma.local @!p0 [hbm:s6], $0xF7A  }
0x23: {  	s9 =	sor.u32 $0xD0000000, s2;
	s6 =	simm.s32 $0x108;
	_ =	swait.ge @!p0 [sflag:s8], $0x0  }
0x24: {  	s3 =	sadd.s32 $0x88, s3;
	s6 =	simm.s32 @!p1 $0x1082;
	[sflag:s4] =	ssyncset.s32 $0xFFFFF086  }
0x25: {  	[simem:s6], [sflag:s4] =	dma.local [hbm:s3], $0xF7A  }
0x26: {  	[smem:$0x3F9D] =	sst s1;
	(tag) =	ssettag s2;
	_ =	strace s9  }
0x27: {  	s1 =	sld [smem:$0x3FAD]  }
0x28: {  	s2 =	sld [smem:$0x3FAE]  }
0x29: {  	s4 =	sld [smem:$0x3FB0]  }
0x2a: {  	p0 =	seq.s32 s5, $0x0;
	s5 =	sld [smem:$0x3FB1]  }
0x2b: {  	s6 =	sld [smem:$0x3FB2]  }
0x2c: {  	s7 =	sld [smem:$0x3FB3]  }
0x2d: {  	s3 =	simm.s32 $0x108;
	s8 =	sld [smem:$0x3FB4]  }
0x2e: {  	s3 =	simm.s32 @!p0 $0x1082;
	s9 =	sld [smem:$0x3FB5]  }
0x2f: {  	lr =	sadd.s32 s0, s3;
	s0 =	sld [smem:$0x3FAC]  }
0x30: {  	s3 =	sld [smem:$0x3FAF]  }
0x31: {  	[smem:$0x3FB8] =	sst s10  }
0x32: {  	s10 =	sld [smem:$0x3FB6];
	_ =	sdelay $0x3  }
0x33: {  	p0 =	seq.s32 s10, $0x1;
	s10 =	sld [smem:$0x3FB8];
	_ =	sdelay $0x3  }
0x34: {  	[smem:$0x3FB8] =	sst s10  }
0x35: {  	s10 =	sld [smem:$0x3FB7];
	_ =	sdelay $0x3  }
0x36: {  	p1 =	seq.s32 s10, $0x1;
	s10 =	sld [smem:$0x3FB8];
	_ =	sdelay $0x3  }
0x37: {  	[smem:$0x3FB8] =	sst s10  }
0x38: {  	s10 =	sld [smem:$0x3FB9]  }
0x39: {  	_ = 	snop;
	(pc) =	sbr.ind lr, $3  }
0x3a: {  	_ = 	snop  }
0x3b: {  	_ = 	snop  }
0x3c: {  	p2 =	seq.s32 s10, $0x1;
	s10 =	sld [smem:$0x3FB8]  }
0x3d: {  	_ =	shalt  }
0x3e: {  	_ =	shalt  }
0x3f: {  	_ =	shalt  }
0x40: {  	_ =	shalt  }
0x41: {  	_ =	shalt  }
0x42: {  	_ =	shalt  }
0x43: {  	_ =	shalt  }
0x44: {  	_ =	shalt  }
0x45: {  	_ =	shalt  }
0x46: {  	_ =	shalt  }
0x47: {  	_ =	shalt  }
0x48: {  	_ =	shalt  }
0x49: {  	_ =	shalt  }
0x4a: {  	_ =	shalt  }
0x4b: {  	_ =	shalt  }
0x4c: {  	_ =	shalt  }
0x4d: {  	_ =	shalt  }
0x4e: {  	_ =	shalt  }
0x4f: {  	_ =	shalt  }
0x50: {  	_ =	shalt  }
0x51: {  	_ =	shalt  }
0x52: {  	_ =	shalt  }
0x53: {  	_ =	shalt  }
0x54: {  	_ =	shalt  }
0x55: {  	_ =	shalt  }
0x56: {  	_ =	shalt  }
0x57: {  	_ =	shalt  }
0x58: {  	_ =	shalt  }
0x59: {  	_ =	shalt  }
0x5a: {  	_ =	shalt  }
0x5b: {  	_ =	shalt  }
0x5c: {  	_ =	shalt  }
0x5d: {  	_ =	shalt  }
0x5e: {  	_ =	shalt  }
0x5f: {  	_ =	shalt  }
0x60: {  	_ =	shalt  }
0x61: {  	_ =	shalt  }
0x62: {  	_ =	shalt  }
0x63: {  	_ =	shalt  }
0x64: {  	_ =	shalt  }
0x65: {  	_ =	shalt  }
0x66: {  	_ =	shalt  }
0x67: {  	_ =	shalt  }
0x68: {  	_ =	shalt  }
0x69: {  	_ =	shalt  }
0x6a: {  	_ =	shalt  }
0x6b: {  	_ =	shalt  }
0x6c: {  	_ =	shalt  }
0x6d: {  	_ =	shalt  }
0x6e: {  	_ =	shalt  }
0x6f: {  	_ =	shalt  }
0x70: {  	_ =	shalt  }
0x71: {  	_ =	shalt  }
0x72: {  	_ =	shalt  }
0x73: {  	_ =	shalt  }
0x74: {  	_ =	shalt  }
0x75: {  	_ =	shalt  }
0x76: {  	_ =	shalt  }
0x77: {  	_ =	shalt  }
0x78: {  	_ =	shalt  }
0x79: {  	_ =	shalt  }
0x7a: {  	_ =	shalt  }
0x7b: {  	_ =	shalt  }
0x7c: {  	_ =	shalt  }
0x7d: {  	_ =	shalt  }
0x7e: {  	_ =	shalt  }
0x7f: {  	_ =	shalt  }
0x80: {  	_ =	shalt  }
0x81: {  	_ =	shalt  }
0x82: {  	_ =	shalt  }
0x83: {  	_ =	shalt  }
0x84: {  	_ =	shalt  }
0x85: {  	_ =	shalt  }
0x86: {  	_ =	shalt  }
0x87: {  	_ =	shalt  }
.Lfunc_end0:
.L_simem_size_0:
called_computation_lowered:
.L_overlay_start_0:
0x88: {  	s2 =	sld [smem:$0x3FD9]  }
0x89: {  	s3 =	sld [smem:$0x3FFE];
	_ =	sdelay $0x1  }
0x8a: {  	s1 =	srdreg.scid  }
0x8b: {  	s0 =	sand.u32 $0x1, s1  }
0x8c: {  	s16 =	sshll.u32 s0, $0xA;
	s2 =	sadd.s32 s3, s2  }
0x8d: {  	s2 =	sadd.s32 s2, s16  }
0x8e: {  	[smem:$0x3FC4] =	sst s2  }
0x8f: {  	_ = 	snop  }
0x90: {  	(tm) =	ssettm $0x1  }
0x91: {  	s17 =	sld [smem:$0x3FFB];
	_ =	sdelay $0x3  }
0x92: {  	_ =	strace s17  }
0x93: {  	s2 =	sld [smem:$0x3FFC];
	_ =	sdelay $0x3  }
0x94: {  	_ =	strace s2  }
0x95: {  	s2 =	sld [smem:$0x3FFD];
	_ =	sdelay $0x3  }
0x96: {  	_ =	strace s2  }
0x97: {  	_ =	strace $0x8FFFFFFF  }
0x98: {  	s18 =	sld [smem:$0x3FDB];
	_ =	sdelay $0x1  }
0x99: {  	s19 =	simm.s32 $_scs_section_size  }
0x9a: {  	s4 =	simm.s32 $_size__tile_overlayer_lowered;
	s5 =	simm.s32 $_tile_overlayer_lowered  }
0x9b: {  	s22 =	simm.s32 $0x1BFF;
	s21 =	sshll.u32 s5, $0x1;
	s2 =	sadd.s32 s19, s18  }
0x9c: {  	s6 =	simm.s32 $0x0;
	s20 =	sshll.u32 s4, $0x1;
	s4 =	sadd.s32 s21, s2  }
0x9d: {  	[timem:s6], [sflag:s22] =	dma.local [hbm:s4], s20  }
0x9e: {  	_ =	swait.ge [sflag:s22], s20  }
0x9f: {  	s3 =	ssub.s32 $0x0, s20;
	[sflag:s22] =	ssyncset.done $0x0  }
0xa0: {  	[sflag:s22] =	ssyncadd.s32 s3;
	_ =	sdelay $0x1  }
0xa1: {  	s23 =	simm.s32 $0x1B8B  }
0xa2: {  	_ =	swait.ge [sflag:s23], $0x1  }
0xa3: {  	[sflag:s23] =	ssyncset.done $0x0  }
0xa4: {  	s25 =	simm.s32 $0x1B8E;
	s24 =	sld [smem:$0x3FFE];
	[sflag:s23] =	ssyncadd.s32 $0xFFFFFFFF  }
0xa5: {  	s26 =	simm.s32 $execute0_lowered;
	[smem:$0x3FD2] =	sst s25  }
0xa6: {  	s4 =	sshll.u32 s26, $0x1;
	_ =	strace $0x80000046;
	[dreg:$0x1] =	wrdreg $0xFFFFFFFF  }
0xa7: {  	s28 =	simm.s32 $_size_execute0_lowered;
	s2 =	sadd.s32 s2, s4;
	[dreg:$0x0] =	wrdreg $0x0  }
0xa8: {  	s4 =	sshll.u32 s28, $0x1;
	[dreg:$0x2] =	wrdreg s2  }
0xa9: {  	[dreg:$0x3] =	wrdreg s4  }
0xaa: {  	[dreg:$0x4] =	wrdreg $0xC0  }
0xab: {  	_ =	task [dreg:s6], $0x5FFFF  }
0xac: {  	[dreg:$0x1] =	wrdreg $0xFFFFFFFF  }
0xad: {  	[dreg:$0x0] =	wrdreg $0x60  }
0xae: {  	[dreg:$0x2] =	wrdreg s24  }
0xaf: {  	[dreg:$0x3] =	wrdreg $0x2F000  }
0xb0: {  	[dreg:$0x4] =	wrdreg $0x9  }
0xb1: {  	_ =	task.clear_ibuf [dreg:s6], $0x5FFFF;
	_ =	strace $0x90000046  }
0xb2: {  	s29 =	simm.s32 $0x9;
	_ =	strace $0x80000048  }
0xb3: {  	_ =	swait.ge [sflag:s29], $0x1  }
0xb4: {  	[sflag:s29] =	ssyncadd.s32 $0xFFFFFFFF  }
0xb5: {  	_ =	strace $0x90000048  }
0xb6: {  	_ =	sfence  }
0xb7: {  	s30 =	sld [smem:$0x0];
	_ =	sdelay $0x2  }
0xb8: {  	s31 =	sshll.u32 s1, $0xD;
	s1 =	sshrl.u32 s1, $0x2  }
0xb9: {  	s3 =	sand.u32 $0x4000, s31;
	s1 =	sadd.s32 s1, s30  }
0xba: {  	s0 =	sor.u32 s3, s0;
	s1 =	sshll.u32 s1, $0x11  }
0xbb: {  	s0 =	sor.u32 s1, s0  }
0xbc: {  	s0 =	sadd.s32 $0x8F2B, s0  }
0xbd: {  	[sflag:s0] =	ssyncadd.remote.s32 $0x1  }
0xbe: {  	_ =	sfence.sel $0xFFFF  }
0xbf: {  	[dreg:$0x0] =	wrdreg $0xFFFFFFFF;
	(pc) =	sbr.abs _section_cstart, $3  }
0xc0: {  	[dreg:$0x1] =	wrdreg $0xFFFFFFFF  }
0xc1: {  	_ =	task.clear_ibuf [dreg:s6], $0x2FFFF;
	_ =	strace $0x9FFFFFFF  }
0xc2: {  	(tm) =	ssettm $0x7FFFFFFF  }
0xc3: {  	_ =	shalt  }
tec
execute0_lowered:
.L_overlay_start_1:
0x0: {  	(tag) =	ssettag $0x1  }
0x1: {  	s4 =	rddreg [dreg:$0x0]  }
0x2: {  	s2 =	rddreg [dreg:$0x1];
	s3 =	srdreg.scid  }
0x3: {  	s1 =	stileid.u32;
	s0 =	rddreg [dreg:$0x2];
	s10 =	simm.s32 $0x80  }
0x4: {  	s11 =	simm.s32 $0x2C00;
	s14 =	simm.s32 $0x0;
	s5 =	sand.u32 $0x1, s3  }
0x5: {  	s6 =	smul.u32 $0x280, s1;
	s3 =	simm.s32 $0x0;
	s7 =	sshll.u32 s1, $0x1  }
0x6: {  	s12 =	sshll.u32 s1, $0x6;
	s8 =	smul.u32 $0x2800, s5;
	[smem:$0x7FF] =	sst s3  }
0x7: {  	s7 =	sor.u32 s5, s7;
	s5 =	ssub.s32 $0x2, s5;
	s12 =	sor.u32 $0x1C01, s12  }
0x8: {  	s7 =	smul.u32 $0x580, s7;
	_ =	strace $0x80000047;
	s9 =	sshrl.u32 s5, $0x1  }
0x9: {  	s8 =	sadd.s32 s6, s8;
	s9 =	ssub.s32 s5, s9;
	s5 =	sadd.s32 s6, s2  }
0xa: {  	s8 =	sshrl.u32 s8, $0x3;
	s7 =	sadd.s32 s7, s4;
	s13 =	sshrl.u32 s5, $0x3  }
0xb: {  	s8 =	sadd.s32 s8, s4;
	s4 =	sadd.s32 $0x1A00, s7;
	s7 =	smax.u32 s9, $0x1  }
0xc: {  	v0 =	vimm.f32 $1.000000000e+00;
	v1 =	vimm.f32 $0.0e+00;
	s9 =	simm.s32 $0x2C80;
	s6 =	sadd.s32 $0xCA00, s8;
	s8 =	simm.s32 $0x1  }
.LBB2_1:
0xd: {  	[tilespmem:s3], [sflag:$0x1] =	stream.linear.gather [hbm4b:s4+s3], $0x2A00, $0x38;
	[tilespmem:$0x3180] =	vst v63  }
0xe: {  	_ =	swait.ge [sflag:s8], $0x2A00  }
0xf: {  	[sflag:s8] =	ssyncset.done $0x0  }
0x10: {  	[sflag:s8] =	ssyncadd.s32 $0xFFFFD600  }
0x11: {  	[tilespmem:$0x2C00] =	vst v0  }
0x12: {  	[tilespmem:$0x2C10] =	vst v0  }
0x13: {  	[tilespmem:$0x2C20] =	vst v0  }
0x14: {  	[tilespmem:$0x2C30] =	vst v0  }
0x15: {  	[tilespmem:$0x2C40] =	vst v0  }
0x16: {  	[tilespmem:$0x2C50] =	vst v0  }
0x17: {  	[tilespmem:$0x2C60] =	vst v0  }
0x18: {  	[tilespmem:$0x2C70] =	vst v0  }
0x19: {  	[tilespmem:$0x2C80] =	vst v1  }
0x1a: {  	[tilespmem:$0x2C90] =	vst v1  }
0x1b: {  	[tilespmem:$0x2CA0] =	vst v1  }
0x1c: {  	[tilespmem:$0x2CB0] =	vst v1  }
0x1d: {  	[tilespmem:$0x2CC0] =	vst v1  }
0x1e: {  	[tilespmem:$0x2CD0] =	vst v1  }
0x1f: {  	[tilespmem:$0x2CE0] =	vst v1  }
0x20: {  	[tilespmem:$0x2CF0] =	vst v1  }
0x21: {  	[tilespmem:$0x2D00] =	vst v1  }
0x22: {  	[tilespmem:$0x2D10] =	vst v1  }
0x23: {  	[tilespmem:$0x2D20] =	vst v1  }
0x24: {  	[tilespmem:$0x2D30] =	vst v1  }
0x25: {  	[tilespmem:$0x2D40] =	vst v1  }
0x26: {  	[tilespmem:$0x2D50] =	vst v1  }
0x27: {  	[tilespmem:$0x2D60] =	vst v1  }
0x28: {  	[tilespmem:$0x2D70] =	vst v1  }
0x29: {  	[tilespmem:$0x2D80] =	vst v1  }
0x2a: {  	[tilespmem:$0x2D90] =	vst v1  }
0x2b: {  	[tilespmem:$0x2DA0] =	vst v1  }
0x2c: {  	[tilespmem:$0x2DB0] =	vst v1  }
0x2d: {  	[tilespmem:$0x2DC0] =	vst v1  }
0x2e: {  	[tilespmem:$0x2DD0] =	vst v1  }
0x2f: {  	[tilespmem:$0x2DE0] =	vst v1  }
0x30: {  	[tilespmem:$0x2DF0] =	vst v1  }
0x31: {  	[tilespmem:$0x2E00] =	vst v1  }
0x32: {  	[tilespmem:$0x2E10] =	vst v1  }
0x33: {  	[tilespmem:$0x2E20] =	vst v1  }
0x34: {  	[tilespmem:$0x2E30] =	vst v1  }
0x35: {  	[tilespmem:$0x2E40] =	vst v1  }
0x36: {  	[tilespmem:$0x2E50] =	vst v1  }
0x37: {  	[tilespmem:$0x2E60] =	vst v1  }
0x38: {  	[tilespmem:$0x2E70] =	vst v1  }
0x39: {  	[tilespmem:$0x2E80] =	vst v1  }
0x3a: {  	[tilespmem:$0x2E90] =	vst v1  }
0x3b: {  	[tilespmem:$0x2EA0] =	vst v1  }
0x3c: {  	[tilespmem:$0x2EB0] =	vst v1  }
0x3d: {  	[tilespmem:$0x2EC0] =	vst v1  }
0x3e: {  	[tilespmem:$0x2ED0] =	vst v1  }
0x3f: {  	[tilespmem:$0x2EE0] =	vst v1  }
0x40: {  	[tilespmem:$0x2EF0] =	vst v1  }
0x41: {  	[spmem:s5] =	stream.linear.scatter [tilespmem:s9], [sflag:$0x1], $0x280, $0x38;
	[tilespmem:$0x3180] =	vst v63  }
0x42: {  	_ =	swait.ge [sflag:s8], $0x280  }
0x43: {  	[sflag:s8] =	ssyncset.done $0x0  }
0x44: {  	[sflag:s8] =	ssyncadd.s32 $0xFFFFFD80  }
0x45: {  	s15 =	simm.s32 $0x0;
	[bflag:$0x0] =	sbarrier.arrive $0xFFFF  }
0x46: {  	[spmem:s2] =	stream.indirect.scatter.add.f32 [tilespmem:s11], [sflag:$0x1], $0x1, s15, s10, $0xb8;
	[tilespmem:$0x3180] =	vst v63  }
0x47: {  	_ =	swait.ge [sflag:s8], $0x80  }
0x48: {  	s15 =	simm.s32 $0x200;
	[sflag:s8] =	ssyncset.done $0x0  }
.LBB2_2:
0x49: {  	s16 =	sshra.s32 s15, $0x2;
	[sflag:s8] =	ssyncadd.s32 $0xFFFFFF80;
	p0 =	sne.s32 s15, $0xA600  }
0x4a: {  	[spmem:s2] =	stream.indirect.scatter.add.f32 [tilespmem:s11], [sflag:$0x1], $0x1, s16, s10, $0xb8;
	[tilespmem:$0x3180] =	vst v63  }
.Ltmp0:
0x4b: {  	_ = 	snop;
	(pc) =	sbr.rel @p0 .LBB2_2-.Ltmp0, $4  }
0x4c: {  	_ = 	snop  }
0x4d: {  	s15 =	sadd.s32 $0x200, s15  }
0x4e: {  	_ =	swait.ge [sflag:s8], $0x80  }
0x4f: {  	[sflag:s8] =	ssyncset.done $0x0  }
0x50: {  	s14 =	sadd.s32 $0x1, s14  }
0x51: {  	[sflag:s8] =	ssyncadd.s32 $0xFFFFFF80;
	p0 =	sne.s32 s14, s7  }
.Ltmp1:
0x52: {  	[bflag:$0x0] =	sbarrier.arrive $0xFFFF;
	(pc) =	sbr.rel @p0 .LBB2_1-.Ltmp1, $4  }
0x53: {  	[hbm:s6], [sflag:s12] =	dma.local [spmem:s13], $0x50  }
0x54: {  	_ =	swait.ge [sflag:s8], $0x50  }
0x55: {  	[sflag:s8] =	ssyncset.done $0x0  }
0x56: {  	[sflag:s8] =	ssyncadd.s32 $0xFFFFFFB0  }
0x57: {  	_ =	sfence.sel $0x180000  }
0x58: {  	[bflag:$0x0] =	sbarrier.arrive $0xFFFF  }
0x59: {  	p0 =	sne.s32 s1, $0x0;
	_ =	strace $0x90000047  }
0x5a: {  	s0 =	sadd.s32 @!p0 $0x100000, s0;
	[bflag:$0x2] =	sbarrier.arrive $0xFFFF  }
0x5b: {  	[sflag:s0] =	ssyncadd.tile.s32 @!p0 $0x1;
	_ =	shalt  }
.Lfunc_end2:
_tile_overlayer_lowered:
.L_overlay_start_2:
0x5c: {  	(tag) =	ssettag $0x2  }
0x5d: {  	s0 =	rddreg [dreg:$0x0];
	s2 =	stileid.u32  }
0x5e: {  	s1 =	rddreg [dreg:$0x1];
	p0 =	sne.s32 s2, $0x0  }
0x5f: {  	s3 =	rddreg [dreg:$0x2];
	[bflag:$0x3] =	sbarrier.arrive $0xFFFF;
	s2 =	simm.s32 @!p0 $0x1C01  }
0x60: {  	[timem:s3], [sflag:s2] =	dma.local @!p0 [hbm:s0], s1  }
0x61: {  	s0 =	simm.s32 @!p0 $0x1  }
0x62: {  	_ =	swait.ge @!p0 [sflag:s0], s1  }
0x63: {  	s1 =	ssub.s32 @!p0 $0x0, s1;
	[sflag:s0] =	ssyncset.done @!p0 $0x0  }
0x64: {  	[sflag:s0] =	ssyncadd.s32 @!p0 s1  }
0x65: {  	[bflag:$0x3] =	sbarrier.arrive $0xFFFF  }
0x66: {  	_ =	shalt  }

</sc_bundles>
